<compile_context>
chip_gen: v7x
topology: tpu7x:2x2x1
jax: 0.10.2.dev20260603
libtpu: 0.0.44.dev20260713+nightly
codegen_flags: <defaults>
</compile_context>

<pallas_src>
import functools

import jax
import jax.numpy as jnp
from jax import lax
from jax.experimental import pallas as pl
from jax.experimental.pallas import tpu as pltpu
from jax.experimental.pallas import tpu_sc as plsc

NC = 2
NS = 16
NW = NC * NS
CH = 128


def _make_sc_gather(D, B, n_tables, ch):
    assert B % ch == 0
    n_chunks = B // ch
    n_rounds = n_chunks // NW
    rem = n_chunks % NW
    mesh = plsc.VectorSubcoreMesh(core_axis_name="c", subcore_axis_name="s",
                                  num_cores=NC, num_subcores=NS)

    scratch = []
    for t in range(n_tables):
        scratch.append(pltpu.VMEM((ch,), jnp.int32))
        scratch.append(pltpu.VMEM((ch, D[t]), jnp.float32))
        scratch.append(pltpu.SemaphoreType.DMA)

    @functools.partial(
        pl.kernel,
        out_type=tuple(jax.ShapeDtypeStruct((B, D[t]), jnp.float32)
                       for t in range(n_tables)),
        mesh=mesh,
        scratch_types=scratch,
    )
    def k(*refs):
        tables = refs[:n_tables]
        idxs = refs[n_tables:2 * n_tables]
        outs = refs[2 * n_tables:3 * n_tables]
        scr = refs[3 * n_tables:]
        wid = lax.axis_index("s") * NC + lax.axis_index("c")

        def do_chunk(c):
            for t in range(n_tables):
                idx_v, rows_v, sem = scr[3 * t], scr[3 * t + 1], scr[3 * t + 2]
                pltpu.sync_copy(idxs[t].at[pl.ds(c * ch, ch)], idx_v)
                pltpu.async_copy(tables[t].at[idx_v], rows_v, sem).wait()
                pltpu.sync_copy(rows_v, outs[t].at[pl.ds(c * ch, ch)])

        if n_rounds > 0:
            def body(r, carry):
                do_chunk(r * NW + wid)
                return carry
            lax.fori_loop(0, n_rounds, body, 0)
        if rem > 0:
            @pl.when(wid < rem)
            def _():
                do_chunk(n_rounds * NW + wid)

    return k


def _edge_tc(e_perm, xg, row_s3, W1a, W1b, b1, W2, b2, *, H, EB, NACC, WIN):
    n_eblk = e_perm.shape[0] // EB
    De = e_perm.shape[1]

    def body(e_ref, xg_ref, row_ref, W1a_ref, W1b_ref, b1_ref, W2_ref, b2_ref,
             acc_ref, cnt_ref):
        i = pl.program_id(0)

        @pl.when(i == 0)
        def _init():
            acc_ref[...] = jnp.zeros_like(acc_ref)
            cnt_ref[...] = jnp.zeros_like(cnt_ref)

        e_blk = e_ref[...].astype(jnp.bfloat16)
        xg_blk = xg_ref[...]
        rows = row_ref[0]
        h = jnp.dot(e_blk, W1b_ref[...], preferred_element_type=jnp.float32)
        h += jnp.dot(xg_blk, W1a_ref[...], preferred_element_type=jnp.float32)
        h += b1_ref[...]
        h = jnp.maximum(h, 0.0)
        h = jnp.dot(h.astype(jnp.bfloat16), W2_ref[...],
                    preferred_element_type=jnp.float32)
        h += b2_ref[...]
        h = jnp.maximum(h, 0.0)
        hb = h.astype(jnp.bfloat16)

        lo = row_ref[0, 0, 0]
        hi = row_ref[0, 0, EB - 1]
        base = (lo // WIN) * WIN
        nwin = (hi - base) // WIN + 1

        def win(k, carry):
            wbase = base + k * WIN
            rel = rows - wbase
            jj = lax.broadcasted_iota(jnp.int32, (WIN, EB), 0)
            oh = (jj == rel).astype(jnp.bfloat16)
            part = jnp.dot(oh, hb, preferred_element_type=jnp.float32)
            pcnt = jnp.sum(oh.astype(jnp.float32), axis=1, keepdims=True)
            acc_ref[pl.ds(wbase, WIN), :] += part
            cnt_ref[pl.ds(wbase, WIN), :] += pcnt
            return carry

        lax.fori_loop(0, nwin, win, 0)

    def eix(i):
        return (i, 0)

    def eix3(i):
        return (i, 0, 0)

    def cix(i):
        return (0, 0)

    return pl.pallas_call(
        body,
        grid=(n_eblk,),
        in_specs=[
            pl.BlockSpec((EB, De), eix),
            pl.BlockSpec((EB, 128), eix),
            pl.BlockSpec((1, 1, EB), eix3),
            pl.BlockSpec((128, H), cix),
            pl.BlockSpec((De, H), cix),
            pl.BlockSpec((1, H), cix),
            pl.BlockSpec((H, H), cix),
            pl.BlockSpec((1, H), cix),
        ],
        out_specs=(pl.BlockSpec((NACC, H), cix),
                   pl.BlockSpec((NACC, 128), cix)),
        out_shape=(jax.ShapeDtypeStruct((NACC, H), jnp.float32),
                   jax.ShapeDtypeStruct((NACC, 128), jnp.float32)),
    )(e_perm, xg, row_s3, W1a, W1b, b1, W2, b2)


def _node_tc(accs, cnts, x_pad, u, batch2, W3a, W3b, W3c, b3, W4p, b4p,
             *, N, H, NB):
    K = len(accs)
    G, Du = u.shape
    n_nblk = N // NB

    def body(*refs):
        acc_refs = refs[:K]
        cnt_refs = refs[K:2 * K]
        (x_ref, u_ref, batch_ref, W3a_ref, W3b_ref, W3c_ref, b3_ref,
         W4_ref, b4_ref, out_ref) = refs[2 * K:]
        sums = acc_refs[0][...]
        cnt = cnt_refs[0][:, 0:1]
        for t in range(1, K):
            sums += acc_refs[t][...]
            cnt += cnt_refs[t][:, 0:1]
        mean = sums / jnp.maximum(cnt, 1.0)
        t = jnp.dot(x_ref[...], W3a_ref[...], preferred_element_type=jnp.float32)
        t += jnp.dot(mean, W3b_ref[...], preferred_element_type=jnp.float32)
        bb = batch_ref[...]
        gg = lax.broadcasted_iota(jnp.int32, (NB, G), 1)
        ohu = (gg == bb).astype(jnp.float32)
        ug_blk = jnp.dot(ohu, u_ref[...], preferred_element_type=jnp.float32)
        t += jnp.dot(ug_blk, W3c_ref[...], preferred_element_type=jnp.float32)
        t += b3_ref[...]
        t = jnp.maximum(t, 0.0)
        out_ref[...] = (jnp.dot(t, W4_ref[...], preferred_element_type=jnp.float32)
                        + b4_ref[...])

    def nix(i):
        return (i, 0)

    def cix(i):
        return (0, 0)

    in_specs = ([pl.BlockSpec((NB, H), nix)] * K
                + [pl.BlockSpec((NB, 128), nix)] * K
                + [
                    pl.BlockSpec((NB, 128), nix),
                    pl.BlockSpec((G, Du), cix),
                    pl.BlockSpec((NB, 1), nix),
                    pl.BlockSpec((128, H), cix),
                    pl.BlockSpec((H, H), cix),
                    pl.BlockSpec((Du, H), cix),
                    pl.BlockSpec((1, H), cix),
                    pl.BlockSpec((H, 128), cix),
                    pl.BlockSpec((1, 128), cix),
                ])

    return pl.pallas_call(
        body,
        grid=(n_nblk,),
        in_specs=in_specs,
        out_specs=pl.BlockSpec((NB, 128), nix),
        out_shape=jax.ShapeDtypeStruct((N, 128), jnp.float32),
    )(*accs, *cnts, x_pad, u, batch2, W3a, W3b, W3c, b3, W4p, b4p)


def kernel(x, edge_index, edge_attr, u, batch, W1, b1, W2, b2, W3, b3, W4, b4):
    N, Dn = x.shape
    E, De = edge_attr.shape
    G, Du = u.shape
    H = W2.shape[0]
    D_OUT = W4.shape[1]

    EB = 1280
    NB = 1000
    WIN = 128
    CHUNK_BLOCKS = (25, 25, 25, 25, 25)

    row = edge_index[0].astype(jnp.int32)
    col = edge_index[1].astype(jnp.int32)

    x_pad = jnp.zeros((N, 128), jnp.float32).at[:, :Dn].set(x)
    W1a = jnp.zeros((128, H), jnp.float32).at[:Dn].set(W1[:Dn])
    W1b = W1[Dn:].astype(jnp.bfloat16)
    W3a = jnp.zeros((128, H), jnp.float32).at[:Dn].set(W3[:Dn])
    W3b = W3[Dn:Dn + H]
    W3c = W3[Dn + H:]
    W4p = jnp.zeros((H, 128), jnp.float32).at[:, :D_OUT].set(W4)
    b4p = jnp.zeros((1, 128), jnp.float32).at[0, :D_OUT].set(b4)
    batch2 = batch.astype(jnp.int32).reshape(N, 1)
    W2bf = W2.astype(jnp.bfloat16)
    b1r = b1.reshape(1, H)
    b2r = b2.reshape(1, H)
    b3r = b3.reshape(1, H)

    NACC = ((N + WIN) // WIN + 1) * WIN
    assert sum(CHUNK_BLOCKS) * EB == E

    gather_kernels = {}
    accs, cnts = [], []
    base = 0
    for nblk in CHUNK_BLOCKS:
        epc = nblk * EB
        assert epc < (1 << 15) and epc % CH == 0
        if epc not in gather_kernels:
            gather_kernels[epc] = _make_sc_gather((De, 128), epc, 2, CH)
        sl = slice(base, base + epc)
        keys = lax.sort(row[sl] * (1 << 15) + lax.iota(jnp.int32, epc))
        row_c = keys >> 15
        perm_local = keys & ((1 << 15) - 1)
        perm_c = perm_local + base
        col_c = jnp.take(col[sl], perm_local)
        e_c, xg_c = gather_kernels[epc](edge_attr, x_pad, perm_c, col_c)
        a_c, n_c = _edge_tc(e_c, xg_c, row_c.reshape(nblk, 1, EB),
                            W1a, W1b, b1r, W2bf, b2r,
                            H=H, EB=EB, NACC=NACC, WIN=WIN)
        accs.append(a_c)
        cnts.append(n_c)
        base += epc

    out_pad = _node_tc(accs, cnts, x_pad, u, batch2,
                       W3a, W3b, W3c, b3r, W4p, b4p, N=N, H=H, NB=NB)
    return out_pad[:, :D_OUT]

# --- scband reference (transcript-rebuilt; emitter-appended) ---
"""Pipeline reference for scband-node-model-21827023798511 (READ-ONLY COPY).

The authoritative reference and input builder live on the scoring server;
editing this copy changes nothing except your own understanding.
"""

import jax, jax.numpy as jnp
import numpy as np

N_NODES = 10000
N_EDGES = 160000
D_NODE = 9
D_EDGE = 512
D_U = 256
N_GRAPHS = 256
H = 512
D_OUT = 1


def setup_inputs(seed: int = 0) -> dict:
    key = jax.random.key(seed)
    ks = jax.random.split(key, 16)
    x = jax.random.normal(ks[0], (N_NODES, D_NODE), dtype=jnp.float32)
    edge_index = jax.random.randint(ks[1], (2, N_EDGES), 0, N_NODES, dtype=jnp.int64)
    edge_attr = jax.random.normal(ks[2], (N_EDGES, D_EDGE), dtype=jnp.float32)
    u = jax.random.normal(ks[3], (N_GRAPHS, D_U), dtype=jnp.float32)
    batch = jnp.sort(jax.random.randint(ks[4], (N_NODES,), 0, N_GRAPHS, dtype=jnp.int64))
    # node_mlp_1: Linear(D_EDGE + D_NODE -> H), ReLU, Linear(H -> H), ReLU
    fin1 = D_EDGE + D_NODE
    W1 = jax.random.normal(ks[5], (fin1, H), dtype=jnp.float32) * (1.0 / np.sqrt(fin1))
    b1 = jnp.zeros((H,), dtype=jnp.float32)
    W2 = jax.random.normal(ks[6], (H, H), dtype=jnp.float32) * (1.0 / np.sqrt(H))
    b2 = jnp.zeros((H,), dtype=jnp.float32)
    # node_mlp_2: Linear(D_NODE + H + D_U -> H), ReLU, Linear(H -> D_OUT)
    fin2 = D_NODE + H + D_U
    W3 = jax.random.normal(ks[7], (fin2, H), dtype=jnp.float32) * (1.0 / np.sqrt(fin2))
    b3 = jnp.zeros((H,), dtype=jnp.float32)
    W4 = jax.random.normal(ks[8], (H, D_OUT), dtype=jnp.float32) * (1.0 / np.sqrt(H))
    b4 = jnp.zeros((D_OUT,), dtype=jnp.float32)
    return {"x": x, "edge_index": edge_index, "edge_attr": edge_attr, "u": u,
            "batch": batch, "W1": W1, "b1": b1, "W2": W2, "b2": b2,
            "W3": W3, "b3": b3, "W4": W4, "b4": b4}


def reference(x, edge_index, edge_attr, u, batch, W1, b1, W2, b2, W3, b3, W4, b4):
    row = edge_index[0]
    col = edge_index[1]
    # out = cat([x[col], edge_attr], dim=1)
    out = jnp.concatenate([jnp.take(x, col, axis=0), edge_attr], axis=1)
    # node_mlp_1
    h = jax.nn.relu(out @ W1 + b1)
    h = jax.nn.relu(h @ W2 + b2)
    # scatter_mean(h, row, dim=0, dim_size=N)
    sums = jnp.zeros((x.shape[0], h.shape[1]), dtype=h.dtype).at[row].add(h)
    cnt = jnp.zeros((x.shape[0],), dtype=h.dtype).at[row].add(1.0)
    mean = sums / jnp.maximum(cnt, 1.0)[:, None]
    # cat([x, mean, u[batch]], dim=1)
    out2 = jnp.concatenate([x, mean, jnp.take(u, batch, axis=0)], axis=1)
    # node_mlp_2
    out2 = jax.nn.relu(out2 @ W3 + b3)
    return out2 @ W4 + b4

if __name__ == "__main__":
    import jax
    _d = setup_inputs()
    print(jax.jit(kernel)(*tuple(_d.values())))

</pallas_src>

<mosaic_0001>
#map = affine_map<(d0, d1) -> (0, 0)>
#map1 = affine_map<(d0, d1) -> (0)>
module attributes {stable_mosaic.version = 14 : i64} {
  func.func @k(%arg0: i32, %arg1: i32, %arg2: memref<160000x512xf32, #tpu.memory_space<hbm>>, %arg3: memref<10000x128xf32, #tpu.memory_space<hbm>>, %arg4: memref<32000xi32, #tpu.memory_space<hbm>>, %arg5: memref<32000xi32, #tpu.memory_space<hbm>>, %arg6: memref<32000x512xf32, #tpu.memory_space<hbm>>, %arg7: memref<32000x128xf32, #tpu.memory_space<hbm>>, %arg8: memref<128xi32, #tpu.memory_space<vmem>>, %arg9: memref<128x512xf32, #tpu.memory_space<vmem>>, %arg10: memref<!tpu.dma_semaphore, #tpu.memory_space<semaphore_mem>>, %arg11: memref<128xi32, #tpu.memory_space<vmem>>, %arg12: memref<128x128xf32, #tpu.memory_space<vmem>>, %arg13: memref<!tpu.dma_semaphore, #tpu.memory_space<semaphore_mem>>) attributes {dimension_semantics = [#tpu.dimension_semantics<core_parallel>, #tpu.dimension_semantics<subcore_parallel>], iteration_bounds = array<i64: 2, 16>, scalar_prefetch = 0 : i64, scratch_operands = 6 : i64, tpu.core_type = #tpu.core_type<sc_vector_subcore>, window_params = [{transform_indices = #map}, {transform_indices = #map}, {transform_indices = #map1}, {transform_indices = #map1}, {transform_indices = #map}, {transform_indices = #map}]} {
    %mul3A = arith.constant 2 : i32
    %mul3A_0 = arith.muli %arg1, %mul3A : i32
    %add3A = arith.addi %mul3A_0, %arg0 : i32
    %scan3A = arith.constant 0 : i32
    %scan3A_1 = arith.constant 0 : i32
    %scan3A_2 = arith.constant 7 : i32
    %scan3A_3 = arith.addi %scan3A_1, %scan3A_2 : i32
    %scan3A_4 = arith.constant 1 : i32
    scf.for %scan3A_8 = %scan3A_1 to %scan3A_3 step %scan3A_4  : i32 {
      %mul3A_9 = arith.constant 32 : i32
      %mul3A_10 = arith.muli %scan3A_8, %mul3A_9 : i32
      %add3A_11 = arith.addi %mul3A_10, %add3A : i32
      %mul3A_12 = arith.constant 128 : i32
      %mul3A_13 = arith.muli %add3A_11, %mul3A_12 : i32
      "tpu.region"() ({
        %run_scoped3A = tpu.sem_alloc : memref<!tpu.dma_semaphore, #tpu.memory_space<semaphore_mem>>
        %dma_start3A_30 = tpu.memref_slice %arg4[%mul3A_13] : memref<32000xi32, #tpu.memory_space<hbm>> -> memref<128xi32, #tpu.memory_space<hbm>>
        %dma_start3A_31 = tpu.memref_slice %arg4[%mul3A_13] : memref<32000xi32, #tpu.memory_space<hbm>> -> memref<128xi32, #tpu.memory_space<hbm>>
        tpu.enqueue_dma source(%dma_start3A_31 : memref<128xi32, #tpu.memory_space<hbm>>) target(%arg8 : memref<128xi32, #tpu.memory_space<vmem>>) target_semaphore(%run_scoped3A : memref<!tpu.dma_semaphore, #tpu.memory_space<semaphore_mem>>)
        %dma_wait3A_32 = tpu.memref_slice %arg4[%mul3A_13] : memref<32000xi32, #tpu.memory_space<hbm>> -> memref<128xi32, #tpu.memory_space<hbm>>
        %dma_wait3A_33 = tpu.memref_slice %arg4[%mul3A_13] : memref<32000xi32, #tpu.memory_space<hbm>> -> memref<128xi32, #tpu.memory_space<hbm>>
        tpu.wait_dma2 semaphore(%run_scoped3A : memref<!tpu.dma_semaphore, #tpu.memory_space<semaphore_mem>>) src(%dma_wait3A_33 : memref<128xi32, #tpu.memory_space<hbm>>) dst(%arg8 : memref<128xi32, #tpu.memory_space<vmem>>)
        tpu.yield
      }) : () -> ()
      %dma_start3A = arith.constant 0 : i32
      %dma_start3A_14 = arith.constant 0 : i32
      %dma_start3A_15 = tpu.memref_slice %arg2[%dma_start3A, %dma_start3A_14] : memref<160000x512xf32, #tpu.memory_space<hbm>> -> memref<160000x512xf32, #tpu.memory_space<hbm>>
      tpu.enqueue_indirect_dma source(%dma_start3A_15 : memref<160000x512xf32, #tpu.memory_space<hbm>>) target(%arg9 : memref<128x512xf32, #tpu.memory_space<vmem>>) offsets(%arg8 : memref<128xi32, #tpu.memory_space<vmem>>) semaphore(%arg10 : memref<!tpu.dma_semaphore, #tpu.memory_space<semaphore_mem>>)
      %dma_wait3A = arith.constant 0 : i32
      %dma_wait3A_16 = arith.constant 0 : i32
      %dma_wait3A_17 = tpu.memref_slice %arg2[%dma_wait3A, %dma_wait3A_16] : memref<160000x512xf32, #tpu.memory_space<hbm>> -> memref<160000x512xf32, #tpu.memory_space<hbm>>
      tpu.wait_indirect_dma semaphore(%arg10 : memref<!tpu.dma_semaphore, #tpu.memory_space<semaphore_mem>>) src(%dma_wait3A_17 : memref<160000x512xf32, #tpu.memory_space<hbm>>) dst(%arg9 : memref<128x512xf32, #tpu.memory_space<vmem>>)
      %mul3A_18 = arith.constant 128 : i32
      %mul3A_19 = arith.muli %add3A_11, %mul3A_18 : i32
      "tpu.region"() ({
        %run_scoped3A = tpu.sem_alloc : memref<!tpu.dma_semaphore, #tpu.memory_space<semaphore_mem>>
        %dma_start3A_30 = arith.constant 0 : i32
        %dma_start3A_31 = tpu.memref_slice %arg6[%mul3A_19, %dma_start3A_30] : memref<32000x512xf32, #tpu.memory_space<hbm>> -> memref<128x512xf32, #tpu.memory_space<hbm>>
        %dma_start3A_32 = arith.constant 0 : i32
        %dma_start3A_33 = tpu.memref_slice %arg6[%mul3A_19, %dma_start3A_32] : memref<32000x512xf32, #tpu.memory_space<hbm>> -> memref<128x512xf32, #tpu.memory_space<hbm>>
        tpu.enqueue_dma source(%arg9 : memref<128x512xf32, #tpu.memory_space<vmem>>) target(%dma_start3A_33 : memref<128x512xf32, #tpu.memory_space<hbm>>) target_semaphore(%run_scoped3A : memref<!tpu.dma_semaphore, #tpu.memory_space<semaphore_mem>>)
        %dma_wait3A_34 = arith.constant 0 : i32
        %dma_wait3A_35 = tpu.memref_slice %arg6[%mul3A_19, %dma_wait3A_34] : memref<32000x512xf32, #tpu.memory_space<hbm>> -> memref<128x512xf32, #tpu.memory_space<hbm>>
        %dma_wait3A_36 = arith.constant 0 : i32
        %dma_wait3A_37 = tpu.memref_slice %arg6[%mul3A_19, %dma_wait3A_36] : memref<32000x512xf32, #tpu.memory_space<hbm>> -> memref<128x512xf32, #tpu.memory_space<hbm>>
        tpu.wait_dma2 semaphore(%run_scoped3A : memref<!tpu.dma_semaphore, #tpu.memory_space<semaphore_mem>>) src(%arg9 : memref<128x512xf32, #tpu.memory_space<vmem>>) dst(%dma_wait3A_37 : memref<128x512xf32, #tpu.memory_space<hbm>>)
        tpu.yield
      }) : () -> ()
      %mul3A_20 = arith.constant 128 : i32
      %mul3A_21 = arith.muli %add3A_11, %mul3A_20 : i32
      "tpu.region"() ({
        %run_scoped3A = tpu.sem_alloc : memref<!tpu.dma_semaphore, #tpu.memory_space<semaphore_mem>>
        %dma_start3A_30 = tpu.memref_slice %arg5[%mul3A_21] : memref<32000xi32, #tpu.memory_space<hbm>> -> memref<128xi32, #tpu.memory_space<hbm>>
        %dma_start3A_31 = tpu.memref_slice %arg5[%mul3A_21] : memref<32000xi32, #tpu.memory_space<hbm>> -> memref<128xi32, #tpu.memory_space<hbm>>
        tpu.enqueue_dma source(%dma_start3A_31 : memref<128xi32, #tpu.memory_space<hbm>>) target(%arg11 : memref<128xi32, #tpu.memory_space<vmem>>) target_semaphore(%run_scoped3A : memref<!tpu.dma_semaphore, #tpu.memory_space<semaphore_mem>>)
        %dma_wait3A_32 = tpu.memref_slice %arg5[%mul3A_21] : memref<32000xi32, #tpu.memory_space<hbm>> -> memref<128xi32, #tpu.memory_space<hbm>>
        %dma_wait3A_33 = tpu.memref_slice %arg5[%mul3A_21] : memref<32000xi32, #tpu.memory_space<hbm>> -> memref<128xi32, #tpu.memory_space<hbm>>
        tpu.wait_dma2 semaphore(%run_scoped3A : memref<!tpu.dma_semaphore, #tpu.memory_space<semaphore_mem>>) src(%dma_wait3A_33 : memref<128xi32, #tpu.memory_space<hbm>>) dst(%arg11 : memref<128xi32, #tpu.memory_space<vmem>>)
        tpu.yield
      }) : () -> ()
      %dma_start3A_22 = arith.constant 0 : i32
      %dma_start3A_23 = arith.constant 0 : i32
      %dma_start3A_24 = tpu.memref_slice %arg3[%dma_start3A_22, %dma_start3A_23] : memref<10000x128xf32, #tpu.memory_space<hbm>> -> memref<10000x128xf32, #tpu.memory_space<hbm>>
      tpu.enqueue_indirect_dma source(%dma_start3A_24 : memref<10000x128xf32, #tpu.memory_space<hbm>>) target(%arg12 : memref<128x128xf32, #tpu.memory_space<vmem>>) offsets(%arg11 : memref<128xi32, #tpu.memory_space<vmem>>) semaphore(%arg13 : memref<!tpu.dma_semaphore, #tpu.memory_space<semaphore_mem>>)
      %dma_wait3A_25 = arith.constant 0 : i32
      %dma_wait3A_26 = arith.constant 0 : i32
      %dma_wait3A_27 = tpu.memref_slice %arg3[%dma_wait3A_25, %dma_wait3A_26] : memref<10000x128xf32, #tpu.memory_space<hbm>> -> memref<10000x128xf32, #tpu.memory_space<hbm>>
      tpu.wait_indirect_dma semaphore(%arg13 : memref<!tpu.dma_semaphore, #tpu.memory_space<semaphore_mem>>) src(%dma_wait3A_27 : memref<10000x128xf32, #tpu.memory_space<hbm>>) dst(%arg12 : memref<128x128xf32, #tpu.memory_space<vmem>>)
      %mul3A_28 = arith.constant 128 : i32
      %mul3A_29 = arith.muli %add3A_11, %mul3A_28 : i32
      "tpu.region"() ({
        %run_scoped3A = tpu.sem_alloc : memref<!tpu.dma_semaphore, #tpu.memory_space<semaphore_mem>>
        %dma_start3A_30 = arith.constant 0 : i32
        %dma_start3A_31 = tpu.memref_slice %arg7[%mul3A_29, %dma_start3A_30] : memref<32000x128xf32, #tpu.memory_space<hbm>> -> memref<128x128xf32, #tpu.memory_space<hbm>>
        %dma_start3A_32 = arith.constant 0 : i32
        %dma_start3A_33 = tpu.memref_slice %arg7[%mul3A_29, %dma_start3A_32] : memref<32000x128xf32, #tpu.memory_space<hbm>> -> memref<128x128xf32, #tpu.memory_space<hbm>>
        tpu.enqueue_dma source(%arg12 : memref<128x128xf32, #tpu.memory_space<vmem>>) target(%dma_start3A_33 : memref<128x128xf32, #tpu.memory_space<hbm>>) target_semaphore(%run_scoped3A : memref<!tpu.dma_semaphore, #tpu.memory_space<semaphore_mem>>)
        %dma_wait3A_34 = arith.constant 0 : i32
        %dma_wait3A_35 = tpu.memref_slice %arg7[%mul3A_29, %dma_wait3A_34] : memref<32000x128xf32, #tpu.memory_space<hbm>> -> memref<128x128xf32, #tpu.memory_space<hbm>>
        %dma_wait3A_36 = arith.constant 0 : i32
        %dma_wait3A_37 = tpu.memref_slice %arg7[%mul3A_29, %dma_wait3A_36] : memref<32000x128xf32, #tpu.memory_space<hbm>> -> memref<128x128xf32, #tpu.memory_space<hbm>>
        tpu.wait_dma2 semaphore(%run_scoped3A : memref<!tpu.dma_semaphore, #tpu.memory_space<semaphore_mem>>) src(%arg12 : memref<128x128xf32, #tpu.memory_space<vmem>>) dst(%dma_wait3A_37 : memref<128x128xf32, #tpu.memory_space<hbm>>)
        tpu.yield
      }) : () -> ()
    }
    %scan3A_5 = arith.constant 7 : i32
    %lt3A = arith.constant 26 : i32
    %lt3A_6 = arith.cmpi slt, %add3A, %lt3A : i32
    %convert_element_type3A = arith.extui %lt3A_6 : i1 to i32
    %cond3A = arith.constant 0 : i32
    %cond3A_7 = arith.cmpi ne, %convert_element_type3A, %cond3A : i32
    scf.if %cond3A_7 {
      %add3A_8 = arith.constant 224 : i32
      %add3A_9 = arith.addi %add3A_8, %add3A : i32
      %mul3A_10 = arith.constant 128 : i32
      %mul3A_11 = arith.muli %add3A_9, %mul3A_10 : i32
      "tpu.region"() ({
        %run_scoped3A = tpu.sem_alloc : memref<!tpu.dma_semaphore, #tpu.memory_space<semaphore_mem>>
        %dma_start3A_28 = tpu.memref_slice %arg4[%mul3A_11] : memref<32000xi32, #tpu.memory_space<hbm>> -> memref<128xi32, #tpu.memory_space<hbm>>
        %dma_start3A_29 = tpu.memref_slice %arg4[%mul3A_11] : memref<32000xi32, #tpu.memory_space<hbm>> -> memref<128xi32, #tpu.memory_space<hbm>>
        tpu.enqueue_dma source(%dma_start3A_29 : memref<128xi32, #tpu.memory_space<hbm>>) target(%arg8 : memref<128xi32, #tpu.memory_space<vmem>>) target_semaphore(%run_scoped3A : memref<!tpu.dma_semaphore, #tpu.memory_space<semaphore_mem>>)
        %dma_wait3A_30 = tpu.memref_slice %arg4[%mul3A_11] : memref<32000xi32, #tpu.memory_space<hbm>> -> memref<128xi32, #tpu.memory_space<hbm>>
        %dma_wait3A_31 = tpu.memref_slice %arg4[%mul3A_11] : memref<32000xi32, #tpu.memory_space<hbm>> -> memref<128xi32, #tpu.memory_space<hbm>>
        tpu.wait_dma2 semaphore(%run_scoped3A : memref<!tpu.dma_semaphore, #tpu.memory_space<semaphore_mem>>) src(%dma_wait3A_31 : memref<128xi32, #tpu.memory_space<hbm>>) dst(%arg8 : memref<128xi32, #tpu.memory_space<vmem>>)
        tpu.yield
      }) : () -> ()
      %dma_start3A = arith.constant 0 : i32
      %dma_start3A_12 = arith.constant 0 : i32
      %dma_start3A_13 = tpu.memref_slice %arg2[%dma_start3A, %dma_start3A_12] : memref<160000x512xf32, #tpu.memory_space<hbm>> -> memref<160000x512xf32, #tpu.memory_space<hbm>>
      tpu.enqueue_indirect_dma source(%dma_start3A_13 : memref<160000x512xf32, #tpu.memory_space<hbm>>) target(%arg9 : memref<128x512xf32, #tpu.memory_space<vmem>>) offsets(%arg8 : memref<128xi32, #tpu.memory_space<vmem>>) semaphore(%arg10 : memref<!tpu.dma_semaphore, #tpu.memory_space<semaphore_mem>>)
      %dma_wait3A = arith.constant 0 : i32
      %dma_wait3A_14 = arith.constant 0 : i32
      %dma_wait3A_15 = tpu.memref_slice %arg2[%dma_wait3A, %dma_wait3A_14] : memref<160000x512xf32, #tpu.memory_space<hbm>> -> memref<160000x512xf32, #tpu.memory_space<hbm>>
      tpu.wait_indirect_dma semaphore(%arg10 : memref<!tpu.dma_semaphore, #tpu.memory_space<semaphore_mem>>) src(%dma_wait3A_15 : memref<160000x512xf32, #tpu.memory_space<hbm>>) dst(%arg9 : memref<128x512xf32, #tpu.memory_space<vmem>>)
      %mul3A_16 = arith.constant 128 : i32
      %mul3A_17 = arith.muli %add3A_9, %mul3A_16 : i32
      "tpu.region"() ({
        %run_scoped3A = tpu.sem_alloc : memref<!tpu.dma_semaphore, #tpu.memory_space<semaphore_mem>>
        %dma_start3A_28 = arith.constant 0 : i32
        %dma_start3A_29 = tpu.memref_slice %arg6[%mul3A_17, %dma_start3A_28] : memref<32000x512xf32, #tpu.memory_space<hbm>> -> memref<128x512xf32, #tpu.memory_space<hbm>>
        %dma_start3A_30 = arith.constant 0 : i32
        %dma_start3A_31 = tpu.memref_slice %arg6[%mul3A_17, %dma_start3A_30] : memref<32000x512xf32, #tpu.memory_space<hbm>> -> memref<128x512xf32, #tpu.memory_space<hbm>>
        tpu.enqueue_dma source(%arg9 : memref<128x512xf32, #tpu.memory_space<vmem>>) target(%dma_start3A_31 : memref<128x512xf32, #tpu.memory_space<hbm>>) target_semaphore(%run_scoped3A : memref<!tpu.dma_semaphore, #tpu.memory_space<semaphore_mem>>)
        %dma_wait3A_32 = arith.constant 0 : i32
        %dma_wait3A_33 = tpu.memref_slice %arg6[%mul3A_17, %dma_wait3A_32] : memref<32000x512xf32, #tpu.memory_space<hbm>> -> memref<128x512xf32, #tpu.memory_space<hbm>>
        %dma_wait3A_34 = arith.constant 0 : i32
        %dma_wait3A_35 = tpu.memref_slice %arg6[%mul3A_17, %dma_wait3A_34] : memref<32000x512xf32, #tpu.memory_space<hbm>> -> memref<128x512xf32, #tpu.memory_space<hbm>>
        tpu.wait_dma2 semaphore(%run_scoped3A : memref<!tpu.dma_semaphore, #tpu.memory_space<semaphore_mem>>) src(%arg9 : memref<128x512xf32, #tpu.memory_space<vmem>>) dst(%dma_wait3A_35 : memref<128x512xf32, #tpu.memory_space<hbm>>)
        tpu.yield
      }) : () -> ()
      %mul3A_18 = arith.constant 128 : i32
      %mul3A_19 = arith.muli %add3A_9, %mul3A_18 : i32
      "tpu.region"() ({
        %run_scoped3A = tpu.sem_alloc : memref<!tpu.dma_semaphore, #tpu.memory_space<semaphore_mem>>
        %dma_start3A_28 = tpu.memref_slice %arg5[%mul3A_19] : memref<32000xi32, #tpu.memory_space<hbm>> -> memref<128xi32, #tpu.memory_space<hbm>>
        %dma_start3A_29 = tpu.memref_slice %arg5[%mul3A_19] : memref<32000xi32, #tpu.memory_space<hbm>> -> memref<128xi32, #tpu.memory_space<hbm>>
        tpu.enqueue_dma source(%dma_start3A_29 : memref<128xi32, #tpu.memory_space<hbm>>) target(%arg11 : memref<128xi32, #tpu.memory_space<vmem>>) target_semaphore(%run_scoped3A : memref<!tpu.dma_semaphore, #tpu.memory_space<semaphore_mem>>)
        %dma_wait3A_30 = tpu.memref_slice %arg5[%mul3A_19] : memref<32000xi32, #tpu.memory_space<hbm>> -> memref<128xi32, #tpu.memory_space<hbm>>
        %dma_wait3A_31 = tpu.memref_slice %arg5[%mul3A_19] : memref<32000xi32, #tpu.memory_space<hbm>> -> memref<128xi32, #tpu.memory_space<hbm>>
        tpu.wait_dma2 semaphore(%run_scoped3A : memref<!tpu.dma_semaphore, #tpu.memory_space<semaphore_mem>>) src(%dma_wait3A_31 : memref<128xi32, #tpu.memory_space<hbm>>) dst(%arg11 : memref<128xi32, #tpu.memory_space<vmem>>)
        tpu.yield
      }) : () -> ()
      %dma_start3A_20 = arith.constant 0 : i32
      %dma_start3A_21 = arith.constant 0 : i32
      %dma_start3A_22 = tpu.memref_slice %arg3[%dma_start3A_20, %dma_start3A_21] : memref<10000x128xf32, #tpu.memory_space<hbm>> -> memref<10000x128xf32, #tpu.memory_space<hbm>>
      tpu.enqueue_indirect_dma source(%dma_start3A_22 : memref<10000x128xf32, #tpu.memory_space<hbm>>) target(%arg12 : memref<128x128xf32, #tpu.memory_space<vmem>>) offsets(%arg11 : memref<128xi32, #tpu.memory_space<vmem>>) semaphore(%arg13 : memref<!tpu.dma_semaphore, #tpu.memory_space<semaphore_mem>>)
      %dma_wait3A_23 = arith.constant 0 : i32
      %dma_wait3A_24 = arith.constant 0 : i32
      %dma_wait3A_25 = tpu.memref_slice %arg3[%dma_wait3A_23, %dma_wait3A_24] : memref<10000x128xf32, #tpu.memory_space<hbm>> -> memref<10000x128xf32, #tpu.memory_space<hbm>>
      tpu.wait_indirect_dma semaphore(%arg13 : memref<!tpu.dma_semaphore, #tpu.memory_space<semaphore_mem>>) src(%dma_wait3A_25 : memref<10000x128xf32, #tpu.memory_space<hbm>>) dst(%arg12 : memref<128x128xf32, #tpu.memory_space<vmem>>)
      %mul3A_26 = arith.constant 128 : i32
      %mul3A_27 = arith.muli %add3A_9, %mul3A_26 : i32
      "tpu.region"() ({
        %run_scoped3A = tpu.sem_alloc : memref<!tpu.dma_semaphore, #tpu.memory_space<semaphore_mem>>
        %dma_start3A_28 = arith.constant 0 : i32
        %dma_start3A_29 = tpu.memref_slice %arg7[%mul3A_27, %dma_start3A_28] : memref<32000x128xf32, #tpu.memory_space<hbm>> -> memref<128x128xf32, #tpu.memory_space<hbm>>
        %dma_start3A_30 = arith.constant 0 : i32
        %dma_start3A_31 = tpu.memref_slice %arg7[%mul3A_27, %dma_start3A_30] : memref<32000x128xf32, #tpu.memory_space<hbm>> -> memref<128x128xf32, #tpu.memory_space<hbm>>
        tpu.enqueue_dma source(%arg12 : memref<128x128xf32, #tpu.memory_space<vmem>>) target(%dma_start3A_31 : memref<128x128xf32, #tpu.memory_space<hbm>>) target_semaphore(%run_scoped3A : memref<!tpu.dma_semaphore, #tpu.memory_space<semaphore_mem>>)
        %dma_wait3A_32 = arith.constant 0 : i32
        %dma_wait3A_33 = tpu.memref_slice %arg7[%mul3A_27, %dma_wait3A_32] : memref<32000x128xf32, #tpu.memory_space<hbm>> -> memref<128x128xf32, #tpu.memory_space<hbm>>
        %dma_wait3A_34 = arith.constant 0 : i32
        %dma_wait3A_35 = tpu.memref_slice %arg7[%mul3A_27, %dma_wait3A_34] : memref<32000x128xf32, #tpu.memory_space<hbm>> -> memref<128x128xf32, #tpu.memory_space<hbm>>
        tpu.wait_dma2 semaphore(%run_scoped3A : memref<!tpu.dma_semaphore, #tpu.memory_space<semaphore_mem>>) src(%arg12 : memref<128x128xf32, #tpu.memory_space<vmem>>) dst(%dma_wait3A_35 : memref<128x128xf32, #tpu.memory_space<hbm>>)
        tpu.yield
      }) : () -> ()
    } else {
    }
    return
  }
}

#map = affine_map<(d0, d1) -> (0, 0)>
#map1 = affine_map<(d0, d1) -> (0)>
module attributes {stable_mosaic.version = 14 : i64} {
  func.func @k(%arg0: i32, %arg1: i32, %arg2: memref<160000x512xf32, #tpu.memory_space<hbm>>, %arg3: memref<10000x128xf32, #tpu.memory_space<hbm>>, %arg4: memref<32000xi32, #tpu.memory_space<hbm>>, %arg5: memref<32000xi32, #tpu.memory_space<hbm>>, %arg6: memref<32000x512xf32, #tpu.memory_space<hbm>>, %arg7: memref<32000x128xf32, #tpu.memory_space<hbm>>, %arg8: memref<128xi32, #tpu.memory_space<vmem>>, %arg9: memref<128x512xf32, #tpu.memory_space<vmem>>, %arg10: memref<!tpu.dma_semaphore, #tpu.memory_space<semaphore_mem>>, %arg11: memref<128xi32, #tpu.memory_space<vmem>>, %arg12: memref<128x128xf32, #tpu.memory_space<vmem>>, %arg13: memref<!tpu.dma_semaphore, #tpu.memory_space<semaphore_mem>>) attributes {dimension_semantics = [#tpu.dimension_semantics<core_parallel>, #tpu.dimension_semantics<subcore_parallel>], iteration_bounds = array<i64: 2, 16>, scalar_prefetch = 0 : i64, scratch_operands = 6 : i64, tpu.core_type = #tpu.core_type<sc_vector_subcore>, window_params = [{transform_indices = #map}, {transform_indices = #map}, {transform_indices = #map1}, {transform_indices = #map1}, {transform_indices = #map}, {transform_indices = #map}]} {
    %mul3A = arith.constant 2 : i32
    %mul3A_0 = arith.muli %arg1, %mul3A : i32
    %add3A = arith.addi %mul3A_0, %arg0 : i32
    %scan3A = arith.constant 0 : i32
    %scan3A_1 = arith.constant 0 : i32
    %scan3A_2 = arith.constant 7 : i32
    %scan3A_3 = arith.addi %scan3A_1, %scan3A_2 : i32
    %scan3A_4 = arith.constant 1 : i32
    scf.for %scan3A_8 = %scan3A_1 to %scan3A_3 step %scan3A_4  : i32 {
      %mul3A_9 = arith.constant 32 : i32
      %mul3A_10 = arith.muli %scan3A_8, %mul3A_9 : i32
      %add3A_11 = arith.addi %mul3A_10, %add3A : i32
      %mul3A_12 = arith.constant 128 : i32
      %mul3A_13 = arith.muli %add3A_11, %mul3A_12 : i32
      "tpu.region"() ({
        %run_scoped3A = tpu.sem_alloc : memref<!tpu.dma_semaphore, #tpu.memory_space<semaphore_mem>>
        %dma_start3A_30 = tpu.memref_slice %arg4[%mul3A_13] : memref<32000xi32, #tpu.memory_space<hbm>> -> memref<128xi32, #tpu.memory_space<hbm>>
        %dma_start3A_31 = tpu.memref_slice %arg4[%mul3A_13] : memref<32000xi32, #tpu.memory_space<hbm>> -> memref<128xi32, #tpu.memory_space<hbm>>
        tpu.enqueue_dma source(%dma_start3A_31 : memref<128xi32, #tpu.memory_space<hbm>>) target(%arg8 : memref<128xi32, #tpu.memory_space<vmem>>) target_semaphore(%run_scoped3A : memref<!tpu.dma_semaphore, #tpu.memory_space<semaphore_mem>>)
        %dma_wait3A_32 = tpu.memref_slice %arg4[%mul3A_13] : memref<32000xi32, #tpu.memory_space<hbm>> -> memref<128xi32, #tpu.memory_space<hbm>>
        %dma_wait3A_33 = tpu.memref_slice %arg4[%mul3A_13] : memref<32000xi32, #tpu.memory_space<hbm>> -> memref<128xi32, #tpu.memory_space<hbm>>
        tpu.wait_dma2 semaphore(%run_scoped3A : memref<!tpu.dma_semaphore, #tpu.memory_space<semaphore_mem>>) src(%dma_wait3A_33 : memref<128xi32, #tpu.memory_space<hbm>>) dst(%arg8 : memref<128xi32, #tpu.memory_space<vmem>>)
        tpu.yield
      }) : () -> ()
      %dma_start3A = arith.constant 0 : i32
      %dma_start3A_14 = arith.constant 0 : i32
      %dma_start3A_15 = tpu.memref_slice %arg2[%dma_start3A, %dma_start3A_14] : memref<160000x512xf32, #tpu.memory_space<hbm>> -> memref<160000x512xf32, #tpu.memory_space<hbm>>
      tpu.enqueue_indirect_dma source(%dma_start3A_15 : memref<160000x512xf32, #tpu.memory_space<hbm>>) target(%arg9 : memref<128x512xf32, #tpu.memory_space<vmem>>) offsets(%arg8 : memref<128xi32, #tpu.memory_space<vmem>>) semaphore(%arg10 : memref<!tpu.dma_semaphore, #tpu.memory_space<semaphore_mem>>)
      %dma_wait3A = arith.constant 0 : i32
      %dma_wait3A_16 = arith.constant 0 : i32
      %dma_wait3A_17 = tpu.memref_slice %arg2[%dma_wait3A, %dma_wait3A_16] : memref<160000x512xf32, #tpu.memory_space<hbm>> -> memref<160000x512xf32, #tpu.memory_space<hbm>>
      tpu.wait_indirect_dma semaphore(%arg10 : memref<!tpu.dma_semaphore, #tpu.memory_space<semaphore_mem>>) src(%dma_wait3A_17 : memref<160000x512xf32, #tpu.memory_space<hbm>>) dst(%arg9 : memref<128x512xf32, #tpu.memory_space<vmem>>)
      %mul3A_18 = arith.constant 128 : i32
      %mul3A_19 = arith.muli %add3A_11, %mul3A_18 : i32
      "tpu.region"() ({
        %run_scoped3A = tpu.sem_alloc : memref<!tpu.dma_semaphore, #tpu.memory_space<semaphore_mem>>
        %dma_start3A_30 = arith.constant 0 : i32
        %dma_start3A_31 = tpu.memref_slice %arg6[%mul3A_19, %dma_start3A_30] : memref<32000x512xf32, #tpu.memory_space<hbm>> -> memref<128x512xf32, #tpu.memory_space<hbm>>
        %dma_start3A_32 = arith.constant 0 : i32
        %dma_start3A_33 = tpu.memref_slice %arg6[%mul3A_19, %dma_start3A_32] : memref<32000x512xf32, #tpu.memory_space<hbm>> -> memref<128x512xf32, #tpu.memory_space<hbm>>
        tpu.enqueue_dma source(%arg9 : memref<128x512xf32, #tpu.memory_space<vmem>>) target(%dma_start3A_33 : memref<128x512xf32, #tpu.memory_space<hbm>>) target_semaphore(%run_scoped3A : memref<!tpu.dma_semaphore, #tpu.memory_space<semaphore_mem>>)
        %dma_wait3A_34 = arith.constant 0 : i32
        %dma_wait3A_35 = tpu.memref_slice %arg6[%mul3A_19, %dma_wait3A_34] : memref<32000x512xf32, #tpu.memory_space<hbm>> -> memref<128x512xf32, #tpu.memory_space<hbm>>
        %dma_wait3A_36 = arith.constant 0 : i32
        %dma_wait3A_37 = tpu.memref_slice %arg6[%mul3A_19, %dma_wait3A_36] : memref<32000x512xf32, #tpu.memory_space<hbm>> -> memref<128x512xf32, #tpu.memory_space<hbm>>
        tpu.wait_dma2 semaphore(%run_scoped3A : memref<!tpu.dma_semaphore, #tpu.memory_space<semaphore_mem>>) src(%arg9 : memref<128x512xf32, #tpu.memory_space<vmem>>) dst(%dma_wait3A_37 : memref<128x512xf32, #tpu.memory_space<hbm>>)
        tpu.yield
      }) : () -> ()
      %mul3A_20 = arith.constant 128 : i32
      %mul3A_21 = arith.muli %add3A_11, %mul3A_20 : i32
      "tpu.region"() ({
        %run_scoped3A = tpu.sem_alloc : memref<!tpu.dma_semaphore, #tpu.memory_space<semaphore_mem>>
        %dma_start3A_30 = tpu.memref_slice %arg5[%mul3A_21] : memref<32000xi32, #tpu.memory_space<hbm>> -> memref<128xi32, #tpu.memory_space<hbm>>
        %dma_start3A_31 = tpu.memref_slice %arg5[%mul3A_21] : memref<32000xi32, #tpu.memory_space<hbm>> -> memref<128xi32, #tpu.memory_space<hbm>>
        tpu.enqueue_dma source(%dma_start3A_31 : memref<128xi32, #tpu.memory_space<hbm>>) target(%arg11 : memref<128xi32, #tpu.memory_space<vmem>>) target_semaphore(%run_scoped3A : memref<!tpu.dma_semaphore, #tpu.memory_space<semaphore_mem>>)
        %dma_wait3A_32 = tpu.memref_slice %arg5[%mul3A_21] : memref<32000xi32, #tpu.memory_space<hbm>> -> memref<128xi32, #tpu.memory_space<hbm>>
        %dma_wait3A_33 = tpu.memref_slice %arg5[%mul3A_21] : memref<32000xi32, #tpu.memory_space<hbm>> -> memref<128xi32, #tpu.memory_space<hbm>>
        tpu.wait_dma2 semaphore(%run_scoped3A : memref<!tpu.dma_semaphore, #tpu.memory_space<semaphore_mem>>) src(%dma_wait3A_33 : memref<128xi32, #tpu.memory_space<hbm>>) dst(%arg11 : memref<128xi32, #tpu.memory_space<vmem>>)
        tpu.yield
      }) : () -> ()
      %dma_start3A_22 = arith.constant 0 : i32
      %dma_start3A_23 = arith.constant 0 : i32
      %dma_start3A_24 = tpu.memref_slice %arg3[%dma_start3A_22, %dma_start3A_23] : memref<10000x128xf32, #tpu.memory_space<hbm>> -> memref<10000x128xf32, #tpu.memory_space<hbm>>
      tpu.enqueue_indirect_dma source(%dma_start3A_24 : memref<10000x128xf32, #tpu.memory_space<hbm>>) target(%arg12 : memref<128x128xf32, #tpu.memory_space<vmem>>) offsets(%arg11 : memref<128xi32, #tpu.memory_space<vmem>>) semaphore(%arg13 : memref<!tpu.dma_semaphore, #tpu.memory_space<semaphore_mem>>)
      %dma_wait3A_25 = arith.constant 0 : i32
      %dma_wait3A_26 = arith.constant 0 : i32
      %dma_wait3A_27 = tpu.memref_slice %arg3[%dma_wait3A_25, %dma_wait3A_26] : memref<10000x128xf32, #tpu.memory_space<hbm>> -> memref<10000x128xf32, #tpu.memory_space<hbm>>
      tpu.wait_indirect_dma semaphore(%arg13 : memref<!tpu.dma_semaphore, #tpu.memory_space<semaphore_mem>>) src(%dma_wait3A_27 : memref<10000x128xf32, #tpu.memory_space<hbm>>) dst(%arg12 : memref<128x128xf32, #tpu.memory_space<vmem>>)
      %mul3A_28 = arith.constant 128 : i32
      %mul3A_29 = arith.muli %add3A_11, %mul3A_28 : i32
      "tpu.region"() ({
        %run_scoped3A = tpu.sem_alloc : memref<!tpu.dma_semaphore, #tpu.memory_space<semaphore_mem>>
        %dma_start3A_30 = arith.constant 0 : i32
        %dma_start3A_31 = tpu.memref_slice %arg7[%mul3A_29, %dma_start3A_30] : memref<32000x128xf32, #tpu.memory_space<hbm>> -> memref<128x128xf32, #tpu.memory_space<hbm>>
        %dma_start3A_32 = arith.constant 0 : i32
        %dma_start3A_33 = tpu.memref_slice %arg7[%mul3A_29, %dma_start3A_32] : memref<32000x128xf32, #tpu.memory_space<hbm>> -> memref<128x128xf32, #tpu.memory_space<hbm>>
        tpu.enqueue_dma source(%arg12 : memref<128x128xf32, #tpu.memory_space<vmem>>) target(%dma_start3A_33 : memref<128x128xf32, #tpu.memory_space<hbm>>) target_semaphore(%run_scoped3A : memref<!tpu.dma_semaphore, #tpu.memory_space<semaphore_mem>>)
        %dma_wait3A_34 = arith.constant 0 : i32
        %dma_wait3A_35 = tpu.memref_slice %arg7[%mul3A_29, %dma_wait3A_34] : memref<32000x128xf32, #tpu.memory_space<hbm>> -> memref<128x128xf32, #tpu.memory_space<hbm>>
        %dma_wait3A_36 = arith.constant 0 : i32
        %dma_wait3A_37 = tpu.memref_slice %arg7[%mul3A_29, %dma_wait3A_36] : memref<32000x128xf32, #tpu.memory_space<hbm>> -> memref<128x128xf32, #tpu.memory_space<hbm>>
        tpu.wait_dma2 semaphore(%run_scoped3A : memref<!tpu.dma_semaphore, #tpu.memory_space<semaphore_mem>>) src(%arg12 : memref<128x128xf32, #tpu.memory_space<vmem>>) dst(%dma_wait3A_37 : memref<128x128xf32, #tpu.memory_space<hbm>>)
        tpu.yield
      }) : () -> ()
    }
    %scan3A_5 = arith.constant 7 : i32
    %lt3A = arith.constant 26 : i32
    %lt3A_6 = arith.cmpi slt, %add3A, %lt3A : i32
    %convert_element_type3A = arith.extui %lt3A_6 : i1 to i32
    %cond3A = arith.constant 0 : i32
    %cond3A_7 = arith.cmpi ne, %convert_element_type3A, %cond3A : i32
    scf.if %cond3A_7 {
      %add3A_8 = arith.constant 224 : i32
      %add3A_9 = arith.addi %add3A_8, %add3A : i32
      %mul3A_10 = arith.constant 128 : i32
      %mul3A_11 = arith.muli %add3A_9, %mul3A_10 : i32
      "tpu.region"() ({
        %run_scoped3A = tpu.sem_alloc : memref<!tpu.dma_semaphore, #tpu.memory_space<semaphore_mem>>
        %dma_start3A_28 = tpu.memref_slice %arg4[%mul3A_11] : memref<32000xi32, #tpu.memory_space<hbm>> -> memref<128xi32, #tpu.memory_space<hbm>>
        %dma_start3A_29 = tpu.memref_slice %arg4[%mul3A_11] : memref<32000xi32, #tpu.memory_space<hbm>> -> memref<128xi32, #tpu.memory_space<hbm>>
        tpu.enqueue_dma source(%dma_start3A_29 : memref<128xi32, #tpu.memory_space<hbm>>) target(%arg8 : memref<128xi32, #tpu.memory_space<vmem>>) target_semaphore(%run_scoped3A : memref<!tpu.dma_semaphore, #tpu.memory_space<semaphore_mem>>)
        %dma_wait3A_30 = tpu.memref_slice %arg4[%mul3A_11] : memref<32000xi32, #tpu.memory_space<hbm>> -> memref<128xi32, #tpu.memory_space<hbm>>
        %dma_wait3A_31 = tpu.memref_slice %arg4[%mul3A_11] : memref<32000xi32, #tpu.memory_space<hbm>> -> memref<128xi32, #tpu.memory_space<hbm>>
        tpu.wait_dma2 semaphore(%run_scoped3A : memref<!tpu.dma_semaphore, #tpu.memory_space<semaphore_mem>>) src(%dma_wait3A_31 : memref<128xi32, #tpu.memory_space<hbm>>) dst(%arg8 : memref<128xi32, #tpu.memory_space<vmem>>)
        tpu.yield
      }) : () -> ()
      %dma_start3A = arith.constant 0 : i32
      %dma_start3A_12 = arith.constant 0 : i32
      %dma_start3A_13 = tpu.memref_slice %arg2[%dma_start3A, %dma_start3A_12] : memref<160000x512xf32, #tpu.memory_space<hbm>> -> memref<160000x512xf32, #tpu.memory_space<hbm>>
      tpu.enqueue_indirect_dma source(%dma_start3A_13 : memref<160000x512xf32, #tpu.memory_space<hbm>>) target(%arg9 : memref<128x512xf32, #tpu.memory_space<vmem>>) offsets(%arg8 : memref<128xi32, #tpu.memory_space<vmem>>) semaphore(%arg10 : memref<!tpu.dma_semaphore, #tpu.memory_space<semaphore_mem>>)
      %dma_wait3A = arith.constant 0 : i32
      %dma_wait3A_14 = arith.constant 0 : i32
      %dma_wait3A_15 = tpu.memref_slice %arg2[%dma_wait3A, %dma_wait3A_14] : memref<160000x512xf32, #tpu.memory_space<hbm>> -> memref<160000x512xf32, #tpu.memory_space<hbm>>
      tpu.wait_indirect_dma semaphore(%arg10 : memref<!tpu.dma_semaphore, #tpu.memory_space<semaphore_mem>>) src(%dma_wait3A_15 : memref<160000x512xf32, #tpu.memory_space<hbm>>) dst(%arg9 : memref<128x512xf32, #tpu.memory_space<vmem>>)
      %mul3A_16 = arith.constant 128 : i32
      %mul3A_17 = arith.muli %add3A_9, %mul3A_16 : i32
      "tpu.region"() ({
        %run_scoped3A = tpu.sem_alloc : memref<!tpu.dma_semaphore, #tpu.memory_space<semaphore_mem>>
        %dma_start3A_28 = arith.constant 0 : i32
        %dma_start3A_29 = tpu.memref_slice %arg6[%mul3A_17, %dma_start3A_28] : memref<32000x512xf32, #tpu.memory_space<hbm>> -> memref<128x512xf32, #tpu.memory_space<hbm>>
        %dma_start3A_30 = arith.constant 0 : i32
        %dma_start3A_31 = tpu.memref_slice %arg6[%mul3A_17, %dma_start3A_30] : memref<32000x512xf32, #tpu.memory_space<hbm>> -> memref<128x512xf32, #tpu.memory_space<hbm>>
        tpu.enqueue_dma source(%arg9 : memref<128x512xf32, #tpu.memory_space<vmem>>) target(%dma_start3A_31 : memref<128x512xf32, #tpu.memory_space<hbm>>) target_semaphore(%run_scoped3A : memref<!tpu.dma_semaphore, #tpu.memory_space<semaphore_mem>>)
        %dma_wait3A_32 = arith.constant 0 : i32
        %dma_wait3A_33 = tpu.memref_slice %arg6[%mul3A_17, %dma_wait3A_32] : memref<32000x512xf32, #tpu.memory_space<hbm>> -> memref<128x512xf32, #tpu.memory_space<hbm>>
        %dma_wait3A_34 = arith.constant 0 : i32
        %dma_wait3A_35 = tpu.memref_slice %arg6[%mul3A_17, %dma_wait3A_34] : memref<32000x512xf32, #tpu.memory_space<hbm>> -> memref<128x512xf32, #tpu.memory_space<hbm>>
        tpu.wait_dma2 semaphore(%run_scoped3A : memref<!tpu.dma_semaphore, #tpu.memory_space<semaphore_mem>>) src(%arg9 : memref<128x512xf32, #tpu.memory_space<vmem>>) dst(%dma_wait3A_35 : memref<128x512xf32, #tpu.memory_space<hbm>>)
        tpu.yield
      }) : () -> ()
      %mul3A_18 = arith.constant 128 : i32
      %mul3A_19 = arith.muli %add3A_9, %mul3A_18 : i32
      "tpu.region"() ({
        %run_scoped3A = tpu.sem_alloc : memref<!tpu.dma_semaphore, #tpu.memory_space<semaphore_mem>>
        %dma_start3A_28 = tpu.memref_slice %arg5[%mul3A_19] : memref<32000xi32, #tpu.memory_space<hbm>> -> memref<128xi32, #tpu.memory_space<hbm>>
        %dma_start3A_29 = tpu.memref_slice %arg5[%mul3A_19] : memref<32000xi32, #tpu.memory_space<hbm>> -> memref<128xi32, #tpu.memory_space<hbm>>
        tpu.enqueue_dma source(%dma_start3A_29 : memref<128xi32, #tpu.memory_space<hbm>>) target(%arg11 : memref<128xi32, #tpu.memory_space<vmem>>) target_semaphore(%run_scoped3A : memref<!tpu.dma_semaphore, #tpu.memory_space<semaphore_mem>>)
        %dma_wait3A_30 = tpu.memref_slice %arg5[%mul3A_19] : memref<32000xi32, #tpu.memory_space<hbm>> -> memref<128xi32, #tpu.memory_space<hbm>>
        %dma_wait3A_31 = tpu.memref_slice %arg5[%mul3A_19] : memref<32000xi32, #tpu.memory_space<hbm>> -> memref<128xi32, #tpu.memory_space<hbm>>
        tpu.wait_dma2 semaphore(%run_scoped3A : memref<!tpu.dma_semaphore, #tpu.memory_space<semaphore_mem>>) src(%dma_wait3A_31 : memref<128xi32, #tpu.memory_space<hbm>>) dst(%arg11 : memref<128xi32, #tpu.memory_space<vmem>>)
        tpu.yield
      }) : () -> ()
      %dma_start3A_20 = arith.constant 0 : i32
      %dma_start3A_21 = arith.constant 0 : i32
      %dma_start3A_22 = tpu.memref_slice %arg3[%dma_start3A_20, %dma_start3A_21] : memref<10000x128xf32, #tpu.memory_space<hbm>> -> memref<10000x128xf32, #tpu.memory_space<hbm>>
      tpu.enqueue_indirect_dma source(%dma_start3A_22 : memref<10000x128xf32, #tpu.memory_space<hbm>>) target(%arg12 : memref<128x128xf32, #tpu.memory_space<vmem>>) offsets(%arg11 : memref<128xi32, #tpu.memory_space<vmem>>) semaphore(%arg13 : memref<!tpu.dma_semaphore, #tpu.memory_space<semaphore_mem>>)
      %dma_wait3A_23 = arith.constant 0 : i32
      %dma_wait3A_24 = arith.constant 0 : i32
      %dma_wait3A_25 = tpu.memref_slice %arg3[%dma_wait3A_23, %dma_wait3A_24] : memref<10000x128xf32, #tpu.memory_space<hbm>> -> memref<10000x128xf32, #tpu.memory_space<hbm>>
      tpu.wait_indirect_dma semaphore(%arg13 : memref<!tpu.dma_semaphore, #tpu.memory_space<semaphore_mem>>) src(%dma_wait3A_25 : memref<10000x128xf32, #tpu.memory_space<hbm>>) dst(%arg12 : memref<128x128xf32, #tpu.memory_space<vmem>>)
      %mul3A_26 = arith.constant 128 : i32
      %mul3A_27 = arith.muli %add3A_9, %mul3A_26 : i32
      "tpu.region"() ({
        %run_scoped3A = tpu.sem_alloc : memref<!tpu.dma_semaphore, #tpu.memory_space<semaphore_mem>>
        %dma_start3A_28 = arith.constant 0 : i32
        %dma_start3A_29 = tpu.memref_slice %arg7[%mul3A_27, %dma_start3A_28] : memref<32000x128xf32, #tpu.memory_space<hbm>> -> memref<128x128xf32, #tpu.memory_space<hbm>>
        %dma_start3A_30 = arith.constant 0 : i32
        %dma_start3A_31 = tpu.memref_slice %arg7[%mul3A_27, %dma_start3A_30] : memref<32000x128xf32, #tpu.memory_space<hbm>> -> memref<128x128xf32, #tpu.memory_space<hbm>>
        tpu.enqueue_dma source(%arg12 : memref<128x128xf32, #tpu.memory_space<vmem>>) target(%dma_start3A_31 : memref<128x128xf32, #tpu.memory_space<hbm>>) target_semaphore(%run_scoped3A : memref<!tpu.dma_semaphore, #tpu.memory_space<semaphore_mem>>)
        %dma_wait3A_32 = arith.constant 0 : i32
        %dma_wait3A_33 = tpu.memref_slice %arg7[%mul3A_27, %dma_wait3A_32] : memref<32000x128xf32, #tpu.memory_space<hbm>> -> memref<128x128xf32, #tpu.memory_space<hbm>>
        %dma_wait3A_34 = arith.constant 0 : i32
        %dma_wait3A_35 = tpu.memref_slice %arg7[%mul3A_27, %dma_wait3A_34] : memref<32000x128xf32, #tpu.memory_space<hbm>> -> memref<128x128xf32, #tpu.memory_space<hbm>>
        tpu.wait_dma2 semaphore(%run_scoped3A : memref<!tpu.dma_semaphore, #tpu.memory_space<semaphore_mem>>) src(%arg12 : memref<128x128xf32, #tpu.memory_space<vmem>>) dst(%dma_wait3A_35 : memref<128x128xf32, #tpu.memory_space<hbm>>)
        tpu.yield
      }) : () -> ()
    } else {
    }
    return
  }
}

#map = affine_map<(d0, d1) -> (0, 0)>
#map1 = affine_map<(d0, d1) -> (0)>
module attributes {stable_mosaic.version = 14 : i64} {
  func.func @k(%arg0: i32, %arg1: i32, %arg2: memref<160000x512xf32, #tpu.memory_space<hbm>>, %arg3: memref<10000x128xf32, #tpu.memory_space<hbm>>, %arg4: memref<32000xi32, #tpu.memory_space<hbm>>, %arg5: memref<32000xi32, #tpu.memory_space<hbm>>, %arg6: memref<32000x512xf32, #tpu.memory_space<hbm>>, %arg7: memref<32000x128xf32, #tpu.memory_space<hbm>>, %arg8: memref<128xi32, #tpu.memory_space<vmem>>, %arg9: memref<128x512xf32, #tpu.memory_space<vmem>>, %arg10: memref<!tpu.dma_semaphore, #tpu.memory_space<semaphore_mem>>, %arg11: memref<128xi32, #tpu.memory_space<vmem>>, %arg12: memref<128x128xf32, #tpu.memory_space<vmem>>, %arg13: memref<!tpu.dma_semaphore, #tpu.memory_space<semaphore_mem>>) attributes {dimension_semantics = [#tpu.dimension_semantics<core_parallel>, #tpu.dimension_semantics<subcore_parallel>], iteration_bounds = array<i64: 2, 16>, scalar_prefetch = 0 : i64, scratch_operands = 6 : i64, tpu.core_type = #tpu.core_type<sc_vector_subcore>, window_params = [{transform_indices = #map}, {transform_indices = #map}, {transform_indices = #map1}, {transform_indices = #map1}, {transform_indices = #map}, {transform_indices = #map}]} {
    %mul3A = arith.constant 2 : i32
    %mul3A_0 = arith.muli %arg1, %mul3A : i32
    %add3A = arith.addi %mul3A_0, %arg0 : i32
    %scan3A = arith.constant 0 : i32
    %scan3A_1 = arith.constant 0 : i32
    %scan3A_2 = arith.constant 7 : i32
    %scan3A_3 = arith.addi %scan3A_1, %scan3A_2 : i32
    %scan3A_4 = arith.constant 1 : i32
    scf.for %scan3A_8 = %scan3A_1 to %scan3A_3 step %scan3A_4  : i32 {
      %mul3A_9 = arith.constant 32 : i32
      %mul3A_10 = arith.muli %scan3A_8, %mul3A_9 : i32
      %add3A_11 = arith.addi %mul3A_10, %add3A : i32
      %mul3A_12 = arith.constant 128 : i32
      %mul3A_13 = arith.muli %add3A_11, %mul3A_12 : i32
      "tpu.region"() ({
        %run_scoped3A = tpu.sem_alloc : memref<!tpu.dma_semaphore, #tpu.memory_space<semaphore_mem>>
        %dma_start3A_30 = tpu.memref_slice %arg4[%mul3A_13] : memref<32000xi32, #tpu.memory_space<hbm>> -> memref<128xi32, #tpu.memory_space<hbm>>
        %dma_start3A_31 = tpu.memref_slice %arg4[%mul3A_13] : memref<32000xi32, #tpu.memory_space<hbm>> -> memref<128xi32, #tpu.memory_space<hbm>>
        tpu.enqueue_dma source(%dma_start3A_31 : memref<128xi32, #tpu.memory_space<hbm>>) target(%arg8 : memref<128xi32, #tpu.memory_space<vmem>>) target_semaphore(%run_scoped3A : memref<!tpu.dma_semaphore, #tpu.memory_space<semaphore_mem>>)
        %dma_wait3A_32 = tpu.memref_slice %arg4[%mul3A_13] : memref<32000xi32, #tpu.memory_space<hbm>> -> memref<128xi32, #tpu.memory_space<hbm>>
        %dma_wait3A_33 = tpu.memref_slice %arg4[%mul3A_13] : memref<32000xi32, #tpu.memory_space<hbm>> -> memref<128xi32, #tpu.memory_space<hbm>>
        tpu.wait_dma2 semaphore(%run_scoped3A : memref<!tpu.dma_semaphore, #tpu.memory_space<semaphore_mem>>) src(%dma_wait3A_33 : memref<128xi32, #tpu.memory_space<hbm>>) dst(%arg8 : memref<128xi32, #tpu.memory_space<vmem>>)
        tpu.yield
      }) : () -> ()
      %dma_start3A = arith.constant 0 : i32
      %dma_start3A_14 = arith.constant 0 : i32
      %dma_start3A_15 = tpu.memref_slice %arg2[%dma_start3A, %dma_start3A_14] : memref<160000x512xf32, #tpu.memory_space<hbm>> -> memref<160000x512xf32, #tpu.memory_space<hbm>>
      tpu.enqueue_indirect_dma source(%dma_start3A_15 : memref<160000x512xf32, #tpu.memory_space<hbm>>) target(%arg9 : memref<128x512xf32, #tpu.memory_space<vmem>>) offsets(%arg8 : memref<128xi32, #tpu.memory_space<vmem>>) semaphore(%arg10 : memref<!tpu.dma_semaphore, #tpu.memory_space<semaphore_mem>>)
      %dma_wait3A = arith.constant 0 : i32
      %dma_wait3A_16 = arith.constant 0 : i32
      %dma_wait3A_17 = tpu.memref_slice %arg2[%dma_wait3A, %dma_wait3A_16] : memref<160000x512xf32, #tpu.memory_space<hbm>> -> memref<160000x512xf32, #tpu.memory_space<hbm>>
      tpu.wait_indirect_dma semaphore(%arg10 : memref<!tpu.dma_semaphore, #tpu.memory_space<semaphore_mem>>) src(%dma_wait3A_17 : memref<160000x512xf32, #tpu.memory_space<hbm>>) dst(%arg9 : memref<128x512xf32, #tpu.memory_space<vmem>>)
      %mul3A_18 = arith.constant 128 : i32
      %mul3A_19 = arith.muli %add3A_11, %mul3A_18 : i32
      "tpu.region"() ({
        %run_scoped3A = tpu.sem_alloc : memref<!tpu.dma_semaphore, #tpu.memory_space<semaphore_mem>>
        %dma_start3A_30 = arith.constant 0 : i32
        %dma_start3A_31 = tpu.memref_slice %arg6[%mul3A_19, %dma_start3A_30] : memref<32000x512xf32, #tpu.memory_space<hbm>> -> memref<128x512xf32, #tpu.memory_space<hbm>>
        %dma_start3A_32 = arith.constant 0 : i32
        %dma_start3A_33 = tpu.memref_slice %arg6[%mul3A_19, %dma_start3A_32] : memref<32000x512xf32, #tpu.memory_space<hbm>> -> memref<128x512xf32, #tpu.memory_space<hbm>>
        tpu.enqueue_dma source(%arg9 : memref<128x512xf32, #tpu.memory_space<vmem>>) target(%dma_start3A_33 : memref<128x512xf32, #tpu.memory_space<hbm>>) target_semaphore(%run_scoped3A : memref<!tpu.dma_semaphore, #tpu.memory_space<semaphore_mem>>)
        %dma_wait3A_34 = arith.constant 0 : i32
        %dma_wait3A_35 = tpu.memref_slice %arg6[%mul3A_19, %dma_wait3A_34] : memref<32000x512xf32, #tpu.memory_space<hbm>> -> memref<128x512xf32, #tpu.memory_space<hbm>>
        %dma_wait3A_36 = arith.constant 0 : i32
        %dma_wait3A_37 = tpu.memref_slice %arg6[%mul3A_19, %dma_wait3A_36] : memref<32000x512xf32, #tpu.memory_space<hbm>> -> memref<128x512xf32, #tpu.memory_space<hbm>>
        tpu.wait_dma2 semaphore(%run_scoped3A : memref<!tpu.dma_semaphore, #tpu.memory_space<semaphore_mem>>) src(%arg9 : memref<128x512xf32, #tpu.memory_space<vmem>>) dst(%dma_wait3A_37 : memref<128x512xf32, #tpu.memory_space<hbm>>)
        tpu.yield
      }) : () -> ()
      %mul3A_20 = arith.constant 128 : i32
      %mul3A_21 = arith.muli %add3A_11, %mul3A_20 : i32
      "tpu.region"() ({
        %run_scoped3A = tpu.sem_alloc : memref<!tpu.dma_semaphore, #tpu.memory_space<semaphore_mem>>
        %dma_start3A_30 = tpu.memref_slice %arg5[%mul3A_21] : memref<32000xi32, #tpu.memory_space<hbm>> -> memref<128xi32, #tpu.memory_space<hbm>>
        %dma_start3A_31 = tpu.memref_slice %arg5[%mul3A_21] : memref<32000xi32, #tpu.memory_space<hbm>> -> memref<128xi32, #tpu.memory_space<hbm>>
        tpu.enqueue_dma source(%dma_start3A_31 : memref<128xi32, #tpu.memory_space<hbm>>) target(%arg11 : memref<128xi32, #tpu.memory_space<vmem>>) target_semaphore(%run_scoped3A : memref<!tpu.dma_semaphore, #tpu.memory_space<semaphore_mem>>)
        %dma_wait3A_32 = tpu.memref_slice %arg5[%mul3A_21] : memref<32000xi32, #tpu.memory_space<hbm>> -> memref<128xi32, #tpu.memory_space<hbm>>
        %dma_wait3A_33 = tpu.memref_slice %arg5[%mul3A_21] : memref<32000xi32, #tpu.memory_space<hbm>> -> memref<128xi32, #tpu.memory_space<hbm>>
        tpu.wait_dma2 semaphore(%run_scoped3A : memref<!tpu.dma_semaphore, #tpu.memory_space<semaphore_mem>>) src(%dma_wait3A_33 : memref<128xi32, #tpu.memory_space<hbm>>) dst(%arg11 : memref<128xi32, #tpu.memory_space<vmem>>)
        tpu.yield
      }) : () -> ()
      %dma_start3A_22 = arith.constant 0 : i32
      %dma_start3A_23 = arith.constant 0 : i32
      %dma_start3A_24 = tpu.memref_slice %arg3[%dma_start3A_22, %dma_start3A_23] : memref<10000x128xf32, #tpu.memory_space<hbm>> -> memref<10000x128xf32, #tpu.memory_space<hbm>>
      tpu.enqueue_indirect_dma source(%dma_start3A_24 : memref<10000x128xf32, #tpu.memory_space<hbm>>) target(%arg12 : memref<128x128xf32, #tpu.memory_space<vmem>>) offsets(%arg11 : memref<128xi32, #tpu.memory_space<vmem>>) semaphore(%arg13 : memref<!tpu.dma_semaphore, #tpu.memory_space<semaphore_mem>>)
      %dma_wait3A_25 = arith.constant 0 : i32
      %dma_wait3A_26 = arith.constant 0 : i32
      %dma_wait3A_27 = tpu.memref_slice %arg3[%dma_wait3A_25, %dma_wait3A_26] : memref<10000x128xf32, #tpu.memory_space<hbm>> -> memref<10000x128xf32, #tpu.memory_space<hbm>>
      tpu.wait_indirect_dma semaphore(%arg13 : memref<!tpu.dma_semaphore, #tpu.memory_space<semaphore_mem>>) src(%dma_wait3A_27 : memref<10000x128xf32, #tpu.memory_space<hbm>>) dst(%arg12 : memref<128x128xf32, #tpu.memory_space<vmem>>)
      %mul3A_28 = arith.constant 128 : i32
      %mul3A_29 = arith.muli %add3A_11, %mul3A_28 : i32
      "tpu.region"() ({
        %run_scoped3A = tpu.sem_alloc : memref<!tpu.dma_semaphore, #tpu.memory_space<semaphore_mem>>
        %dma_start3A_30 = arith.constant 0 : i32
        %dma_start3A_31 = tpu.memref_slice %arg7[%mul3A_29, %dma_start3A_30] : memref<32000x128xf32, #tpu.memory_space<hbm>> -> memref<128x128xf32, #tpu.memory_space<hbm>>
        %dma_start3A_32 = arith.constant 0 : i32
        %dma_start3A_33 = tpu.memref_slice %arg7[%mul3A_29, %dma_start3A_32] : memref<32000x128xf32, #tpu.memory_space<hbm>> -> memref<128x128xf32, #tpu.memory_space<hbm>>
        tpu.enqueue_dma source(%arg12 : memref<128x128xf32, #tpu.memory_space<vmem>>) target(%dma_start3A_33 : memref<128x128xf32, #tpu.memory_space<hbm>>) target_semaphore(%run_scoped3A : memref<!tpu.dma_semaphore, #tpu.memory_space<semaphore_mem>>)
        %dma_wait3A_34 = arith.constant 0 : i32
        %dma_wait3A_35 = tpu.memref_slice %arg7[%mul3A_29, %dma_wait3A_34] : memref<32000x128xf32, #tpu.memory_space<hbm>> -> memref<128x128xf32, #tpu.memory_space<hbm>>
        %dma_wait3A_36 = arith.constant 0 : i32
        %dma_wait3A_37 = tpu.memref_slice %arg7[%mul3A_29, %dma_wait3A_36] : memref<32000x128xf32, #tpu.memory_space<hbm>> -> memref<128x128xf32, #tpu.memory_space<hbm>>
        tpu.wait_dma2 semaphore(%run_scoped3A : memref<!tpu.dma_semaphore, #tpu.memory_space<semaphore_mem>>) src(%arg12 : memref<128x128xf32, #tpu.memory_space<vmem>>) dst(%dma_wait3A_37 : memref<128x128xf32, #tpu.memory_space<hbm>>)
        tpu.yield
      }) : () -> ()
    }
    %scan3A_5 = arith.constant 7 : i32
    %lt3A = arith.constant 26 : i32
    %lt3A_6 = arith.cmpi slt, %add3A, %lt3A : i32
    %convert_element_type3A = arith.extui %lt3A_6 : i1 to i32
    %cond3A = arith.constant 0 : i32
    %cond3A_7 = arith.cmpi ne, %convert_element_type3A, %cond3A : i32
    scf.if %cond3A_7 {
      %add3A_8 = arith.constant 224 : i32
      %add3A_9 = arith.addi %add3A_8, %add3A : i32
      %mul3A_10 = arith.constant 128 : i32
      %mul3A_11 = arith.muli %add3A_9, %mul3A_10 : i32
      "tpu.region"() ({
        %run_scoped3A = tpu.sem_alloc : memref<!tpu.dma_semaphore, #tpu.memory_space<semaphore_mem>>
        %dma_start3A_28 = tpu.memref_slice %arg4[%mul3A_11] : memref<32000xi32, #tpu.memory_space<hbm>> -> memref<128xi32, #tpu.memory_space<hbm>>
        %dma_start3A_29 = tpu.memref_slice %arg4[%mul3A_11] : memref<32000xi32, #tpu.memory_space<hbm>> -> memref<128xi32, #tpu.memory_space<hbm>>
        tpu.enqueue_dma source(%dma_start3A_29 : memref<128xi32, #tpu.memory_space<hbm>>) target(%arg8 : memref<128xi32, #tpu.memory_space<vmem>>) target_semaphore(%run_scoped3A : memref<!tpu.dma_semaphore, #tpu.memory_space<semaphore_mem>>)
        %dma_wait3A_30 = tpu.memref_slice %arg4[%mul3A_11] : memref<32000xi32, #tpu.memory_space<hbm>> -> memref<128xi32, #tpu.memory_space<hbm>>
        %dma_wait3A_31 = tpu.memref_slice %arg4[%mul3A_11] : memref<32000xi32, #tpu.memory_space<hbm>> -> memref<128xi32, #tpu.memory_space<hbm>>
        tpu.wait_dma2 semaphore(%run_scoped3A : memref<!tpu.dma_semaphore, #tpu.memory_space<semaphore_mem>>) src(%dma_wait3A_31 : memref<128xi32, #tpu.memory_space<hbm>>) dst(%arg8 : memref<128xi32, #tpu.memory_space<vmem>>)
        tpu.yield
      }) : () -> ()
      %dma_start3A = arith.constant 0 : i32
      %dma_start3A_12 = arith.constant 0 : i32
      %dma_start3A_13 = tpu.memref_slice %arg2[%dma_start3A, %dma_start3A_12] : memref<160000x512xf32, #tpu.memory_space<hbm>> -> memref<160000x512xf32, #tpu.memory_space<hbm>>
      tpu.enqueue_indirect_dma source(%dma_start3A_13 : memref<160000x512xf32, #tpu.memory_space<hbm>>) target(%arg9 : memref<128x512xf32, #tpu.memory_space<vmem>>) offsets(%arg8 : memref<128xi32, #tpu.memory_space<vmem>>) semaphore(%arg10 : memref<!tpu.dma_semaphore, #tpu.memory_space<semaphore_mem>>)
      %dma_wait3A = arith.constant 0 : i32
      %dma_wait3A_14 = arith.constant 0 : i32
      %dma_wait3A_15 = tpu.memref_slice %arg2[%dma_wait3A, %dma_wait3A_14] : memref<160000x512xf32, #tpu.memory_space<hbm>> -> memref<160000x512xf32, #tpu.memory_space<hbm>>
      tpu.wait_indirect_dma semaphore(%arg10 : memref<!tpu.dma_semaphore, #tpu.memory_space<semaphore_mem>>) src(%dma_wait3A_15 : memref<160000x512xf32, #tpu.memory_space<hbm>>) dst(%arg9 : memref<128x512xf32, #tpu.memory_space<vmem>>)
      %mul3A_16 = arith.constant 128 : i32
      %mul3A_17 = arith.muli %add3A_9, %mul3A_16 : i32
      "tpu.region"() ({
        %run_scoped3A = tpu.sem_alloc : memref<!tpu.dma_semaphore, #tpu.memory_space<semaphore_mem>>
        %dma_start3A_28 = arith.constant 0 : i32
        %dma_start3A_29 = tpu.memref_slice %arg6[%mul3A_17, %dma_start3A_28] : memref<32000x512xf32, #tpu.memory_space<hbm>> -> memref<128x512xf32, #tpu.memory_space<hbm>>
        %dma_start3A_30 = arith.constant 0 : i32
        %dma_start3A_31 = tpu.memref_slice %arg6[%mul3A_17, %dma_start3A_30] : memref<32000x512xf32, #tpu.memory_space<hbm>> -> memref<128x512xf32, #tpu.memory_space<hbm>>
        tpu.enqueue_dma source(%arg9 : memref<128x512xf32, #tpu.memory_space<vmem>>) target(%dma_start3A_31 : memref<128x512xf32, #tpu.memory_space<hbm>>) target_semaphore(%run_scoped3A : memref<!tpu.dma_semaphore, #tpu.memory_space<semaphore_mem>>)
        %dma_wait3A_32 = arith.constant 0 : i32
        %dma_wait3A_33 = tpu.memref_slice %arg6[%mul3A_17, %dma_wait3A_32] : memref<32000x512xf32, #tpu.memory_space<hbm>> -> memref<128x512xf32, #tpu.memory_space<hbm>>
        %dma_wait3A_34 = arith.constant 0 : i32
        %dma_wait3A_35 = tpu.memref_slice %arg6[%mul3A_17, %dma_wait3A_34] : memref<32000x512xf32, #tpu.memory_space<hbm>> -> memref<128x512xf32, #tpu.memory_space<hbm>>
        tpu.wait_dma2 semaphore(%run_scoped3A : memref<!tpu.dma_semaphore, #tpu.memory_space<semaphore_mem>>) src(%arg9 : memref<128x512xf32, #tpu.memory_space<vmem>>) dst(%dma_wait3A_35 : memref<128x512xf32, #tpu.memory_space<hbm>>)
        tpu.yield
      }) : () -> ()
      %mul3A_18 = arith.constant 128 : i32
      %mul3A_19 = arith.muli %add3A_9, %mul3A_18 : i32
      "tpu.region"() ({
        %run_scoped3A = tpu.sem_alloc : memref<!tpu.dma_semaphore, #tpu.memory_space<semaphore_mem>>
        %dma_start3A_28 = tpu.memref_slice %arg5[%mul3A_19] : memref<32000xi32, #tpu.memory_space<hbm>> -> memref<128xi32, #tpu.memory_space<hbm>>
        %dma_start3A_29 = tpu.memref_slice %arg5[%mul3A_19] : memref<32000xi32, #tpu.memory_space<hbm>> -> memref<128xi32, #tpu.memory_space<hbm>>
        tpu.enqueue_dma source(%dma_start3A_29 : memref<128xi32, #tpu.memory_space<hbm>>) target(%arg11 : memref<128xi32, #tpu.memory_space<vmem>>) target_semaphore(%run_scoped3A : memref<!tpu.dma_semaphore, #tpu.memory_space<semaphore_mem>>)
        %dma_wait3A_30 = tpu.memref_slice %arg5[%mul3A_19] : memref<32000xi32, #tpu.memory_space<hbm>> -> memref<128xi32, #tpu.memory_space<hbm>>
        %dma_wait3A_31 = tpu.memref_slice %arg5[%mul3A_19] : memref<32000xi32, #tpu.memory_space<hbm>> -> memref<128xi32, #tpu.memory_space<hbm>>
        tpu.wait_dma2 semaphore(%run_scoped3A : memref<!tpu.dma_semaphore, #tpu.memory_space<semaphore_mem>>) src(%dma_wait3A_31 : memref<128xi32, #tpu.memory_space<hbm>>) dst(%arg11 : memref<128xi32, #tpu.memory_space<vmem>>)
        tpu.yield
      }) : () -> ()
      %dma_start3A_20 = arith.constant 0 : i32
      %dma_start3A_21 = arith.constant 0 : i32
      %dma_start3A_22 = tpu.memref_slice %arg3[%dma_start3A_20, %dma_start3A_21] : memref<10000x128xf32, #tpu.memory_space<hbm>> -> memref<10000x128xf32, #tpu.memory_space<hbm>>
      tpu.enqueue_indirect_dma source(%dma_start3A_22 : memref<10000x128xf32, #tpu.memory_space<hbm>>) target(%arg12 : memref<128x128xf32, #tpu.memory_space<vmem>>) offsets(%arg11 : memref<128xi32, #tpu.memory_space<vmem>>) semaphore(%arg13 : memref<!tpu.dma_semaphore, #tpu.memory_space<semaphore_mem>>)
      %dma_wait3A_23 = arith.constant 0 : i32
      %dma_wait3A_24 = arith.constant 0 : i32
      %dma_wait3A_25 = tpu.memref_slice %arg3[%dma_wait3A_23, %dma_wait3A_24] : memref<10000x128xf32, #tpu.memory_space<hbm>> -> memref<10000x128xf32, #tpu.memory_space<hbm>>
      tpu.wait_indirect_dma semaphore(%arg13 : memref<!tpu.dma_semaphore, #tpu.memory_space<semaphore_mem>>) src(%dma_wait3A_25 : memref<10000x128xf32, #tpu.memory_space<hbm>>) dst(%arg12 : memref<128x128xf32, #tpu.memory_space<vmem>>)
      %mul3A_26 = arith.constant 128 : i32
      %mul3A_27 = arith.muli %add3A_9, %mul3A_26 : i32
      "tpu.region"() ({
        %run_scoped3A = tpu.sem_alloc : memref<!tpu.dma_semaphore, #tpu.memory_space<semaphore_mem>>
        %dma_start3A_28 = arith.constant 0 : i32
        %dma_start3A_29 = tpu.memref_slice %arg7[%mul3A_27, %dma_start3A_28] : memref<32000x128xf32, #tpu.memory_space<hbm>> -> memref<128x128xf32, #tpu.memory_space<hbm>>
        %dma_start3A_30 = arith.constant 0 : i32
        %dma_start3A_31 = tpu.memref_slice %arg7[%mul3A_27, %dma_start3A_30] : memref<32000x128xf32, #tpu.memory_space<hbm>> -> memref<128x128xf32, #tpu.memory_space<hbm>>
        tpu.enqueue_dma source(%arg12 : memref<128x128xf32, #tpu.memory_space<vmem>>) target(%dma_start3A_31 : memref<128x128xf32, #tpu.memory_space<hbm>>) target_semaphore(%run_scoped3A : memref<!tpu.dma_semaphore, #tpu.memory_space<semaphore_mem>>)
        %dma_wait3A_32 = arith.constant 0 : i32
        %dma_wait3A_33 = tpu.memref_slice %arg7[%mul3A_27, %dma_wait3A_32] : memref<32000x128xf32, #tpu.memory_space<hbm>> -> memref<128x128xf32, #tpu.memory_space<hbm>>
        %dma_wait3A_34 = arith.constant 0 : i32
        %dma_wait3A_35 = tpu.memref_slice %arg7[%mul3A_27, %dma_wait3A_34] : memref<32000x128xf32, #tpu.memory_space<hbm>> -> memref<128x128xf32, #tpu.memory_space<hbm>>
        tpu.wait_dma2 semaphore(%run_scoped3A : memref<!tpu.dma_semaphore, #tpu.memory_space<semaphore_mem>>) src(%arg12 : memref<128x128xf32, #tpu.memory_space<vmem>>) dst(%dma_wait3A_35 : memref<128x128xf32, #tpu.memory_space<hbm>>)
        tpu.yield
      }) : () -> ()
    } else {
    }
    return
  }
}

#map = affine_map<(d0, d1) -> (0, 0)>
#map1 = affine_map<(d0, d1) -> (0)>
module attributes {stable_mosaic.version = 14 : i64} {
  func.func @k(%arg0: i32, %arg1: i32, %arg2: memref<160000x512xf32, #tpu.memory_space<hbm>>, %arg3: memref<10000x128xf32, #tpu.memory_space<hbm>>, %arg4: memref<32000xi32, #tpu.memory_space<hbm>>, %arg5: memref<32000xi32, #tpu.memory_space<hbm>>, %arg6: memref<32000x512xf32, #tpu.memory_space<hbm>>, %arg7: memref<32000x128xf32, #tpu.memory_space<hbm>>, %arg8: memref<128xi32, #tpu.memory_space<vmem>>, %arg9: memref<128x512xf32, #tpu.memory_space<vmem>>, %arg10: memref<!tpu.dma_semaphore, #tpu.memory_space<semaphore_mem>>, %arg11: memref<128xi32, #tpu.memory_space<vmem>>, %arg12: memref<128x128xf32, #tpu.memory_space<vmem>>, %arg13: memref<!tpu.dma_semaphore, #tpu.memory_space<semaphore_mem>>) attributes {dimension_semantics = [#tpu.dimension_semantics<core_parallel>, #tpu.dimension_semantics<subcore_parallel>], iteration_bounds = array<i64: 2, 16>, scalar_prefetch = 0 : i64, scratch_operands = 6 : i64, tpu.core_type = #tpu.core_type<sc_vector_subcore>, window_params = [{transform_indices = #map}, {transform_indices = #map}, {transform_indices = #map1}, {transform_indices = #map1}, {transform_indices = #map}, {transform_indices = #map}]} {
    %mul3A = arith.constant 2 : i32
    %mul3A_0 = arith.muli %arg1, %mul3A : i32
    %add3A = arith.addi %mul3A_0, %arg0 : i32
    %scan3A = arith.constant 0 : i32
    %scan3A_1 = arith.constant 0 : i32
    %scan3A_2 = arith.constant 7 : i32
    %scan3A_3 = arith.addi %scan3A_1, %scan3A_2 : i32
    %scan3A_4 = arith.constant 1 : i32
    scf.for %scan3A_8 = %scan3A_1 to %scan3A_3 step %scan3A_4  : i32 {
      %mul3A_9 = arith.constant 32 : i32
      %mul3A_10 = arith.muli %scan3A_8, %mul3A_9 : i32
      %add3A_11 = arith.addi %mul3A_10, %add3A : i32
      %mul3A_12 = arith.constant 128 : i32
      %mul3A_13 = arith.muli %add3A_11, %mul3A_12 : i32
      "tpu.region"() ({
        %run_scoped3A = tpu.sem_alloc : memref<!tpu.dma_semaphore, #tpu.memory_space<semaphore_mem>>
        %dma_start3A_30 = tpu.memref_slice %arg4[%mul3A_13] : memref<32000xi32, #tpu.memory_space<hbm>> -> memref<128xi32, #tpu.memory_space<hbm>>
        %dma_start3A_31 = tpu.memref_slice %arg4[%mul3A_13] : memref<32000xi32, #tpu.memory_space<hbm>> -> memref<128xi32, #tpu.memory_space<hbm>>
        tpu.enqueue_dma source(%dma_start3A_31 : memref<128xi32, #tpu.memory_space<hbm>>) target(%arg8 : memref<128xi32, #tpu.memory_space<vmem>>) target_semaphore(%run_scoped3A : memref<!tpu.dma_semaphore, #tpu.memory_space<semaphore_mem>>)
        %dma_wait3A_32 = tpu.memref_slice %arg4[%mul3A_13] : memref<32000xi32, #tpu.memory_space<hbm>> -> memref<128xi32, #tpu.memory_space<hbm>>
        %dma_wait3A_33 = tpu.memref_slice %arg4[%mul3A_13] : memref<32000xi32, #tpu.memory_space<hbm>> -> memref<128xi32, #tpu.memory_space<hbm>>
        tpu.wait_dma2 semaphore(%run_scoped3A : memref<!tpu.dma_semaphore, #tpu.memory_space<semaphore_mem>>) src(%dma_wait3A_33 : memref<128xi32, #tpu.memory_space<hbm>>) dst(%arg8 : memref<128xi32, #tpu.memory_space<vmem>>)
        tpu.yield
      }) : () -> ()
      %dma_start3A = arith.constant 0 : i32
      %dma_start3A_14 = arith.constant 0 : i32
      %dma_start3A_15 = tpu.memref_slice %arg2[%dma_start3A, %dma_start3A_14] : memref<160000x512xf32, #tpu.memory_space<hbm>> -> memref<160000x512xf32, #tpu.memory_space<hbm>>
      tpu.enqueue_indirect_dma source(%dma_start3A_15 : memref<160000x512xf32, #tpu.memory_space<hbm>>) target(%arg9 : memref<128x512xf32, #tpu.memory_space<vmem>>) offsets(%arg8 : memref<128xi32, #tpu.memory_space<vmem>>) semaphore(%arg10 : memref<!tpu.dma_semaphore, #tpu.memory_space<semaphore_mem>>)
      %dma_wait3A = arith.constant 0 : i32
      %dma_wait3A_16 = arith.constant 0 : i32
      %dma_wait3A_17 = tpu.memref_slice %arg2[%dma_wait3A, %dma_wait3A_16] : memref<160000x512xf32, #tpu.memory_space<hbm>> -> memref<160000x512xf32, #tpu.memory_space<hbm>>
      tpu.wait_indirect_dma semaphore(%arg10 : memref<!tpu.dma_semaphore, #tpu.memory_space<semaphore_mem>>) src(%dma_wait3A_17 : memref<160000x512xf32, #tpu.memory_space<hbm>>) dst(%arg9 : memref<128x512xf32, #tpu.memory_space<vmem>>)
      %mul3A_18 = arith.constant 128 : i32
      %mul3A_19 = arith.muli %add3A_11, %mul3A_18 : i32
      "tpu.region"() ({
        %run_scoped3A = tpu.sem_alloc : memref<!tpu.dma_semaphore, #tpu.memory_space<semaphore_mem>>
        %dma_start3A_30 = arith.constant 0 : i32
        %dma_start3A_31 = tpu.memref_slice %arg6[%mul3A_19, %dma_start3A_30] : memref<32000x512xf32, #tpu.memory_space<hbm>> -> memref<128x512xf32, #tpu.memory_space<hbm>>
        %dma_start3A_32 = arith.constant 0 : i32
        %dma_start3A_33 = tpu.memref_slice %arg6[%mul3A_19, %dma_start3A_32] : memref<32000x512xf32, #tpu.memory_space<hbm>> -> memref<128x512xf32, #tpu.memory_space<hbm>>
        tpu.enqueue_dma source(%arg9 : memref<128x512xf32, #tpu.memory_space<vmem>>) target(%dma_start3A_33 : memref<128x512xf32, #tpu.memory_space<hbm>>) target_semaphore(%run_scoped3A : memref<!tpu.dma_semaphore, #tpu.memory_space<semaphore_mem>>)
        %dma_wait3A_34 = arith.constant 0 : i32
        %dma_wait3A_35 = tpu.memref_slice %arg6[%mul3A_19, %dma_wait3A_34] : memref<32000x512xf32, #tpu.memory_space<hbm>> -> memref<128x512xf32, #tpu.memory_space<hbm>>
        %dma_wait3A_36 = arith.constant 0 : i32
        %dma_wait3A_37 = tpu.memref_slice %arg6[%mul3A_19, %dma_wait3A_36] : memref<32000x512xf32, #tpu.memory_space<hbm>> -> memref<128x512xf32, #tpu.memory_space<hbm>>
        tpu.wait_dma2 semaphore(%run_scoped3A : memref<!tpu.dma_semaphore, #tpu.memory_space<semaphore_mem>>) src(%arg9 : memref<128x512xf32, #tpu.memory_space<vmem>>) dst(%dma_wait3A_37 : memref<128x512xf32, #tpu.memory_space<hbm>>)
        tpu.yield
      }) : () -> ()
      %mul3A_20 = arith.constant 128 : i32
      %mul3A_21 = arith.muli %add3A_11, %mul3A_20 : i32
      "tpu.region"() ({
        %run_scoped3A = tpu.sem_alloc : memref<!tpu.dma_semaphore, #tpu.memory_space<semaphore_mem>>
        %dma_start3A_30 = tpu.memref_slice %arg5[%mul3A_21] : memref<32000xi32, #tpu.memory_space<hbm>> -> memref<128xi32, #tpu.memory_space<hbm>>
        %dma_start3A_31 = tpu.memref_slice %arg5[%mul3A_21] : memref<32000xi32, #tpu.memory_space<hbm>> -> memref<128xi32, #tpu.memory_space<hbm>>
        tpu.enqueue_dma source(%dma_start3A_31 : memref<128xi32, #tpu.memory_space<hbm>>) target(%arg11 : memref<128xi32, #tpu.memory_space<vmem>>) target_semaphore(%run_scoped3A : memref<!tpu.dma_semaphore, #tpu.memory_space<semaphore_mem>>)
        %dma_wait3A_32 = tpu.memref_slice %arg5[%mul3A_21] : memref<32000xi32, #tpu.memory_space<hbm>> -> memref<128xi32, #tpu.memory_space<hbm>>
        %dma_wait3A_33 = tpu.memref_slice %arg5[%mul3A_21] : memref<32000xi32, #tpu.memory_space<hbm>> -> memref<128xi32, #tpu.memory_space<hbm>>
        tpu.wait_dma2 semaphore(%run_scoped3A : memref<!tpu.dma_semaphore, #tpu.memory_space<semaphore_mem>>) src(%dma_wait3A_33 : memref<128xi32, #tpu.memory_space<hbm>>) dst(%arg11 : memref<128xi32, #tpu.memory_space<vmem>>)
        tpu.yield
      }) : () -> ()
      %dma_start3A_22 = arith.constant 0 : i32
      %dma_start3A_23 = arith.constant 0 : i32
      %dma_start3A_24 = tpu.memref_slice %arg3[%dma_start3A_22, %dma_start3A_23] : memref<10000x128xf32, #tpu.memory_space<hbm>> -> memref<10000x128xf32, #tpu.memory_space<hbm>>
      tpu.enqueue_indirect_dma source(%dma_start3A_24 : memref<10000x128xf32, #tpu.memory_space<hbm>>) target(%arg12 : memref<128x128xf32, #tpu.memory_space<vmem>>) offsets(%arg11 : memref<128xi32, #tpu.memory_space<vmem>>) semaphore(%arg13 : memref<!tpu.dma_semaphore, #tpu.memory_space<semaphore_mem>>)
      %dma_wait3A_25 = arith.constant 0 : i32
      %dma_wait3A_26 = arith.constant 0 : i32
      %dma_wait3A_27 = tpu.memref_slice %arg3[%dma_wait3A_25, %dma_wait3A_26] : memref<10000x128xf32, #tpu.memory_space<hbm>> -> memref<10000x128xf32, #tpu.memory_space<hbm>>
      tpu.wait_indirect_dma semaphore(%arg13 : memref<!tpu.dma_semaphore, #tpu.memory_space<semaphore_mem>>) src(%dma_wait3A_27 : memref<10000x128xf32, #tpu.memory_space<hbm>>) dst(%arg12 : memref<128x128xf32, #tpu.memory_space<vmem>>)
      %mul3A_28 = arith.constant 128 : i32
      %mul3A_29 = arith.muli %add3A_11, %mul3A_28 : i32
      "tpu.region"() ({
        %run_scoped3A = tpu.sem_alloc : memref<!tpu.dma_semaphore, #tpu.memory_space<semaphore_mem>>
        %dma_start3A_30 = arith.constant 0 : i32
        %dma_start3A_31 = tpu.memref_slice %arg7[%mul3A_29, %dma_start3A_30] : memref<32000x128xf32, #tpu.memory_space<hbm>> -> memref<128x128xf32, #tpu.memory_space<hbm>>
        %dma_start3A_32 = arith.constant 0 : i32
        %dma_start3A_33 = tpu.memref_slice %arg7[%mul3A_29, %dma_start3A_32] : memref<32000x128xf32, #tpu.memory_space<hbm>> -> memref<128x128xf32, #tpu.memory_space<hbm>>
        tpu.enqueue_dma source(%arg12 : memref<128x128xf32, #tpu.memory_space<vmem>>) target(%dma_start3A_33 : memref<128x128xf32, #tpu.memory_space<hbm>>) target_semaphore(%run_scoped3A : memref<!tpu.dma_semaphore, #tpu.memory_space<semaphore_mem>>)
        %dma_wait3A_34 = arith.constant 0 : i32
        %dma_wait3A_35 = tpu.memref_slice %arg7[%mul3A_29, %dma_wait3A_34] : memref<32000x128xf32, #tpu.memory_space<hbm>> -> memref<128x128xf32, #tpu.memory_space<hbm>>
        %dma_wait3A_36 = arith.constant 0 : i32
        %dma_wait3A_37 = tpu.memref_slice %arg7[%mul3A_29, %dma_wait3A_36] : memref<32000x128xf32, #tpu.memory_space<hbm>> -> memref<128x128xf32, #tpu.memory_space<hbm>>
        tpu.wait_dma2 semaphore(%run_scoped3A : memref<!tpu.dma_semaphore, #tpu.memory_space<semaphore_mem>>) src(%arg12 : memref<128x128xf32, #tpu.memory_space<vmem>>) dst(%dma_wait3A_37 : memref<128x128xf32, #tpu.memory_space<hbm>>)
        tpu.yield
      }) : () -> ()
    }
    %scan3A_5 = arith.constant 7 : i32
    %lt3A = arith.constant 26 : i32
    %lt3A_6 = arith.cmpi slt, %add3A, %lt3A : i32
    %convert_element_type3A = arith.extui %lt3A_6 : i1 to i32
    %cond3A = arith.constant 0 : i32
    %cond3A_7 = arith.cmpi ne, %convert_element_type3A, %cond3A : i32
    scf.if %cond3A_7 {
      %add3A_8 = arith.constant 224 : i32
      %add3A_9 = arith.addi %add3A_8, %add3A : i32
      %mul3A_10 = arith.constant 128 : i32
      %mul3A_11 = arith.muli %add3A_9, %mul3A_10 : i32
      "tpu.region"() ({
        %run_scoped3A = tpu.sem_alloc : memref<!tpu.dma_semaphore, #tpu.memory_space<semaphore_mem>>
        %dma_start3A_28 = tpu.memref_slice %arg4[%mul3A_11] : memref<32000xi32, #tpu.memory_space<hbm>> -> memref<128xi32, #tpu.memory_space<hbm>>
        %dma_start3A_29 = tpu.memref_slice %arg4[%mul3A_11] : memref<32000xi32, #tpu.memory_space<hbm>> -> memref<128xi32, #tpu.memory_space<hbm>>
        tpu.enqueue_dma source(%dma_start3A_29 : memref<128xi32, #tpu.memory_space<hbm>>) target(%arg8 : memref<128xi32, #tpu.memory_space<vmem>>) target_semaphore(%run_scoped3A : memref<!tpu.dma_semaphore, #tpu.memory_space<semaphore_mem>>)
        %dma_wait3A_30 = tpu.memref_slice %arg4[%mul3A_11] : memref<32000xi32, #tpu.memory_space<hbm>> -> memref<128xi32, #tpu.memory_space<hbm>>
        %dma_wait3A_31 = tpu.memref_slice %arg4[%mul3A_11] : memref<32000xi32, #tpu.memory_space<hbm>> -> memref<128xi32, #tpu.memory_space<hbm>>
        tpu.wait_dma2 semaphore(%run_scoped3A : memref<!tpu.dma_semaphore, #tpu.memory_space<semaphore_mem>>) src(%dma_wait3A_31 : memref<128xi32, #tpu.memory_space<hbm>>) dst(%arg8 : memref<128xi32, #tpu.memory_space<vmem>>)
        tpu.yield
      }) : () -> ()
      %dma_start3A = arith.constant 0 : i32
      %dma_start3A_12 = arith.constant 0 : i32
      %dma_start3A_13 = tpu.memref_slice %arg2[%dma_start3A, %dma_start3A_12] : memref<160000x512xf32, #tpu.memory_space<hbm>> -> memref<160000x512xf32, #tpu.memory_space<hbm>>
      tpu.enqueue_indirect_dma source(%dma_start3A_13 : memref<160000x512xf32, #tpu.memory_space<hbm>>) target(%arg9 : memref<128x512xf32, #tpu.memory_space<vmem>>) offsets(%arg8 : memref<128xi32, #tpu.memory_space<vmem>>) semaphore(%arg10 : memref<!tpu.dma_semaphore, #tpu.memory_space<semaphore_mem>>)
      %dma_wait3A = arith.constant 0 : i32
      %dma_wait3A_14 = arith.constant 0 : i32
      %dma_wait3A_15 = tpu.memref_slice %arg2[%dma_wait3A, %dma_wait3A_14] : memref<160000x512xf32, #tpu.memory_space<hbm>> -> memref<160000x512xf32, #tpu.memory_space<hbm>>
      tpu.wait_indirect_dma semaphore(%arg10 : memref<!tpu.dma_semaphore, #tpu.memory_space<semaphore_mem>>) src(%dma_wait3A_15 : memref<160000x512xf32, #tpu.memory_space<hbm>>) dst(%arg9 : memref<128x512xf32, #tpu.memory_space<vmem>>)
      %mul3A_16 = arith.constant 128 : i32
      %mul3A_17 = arith.muli %add3A_9, %mul3A_16 : i32
      "tpu.region"() ({
        %run_scoped3A = tpu.sem_alloc : memref<!tpu.dma_semaphore, #tpu.memory_space<semaphore_mem>>
        %dma_start3A_28 = arith.constant 0 : i32
        %dma_start3A_29 = tpu.memref_slice %arg6[%mul3A_17, %dma_start3A_28] : memref<32000x512xf32, #tpu.memory_space<hbm>> -> memref<128x512xf32, #tpu.memory_space<hbm>>
        %dma_start3A_30 = arith.constant 0 : i32
        %dma_start3A_31 = tpu.memref_slice %arg6[%mul3A_17, %dma_start3A_30] : memref<32000x512xf32, #tpu.memory_space<hbm>> -> memref<128x512xf32, #tpu.memory_space<hbm>>
        tpu.enqueue_dma source(%arg9 : memref<128x512xf32, #tpu.memory_space<vmem>>) target(%dma_start3A_31 : memref<128x512xf32, #tpu.memory_space<hbm>>) target_semaphore(%run_scoped3A : memref<!tpu.dma_semaphore, #tpu.memory_space<semaphore_mem>>)
        %dma_wait3A_32 = arith.constant 0 : i32
        %dma_wait3A_33 = tpu.memref_slice %arg6[%mul3A_17, %dma_wait3A_32] : memref<32000x512xf32, #tpu.memory_space<hbm>> -> memref<128x512xf32, #tpu.memory_space<hbm>>
        %dma_wait3A_34 = arith.constant 0 : i32
        %dma_wait3A_35 = tpu.memref_slice %arg6[%mul3A_17, %dma_wait3A_34] : memref<32000x512xf32, #tpu.memory_space<hbm>> -> memref<128x512xf32, #tpu.memory_space<hbm>>
        tpu.wait_dma2 semaphore(%run_scoped3A : memref<!tpu.dma_semaphore, #tpu.memory_space<semaphore_mem>>) src(%arg9 : memref<128x512xf32, #tpu.memory_space<vmem>>) dst(%dma_wait3A_35 : memref<128x512xf32, #tpu.memory_space<hbm>>)
        tpu.yield
      }) : () -> ()
      %mul3A_18 = arith.constant 128 : i32
      %mul3A_19 = arith.muli %add3A_9, %mul3A_18 : i32
      "tpu.region"() ({
        %run_scoped3A = tpu.sem_alloc : memref<!tpu.dma_semaphore, #tpu.memory_space<semaphore_mem>>
        %dma_start3A_28 = tpu.memref_slice %arg5[%mul3A_19] : memref<32000xi32, #tpu.memory_space<hbm>> -> memref<128xi32, #tpu.memory_space<hbm>>
        %dma_start3A_29 = tpu.memref_slice %arg5[%mul3A_19] : memref<32000xi32, #tpu.memory_space<hbm>> -> memref<128xi32, #tpu.memory_space<hbm>>
        tpu.enqueue_dma source(%dma_start3A_29 : memref<128xi32, #tpu.memory_space<hbm>>) target(%arg11 : memref<128xi32, #tpu.memory_space<vmem>>) target_semaphore(%run_scoped3A : memref<!tpu.dma_semaphore, #tpu.memory_space<semaphore_mem>>)
        %dma_wait3A_30 = tpu.memref_slice %arg5[%mul3A_19] : memref<32000xi32, #tpu.memory_space<hbm>> -> memref<128xi32, #tpu.memory_space<hbm>>
        %dma_wait3A_31 = tpu.memref_slice %arg5[%mul3A_19] : memref<32000xi32, #tpu.memory_space<hbm>> -> memref<128xi32, #tpu.memory_space<hbm>>
        tpu.wait_dma2 semaphore(%run_scoped3A : memref<!tpu.dma_semaphore, #tpu.memory_space<semaphore_mem>>) src(%dma_wait3A_31 : memref<128xi32, #tpu.memory_space<hbm>>) dst(%arg11 : memref<128xi32, #tpu.memory_space<vmem>>)
        tpu.yield
      }) : () -> ()
      %dma_start3A_20 = arith.constant 0 : i32
      %dma_start3A_21 = arith.constant 0 : i32
      %dma_start3A_22 = tpu.memref_slice %arg3[%dma_start3A_20, %dma_start3A_21] : memref<10000x128xf32, #tpu.memory_space<hbm>> -> memref<10000x128xf32, #tpu.memory_space<hbm>>
      tpu.enqueue_indirect_dma source(%dma_start3A_22 : memref<10000x128xf32, #tpu.memory_space<hbm>>) target(%arg12 : memref<128x128xf32, #tpu.memory_space<vmem>>) offsets(%arg11 : memref<128xi32, #tpu.memory_space<vmem>>) semaphore(%arg13 : memref<!tpu.dma_semaphore, #tpu.memory_space<semaphore_mem>>)
      %dma_wait3A_23 = arith.constant 0 : i32
      %dma_wait3A_24 = arith.constant 0 : i32
      %dma_wait3A_25 = tpu.memref_slice %arg3[%dma_wait3A_23, %dma_wait3A_24] : memref<10000x128xf32, #tpu.memory_space<hbm>> -> memref<10000x128xf32, #tpu.memory_space<hbm>>
      tpu.wait_indirect_dma semaphore(%arg13 : memref<!tpu.dma_semaphore, #tpu.memory_space<semaphore_mem>>) src(%dma_wait3A_25 : memref<10000x128xf32, #tpu.memory_space<hbm>>) dst(%arg12 : memref<128x128xf32, #tpu.memory_space<vmem>>)
      %mul3A_26 = arith.constant 128 : i32
      %mul3A_27 = arith.muli %add3A_9, %mul3A_26 : i32
      "tpu.region"() ({
        %run_scoped3A = tpu.sem_alloc : memref<!tpu.dma_semaphore, #tpu.memory_space<semaphore_mem>>
        %dma_start3A_28 = arith.constant 0 : i32
        %dma_start3A_29 = tpu.memref_slice %arg7[%mul3A_27, %dma_start3A_28] : memref<32000x128xf32, #tpu.memory_space<hbm>> -> memref<128x128xf32, #tpu.memory_space<hbm>>
        %dma_start3A_30 = arith.constant 0 : i32
        %dma_start3A_31 = tpu.memref_slice %arg7[%mul3A_27, %dma_start3A_30] : memref<32000x128xf32, #tpu.memory_space<hbm>> -> memref<128x128xf32, #tpu.memory_space<hbm>>
        tpu.enqueue_dma source(%arg12 : memref<128x128xf32, #tpu.memory_space<vmem>>) target(%dma_start3A_31 : memref<128x128xf32, #tpu.memory_space<hbm>>) target_semaphore(%run_scoped3A : memref<!tpu.dma_semaphore, #tpu.memory_space<semaphore_mem>>)
        %dma_wait3A_32 = arith.constant 0 : i32
        %dma_wait3A_33 = tpu.memref_slice %arg7[%mul3A_27, %dma_wait3A_32] : memref<32000x128xf32, #tpu.memory_space<hbm>> -> memref<128x128xf32, #tpu.memory_space<hbm>>
        %dma_wait3A_34 = arith.constant 0 : i32
        %dma_wait3A_35 = tpu.memref_slice %arg7[%mul3A_27, %dma_wait3A_34] : memref<32000x128xf32, #tpu.memory_space<hbm>> -> memref<128x128xf32, #tpu.memory_space<hbm>>
        tpu.wait_dma2 semaphore(%run_scoped3A : memref<!tpu.dma_semaphore, #tpu.memory_space<semaphore_mem>>) src(%arg12 : memref<128x128xf32, #tpu.memory_space<vmem>>) dst(%dma_wait3A_35 : memref<128x128xf32, #tpu.memory_space<hbm>>)
        tpu.yield
      }) : () -> ()
    } else {
    }
    return
  }
}

#map = affine_map<(d0, d1) -> (0, 0)>
#map1 = affine_map<(d0, d1) -> (0)>
module attributes {stable_mosaic.version = 14 : i64} {
  func.func @k(%arg0: i32, %arg1: i32, %arg2: memref<160000x512xf32, #tpu.memory_space<hbm>>, %arg3: memref<10000x128xf32, #tpu.memory_space<hbm>>, %arg4: memref<32000xi32, #tpu.memory_space<hbm>>, %arg5: memref<32000xi32, #tpu.memory_space<hbm>>, %arg6: memref<32000x512xf32, #tpu.memory_space<hbm>>, %arg7: memref<32000x128xf32, #tpu.memory_space<hbm>>, %arg8: memref<128xi32, #tpu.memory_space<vmem>>, %arg9: memref<128x512xf32, #tpu.memory_space<vmem>>, %arg10: memref<!tpu.dma_semaphore, #tpu.memory_space<semaphore_mem>>, %arg11: memref<128xi32, #tpu.memory_space<vmem>>, %arg12: memref<128x128xf32, #tpu.memory_space<vmem>>, %arg13: memref<!tpu.dma_semaphore, #tpu.memory_space<semaphore_mem>>) attributes {dimension_semantics = [#tpu.dimension_semantics<core_parallel>, #tpu.dimension_semantics<subcore_parallel>], iteration_bounds = array<i64: 2, 16>, scalar_prefetch = 0 : i64, scratch_operands = 6 : i64, tpu.core_type = #tpu.core_type<sc_vector_subcore>, window_params = [{transform_indices = #map}, {transform_indices = #map}, {transform_indices = #map1}, {transform_indices = #map1}, {transform_indices = #map}, {transform_indices = #map}]} {
    %mul3A = arith.constant 2 : i32
    %mul3A_0 = arith.muli %arg1, %mul3A : i32
    %add3A = arith.addi %mul3A_0, %arg0 : i32
    %scan3A = arith.constant 0 : i32
    %scan3A_1 = arith.constant 0 : i32
    %scan3A_2 = arith.constant 7 : i32
    %scan3A_3 = arith.addi %scan3A_1, %scan3A_2 : i32
    %scan3A_4 = arith.constant 1 : i32
    scf.for %scan3A_8 = %scan3A_1 to %scan3A_3 step %scan3A_4  : i32 {
      %mul3A_9 = arith.constant 32 : i32
      %mul3A_10 = arith.muli %scan3A_8, %mul3A_9 : i32
      %add3A_11 = arith.addi %mul3A_10, %add3A : i32
      %mul3A_12 = arith.constant 128 : i32
      %mul3A_13 = arith.muli %add3A_11, %mul3A_12 : i32
      "tpu.region"() ({
        %run_scoped3A = tpu.sem_alloc : memref<!tpu.dma_semaphore, #tpu.memory_space<semaphore_mem>>
        %dma_start3A_30 = tpu.memref_slice %arg4[%mul3A_13] : memref<32000xi32, #tpu.memory_space<hbm>> -> memref<128xi32, #tpu.memory_space<hbm>>
        %dma_start3A_31 = tpu.memref_slice %arg4[%mul3A_13] : memref<32000xi32, #tpu.memory_space<hbm>> -> memref<128xi32, #tpu.memory_space<hbm>>
        tpu.enqueue_dma source(%dma_start3A_31 : memref<128xi32, #tpu.memory_space<hbm>>) target(%arg8 : memref<128xi32, #tpu.memory_space<vmem>>) target_semaphore(%run_scoped3A : memref<!tpu.dma_semaphore, #tpu.memory_space<semaphore_mem>>)
        %dma_wait3A_32 = tpu.memref_slice %arg4[%mul3A_13] : memref<32000xi32, #tpu.memory_space<hbm>> -> memref<128xi32, #tpu.memory_space<hbm>>
        %dma_wait3A_33 = tpu.memref_slice %arg4[%mul3A_13] : memref<32000xi32, #tpu.memory_space<hbm>> -> memref<128xi32, #tpu.memory_space<hbm>>
        tpu.wait_dma2 semaphore(%run_scoped3A : memref<!tpu.dma_semaphore, #tpu.memory_space<semaphore_mem>>) src(%dma_wait3A_33 : memref<128xi32, #tpu.memory_space<hbm>>) dst(%arg8 : memref<128xi32, #tpu.memory_space<vmem>>)
        tpu.yield
      }) : () -> ()
      %dma_start3A = arith.constant 0 : i32
      %dma_start3A_14 = arith.constant 0 : i32
      %dma_start3A_15 = tpu.memref_slice %arg2[%dma_start3A, %dma_start3A_14] : memref<160000x512xf32, #tpu.memory_space<hbm>> -> memref<160000x512xf32, #tpu.memory_space<hbm>>
      tpu.enqueue_indirect_dma source(%dma_start3A_15 : memref<160000x512xf32, #tpu.memory_space<hbm>>) target(%arg9 : memref<128x512xf32, #tpu.memory_space<vmem>>) offsets(%arg8 : memref<128xi32, #tpu.memory_space<vmem>>) semaphore(%arg10 : memref<!tpu.dma_semaphore, #tpu.memory_space<semaphore_mem>>)
      %dma_wait3A = arith.constant 0 : i32
      %dma_wait3A_16 = arith.constant 0 : i32
      %dma_wait3A_17 = tpu.memref_slice %arg2[%dma_wait3A, %dma_wait3A_16] : memref<160000x512xf32, #tpu.memory_space<hbm>> -> memref<160000x512xf32, #tpu.memory_space<hbm>>
      tpu.wait_indirect_dma semaphore(%arg10 : memref<!tpu.dma_semaphore, #tpu.memory_space<semaphore_mem>>) src(%dma_wait3A_17 : memref<160000x512xf32, #tpu.memory_space<hbm>>) dst(%arg9 : memref<128x512xf32, #tpu.memory_space<vmem>>)
      %mul3A_18 = arith.constant 128 : i32
      %mul3A_19 = arith.muli %add3A_11, %mul3A_18 : i32
      "tpu.region"() ({
        %run_scoped3A = tpu.sem_alloc : memref<!tpu.dma_semaphore, #tpu.memory_space<semaphore_mem>>
        %dma_start3A_30 = arith.constant 0 : i32
        %dma_start3A_31 = tpu.memref_slice %arg6[%mul3A_19, %dma_start3A_30] : memref<32000x512xf32, #tpu.memory_space<hbm>> -> memref<128x512xf32, #tpu.memory_space<hbm>>
        %dma_start3A_32 = arith.constant 0 : i32
        %dma_start3A_33 = tpu.memref_slice %arg6[%mul3A_19, %dma_start3A_32] : memref<32000x512xf32, #tpu.memory_space<hbm>> -> memref<128x512xf32, #tpu.memory_space<hbm>>
        tpu.enqueue_dma source(%arg9 : memref<128x512xf32, #tpu.memory_space<vmem>>) target(%dma_start3A_33 : memref<128x512xf32, #tpu.memory_space<hbm>>) target_semaphore(%run_scoped3A : memref<!tpu.dma_semaphore, #tpu.memory_space<semaphore_mem>>)
        %dma_wait3A_34 = arith.constant 0 : i32
        %dma_wait3A_35 = tpu.memref_slice %arg6[%mul3A_19, %dma_wait3A_34] : memref<32000x512xf32, #tpu.memory_space<hbm>> -> memref<128x512xf32, #tpu.memory_space<hbm>>
        %dma_wait3A_36 = arith.constant 0 : i32
        %dma_wait3A_37 = tpu.memref_slice %arg6[%mul3A_19, %dma_wait3A_36] : memref<32000x512xf32, #tpu.memory_space<hbm>> -> memref<128x512xf32, #tpu.memory_space<hbm>>
        tpu.wait_dma2 semaphore(%run_scoped3A : memref<!tpu.dma_semaphore, #tpu.memory_space<semaphore_mem>>) src(%arg9 : memref<128x512xf32, #tpu.memory_space<vmem>>) dst(%dma_wait3A_37 : memref<128x512xf32, #tpu.memory_space<hbm>>)
        tpu.yield
      }) : () -> ()
      %mul3A_20 = arith.constant 128 : i32
      %mul3A_21 = arith.muli %add3A_11, %mul3A_20 : i32
      "tpu.region"() ({
        %run_scoped3A = tpu.sem_alloc : memref<!tpu.dma_semaphore, #tpu.memory_space<semaphore_mem>>
        %dma_start3A_30 = tpu.memref_slice %arg5[%mul3A_21] : memref<32000xi32, #tpu.memory_space<hbm>> -> memref<128xi32, #tpu.memory_space<hbm>>
        %dma_start3A_31 = tpu.memref_slice %arg5[%mul3A_21] : memref<32000xi32, #tpu.memory_space<hbm>> -> memref<128xi32, #tpu.memory_space<hbm>>
        tpu.enqueue_dma source(%dma_start3A_31 : memref<128xi32, #tpu.memory_space<hbm>>) target(%arg11 : memref<128xi32, #tpu.memory_space<vmem>>) target_semaphore(%run_scoped3A : memref<!tpu.dma_semaphore, #tpu.memory_space<semaphore_mem>>)
        %dma_wait3A_32 = tpu.memref_slice %arg5[%mul3A_21] : memref<32000xi32, #tpu.memory_space<hbm>> -> memref<128xi32, #tpu.memory_space<hbm>>
        %dma_wait3A_33 = tpu.memref_slice %arg5[%mul3A_21] : memref<32000xi32, #tpu.memory_space<hbm>> -> memref<128xi32, #tpu.memory_space<hbm>>
        tpu.wait_dma2 semaphore(%run_scoped3A : memref<!tpu.dma_semaphore, #tpu.memory_space<semaphore_mem>>) src(%dma_wait3A_33 : memref<128xi32, #tpu.memory_space<hbm>>) dst(%arg11 : memref<128xi32, #tpu.memory_space<vmem>>)
        tpu.yield
      }) : () -> ()
      %dma_start3A_22 = arith.constant 0 : i32
      %dma_start3A_23 = arith.constant 0 : i32
      %dma_start3A_24 = tpu.memref_slice %arg3[%dma_start3A_22, %dma_start3A_23] : memref<10000x128xf32, #tpu.memory_space<hbm>> -> memref<10000x128xf32, #tpu.memory_space<hbm>>
      tpu.enqueue_indirect_dma source(%dma_start3A_24 : memref<10000x128xf32, #tpu.memory_space<hbm>>) target(%arg12 : memref<128x128xf32, #tpu.memory_space<vmem>>) offsets(%arg11 : memref<128xi32, #tpu.memory_space<vmem>>) semaphore(%arg13 : memref<!tpu.dma_semaphore, #tpu.memory_space<semaphore_mem>>)
      %dma_wait3A_25 = arith.constant 0 : i32
      %dma_wait3A_26 = arith.constant 0 : i32
      %dma_wait3A_27 = tpu.memref_slice %arg3[%dma_wait3A_25, %dma_wait3A_26] : memref<10000x128xf32, #tpu.memory_space<hbm>> -> memref<10000x128xf32, #tpu.memory_space<hbm>>
      tpu.wait_indirect_dma semaphore(%arg13 : memref<!tpu.dma_semaphore, #tpu.memory_space<semaphore_mem>>) src(%dma_wait3A_27 : memref<10000x128xf32, #tpu.memory_space<hbm>>) dst(%arg12 : memref<128x128xf32, #tpu.memory_space<vmem>>)
      %mul3A_28 = arith.constant 128 : i32
      %mul3A_29 = arith.muli %add3A_11, %mul3A_28 : i32
      "tpu.region"() ({
        %run_scoped3A = tpu.sem_alloc : memref<!tpu.dma_semaphore, #tpu.memory_space<semaphore_mem>>
        %dma_start3A_30 = arith.constant 0 : i32
        %dma_start3A_31 = tpu.memref_slice %arg7[%mul3A_29, %dma_start3A_30] : memref<32000x128xf32, #tpu.memory_space<hbm>> -> memref<128x128xf32, #tpu.memory_space<hbm>>
        %dma_start3A_32 = arith.constant 0 : i32
        %dma_start3A_33 = tpu.memref_slice %arg7[%mul3A_29, %dma_start3A_32] : memref<32000x128xf32, #tpu.memory_space<hbm>> -> memref<128x128xf32, #tpu.memory_space<hbm>>
        tpu.enqueue_dma source(%arg12 : memref<128x128xf32, #tpu.memory_space<vmem>>) target(%dma_start3A_33 : memref<128x128xf32, #tpu.memory_space<hbm>>) target_semaphore(%run_scoped3A : memref<!tpu.dma_semaphore, #tpu.memory_space<semaphore_mem>>)
        %dma_wait3A_34 = arith.constant 0 : i32
        %dma_wait3A_35 = tpu.memref_slice %arg7[%mul3A_29, %dma_wait3A_34] : memref<32000x128xf32, #tpu.memory_space<hbm>> -> memref<128x128xf32, #tpu.memory_space<hbm>>
        %dma_wait3A_36 = arith.constant 0 : i32
        %dma_wait3A_37 = tpu.memref_slice %arg7[%mul3A_29, %dma_wait3A_36] : memref<32000x128xf32, #tpu.memory_space<hbm>> -> memref<128x128xf32, #tpu.memory_space<hbm>>
        tpu.wait_dma2 semaphore(%run_scoped3A : memref<!tpu.dma_semaphore, #tpu.memory_space<semaphore_mem>>) src(%arg12 : memref<128x128xf32, #tpu.memory_space<vmem>>) dst(%dma_wait3A_37 : memref<128x128xf32, #tpu.memory_space<hbm>>)
        tpu.yield
      }) : () -> ()
    }
    %scan3A_5 = arith.constant 7 : i32
    %lt3A = arith.constant 26 : i32
    %lt3A_6 = arith.cmpi slt, %add3A, %lt3A : i32
    %convert_element_type3A = arith.extui %lt3A_6 : i1 to i32
    %cond3A = arith.constant 0 : i32
    %cond3A_7 = arith.cmpi ne, %convert_element_type3A, %cond3A : i32
    scf.if %cond3A_7 {
      %add3A_8 = arith.constant 224 : i32
      %add3A_9 = arith.addi %add3A_8, %add3A : i32
      %mul3A_10 = arith.constant 128 : i32
      %mul3A_11 = arith.muli %add3A_9, %mul3A_10 : i32
      "tpu.region"() ({
        %run_scoped3A = tpu.sem_alloc : memref<!tpu.dma_semaphore, #tpu.memory_space<semaphore_mem>>
        %dma_start3A_28 = tpu.memref_slice %arg4[%mul3A_11] : memref<32000xi32, #tpu.memory_space<hbm>> -> memref<128xi32, #tpu.memory_space<hbm>>
        %dma_start3A_29 = tpu.memref_slice %arg4[%mul3A_11] : memref<32000xi32, #tpu.memory_space<hbm>> -> memref<128xi32, #tpu.memory_space<hbm>>
        tpu.enqueue_dma source(%dma_start3A_29 : memref<128xi32, #tpu.memory_space<hbm>>) target(%arg8 : memref<128xi32, #tpu.memory_space<vmem>>) target_semaphore(%run_scoped3A : memref<!tpu.dma_semaphore, #tpu.memory_space<semaphore_mem>>)
        %dma_wait3A_30 = tpu.memref_slice %arg4[%mul3A_11] : memref<32000xi32, #tpu.memory_space<hbm>> -> memref<128xi32, #tpu.memory_space<hbm>>
        %dma_wait3A_31 = tpu.memref_slice %arg4[%mul3A_11] : memref<32000xi32, #tpu.memory_space<hbm>> -> memref<128xi32, #tpu.memory_space<hbm>>
        tpu.wait_dma2 semaphore(%run_scoped3A : memref<!tpu.dma_semaphore, #tpu.memory_space<semaphore_mem>>) src(%dma_wait3A_31 : memref<128xi32, #tpu.memory_space<hbm>>) dst(%arg8 : memref<128xi32, #tpu.memory_space<vmem>>)
        tpu.yield
      }) : () -> ()
      %dma_start3A = arith.constant 0 : i32
      %dma_start3A_12 = arith.constant 0 : i32
      %dma_start3A_13 = tpu.memref_slice %arg2[%dma_start3A, %dma_start3A_12] : memref<160000x512xf32, #tpu.memory_space<hbm>> -> memref<160000x512xf32, #tpu.memory_space<hbm>>
      tpu.enqueue_indirect_dma source(%dma_start3A_13 : memref<160000x512xf32, #tpu.memory_space<hbm>>) target(%arg9 : memref<128x512xf32, #tpu.memory_space<vmem>>) offsets(%arg8 : memref<128xi32, #tpu.memory_space<vmem>>) semaphore(%arg10 : memref<!tpu.dma_semaphore, #tpu.memory_space<semaphore_mem>>)
      %dma_wait3A = arith.constant 0 : i32
      %dma_wait3A_14 = arith.constant 0 : i32
      %dma_wait3A_15 = tpu.memref_slice %arg2[%dma_wait3A, %dma_wait3A_14] : memref<160000x512xf32, #tpu.memory_space<hbm>> -> memref<160000x512xf32, #tpu.memory_space<hbm>>
      tpu.wait_indirect_dma semaphore(%arg10 : memref<!tpu.dma_semaphore, #tpu.memory_space<semaphore_mem>>) src(%dma_wait3A_15 : memref<160000x512xf32, #tpu.memory_space<hbm>>) dst(%arg9 : memref<128x512xf32, #tpu.memory_space<vmem>>)
      %mul3A_16 = arith.constant 128 : i32
      %mul3A_17 = arith.muli %add3A_9, %mul3A_16 : i32
      "tpu.region"() ({
        %run_scoped3A = tpu.sem_alloc : memref<!tpu.dma_semaphore, #tpu.memory_space<semaphore_mem>>
        %dma_start3A_28 = arith.constant 0 : i32
        %dma_start3A_29 = tpu.memref_slice %arg6[%mul3A_17, %dma_start3A_28] : memref<32000x512xf32, #tpu.memory_space<hbm>> -> memref<128x512xf32, #tpu.memory_space<hbm>>
        %dma_start3A_30 = arith.constant 0 : i32
        %dma_start3A_31 = tpu.memref_slice %arg6[%mul3A_17, %dma_start3A_30] : memref<32000x512xf32, #tpu.memory_space<hbm>> -> memref<128x512xf32, #tpu.memory_space<hbm>>
        tpu.enqueue_dma source(%arg9 : memref<128x512xf32, #tpu.memory_space<vmem>>) target(%dma_start3A_31 : memref<128x512xf32, #tpu.memory_space<hbm>>) target_semaphore(%run_scoped3A : memref<!tpu.dma_semaphore, #tpu.memory_space<semaphore_mem>>)
        %dma_wait3A_32 = arith.constant 0 : i32
        %dma_wait3A_33 = tpu.memref_slice %arg6[%mul3A_17, %dma_wait3A_32] : memref<32000x512xf32, #tpu.memory_space<hbm>> -> memref<128x512xf32, #tpu.memory_space<hbm>>
        %dma_wait3A_34 = arith.constant 0 : i32
        %dma_wait3A_35 = tpu.memref_slice %arg6[%mul3A_17, %dma_wait3A_34] : memref<32000x512xf32, #tpu.memory_space<hbm>> -> memref<128x512xf32, #tpu.memory_space<hbm>>
        tpu.wait_dma2 semaphore(%run_scoped3A : memref<!tpu.dma_semaphore, #tpu.memory_space<semaphore_mem>>) src(%arg9 : memref<128x512xf32, #tpu.memory_space<vmem>>) dst(%dma_wait3A_35 : memref<128x512xf32, #tpu.memory_space<hbm>>)
        tpu.yield
      }) : () -> ()
      %mul3A_18 = arith.constant 128 : i32
      %mul3A_19 = arith.muli %add3A_9, %mul3A_18 : i32
      "tpu.region"() ({
        %run_scoped3A = tpu.sem_alloc : memref<!tpu.dma_semaphore, #tpu.memory_space<semaphore_mem>>
        %dma_start3A_28 = tpu.memref_slice %arg5[%mul3A_19] : memref<32000xi32, #tpu.memory_space<hbm>> -> memref<128xi32, #tpu.memory_space<hbm>>
        %dma_start3A_29 = tpu.memref_slice %arg5[%mul3A_19] : memref<32000xi32, #tpu.memory_space<hbm>> -> memref<128xi32, #tpu.memory_space<hbm>>
        tpu.enqueue_dma source(%dma_start3A_29 : memref<128xi32, #tpu.memory_space<hbm>>) target(%arg11 : memref<128xi32, #tpu.memory_space<vmem>>) target_semaphore(%run_scoped3A : memref<!tpu.dma_semaphore, #tpu.memory_space<semaphore_mem>>)
        %dma_wait3A_30 = tpu.memref_slice %arg5[%mul3A_19] : memref<32000xi32, #tpu.memory_space<hbm>> -> memref<128xi32, #tpu.memory_space<hbm>>
        %dma_wait3A_31 = tpu.memref_slice %arg5[%mul3A_19] : memref<32000xi32, #tpu.memory_space<hbm>> -> memref<128xi32, #tpu.memory_space<hbm>>
        tpu.wait_dma2 semaphore(%run_scoped3A : memref<!tpu.dma_semaphore, #tpu.memory_space<semaphore_mem>>) src(%dma_wait3A_31 : memref<128xi32, #tpu.memory_space<hbm>>) dst(%arg11 : memref<128xi32, #tpu.memory_space<vmem>>)
        tpu.yield
      }) : () -> ()
      %dma_start3A_20 = arith.constant 0 : i32
      %dma_start3A_21 = arith.constant 0 : i32
      %dma_start3A_22 = tpu.memref_slice %arg3[%dma_start3A_20, %dma_start3A_21] : memref<10000x128xf32, #tpu.memory_space<hbm>> -> memref<10000x128xf32, #tpu.memory_space<hbm>>
      tpu.enqueue_indirect_dma source(%dma_start3A_22 : memref<10000x128xf32, #tpu.memory_space<hbm>>) target(%arg12 : memref<128x128xf32, #tpu.memory_space<vmem>>) offsets(%arg11 : memref<128xi32, #tpu.memory_space<vmem>>) semaphore(%arg13 : memref<!tpu.dma_semaphore, #tpu.memory_space<semaphore_mem>>)
      %dma_wait3A_23 = arith.constant 0 : i32
      %dma_wait3A_24 = arith.constant 0 : i32
      %dma_wait3A_25 = tpu.memref_slice %arg3[%dma_wait3A_23, %dma_wait3A_24] : memref<10000x128xf32, #tpu.memory_space<hbm>> -> memref<10000x128xf32, #tpu.memory_space<hbm>>
      tpu.wait_indirect_dma semaphore(%arg13 : memref<!tpu.dma_semaphore, #tpu.memory_space<semaphore_mem>>) src(%dma_wait3A_25 : memref<10000x128xf32, #tpu.memory_space<hbm>>) dst(%arg12 : memref<128x128xf32, #tpu.memory_space<vmem>>)
      %mul3A_26 = arith.constant 128 : i32
      %mul3A_27 = arith.muli %add3A_9, %mul3A_26 : i32
      "tpu.region"() ({
        %run_scoped3A = tpu.sem_alloc : memref<!tpu.dma_semaphore, #tpu.memory_space<semaphore_mem>>
        %dma_start3A_28 = arith.constant 0 : i32
        %dma_start3A_29 = tpu.memref_slice %arg7[%mul3A_27, %dma_start3A_28] : memref<32000x128xf32, #tpu.memory_space<hbm>> -> memref<128x128xf32, #tpu.memory_space<hbm>>
        %dma_start3A_30 = arith.constant 0 : i32
        %dma_start3A_31 = tpu.memref_slice %arg7[%mul3A_27, %dma_start3A_30] : memref<32000x128xf32, #tpu.memory_space<hbm>> -> memref<128x128xf32, #tpu.memory_space<hbm>>
        tpu.enqueue_dma source(%arg12 : memref<128x128xf32, #tpu.memory_space<vmem>>) target(%dma_start3A_31 : memref<128x128xf32, #tpu.memory_space<hbm>>) target_semaphore(%run_scoped3A : memref<!tpu.dma_semaphore, #tpu.memory_space<semaphore_mem>>)
        %dma_wait3A_32 = arith.constant 0 : i32
        %dma_wait3A_33 = tpu.memref_slice %arg7[%mul3A_27, %dma_wait3A_32] : memref<32000x128xf32, #tpu.memory_space<hbm>> -> memref<128x128xf32, #tpu.memory_space<hbm>>
        %dma_wait3A_34 = arith.constant 0 : i32
        %dma_wait3A_35 = tpu.memref_slice %arg7[%mul3A_27, %dma_wait3A_34] : memref<32000x128xf32, #tpu.memory_space<hbm>> -> memref<128x128xf32, #tpu.memory_space<hbm>>
        tpu.wait_dma2 semaphore(%run_scoped3A : memref<!tpu.dma_semaphore, #tpu.memory_space<semaphore_mem>>) src(%arg12 : memref<128x128xf32, #tpu.memory_space<vmem>>) dst(%dma_wait3A_35 : memref<128x128xf32, #tpu.memory_space<hbm>>)
        tpu.yield
      }) : () -> ()
    } else {
    }
    return
  }
}

module attributes {stable_mosaic.version = 14 : i64} {
  func.func @body(%arg0: i32, %arg1: memref<1280x512xf32, #tpu.memory_space<vmem>>, %arg2: memref<1280x128xf32, #tpu.memory_space<vmem>>, %arg3: memref<1x1x1280xi32, #tpu.memory_space<vmem>>, %arg4: memref<128x512xf32, #tpu.memory_space<vmem>>, %arg5: memref<512x512xbf16, #tpu.memory_space<vmem>>, %arg6: memref<1x512xf32, #tpu.memory_space<vmem>>, %arg7: memref<512x512xbf16, #tpu.memory_space<vmem>>, %arg8: memref<1x512xf32, #tpu.memory_space<vmem>>, %arg9: memref<10240x512xf32, #tpu.memory_space<vmem>>, %arg10: memref<10240x128xf32, #tpu.memory_space<vmem>>) attributes {dimension_semantics = [#tpu.dimension_semantics<arbitrary>], iteration_bounds = array<i64: 25>, scalar_prefetch = 0 : i64, scratch_operands = 0 : i64, tpu.core_type = #tpu.core_type<tc>, window_params = [{transform_indices = @transform_0, window_bounds = array<i64: 1280, 512>}, {transform_indices = @transform_1, window_bounds = array<i64: 1280, 128>}, {transform_indices = @transform_2, window_bounds = array<i64: 1, 1, 1280>}, {pipeline_mode = #tpu.pipeline_mode<synchronous>, transform_indices = @transform_3, window_bounds = array<i64: 128, 512>}, {pipeline_mode = #tpu.pipeline_mode<synchronous>, transform_indices = @transform_4, window_bounds = array<i64: 512, 512>}, {pipeline_mode = #tpu.pipeline_mode<synchronous>, transform_indices = @transform_5, window_bounds = array<i64: 1, 512>}, {pipeline_mode = #tpu.pipeline_mode<synchronous>, transform_indices = @transform_6, window_bounds = array<i64: 512, 512>}, {pipeline_mode = #tpu.pipeline_mode<synchronous>, transform_indices = @transform_7, window_bounds = array<i64: 1, 512>}, {pipeline_mode = #tpu.pipeline_mode<synchronous>, transform_indices = @transform_8, window_bounds = array<i64: 10240, 512>}, {pipeline_mode = #tpu.pipeline_mode<synchronous>, transform_indices = @transform_9, window_bounds = array<i64: 10240, 128>}]} {
    %eq3A = arith.constant 0 : i32
    %eq3A_0 = arith.cmpi eq, %arg0, %eq3A : i32
    %convert_element_type3A = arith.extui %eq3A_0 : i1 to i32
    %cond3A = arith.constant 0 : i32
    %cond3A_1 = arith.cmpi ne, %convert_element_type3A, %cond3A : i32
    scf.if %cond3A_1 {
      %broadcast_in_dim3A = arith.constant 0.000000e+00 : f32
      %broadcast_in_dim3A_107 = vector.broadcast %broadcast_in_dim3A : f32 to vector<10240x512xf32>
      %swap3A = arith.constant 0 : index
      %swap3A_108 = arith.constant 0 : index
      %swap3A_109 = vector.load %arg9[%swap3A, %swap3A_108] : memref<10240x512xf32, #tpu.memory_space<vmem>>, vector<10240x512xf32>
      tpu.vector_store %arg9[%swap3A, %swap3A_108], %broadcast_in_dim3A_107 {strides = array<i32>} : memref<10240x512xf32, #tpu.memory_space<vmem>>, vector<10240x512xf32>,
      %broadcast_in_dim3A_110 = arith.constant 0.000000e+00 : f32
      %broadcast_in_dim3A_111 = vector.broadcast %broadcast_in_dim3A_110 : f32 to vector<10240x128xf32>
      %swap3A_112 = arith.constant 0 : index
      %swap3A_113 = arith.constant 0 : index
      %swap3A_114 = vector.load %arg10[%swap3A_112, %swap3A_113] : memref<10240x128xf32, #tpu.memory_space<vmem>>, vector<10240x128xf32>
      tpu.vector_store %arg10[%swap3A_112, %swap3A_113], %broadcast_in_dim3A_111 {strides = array<i32>} : memref<10240x128xf32, #tpu.memory_space<vmem>>, vector<10240x128xf32>,
    } else {
    }
    %get3A = arith.constant 0 : index
    %get3A_2 = arith.constant 0 : index
    %get3A_3 = vector.load %arg1[%get3A, %get3A_2] : memref<1280x512xf32, #tpu.memory_space<vmem>>, vector<1280x512xf32>
    %convert_element_type3A_4 = arith.truncf %get3A_3 : vector<1280x512xf32> to vector<1280x512xbf16>
    %get3A_5 = arith.constant 0 : index
    %get3A_6 = arith.constant 0 : index
    %get3A_7 = vector.load %arg2[%get3A_5, %get3A_6] : memref<1280x128xf32, #tpu.memory_space<vmem>>, vector<1280x128xf32>
    %get3A_8 = arith.constant 0 : index
    %get3A_9 = arith.constant 0 : index
    %get3A_10 = arith.constant 0 : index
    %get3A_11 = vector.load %arg3[%get3A_8, %get3A_9, %get3A_10] : memref<1x1x1280xi32, #tpu.memory_space<vmem>>, vector<1x1x1280xi32>
    %get3A_12 = vector.shape_cast %get3A_11 : vector<1x1x1280xi32> to vector<1x1280xi32>
    %get3A_13 = arith.constant 0 : index
    %get3A_14 = arith.constant 0 : index
    %get3A_15 = vector.load %arg5[%get3A_13, %get3A_14] : memref<512x512xbf16, #tpu.memory_space<vmem>>, vector<512x512xbf16>
    %dot_general3A = arith.constant dense<0.000000e+00> : vector<1280x512xf32>
    %dot_general3A_16 = tpu.matmul %convert_element_type3A_4, %get3A_15, %dot_general3A {dimension_numbers = #tpu.dot_dimension_numbers<[1], [0], [0], [1], [0, 0, 1, 1], [], []>, transpose_lhs_hint = false} : vector<1280x512xbf16>, vector<512x512xbf16>, vector<1280x512xf32> -> vector<1280x512xf32>
    %get3A_17 = arith.constant 0 : index
    %get3A_18 = arith.constant 0 : index
    %get3A_19 = vector.load %arg4[%get3A_17, %get3A_18] : memref<128x512xf32, #tpu.memory_space<vmem>>, vector<128x512xf32>
    %dot_general3A_20 = arith.constant dense<0.000000e+00> : vector<1280x512xf32>
    %dot_general3A_21 = tpu.matmul %get3A_7, %get3A_19, %dot_general3A_20 {dimension_numbers = #tpu.dot_dimension_numbers<[1], [0], [0], [1], [0, 0, 1, 1], [], []>, transpose_lhs_hint = false} : vector<1280x128xf32>, vector<128x512xf32>, vector<1280x512xf32> -> vector<1280x512xf32>
    %add3A = arith.addf %dot_general3A_16, %dot_general3A_21 : vector<1280x512xf32>
    %get3A_22 = arith.constant 0 : index
    %get3A_23 = arith.constant 0 : index
    %get3A_24 = vector.load %arg6[%get3A_22, %get3A_23] : memref<1x512xf32, #tpu.memory_space<vmem>>, vector<1x512xf32>
    %add3A_25 = vector.broadcast %get3A_24 : vector<1x512xf32> to vector<1280x512xf32>
    %add3A_26 = arith.addf %add3A, %add3A_25 : vector<1280x512xf32>
    %max3A = arith.constant 0.000000e+00 : f32
    %max3A_27 = vector.broadcast %max3A : f32 to vector<1280x512xf32>
    %max3A_28 = arith.maximumf %add3A_26, %max3A_27 : vector<1280x512xf32>
    %convert_element_type3A_29 = arith.truncf %max3A_28 : vector<1280x512xf32> to vector<1280x512xbf16>
    %get3A_30 = arith.constant 0 : index
    %get3A_31 = arith.constant 0 : index
    %get3A_32 = vector.load %arg7[%get3A_30, %get3A_31] : memref<512x512xbf16, #tpu.memory_space<vmem>>, vector<512x512xbf16>
    %dot_general3A_33 = arith.constant dense<0.000000e+00> : vector<1280x512xf32>
    %dot_general3A_34 = tpu.matmul %convert_element_type3A_29, %get3A_32, %dot_general3A_33 {dimension_numbers = #tpu.dot_dimension_numbers<[1], [0], [0], [1], [0, 0, 1, 1], [], []>, transpose_lhs_hint = false} : vector<1280x512xbf16>, vector<512x512xbf16>, vector<1280x512xf32> -> vector<1280x512xf32>
    %get3A_35 = arith.constant 0 : index
    %get3A_36 = arith.constant 0 : index
    %get3A_37 = vector.load %arg8[%get3A_35, %get3A_36] : memref<1x512xf32, #tpu.memory_space<vmem>>, vector<1x512xf32>
    %add3A_38 = vector.broadcast %get3A_37 : vector<1x512xf32> to vector<1280x512xf32>
    %add3A_39 = arith.addf %dot_general3A_34, %add3A_38 : vector<1280x512xf32>
    %max3A_40 = arith.constant 0.000000e+00 : f32
    %max3A_41 = vector.broadcast %max3A_40 : f32 to vector<1280x512xf32>
    %max3A_42 = arith.maximumf %add3A_39, %max3A_41 : vector<1280x512xf32>
    %convert_element_type3A_43 = arith.truncf %max3A_42 : vector<1280x512xf32> to vector<1280x512xbf16>
    %get3A_44 = arith.constant 0 : index
    %get3A_45 = arith.constant 0 : index
    %get3A_46 = arith.constant 0 : index
    %get3A_47 = vector.load %arg3[%get3A_44, %get3A_45, %get3A_46] : memref<1x1x1280xi32, #tpu.memory_space<vmem>>, vector<1x1x1xi32>
    %get3A_48 = vector.extract %get3A_47[0, 0, 0] : i32 from vector<1x1x1xi32>
    %get3A_49 = arith.constant 0 : index
    %get3A_50 = arith.constant 0 : index
    %get3A_51 = arith.constant 1279 : index
    %get3A_52 = vector.load %arg3[%get3A_49, %get3A_50, %get3A_51] : memref<1x1x1280xi32, #tpu.memory_space<vmem>>, vector<1x1x1xi32>
    %get3A_53 = vector.extract %get3A_52[0, 0, 0] : i32 from vector<1x1x1xi32>
    %jit3A = arith.constant 128 : i32
    %div3A = arith.divsi %get3A_48, %jit3A : i32
    %sign3A = arith.constant 0 : i32
    %sign3A_54 = arith.cmpi sgt, %get3A_48, %sign3A : i32
    %sign3A_55 = arith.extui %sign3A_54 : i1 to i32
    %sign3A_56 = arith.constant 0 : i32
    %sign3A_57 = arith.cmpi slt, %get3A_48, %sign3A_56 : i32
    %sign3A_58 = arith.extui %sign3A_57 : i1 to i32
    %sign3A_59 = arith.subi %sign3A_55, %sign3A_58 : i32
    %sign3A_60 = arith.constant 0 : i32
    %sign3A_61 = arith.cmpi sgt, %jit3A, %sign3A_60 : i32
    %sign3A_62 = arith.extui %sign3A_61 : i1 to i32
    %sign3A_63 = arith.constant 0 : i32
    %sign3A_64 = arith.cmpi slt, %jit3A, %sign3A_63 : i32
    %sign3A_65 = arith.extui %sign3A_64 : i1 to i32
    %sign3A_66 = arith.subi %sign3A_62, %sign3A_65 : i32
    %ne3A = arith.cmpi ne, %sign3A_59, %sign3A_66 : i32
    %rem3A = arith.remsi %get3A_48, %jit3A : i32
    %ne3A_67 = arith.constant 0 : i32
    %ne3A_68 = arith.cmpi ne, %rem3A, %ne3A_67 : i32
    %and3A = arith.andi %ne3A, %ne3A_68 : i1
    %sub3A = arith.constant 1 : i32
    %sub3A_69 = arith.subi %div3A, %sub3A : i32
    %select_n3A = arith.select %and3A, %sub3A_69, %div3A : i32
    %mul3A = arith.constant 128 : i32
    %mul3A_70 = arith.muli %select_n3A, %mul3A : i32
    %sub3A_71 = arith.subi %get3A_53, %mul3A_70 : i32
    %jit3A_72 = arith.constant 128 : i32
    %div3A_73 = arith.divsi %sub3A_71, %jit3A_72 : i32
    %sign3A_74 = arith.constant 0 : i32
    %sign3A_75 = arith.cmpi sgt, %sub3A_71, %sign3A_74 : i32
    %sign3A_76 = arith.extui %sign3A_75 : i1 to i32
    %sign3A_77 = arith.constant 0 : i32
    %sign3A_78 = arith.cmpi slt, %sub3A_71, %sign3A_77 : i32
    %sign3A_79 = arith.extui %sign3A_78 : i1 to i32
    %sign3A_80 = arith.subi %sign3A_76, %sign3A_79 : i32
    %sign3A_81 = arith.constant 0 : i32
    %sign3A_82 = arith.cmpi sgt, %jit3A_72, %sign3A_81 : i32
    %sign3A_83 = arith.extui %sign3A_82 : i1 to i32
    %sign3A_84 = arith.constant 0 : i32
    %sign3A_85 = arith.cmpi slt, %jit3A_72, %sign3A_84 : i32
    %sign3A_86 = arith.extui %sign3A_85 : i1 to i32
    %sign3A_87 = arith.subi %sign3A_83, %sign3A_86 : i32
    %ne3A_88 = arith.cmpi ne, %sign3A_80, %sign3A_87 : i32
    %rem3A_89 = arith.remsi %sub3A_71, %jit3A_72 : i32
    %ne3A_90 = arith.constant 0 : i32
    %ne3A_91 = arith.cmpi ne, %rem3A_89, %ne3A_90 : i32
    %and3A_92 = arith.andi %ne3A_88, %ne3A_91 : i1
    %sub3A_93 = arith.constant 1 : i32
    %sub3A_94 = arith.subi %div3A_73, %sub3A_93 : i32
    %select_n3A_95 = arith.select %and3A_92, %sub3A_94, %div3A_73 : i32
    %add3A_96 = arith.constant 1 : i32
    %add3A_97 = arith.addi %select_n3A_95, %add3A_96 : i32
    %while3A = arith.constant 0 : i32
    %while3A_98 = arith.constant 0 : i32
    %while3A_99 = arith.subi %add3A_97, %while3A_98 : i32
    %while3A_100 = arith.addi %while3A_98, %while3A_99 : i32
    %while3A_101 = arith.constant 1 : i32
    %while3A_102 = arith.divsi %while3A_99, %while3A_101 : i32
    %while3A_103 = arith.muli %while3A_102, %while3A_101 : i32
    %while3A_104 = arith.addi %while3A_98, %while3A_103 : i32
    %while3A_105 = arith.constant 1 : i32
    scf.for %while3A_107 = %while3A_98 to %while3A_104 step %while3A_105  : i32 {
      %mul3A_108 = arith.constant 128 : i32
      %mul3A_109 = arith.muli %while3A_107, %mul3A_108 : i32
      %add3A_110 = arith.addi %mul3A_70, %mul3A_109 : i32
      %sub3A_111 = vector.broadcast %add3A_110 : i32 to vector<1x1280xi32>
      %sub3A_112 = arith.subi %get3A_12, %sub3A_111 : vector<1x1280xi32>
      %iota3A = tpu.iota {dimensions = array<i32: 0>} : vector<128x1280xi32>
      %eq3A_113 = vector.broadcast %sub3A_112 : vector<1x1280xi32> to vector<128x1280xi32>
      %eq3A_114 = arith.cmpi eq, %iota3A, %eq3A_113 : vector<128x1280xi32>
      %convert_element_type3A_115 = arith.extui %eq3A_114 : vector<128x1280xi1> to vector<128x1280xi32>
      %convert_element_type3A_116 = arith.sitofp %convert_element_type3A_115 : vector<128x1280xi32> to vector<128x1280xf32>
      %convert_element_type3A_117 = arith.truncf %convert_element_type3A_116 : vector<128x1280xf32> to vector<128x1280xbf16>
      %dot_general3A_118 = arith.constant dense<0.000000e+00> : vector<128x512xf32>
      %dot_general3A_119 = tpu.matmul %convert_element_type3A_117, %convert_element_type3A_43, %dot_general3A_118 {dimension_numbers = #tpu.dot_dimension_numbers<[1], [0], [0], [1], [0, 0, 1, 1], [], []>, transpose_lhs_hint = false} : vector<128x1280xbf16>, vector<1280x512xbf16>, vector<128x512xf32> -> vector<128x512xf32>
      %convert_element_type3A_120 = arith.extf %convert_element_type3A_117 : vector<128x1280xbf16> to vector<128x1280xf32>
      %reduce_sum3A = arith.constant dense<0.000000e+00> : vector<128xf32>
      %reduce_sum3A_121 = vector.multi_reduction <add>, %convert_element_type3A_120, %reduce_sum3A [1] : vector<128x1280xf32> to vector<128xf32>
      %broadcast_in_dim3A = vector.shape_cast %reduce_sum3A_121 : vector<128xf32> to vector<128x1xf32>
      %get3A_122 = arith.index_cast %add3A_110 : i32 to index
      %get3A_123 = arith.constant 0 : index
      %get3A_124 = vector.load %arg9[%get3A_122, %get3A_123] : memref<10240x512xf32, #tpu.memory_space<vmem>>, vector<128x512xf32>
      %add3A_125 = arith.addf %get3A_124, %dot_general3A_119 : vector<128x512xf32>
      %swap3A = arith.index_cast %add3A_110 : i32 to index
      %swap3A_126 = arith.constant 0 : index
      %swap3A_127 = vector.load %arg9[%swap3A, %swap3A_126] : memref<10240x512xf32, #tpu.memory_space<vmem>>, vector<128x512xf32>
      tpu.vector_store %arg9[%swap3A, %swap3A_126], %add3A_125 {strides = array<i32>} : memref<10240x512xf32, #tpu.memory_space<vmem>>, vector<128x512xf32>,
      %get3A_128 = arith.index_cast %add3A_110 : i32 to index
      %get3A_129 = arith.constant 0 : index
      %get3A_130 = vector.load %arg10[%get3A_128, %get3A_129] : memref<10240x128xf32, #tpu.memory_space<vmem>>, vector<128x128xf32>
      %add3A_131 = vector.broadcast %broadcast_in_dim3A : vector<128x1xf32> to vector<128x128xf32>
      %add3A_132 = arith.addf %get3A_130, %add3A_131 : vector<128x128xf32>
      %swap3A_133 = arith.index_cast %add3A_110 : i32 to index
      %swap3A_134 = arith.constant 0 : index
      %swap3A_135 = vector.load %arg10[%swap3A_133, %swap3A_134] : memref<10240x128xf32, #tpu.memory_space<vmem>>, vector<128x128xf32>
      tpu.vector_store %arg10[%swap3A_133, %swap3A_134], %add3A_132 {strides = array<i32>} : memref<10240x128xf32, #tpu.memory_space<vmem>>, vector<128x128xf32>,
    }
    %while3A_106 = arith.constant 1 : i32
    scf.for %while3A_107 = %while3A_104 to %while3A_100 step %while3A_106  : i32 {
      %mul3A_108 = arith.constant 128 : i32
      %mul3A_109 = arith.muli %while3A_107, %mul3A_108 : i32
      %add3A_110 = arith.addi %mul3A_70, %mul3A_109 : i32
      %sub3A_111 = vector.broadcast %add3A_110 : i32 to vector<1x1280xi32>
      %sub3A_112 = arith.subi %get3A_12, %sub3A_111 : vector<1x1280xi32>
      %iota3A = tpu.iota {dimensions = array<i32: 0>} : vector<128x1280xi32>
      %eq3A_113 = vector.broadcast %sub3A_112 : vector<1x1280xi32> to vector<128x1280xi32>
      %eq3A_114 = arith.cmpi eq, %iota3A, %eq3A_113 : vector<128x1280xi32>
      %convert_element_type3A_115 = arith.extui %eq3A_114 : vector<128x1280xi1> to vector<128x1280xi32>
      %convert_element_type3A_116 = arith.sitofp %convert_element_type3A_115 : vector<128x1280xi32> to vector<128x1280xf32>
      %convert_element_type3A_117 = arith.truncf %convert_element_type3A_116 : vector<128x1280xf32> to vector<128x1280xbf16>
      %dot_general3A_118 = arith.constant dense<0.000000e+00> : vector<128x512xf32>
      %dot_general3A_119 = tpu.matmul %convert_element_type3A_117, %convert_element_type3A_43, %dot_general3A_118 {dimension_numbers = #tpu.dot_dimension_numbers<[1], [0], [0], [1], [0, 0, 1, 1], [], []>, transpose_lhs_hint = false} : vector<128x1280xbf16>, vector<1280x512xbf16>, vector<128x512xf32> -> vector<128x512xf32>
      %convert_element_type3A_120 = arith.extf %convert_element_type3A_117 : vector<128x1280xbf16> to vector<128x1280xf32>
      %reduce_sum3A = arith.constant dense<0.000000e+00> : vector<128xf32>
      %reduce_sum3A_121 = vector.multi_reduction <add>, %convert_element_type3A_120, %reduce_sum3A [1] : vector<128x1280xf32> to vector<128xf32>
      %broadcast_in_dim3A = vector.shape_cast %reduce_sum3A_121 : vector<128xf32> to vector<128x1xf32>
      %get3A_122 = arith.index_cast %add3A_110 : i32 to index
      %get3A_123 = arith.constant 0 : index
      %get3A_124 = vector.load %arg9[%get3A_122, %get3A_123] : memref<10240x512xf32, #tpu.memory_space<vmem>>, vector<128x512xf32>
      %add3A_125 = arith.addf %get3A_124, %dot_general3A_119 : vector<128x512xf32>
      %swap3A = arith.index_cast %add3A_110 : i32 to index
      %swap3A_126 = arith.constant 0 : index
      %swap3A_127 = vector.load %arg9[%swap3A, %swap3A_126] : memref<10240x512xf32, #tpu.memory_space<vmem>>, vector<128x512xf32>
      tpu.vector_store %arg9[%swap3A, %swap3A_126], %add3A_125 {strides = array<i32>} : memref<10240x512xf32, #tpu.memory_space<vmem>>, vector<128x512xf32>,
      %get3A_128 = arith.index_cast %add3A_110 : i32 to index
      %get3A_129 = arith.constant 0 : index
      %get3A_130 = vector.load %arg10[%get3A_128, %get3A_129] : memref<10240x128xf32, #tpu.memory_space<vmem>>, vector<128x128xf32>
      %add3A_131 = vector.broadcast %broadcast_in_dim3A : vector<128x1xf32> to vector<128x128xf32>
      %add3A_132 = arith.addf %get3A_130, %add3A_131 : vector<128x128xf32>
      %swap3A_133 = arith.index_cast %add3A_110 : i32 to index
      %swap3A_134 = arith.constant 0 : index
      %swap3A_135 = vector.load %arg10[%swap3A_133, %swap3A_134] : memref<10240x128xf32, #tpu.memory_space<vmem>>, vector<128x128xf32>
      tpu.vector_store %arg10[%swap3A_133, %swap3A_134], %add3A_132 {strides = array<i32>} : memref<10240x128xf32, #tpu.memory_space<vmem>>, vector<128x128xf32>,
    }
    return
  }
  func.func @transform_0(%arg0: i32) -> (i32, i32) {
    %c0_i32 = arith.constant 0 : i32
    %c0_i32_0 = arith.constant 0 : i32
    return %arg0, %c0_i32 : i32, i32
  }
  func.func @transform_1(%arg0: i32) -> (i32, i32) {
    %c0_i32 = arith.constant 0 : i32
    %c0_i32_0 = arith.constant 0 : i32
    return %arg0, %c0_i32 : i32, i32
  }
  func.func @transform_2(%arg0: i32) -> (i32, i32, i32) {
    %c0_i32 = arith.constant 0 : i32
    %c0_i32_0 = arith.constant 0 : i32
    %c0_i32_1 = arith.constant 0 : i32
    return %arg0, %c0_i32, %c0_i32_0 : i32, i32, i32
  }
  func.func @transform_3(%arg0: i32) -> (i32, i32) {
    %c0_i32 = arith.constant 0 : i32
    %c0_i32_0 = arith.constant 0 : i32
    %c0_i32_1 = arith.constant 0 : i32
    return %c0_i32, %c0_i32_0 : i32, i32
  }
  func.func @transform_4(%arg0: i32) -> (i32, i32) {
    %c0_i32 = arith.constant 0 : i32
    %c0_i32_0 = arith.constant 0 : i32
    %c0_i32_1 = arith.constant 0 : i32
    return %c0_i32, %c0_i32_0 : i32, i32
  }
  func.func @transform_5(%arg0: i32) -> (i32, i32) {
    %c0_i32 = arith.constant 0 : i32
    %c0_i32_0 = arith.constant 0 : i32
    %c0_i32_1 = arith.constant 0 : i32
    return %c0_i32, %c0_i32_0 : i32, i32
  }
  func.func @transform_6(%arg0: i32) -> (i32, i32) {
    %c0_i32 = arith.constant 0 : i32
    %c0_i32_0 = arith.constant 0 : i32
    %c0_i32_1 = arith.constant 0 : i32
    return %c0_i32, %c0_i32_0 : i32, i32
  }
  func.func @transform_7(%arg0: i32) -> (i32, i32) {
    %c0_i32 = arith.constant 0 : i32
    %c0_i32_0 = arith.constant 0 : i32
    %c0_i32_1 = arith.constant 0 : i32
    return %c0_i32, %c0_i32_0 : i32, i32
  }
  func.func @transform_8(%arg0: i32) -> (i32, i32) {
    %c0_i32 = arith.constant 0 : i32
    %c0_i32_0 = arith.constant 0 : i32
    %c0_i32_1 = arith.constant 0 : i32
    return %c0_i32, %c0_i32_0 : i32, i32
  }
  func.func @transform_9(%arg0: i32) -> (i32, i32) {
    %c0_i32 = arith.constant 0 : i32
    %c0_i32_0 = arith.constant 0 : i32
    %c0_i32_1 = arith.constant 0 : i32
    return %c0_i32, %c0_i32_0 : i32, i32
  }
}

module attributes {stable_mosaic.version = 14 : i64} {
  func.func @body(%arg0: i32, %arg1: memref<1000x512xf32, #tpu.memory_space<vmem>>, %arg2: memref<1000x512xf32, #tpu.memory_space<vmem>>, %arg3: memref<1000x512xf32, #tpu.memory_space<vmem>>, %arg4: memref<1000x512xf32, #tpu.memory_space<vmem>>, %arg5: memref<1000x512xf32, #tpu.memory_space<vmem>>, %arg6: memref<1000x128xf32, #tpu.memory_space<vmem>>, %arg7: memref<1000x128xf32, #tpu.memory_space<vmem>>, %arg8: memref<1000x128xf32, #tpu.memory_space<vmem>>, %arg9: memref<1000x128xf32, #tpu.memory_space<vmem>>, %arg10: memref<1000x128xf32, #tpu.memory_space<vmem>>, %arg11: memref<1000x128xf32, #tpu.memory_space<vmem>>, %arg12: memref<256x256xf32, #tpu.memory_space<vmem>>, %arg13: memref<1000x1xi32, #tpu.memory_space<vmem>>, %arg14: memref<128x512xf32, #tpu.memory_space<vmem>>, %arg15: memref<512x512xf32, #tpu.memory_space<vmem>>, %arg16: memref<256x512xf32, #tpu.memory_space<vmem>>, %arg17: memref<1x512xf32, #tpu.memory_space<vmem>>, %arg18: memref<512x128xf32, #tpu.memory_space<vmem>>, %arg19: memref<1x128xf32, #tpu.memory_space<vmem>>, %arg20: memref<1000x128xf32, #tpu.memory_space<vmem>>) attributes {dimension_semantics = [#tpu.dimension_semantics<arbitrary>], iteration_bounds = array<i64: 10>, scalar_prefetch = 0 : i64, scratch_operands = 0 : i64, tpu.core_type = #tpu.core_type<tc>, window_params = [{transform_indices = @transform_0, window_bounds = array<i64: 1000, 512>}, {transform_indices = @transform_1, window_bounds = array<i64: 1000, 512>}, {transform_indices = @transform_2, window_bounds = array<i64: 1000, 512>}, {transform_indices = @transform_3, window_bounds = array<i64: 1000, 512>}, {transform_indices = @transform_4, window_bounds = array<i64: 1000, 512>}, {transform_indices = @transform_5, window_bounds = array<i64: 1000, 128>}, {transform_indices = @transform_6, window_bounds = array<i64: 1000, 128>}, {transform_indices = @transform_7, window_bounds = array<i64: 1000, 128>}, {transform_indices = @transform_8, window_bounds = array<i64: 1000, 128>}, {transform_indices = @transform_9, window_bounds = array<i64: 1000, 128>}, {transform_indices = @transform_10, window_bounds = array<i64: 1000, 128>}, {pipeline_mode = #tpu.pipeline_mode<synchronous>, transform_indices = @transform_11, window_bounds = array<i64: 256, 256>}, {transform_indices = @transform_12, window_bounds = array<i64: 1000, 1>}, {pipeline_mode = #tpu.pipeline_mode<synchronous>, transform_indices = @transform_13, window_bounds = array<i64: 128, 512>}, {pipeline_mode = #tpu.pipeline_mode<synchronous>, transform_indices = @transform_14, window_bounds = array<i64: 512, 512>}, {pipeline_mode = #tpu.pipeline_mode<synchronous>, transform_indices = @transform_15, window_bounds = array<i64: 256, 512>}, {pipeline_mode = #tpu.pipeline_mode<synchronous>, transform_indices = @transform_16, window_bounds = array<i64: 1, 512>}, {pipeline_mode = #tpu.pipeline_mode<synchronous>, transform_indices = @transform_17, window_bounds = array<i64: 512, 128>}, {pipeline_mode = #tpu.pipeline_mode<synchronous>, transform_indices = @transform_18, window_bounds = array<i64: 1, 128>}, {transform_indices = @transform_19, window_bounds = array<i64: 1000, 128>}]} {
    %get3A = arith.constant 0 : index
    %get3A_0 = arith.constant 0 : index
    %get3A_1 = vector.load %arg1[%get3A, %get3A_0] : memref<1000x512xf32, #tpu.memory_space<vmem>>, vector<1000x512xf32>
    %get3A_2 = arith.constant 0 : index
    %get3A_3 = arith.constant 0 : index
    %get3A_4 = vector.load %arg6[%get3A_2, %get3A_3] : memref<1000x128xf32, #tpu.memory_space<vmem>>, vector<1000x1xf32>
    %get3A_5 = arith.constant 0 : index
    %get3A_6 = arith.constant 0 : index
    %get3A_7 = vector.load %arg2[%get3A_5, %get3A_6] : memref<1000x512xf32, #tpu.memory_space<vmem>>, vector<1000x512xf32>
    %add3A = arith.addf %get3A_1, %get3A_7 : vector<1000x512xf32>
    %get3A_8 = arith.constant 0 : index
    %get3A_9 = arith.constant 0 : index
    %get3A_10 = vector.load %arg7[%get3A_8, %get3A_9] : memref<1000x128xf32, #tpu.memory_space<vmem>>, vector<1000x1xf32>
    %add3A_11 = arith.addf %get3A_4, %get3A_10 : vector<1000x1xf32>
    %get3A_12 = arith.constant 0 : index
    %get3A_13 = arith.constant 0 : index
    %get3A_14 = vector.load %arg3[%get3A_12, %get3A_13] : memref<1000x512xf32, #tpu.memory_space<vmem>>, vector<1000x512xf32>
    %add3A_15 = arith.addf %add3A, %get3A_14 : vector<1000x512xf32>
    %get3A_16 = arith.constant 0 : index
    %get3A_17 = arith.constant 0 : index
    %get3A_18 = vector.load %arg8[%get3A_16, %get3A_17] : memref<1000x128xf32, #tpu.memory_space<vmem>>, vector<1000x1xf32>
    %add3A_19 = arith.addf %add3A_11, %get3A_18 : vector<1000x1xf32>
    %get3A_20 = arith.constant 0 : index
    %get3A_21 = arith.constant 0 : index
    %get3A_22 = vector.load %arg4[%get3A_20, %get3A_21] : memref<1000x512xf32, #tpu.memory_space<vmem>>, vector<1000x512xf32>
    %add3A_23 = arith.addf %add3A_15, %get3A_22 : vector<1000x512xf32>
    %get3A_24 = arith.constant 0 : index
    %get3A_25 = arith.constant 0 : index
    %get3A_26 = vector.load %arg9[%get3A_24, %get3A_25] : memref<1000x128xf32, #tpu.memory_space<vmem>>, vector<1000x1xf32>
    %add3A_27 = arith.addf %add3A_19, %get3A_26 : vector<1000x1xf32>
    %get3A_28 = arith.constant 0 : index
    %get3A_29 = arith.constant 0 : index
    %get3A_30 = vector.load %arg5[%get3A_28, %get3A_29] : memref<1000x512xf32, #tpu.memory_space<vmem>>, vector<1000x512xf32>
    %add3A_31 = arith.addf %add3A_23, %get3A_30 : vector<1000x512xf32>
    %get3A_32 = arith.constant 0 : index
    %get3A_33 = arith.constant 0 : index
    %get3A_34 = vector.load %arg10[%get3A_32, %get3A_33] : memref<1000x128xf32, #tpu.memory_space<vmem>>, vector<1000x1xf32>
    %add3A_35 = arith.addf %add3A_27, %get3A_34 : vector<1000x1xf32>
    %max3A = arith.constant 1.000000e+00 : f32
    %max3A_36 = vector.broadcast %max3A : f32 to vector<1000x1xf32>
    %max3A_37 = arith.maximumf %add3A_35, %max3A_36 : vector<1000x1xf32>
    %div3A = vector.broadcast %max3A_37 : vector<1000x1xf32> to vector<1000x512xf32>
    %div3A_38 = arith.divf %add3A_31, %div3A : vector<1000x512xf32>
    %get3A_39 = arith.constant 0 : index
    %get3A_40 = arith.constant 0 : index
    %get3A_41 = vector.load %arg11[%get3A_39, %get3A_40] : memref<1000x128xf32, #tpu.memory_space<vmem>>, vector<1000x128xf32>
    %get3A_42 = arith.constant 0 : index
    %get3A_43 = arith.constant 0 : index
    %get3A_44 = vector.load %arg14[%get3A_42, %get3A_43] : memref<128x512xf32, #tpu.memory_space<vmem>>, vector<128x512xf32>
    %dot_general3A = arith.constant dense<0.000000e+00> : vector<1000x512xf32>
    %dot_general3A_45 = tpu.matmul %get3A_41, %get3A_44, %dot_general3A {dimension_numbers = #tpu.dot_dimension_numbers<[1], [0], [0], [1], [0, 0, 1, 1], [], []>, transpose_lhs_hint = false} : vector<1000x128xf32>, vector<128x512xf32>, vector<1000x512xf32> -> vector<1000x512xf32>
    %get3A_46 = arith.constant 0 : index
    %get3A_47 = arith.constant 0 : index
    %get3A_48 = vector.load %arg15[%get3A_46, %get3A_47] : memref<512x512xf32, #tpu.memory_space<vmem>>, vector<512x512xf32>
    %dot_general3A_49 = arith.constant dense<0.000000e+00> : vector<1000x512xf32>
    %dot_general3A_50 = tpu.matmul %div3A_38, %get3A_48, %dot_general3A_49 {dimension_numbers = #tpu.dot_dimension_numbers<[1], [0], [0], [1], [0, 0, 1, 1], [], []>, transpose_lhs_hint = false} : vector<1000x512xf32>, vector<512x512xf32>, vector<1000x512xf32> -> vector<1000x512xf32>
    %add3A_51 = arith.addf %dot_general3A_45, %dot_general3A_50 : vector<1000x512xf32>
    %get3A_52 = arith.constant 0 : index
    %get3A_53 = arith.constant 0 : index
    %get3A_54 = vector.load %arg13[%get3A_52, %get3A_53] : memref<1000x1xi32, #tpu.memory_space<vmem>>, vector<1000x1xi32>
    %iota3A = tpu.iota {dimensions = array<i32: 1>} : vector<1000x256xi32>
    %eq3A = vector.broadcast %get3A_54 : vector<1000x1xi32> to vector<1000x256xi32>
    %eq3A_55 = arith.cmpi eq, %iota3A, %eq3A : vector<1000x256xi32>
    %convert_element_type3A = arith.extui %eq3A_55 : vector<1000x256xi1> to vector<1000x256xi32>
    %convert_element_type3A_56 = arith.sitofp %convert_element_type3A : vector<1000x256xi32> to vector<1000x256xf32>
    %get3A_57 = arith.constant 0 : index
    %get3A_58 = arith.constant 0 : index
    %get3A_59 = vector.load %arg12[%get3A_57, %get3A_58] : memref<256x256xf32, #tpu.memory_space<vmem>>, vector<256x256xf32>
    %dot_general3A_60 = arith.constant dense<0.000000e+00> : vector<1000x256xf32>
    %dot_general3A_61 = tpu.matmul %convert_element_type3A_56, %get3A_59, %dot_general3A_60 {dimension_numbers = #tpu.dot_dimension_numbers<[1], [0], [0], [1], [0, 0, 1, 1], [], []>, transpose_lhs_hint = false} : vector<1000x256xf32>, vector<256x256xf32>, vector<1000x256xf32> -> vector<1000x256xf32>
    %get3A_62 = arith.constant 0 : index
    %get3A_63 = arith.constant 0 : index
    %get3A_64 = vector.load %arg16[%get3A_62, %get3A_63] : memref<256x512xf32, #tpu.memory_space<vmem>>, vector<256x512xf32>
    %dot_general3A_65 = arith.constant dense<0.000000e+00> : vector<1000x512xf32>
    %dot_general3A_66 = tpu.matmul %dot_general3A_61, %get3A_64, %dot_general3A_65 {dimension_numbers = #tpu.dot_dimension_numbers<[1], [0], [0], [1], [0, 0, 1, 1], [], []>, transpose_lhs_hint = false} : vector<1000x256xf32>, vector<256x512xf32>, vector<1000x512xf32> -> vector<1000x512xf32>
    %add3A_67 = arith.addf %add3A_51, %dot_general3A_66 : vector<1000x512xf32>
    %get3A_68 = arith.constant 0 : index
    %get3A_69 = arith.constant 0 : index
    %get3A_70 = vector.load %arg17[%get3A_68, %get3A_69] : memref<1x512xf32, #tpu.memory_space<vmem>>, vector<1x512xf32>
    %add3A_71 = vector.broadcast %get3A_70 : vector<1x512xf32> to vector<1000x512xf32>
    %add3A_72 = arith.addf %add3A_67, %add3A_71 : vector<1000x512xf32>
    %max3A_73 = arith.constant 0.000000e+00 : f32
    %max3A_74 = vector.broadcast %max3A_73 : f32 to vector<1000x512xf32>
    %max3A_75 = arith.maximumf %add3A_72, %max3A_74 : vector<1000x512xf32>
    %get3A_76 = arith.constant 0 : index
    %get3A_77 = arith.constant 0 : index
    %get3A_78 = vector.load %arg18[%get3A_76, %get3A_77] : memref<512x128xf32, #tpu.memory_space<vmem>>, vector<512x128xf32>
    %dot_general3A_79 = arith.constant dense<0.000000e+00> : vector<1000x128xf32>
    %dot_general3A_80 = tpu.matmul %max3A_75, %get3A_78, %dot_general3A_79 {dimension_numbers = #tpu.dot_dimension_numbers<[1], [0], [0], [1], [0, 0, 1, 1], [], []>, transpose_lhs_hint = false} : vector<1000x512xf32>, vector<512x128xf32>, vector<1000x128xf32> -> vector<1000x128xf32>
    %get3A_81 = arith.constant 0 : index
    %get3A_82 = arith.constant 0 : index
    %get3A_83 = vector.load %arg19[%get3A_81, %get3A_82] : memref<1x128xf32, #tpu.memory_space<vmem>>, vector<1x128xf32>
    %add3A_84 = vector.broadcast %get3A_83 : vector<1x128xf32> to vector<1000x128xf32>
    %add3A_85 = arith.addf %dot_general3A_80, %add3A_84 : vector<1000x128xf32>
    %swap3A = arith.constant 0 : index
    %swap3A_86 = arith.constant 0 : index
    %swap3A_87 = vector.load %arg20[%swap3A, %swap3A_86] : memref<1000x128xf32, #tpu.memory_space<vmem>>, vector<1000x128xf32>
    tpu.vector_store %arg20[%swap3A, %swap3A_86], %add3A_85 {strides = array<i32>} : memref<1000x128xf32, #tpu.memory_space<vmem>>, vector<1000x128xf32>,
    return
  }
  func.func @transform_0(%arg0: i32) -> (i32, i32) {
    %c0_i32 = arith.constant 0 : i32
    %c0_i32_0 = arith.constant 0 : i32
    return %arg0, %c0_i32 : i32, i32
  }
  func.func @transform_1(%arg0: i32) -> (i32, i32) {
    %c0_i32 = arith.constant 0 : i32
    %c0_i32_0 = arith.constant 0 : i32
    return %arg0, %c0_i32 : i32, i32
  }
  func.func @transform_2(%arg0: i32) -> (i32, i32) {
    %c0_i32 = arith.constant 0 : i32
    %c0_i32_0 = arith.constant 0 : i32
    return %arg0, %c0_i32 : i32, i32
  }
  func.func @transform_3(%arg0: i32) -> (i32, i32) {
    %c0_i32 = arith.constant 0 : i32
    %c0_i32_0 = arith.constant 0 : i32
    return %arg0, %c0_i32 : i32, i32
  }
  func.func @transform_4(%arg0: i32) -> (i32, i32) {
    %c0_i32 = arith.constant 0 : i32
    %c0_i32_0 = arith.constant 0 : i32
    return %arg0, %c0_i32 : i32, i32
  }
  func.func @transform_5(%arg0: i32) -> (i32, i32) {
    %c0_i32 = arith.constant 0 : i32
    %c0_i32_0 = arith.constant 0 : i32
    return %arg0, %c0_i32 : i32, i32
  }
  func.func @transform_6(%arg0: i32) -> (i32, i32) {
    %c0_i32 = arith.constant 0 : i32
    %c0_i32_0 = arith.constant 0 : i32
    return %arg0, %c0_i32 : i32, i32
  }
  func.func @transform_7(%arg0: i32) -> (i32, i32) {
    %c0_i32 = arith.constant 0 : i32
    %c0_i32_0 = arith.constant 0 : i32
    return %arg0, %c0_i32 : i32, i32
  }
  func.func @transform_8(%arg0: i32) -> (i32, i32) {
    %c0_i32 = arith.constant 0 : i32
    %c0_i32_0 = arith.constant 0 : i32
    return %arg0, %c0_i32 : i32, i32
  }
  func.func @transform_9(%arg0: i32) -> (i32, i32) {
    %c0_i32 = arith.constant 0 : i32
    %c0_i32_0 = arith.constant 0 : i32
    return %arg0, %c0_i32 : i32, i32
  }
  func.func @transform_10(%arg0: i32) -> (i32, i32) {
    %c0_i32 = arith.constant 0 : i32
    %c0_i32_0 = arith.constant 0 : i32
    return %arg0, %c0_i32 : i32, i32
  }
  func.func @transform_11(%arg0: i32) -> (i32, i32) {
    %c0_i32 = arith.constant 0 : i32
    %c0_i32_0 = arith.constant 0 : i32
    %c0_i32_1 = arith.constant 0 : i32
    return %c0_i32, %c0_i32_0 : i32, i32
  }
  func.func @transform_12(%arg0: i32) -> (i32, i32) {
    %c0_i32 = arith.constant 0 : i32
    %c0_i32_0 = arith.constant 0 : i32
    return %arg0, %c0_i32 : i32, i32
  }
  func.func @transform_13(%arg0: i32) -> (i32, i32) {
    %c0_i32 = arith.constant 0 : i32
    %c0_i32_0 = arith.constant 0 : i32
    %c0_i32_1 = arith.constant 0 : i32
    return %c0_i32, %c0_i32_0 : i32, i32
  }
  func.func @transform_14(%arg0: i32) -> (i32, i32) {
    %c0_i32 = arith.constant 0 : i32
    %c0_i32_0 = arith.constant 0 : i32
    %c0_i32_1 = arith.constant 0 : i32
    return %c0_i32, %c0_i32_0 : i32, i32
  }
  func.func @transform_15(%arg0: i32) -> (i32, i32) {
    %c0_i32 = arith.constant 0 : i32
    %c0_i32_0 = arith.constant 0 : i32
    %c0_i32_1 = arith.constant 0 : i32
    return %c0_i32, %c0_i32_0 : i32, i32
  }
  func.func @transform_16(%arg0: i32) -> (i32, i32) {
    %c0_i32 = arith.constant 0 : i32
    %c0_i32_0 = arith.constant 0 : i32
    %c0_i32_1 = arith.constant 0 : i32
    return %c0_i32, %c0_i32_0 : i32, i32
  }
  func.func @transform_17(%arg0: i32) -> (i32, i32) {
    %c0_i32 = arith.constant 0 : i32
    %c0_i32_0 = arith.constant 0 : i32
    %c0_i32_1 = arith.constant 0 : i32
    return %c0_i32, %c0_i32_0 : i32, i32
  }
  func.func @transform_18(%arg0: i32) -> (i32, i32) {
    %c0_i32 = arith.constant 0 : i32
    %c0_i32_0 = arith.constant 0 : i32
    %c0_i32_1 = arith.constant 0 : i32
    return %c0_i32, %c0_i32_0 : i32, i32
  }
  func.func @transform_19(%arg0: i32) -> (i32, i32) {
    %c0_i32 = arith.constant 0 : i32
    %c0_i32_0 = arith.constant 0 : i32
    return %arg0, %c0_i32 : i32, i32
  }
}

</mosaic_0001>

<sc_bundles>
// kernel: gather_offload_async_start.1
scs
__scs_entry_jumppad:
0x0: {  	(pc) =	sbr.rel $0x88, $3  }
0x1: {  	(tag) =	ssettag $0x0;
	lr =	simm.s32 $0x1  }
0x2: {  	[smem:$0x3F94] =	sst lr;
	_ =	strace $0xD0000000  }
0x3: {  	_ = 	snop  }
0x4: {  	_ = 	snop  }
0x5: {  	_ = 	snop  }
0x6: {  	_ = 	snop  }
0x7: {  	_ = 	snop  }
__scs_overlays_trampoline_lowered:
0x8: {  	[smem:$0x3FA3] =	sst s0  }
0x9: {  	[smem:$0x3FA4] =	sst s1  }
0xa: {  	[smem:$0x3FA5] =	sst s2  }
0xb: {  	[smem:$0x3FA6] =	sst s3  }
0xc: {  	[smem:$0x3FA7] =	sst s4  }
0xd: {  	[smem:$0x3FA8] =	sst s5  }
0xe: {  	[smem:$0x3FA9] =	sst s6  }
0xf: {  	[smem:$0x3FAA] =	sst s7  }
0x10: {  	[smem:$0x3FAB] =	sst s8  }
0x11: {  	[smem:$0x3FAC] =	sst s9;
	s0 =	simm.s32 @!p0 $0x0  }
0x12: {  	s1 =	sld [smem:$0x3F92];
	s0 =	simm.s32 @p0 $0x1  }
0x13: {  	[smem:$0x3FAD] =	sst s0;
	s0 =	simm.s32 @!p1 $0x0  }
0x14: {  	s2 =	sld [smem:$0x3F91];
	s0 =	simm.s32 @p1 $0x1  }
0x15: {  	[smem:$0x3FAE] =	sst s0;
	s0 =	simm.s32 @!p2 $0x0  }
0x16: {  	s3 =	sld [smem:$0x3FDB];
	s0 =	simm.s32 @p2 $0x1  }
0x17: {  	s4 =	simm.s32 $0x1BF5;
	[smem:$0x3FB0] =	sst s0  }
0x18: {  	s0 =	sld [smem:$0x3F93];
	_ =	swait.ge [sflag:s4], $0x0  }
0x19: {  	s7 =	sld [smem:$0x3F94]  }
0x1a: {  	s8 =	sadd.s32 $0xFFFFE003, lr  }
0x1b: {  	s9 =	sadd.s32 $0xFFFFFEF7, lr;
	s5 =	simm.s32 $0xFFFFFFFF;
	p2 =	slt.u32 s8, $0xFFFFF086  }
0x1c: {  	p1 =	slt.u32 s9, $0xF7A;
	s5 =	simm.s32 @!p2 $0x0  }
0x1d: {  	s5 =	simm.s32 @p1 $0x1;
	p0 =	seq.s32 s7, s2  }
0x1e: {  	s7 =	smul.u32 @!p0 $0xF7A, s2;
	p2 =	seq.s32 @!p0 s5, $0x0  }
0x1f: {  	s9 =	smul.u32 $0xF7A, s1;
	s8 =	simm.s32 @!p0 $0x1BF5;
	p2 =	por !p2, p0  }
0x20: {  	[sflag:s8] =	ssyncset.s32 @!p0 $0xFFFFF086;
	s6 =	sadd.s32 @!p0 s3, s7;
	s7 =	simm.s32 @!p0 $0x108  }
0x21: {  	s3 =	sadd.s32 s3, s9;
	s6 =	sadd.s32 @!p0 $0x88, s6;
	s7 =	simm.s32 @p2 $0x1082  }
0x22: {  	[simem:s7], [sflag:s8] =	dma.local @!p0 [hbm:s6], $0xF7A  }
0x23: {  	s9 =	sor.u32 $0xD0000000, s2;
	s6 =	simm.s32 $0x108;
	_ =	swait.ge @!p0 [sflag:s8], $0x0  }
0x24: {  	s3 =	sadd.s32 $0x88, s3;
	s6 =	simm.s32 @!p1 $0x1082;
	[sflag:s4] =	ssyncset.s32 $0xFFFFF086  }
0x25: {  	[simem:s6], [sflag:s4] =	dma.local [hbm:s3], $0xF7A  }
0x26: {  	[smem:$0x3F94] =	sst s1;
	(tag) =	ssettag s2;
	_ =	strace s9  }
0x27: {  	s1 =	sld [smem:$0x3FA4]  }
0x28: {  	s2 =	sld [smem:$0x3FA5]  }
0x29: {  	s4 =	sld [smem:$0x3FA7]  }
0x2a: {  	p0 =	seq.s32 s5, $0x0;
	s5 =	sld [smem:$0x3FA8]  }
0x2b: {  	s6 =	sld [smem:$0x3FA9]  }
0x2c: {  	s7 =	sld [smem:$0x3FAA]  }
0x2d: {  	s3 =	simm.s32 $0x108;
	s8 =	sld [smem:$0x3FAB]  }
0x2e: {  	s3 =	simm.s32 @!p0 $0x1082;
	s9 =	sld [smem:$0x3FAC]  }
0x2f: {  	lr =	sadd.s32 s0, s3;
	s0 =	sld [smem:$0x3FA3]  }
0x30: {  	s3 =	sld [smem:$0x3FA6]  }
0x31: {  	[smem:$0x3FAF] =	sst s10  }
0x32: {  	s10 =	sld [smem:$0x3FAD];
	_ =	sdelay $0x3  }
0x33: {  	p0 =	seq.s32 s10, $0x1;
	s10 =	sld [smem:$0x3FAF];
	_ =	sdelay $0x3  }
0x34: {  	[smem:$0x3FAF] =	sst s10  }
0x35: {  	s10 =	sld [smem:$0x3FAE];
	_ =	sdelay $0x3  }
0x36: {  	p1 =	seq.s32 s10, $0x1;
	s10 =	sld [smem:$0x3FAF];
	_ =	sdelay $0x3  }
0x37: {  	[smem:$0x3FAF] =	sst s10  }
0x38: {  	s10 =	sld [smem:$0x3FB0]  }
0x39: {  	_ = 	snop;
	(pc) =	sbr.ind lr, $3  }
0x3a: {  	_ = 	snop  }
0x3b: {  	_ = 	snop  }
0x3c: {  	p2 =	seq.s32 s10, $0x1;
	s10 =	sld [smem:$0x3FAF]  }
0x3d: {  	_ =	shalt  }
0x3e: {  	_ =	shalt  }
0x3f: {  	_ =	shalt  }
0x40: {  	_ =	shalt  }
0x41: {  	_ =	shalt  }
0x42: {  	_ =	shalt  }
0x43: {  	_ =	shalt  }
0x44: {  	_ =	shalt  }
0x45: {  	_ =	shalt  }
0x46: {  	_ =	shalt  }
0x47: {  	_ =	shalt  }
0x48: {  	_ =	shalt  }
0x49: {  	_ =	shalt  }
0x4a: {  	_ =	shalt  }
0x4b: {  	_ =	shalt  }
0x4c: {  	_ =	shalt  }
0x4d: {  	_ =	shalt  }
0x4e: {  	_ =	shalt  }
0x4f: {  	_ =	shalt  }
0x50: {  	_ =	shalt  }
0x51: {  	_ =	shalt  }
0x52: {  	_ =	shalt  }
0x53: {  	_ =	shalt  }
0x54: {  	_ =	shalt  }
0x55: {  	_ =	shalt  }
0x56: {  	_ =	shalt  }
0x57: {  	_ =	shalt  }
0x58: {  	_ =	shalt  }
0x59: {  	_ =	shalt  }
0x5a: {  	_ =	shalt  }
0x5b: {  	_ =	shalt  }
0x5c: {  	_ =	shalt  }
0x5d: {  	_ =	shalt  }
0x5e: {  	_ =	shalt  }
0x5f: {  	_ =	shalt  }
0x60: {  	_ =	shalt  }
0x61: {  	_ =	shalt  }
0x62: {  	_ =	shalt  }
0x63: {  	_ =	shalt  }
0x64: {  	_ =	shalt  }
0x65: {  	_ =	shalt  }
0x66: {  	_ =	shalt  }
0x67: {  	_ =	shalt  }
0x68: {  	_ =	shalt  }
0x69: {  	_ =	shalt  }
0x6a: {  	_ =	shalt  }
0x6b: {  	_ =	shalt  }
0x6c: {  	_ =	shalt  }
0x6d: {  	_ =	shalt  }
0x6e: {  	_ =	shalt  }
0x6f: {  	_ =	shalt  }
0x70: {  	_ =	shalt  }
0x71: {  	_ =	shalt  }
0x72: {  	_ =	shalt  }
0x73: {  	_ =	shalt  }
0x74: {  	_ =	shalt  }
0x75: {  	_ =	shalt  }
0x76: {  	_ =	shalt  }
0x77: {  	_ =	shalt  }
0x78: {  	_ =	shalt  }
0x79: {  	_ =	shalt  }
0x7a: {  	_ =	shalt  }
0x7b: {  	_ =	shalt  }
0x7c: {  	_ =	shalt  }
0x7d: {  	_ =	shalt  }
0x7e: {  	_ =	shalt  }
0x7f: {  	_ =	shalt  }
0x80: {  	_ =	shalt  }
0x81: {  	_ =	shalt  }
0x82: {  	_ =	shalt  }
0x83: {  	_ =	shalt  }
0x84: {  	_ =	shalt  }
0x85: {  	_ =	shalt  }
0x86: {  	_ =	shalt  }
0x87: {  	_ =	shalt  }
.Lfunc_end0:
.L_simem_size_0:
called_computation.1_lowered:
.L_overlay_start_0:
0x88: {  	s2 =	sld [smem:$0x3FD9]  }
0x89: {  	s3 =	sld [smem:$0x3FFE];
	_ =	sdelay $0x1  }
0x8a: {  	s1 =	srdreg.scid  }
0x8b: {  	s0 =	sand.u32 $0x1, s1  }
0x8c: {  	s17 =	sshll.u32 s0, $0xA;
	s2 =	sadd.s32 s3, s2  }
0x8d: {  	s2 =	sadd.s32 s2, s17  }
0x8e: {  	[smem:$0x3FBB] =	sst s2  }
0x8f: {  	_ = 	snop  }
0x90: {  	(tm) =	ssettm $0x1  }
0x91: {  	s18 =	sld [smem:$0x3FFB];
	_ =	sdelay $0x3  }
0x92: {  	_ =	strace s18  }
0x93: {  	s2 =	sld [smem:$0x3FFC];
	_ =	sdelay $0x3  }
0x94: {  	_ =	strace s2  }
0x95: {  	s2 =	sld [smem:$0x3FFD];
	_ =	sdelay $0x3  }
0x96: {  	_ =	strace s2  }
0x97: {  	_ =	strace $0x8FFFFFFF  }
0x98: {  	s19 =	sld [smem:$0x3FDB];
	_ =	sdelay $0x1  }
0x99: {  	s20 =	simm.s32 $_scs_section_size  }
0x9a: {  	s4 =	simm.s32 $_size__tile_overlayer_lowered;
	s5 =	simm.s32 $_tile_overlayer_lowered  }
0x9b: {  	s6 =	simm.s32 $0x1BFF;
	s21 =	sshll.u32 s5, $0x1;
	s3 =	sadd.s32 s20, s19  }
0x9c: {  	s22 =	simm.s32 $0x0;
	s4 =	sshll.u32 s4, $0x1;
	s5 =	sadd.s32 s21, s3  }
0x9d: {  	[timem:s22], [sflag:s6] =	dma.local [hbm:s5], s4  }
0x9e: {  	_ =	swait.ge [sflag:s6], s4  }
0x9f: {  	s4 =	ssub.s32 $0x0, s4;
	[sflag:s6] =	ssyncset.done $0x0  }
0xa0: {  	[sflag:s6] =	ssyncadd.s32 s4;
	_ =	sdelay $0x1  }
0xa1: {  	s23 =	simm.s32 $0x1B8B  }
0xa2: {  	_ =	swait.ge [sflag:s23], $0x1  }
0xa3: {  	[sflag:s23] =	ssyncset.done $0x0  }
0xa4: {  	[sflag:s23] =	ssyncadd.s32 $0xFFFFFFFF  }
0xa5: {  	s4 =	sld [smem:$0x0]  }
0xa6: {  	s5 =	sand.u32 $0xFFFFFFFE, s1  }
0xa7: {  	p0 =	sne.s32 s1, s5  }
0xa8: {  	s5 =	sshll.u32 @p0 s5, $0xE  }
0xa9: {  	s5 =	sadd.s32 @p0 $0x11B8D, s5;
	s6 =	sshll.u32 @p0 s4, $0x11  }
0xaa: {  	s5 =	sor.u32 @p0 s6, s5  }
0xab: {  	[sflag:s5] =	ssyncadd.remote.s32 @p0 $0x1;
	_ =	sdelay $0x1  }
0xac: {  	s5 =	simm.s32 @p0 $0x1B8D  }
0xad: {  	_ =	swait.eq @p0 [sflag:s5], $0x1  }
0xae: {  	[sflag:s5] =	ssyncadd.s32 @p0 $0xFFFFFFFF  }
0xaf: {  	s6 =	sshll.u32 @!p0 s1, $0xE  }
0xb0: {  	s6 =	sor.u32 @!p0 $0x4000, s6;
	s5 =	simm.s32 @!p0 $0x1B8D  }
0xb1: {  	s4 =	sshll.u32 @!p0 s4, $0x11;
	s6 =	sadd.s32 @!p0 $0x11B8D, s6;
	_ =	swait.eq @!p0 [sflag:s5], $0x1  }
0xb2: {  	s4 =	sor.u32 @!p0 s4, s6;
	[sflag:s5] =	ssyncadd.s32 @!p0 $0xFFFFFFFF  }
0xb3: {  	s25 =	simm.s32 $0x1B8E;
	s24 =	sld [smem:$0x3FFE];
	[sflag:s4] =	ssyncadd.remote.s32 @!p0 $0x1  }
0xb4: {  	s26 =	simm.s32 $execute0_lowered;
	[smem:$0x3FD2] =	sst s25  }
0xb5: {  	s5 =	sshll.u32 s26, $0x1;
	_ =	strace $0x8000004F;
	[dreg:$0x1] =	wrdreg $0xFFFFFFFF  }
0xb6: {  	s28 =	simm.s32 $_size_execute0_lowered;
	s3 =	sadd.s32 s3, s5;
	[dreg:$0x0] =	wrdreg $0x0  }
0xb7: {  	s5 =	sshll.u32 s28, $0x1;
	[dreg:$0x2] =	wrdreg s3  }
0xb8: {  	[dreg:$0x3] =	wrdreg s5  }
0xb9: {  	[dreg:$0x4] =	wrdreg $0xC0  }
0xba: {  	_ =	task [dreg:s22], $0x5FFFF  }
0xbb: {  	[dreg:$0x1] =	wrdreg $0xFFFFFFFF  }
0xbc: {  	[dreg:$0x0] =	wrdreg $0x60  }
0xbd: {  	[dreg:$0x2] =	wrdreg s24  }
0xbe: {  	[dreg:$0x3] =	wrdreg $0xC  }
0xbf: {  	_ =	task.clear_ibuf [dreg:s22], $0x4FFFF;
	_ =	strace $0x9000004F  }
0xc0: {  	s29 =	simm.s32 $0xC;
	_ =	strace $0x80000051  }
0xc1: {  	_ =	swait.ge [sflag:s29], $0x1  }
0xc2: {  	[sflag:s29] =	ssyncadd.s32 $0xFFFFFFFF  }
0xc3: {  	_ =	strace $0x90000051  }
0xc4: {  	_ =	sfence  }
0xc5: {  	s30 =	sld [smem:$0x0];
	_ =	sdelay $0x2  }
0xc6: {  	s31 =	sshll.u32 s1, $0xD;
	s1 =	sshrl.u32 s1, $0x2  }
0xc7: {  	s4 =	sand.u32 $0x4000, s31;
	s1 =	sadd.s32 s1, s30  }
0xc8: {  	s0 =	sor.u32 s4, s0;
	s1 =	sshll.u32 s1, $0x11  }
0xc9: {  	s0 =	sor.u32 s1, s0  }
0xca: {  	s0 =	sadd.s32 $0x8F2B, s0  }
0xcb: {  	[sflag:s0] =	ssyncadd.remote.s32 $0x1  }
0xcc: {  	_ =	sfence.sel $0xFFFF  }
0xcd: {  	[dreg:$0x0] =	wrdreg $0xFFFFFFFF;
	(pc) =	sbr.abs _section_cstart, $3  }
0xce: {  	[dreg:$0x1] =	wrdreg $0xFFFFFFFF  }
0xcf: {  	_ =	task.clear_ibuf [dreg:s22], $0x2FFFF;
	_ =	strace $0x9FFFFFFF  }
0xd0: {  	(tm) =	ssettm $0x7FFFFFFF  }
0xd1: {  	_ =	shalt  }
tec
execute0_lowered:
.L_overlay_start_1:
0x0: {  	(tag) =	ssettag $0x1  }
0x1: {  	s8 =	rddreg [dreg:$0x0];
	s1 =	stileid.u32  }
0x2: {  	s2 =	srdreg.scid;
	s0 =	rddreg [dreg:$0x1]  }
0x3: {  	_ =	strace $0x80000050;
	s5 =	simm.s32 $0x1;
	s9 =	simm.s32 $0x1  }
0x4: {  	s10 =	simm.s32 $0x3;
	s2 =	sand.u32 $0x1, s2;
	s3 =	sshll.u32 s1, $0x1  }
0x5: {  	s13 =	simm.s32 $0x0;
	s12 =	simm.s32 $0x0;
	s6 =	sor.u32 s3, s2  }
0x6: {  	[sflag:s5] =	ssyncpa.u1 $0x0;
	s2 =	sadd.s32 $0x6600, s8;
	s4 =	smul.u32 $0x320, s6  }
0x7: {  	s3 =	sadd.s32 $0xD600, s8;
	p0 =	slt.u32 s6, $0x9;
	s6 =	simm.s32 $0x6400  }
.Ltmp0:
0x8: {  	s6 =	simm.s32 @!p0 $0x0;
	s7 =	ssub.s32 $0x7D00, s4;
	(pc) =	sbr.rel .LBB2_1-.Ltmp0, $4  }
0x9: {  	s9 =	simm.s32 @!p0 $0x0;
	p0 =	sne.s32 s7, s6;
	s7 =	simm.s32 $0x1  }
0xa: {  	s8 =	sadd.s32 $0x3A800, s8;
	s6 =	simm.s32 $0x2;
	s7 =	simm.s32 @!p0 $0x0  }
0xb: {  	s11 =	smov.u32 s4;
	[sflag:s6] =	ssyncpa.u1 $0x0;
	s7 =	sadd.s32 s9, s7  }
0xc: {  	vm0 =	vmmov $0xffff;
	[sflag:s10] =	ssyncpa.u1 $0x0;
	s10 =	simm.s32 $0x0;
	s9 =	sadd.s32 $0x1, s7  }
.LBB2_4:
0xd: {  	v2 =	vnsel vm1, $0x0, v2  }
0xe: {  	vm1 =	vgt.s32 v0, $0x0;
	v2 =	vmin.u32 v2, $0x7CFF  }
0xf: {  	v0 =	vnsel vm1, $0x0, v0  }
0x10: {  	v0 =	vmin.u32 v0, $0x7CFF  }
0x11: {  	[tilespmem:s18], [sflag:$0x1] =	stream.indirect_vreg.gather [hbm4b:s2+s10], $0x1, v1, vm0, $0x4038;
	[tilespmem:$0xC80] =	vst v63  }
0x12: {  	(ifvalue) =	ssetifvalue $0x7FFFFFFF  }
0x13: {  	[tilespmem:s15], [sflag:$0x1] =	stream.indirect_vreg.gather [hbm4b:s2+s10], $0x1, v2, vm0, $0x4038;
	[tilespmem:$0xC80] =	vst v63  }
0x14: {  	s29 =	sadd.s32 $0x10, s15;
	(ifvalue) =	ssetifvalue $0x7FFFFFFF  }
0x15: {  	[tilespmem:s29], [sflag:$0x1] =	stream.indirect_vreg.gather [hbm4b:s2+s10], $0x1, v0, vm0, $0x4038;
	[tilespmem:$0xC80] =	vst v63  }
0x16: {  	_ =	swait.ge [sflag:s5], $0x320  }
0x17: {  	s30 =	sshrl.u32 s13, $0x3;
	[sflag:s5] =	ssyncset.done $0x0  }
0x18: {  	s31 =	sand.u32 $0x7, s13;
	s15 =	sadd.s32 s8, s30;
	[sflag:s5] =	ssyncadd.s32 $0xFFFFFCE0  }
0x19: {  	[hbm4b:s15+s31] =	stream.linear.scatter [tilespmem:s14], [sflag:$0x3], $0x320, $0x38;
	[tilespmem:$0xC80] =	vst v63  }
.LBB2_5:
0x1a: {  	s15 =	sadd.s32 $0x6400, s11  }
0x1b: {  	p1 =	sgt.s32 s15, $0x7CFF  }
0x1c: {  	s15 =	smov.u32 @p1 s4;
	p1 =	sne.s32 s12, s9  }
.Ltmp1:
0x1d: {  	p0 =	slt.u32 s12, $0x2;
	(pc) =	sbr.rel @!p1 .LBB2_6-.Ltmp1, $4  }
0x1e: {  	s14 =	simm.s32 @!p0 $0x3  }
0x1f: {  	_ =	swait.ge @!p0 [sflag:s14], $0x320  }
0x20: {  	s16 =	sadd.s32 $0x1, s12;
	s13 =	smov.u32 s11;
	[sflag:s14] =	ssyncset.done @!p0 $0x0  }
0x21: {  	s12 =	smov.u32 s16;
	s11 =	smov.u32 s15;
	[sflag:s14] =	ssyncadd.s32 @!p0 $0xFFFFFCE0  }
.LBB2_1:
0x22: {  	p0 =	sge.u32 s12, s7  }
0x23: {  	s14 =	sxor.u32 @!p0 $0x1, s12  }
0x24: {  	s14 =	smul.u32 @!p0 $0xC80, s14  }
0x25: {  	s31 =	sadd.s32 $0xFFFFFFFF, s12;
	s15 =	sshrl.u32 @!p0 s11, $0x3  }
0x26: {  	s16 =	sand.u32 @!p0 $0x7, s11;
	s15 =	sadd.s32 @!p0 s3, s15;
	s14 =	sshra.s32 @!p0 s14, $0x2  }
0x27: {  	[tilespmem:s14], [sflag:$0x2] =	stream.linear.gather @!p0 [hbm4b:s15+s16], $0x320, $0x38;
	[tilespmem:$0xC80] =	vst v63  }
0x28: {  	p0 =	sge.u32 s31, s7  }
.Ltmp2:
0x29: {  	_ = 	snop;
	(pc) =	sbr.rel @p0 .LBB2_5-.Ltmp2, $1  }
0x2a: {  	_ =	sdelay $0x3  }
0x2b: {  	s14 =	sand.u32 $0x1, s12  }
0x2c: {  	_ =	swait.ge [sflag:s6], $0x320;
	p0 =	seq.s32 s14, $0x1;
	s14 =	simm.s32 $0x320  }
0x2d: {  	[sflag:s6] =	ssyncset.done $0x0;
	s14 =	simm.s32 @!p0 $0x0  }
0x2e: {  	[sflag:s6] =	ssyncadd.s32 $0xFFFFFCE0;
	(ifvalue) =	ssetifvalue $0x7FFFFFFF;
	v0 =	vld.msk [tilespmem:s14+$0x0 ss:$0x1], $0xffff;
	_ =	sdelay $0x4  }
0x2f: {  	s15 =	sadd.s32 $0x10, s14;
	vm1 =	vgt.s32 v0, $0x0  }
0x30: {  	v2 =	vld.msk [tilespmem:s15+$0x0 ss:$0x1], $0xffff;
	v1 =	vnsel vm1, $0x0, v0  }
0x31: {  	v1 =	vmin.u32 v1, $0x7CFF;
	_ =	sdelay $0x2  }
0x32: {  	s17 =	simm.s32 $0x20;
	s14 =	sadd.s32 $0x640, s14;
	s16 =	sadd.s32 $0x10, s15  }
0x33: {  	s15 =	sadd.s32 $0x10, s14;
	s18 =	smov.u32 s14;
	v0 =	vld.msk [tilespmem:s16+$0x0 ss:$0x1], $0xffff;
	vm1 =	vgt.s32 v2, $0x0;
	(ifvalue) =	ssetifvalue $0x7FFFFFFF  }
.LBB2_3:
0x34: {  	[tilespmem:s18], [sflag:$0x1] =	stream.indirect_vreg.gather [hbm4b:s2+s10], $0x1, v1, vm0, $0x4038;
	[tilespmem:$0xC80] =	vst v63  }
0x35: {  	s17 =	sadd.s32 $0x10, s17  }
0x36: {  	v2 =	vnsel vm1, $0x0, v2;
	p0 =	slt.u32 s17, $0x310  }
.Ltmp3:
0x37: {  	s18 =	smov.u32 s15;
	v1 =	vmin.u32 v2, $0x7CFF;
	(pc) =	sbr.rel @p0 .LBB2_3-.Ltmp3, $3  }
0x38: {  	_ =	sdelay $0x1  }
0x39: {  	s16 =	sadd.s32 $0x10, s16  }
0x3a: {  	vm1 =	vgt.s32 v0, $0x0;
	s15 =	sadd.s32 $0x10, s15;
	v2 =	vmov v0;
	(ifvalue) =	ssetifvalue $0x7FFFFFFF;
	v0 =	vld.msk [tilespmem:s16+$0x0 ss:$0x1], $0xffff  }
.Ltmp4:
0x3b: {  	_ = 	snop;
	(pc) =	sbr.rel .LBB2_4-.Ltmp4, $1  }
0x3c: {  	_ =	sdelay $0x3  }
.LBB2_6:
0x3d: {  	_ =	sfence.sel $0x180000  }
0x3e: {  	s2 =	simm.s32 $0x2;
	[bflag:$0x0] =	sbarrier.arrive $0xFFFF  }
0x3f: {  	s30 =	simm.s32 $0x3;
	[sflag:s2] =	ssyncpa.u1 $0x1  }
0x40: {  	s31 =	simm.s32 $0x1;
	[sflag:s30] =	ssyncpa.u1 $0x1  }
0x41: {  	[sflag:s31] =	ssyncpa.u1 $0x1  }
0x42: {  	p0 =	sne.s32 s1, $0x0;
	_ =	strace $0x90000050  }
0x43: {  	s0 =	sadd.s32 @!p0 $0x100000, s0;
	[bflag:$0x2] =	sbarrier.arrive $0xFFFF  }
0x44: {  	[sflag:s0] =	ssyncadd.tile.s32 @!p0 $0x1;
	_ =	shalt  }
.Lfunc_end2:
_tile_overlayer_lowered:
.L_overlay_start_2:
0x45: {  	(tag) =	ssettag $0x2  }
0x46: {  	s0 =	rddreg [dreg:$0x0];
	s2 =	stileid.u32  }
0x47: {  	s1 =	rddreg [dreg:$0x1];
	p0 =	sne.s32 s2, $0x0  }
0x48: {  	s3 =	rddreg [dreg:$0x2];
	[bflag:$0x3] =	sbarrier.arrive $0xFFFF;
	s2 =	simm.s32 @!p0 $0x1C01  }
0x49: {  	[timem:s3], [sflag:s2] =	dma.local @!p0 [hbm:s0], s1  }
0x4a: {  	s0 =	simm.s32 @!p0 $0x1  }
0x4b: {  	_ =	swait.ge @!p0 [sflag:s0], s1  }
0x4c: {  	s1 =	ssub.s32 @!p0 $0x0, s1;
	[sflag:s0] =	ssyncset.done @!p0 $0x0  }
0x4d: {  	[sflag:s0] =	ssyncadd.s32 @!p0 s1  }
0x4e: {  	[bflag:$0x3] =	sbarrier.arrive $0xFFFF  }
0x4f: {  	_ =	shalt  }

// kernel: gather_offload_async_start.2
scs
__scs_entry_jumppad:
0x0: {  	(pc) =	sbr.rel $0x88, $3  }
0x1: {  	(tag) =	ssettag $0x0;
	lr =	simm.s32 $0x1  }
0x2: {  	[smem:$0x3F94] =	sst lr;
	_ =	strace $0xD0000000  }
0x3: {  	_ = 	snop  }
0x4: {  	_ = 	snop  }
0x5: {  	_ = 	snop  }
0x6: {  	_ = 	snop  }
0x7: {  	_ = 	snop  }
__scs_overlays_trampoline_lowered:
0x8: {  	[smem:$0x3FA3] =	sst s0  }
0x9: {  	[smem:$0x3FA4] =	sst s1  }
0xa: {  	[smem:$0x3FA5] =	sst s2  }
0xb: {  	[smem:$0x3FA6] =	sst s3  }
0xc: {  	[smem:$0x3FA7] =	sst s4  }
0xd: {  	[smem:$0x3FA8] =	sst s5  }
0xe: {  	[smem:$0x3FA9] =	sst s6  }
0xf: {  	[smem:$0x3FAA] =	sst s7  }
0x10: {  	[smem:$0x3FAB] =	sst s8  }
0x11: {  	[smem:$0x3FAC] =	sst s9;
	s0 =	simm.s32 @!p0 $0x0  }
0x12: {  	s1 =	sld [smem:$0x3F92];
	s0 =	simm.s32 @p0 $0x1  }
0x13: {  	[smem:$0x3FAD] =	sst s0;
	s0 =	simm.s32 @!p1 $0x0  }
0x14: {  	s2 =	sld [smem:$0x3F91];
	s0 =	simm.s32 @p1 $0x1  }
0x15: {  	[smem:$0x3FAE] =	sst s0;
	s0 =	simm.s32 @!p2 $0x0  }
0x16: {  	s3 =	sld [smem:$0x3FDB];
	s0 =	simm.s32 @p2 $0x1  }
0x17: {  	s4 =	simm.s32 $0x1BF5;
	[smem:$0x3FB0] =	sst s0  }
0x18: {  	s0 =	sld [smem:$0x3F93];
	_ =	swait.ge [sflag:s4], $0x0  }
0x19: {  	s7 =	sld [smem:$0x3F94]  }
0x1a: {  	s8 =	sadd.s32 $0xFFFFE003, lr  }
0x1b: {  	s9 =	sadd.s32 $0xFFFFFEF7, lr;
	s5 =	simm.s32 $0xFFFFFFFF;
	p2 =	slt.u32 s8, $0xFFFFF086  }
0x1c: {  	p1 =	slt.u32 s9, $0xF7A;
	s5 =	simm.s32 @!p2 $0x0  }
0x1d: {  	s5 =	simm.s32 @p1 $0x1;
	p0 =	seq.s32 s7, s2  }
0x1e: {  	s7 =	smul.u32 @!p0 $0xF7A, s2;
	p2 =	seq.s32 @!p0 s5, $0x0  }
0x1f: {  	s9 =	smul.u32 $0xF7A, s1;
	s8 =	simm.s32 @!p0 $0x1BF5;
	p2 =	por !p2, p0  }
0x20: {  	[sflag:s8] =	ssyncset.s32 @!p0 $0xFFFFF086;
	s6 =	sadd.s32 @!p0 s3, s7;
	s7 =	simm.s32 @!p0 $0x108  }
0x21: {  	s3 =	sadd.s32 s3, s9;
	s6 =	sadd.s32 @!p0 $0x88, s6;
	s7 =	simm.s32 @p2 $0x1082  }
0x22: {  	[simem:s7], [sflag:s8] =	dma.local @!p0 [hbm:s6], $0xF7A  }
0x23: {  	s9 =	sor.u32 $0xD0000000, s2;
	s6 =	simm.s32 $0x108;
	_ =	swait.ge @!p0 [sflag:s8], $0x0  }
0x24: {  	s3 =	sadd.s32 $0x88, s3;
	s6 =	simm.s32 @!p1 $0x1082;
	[sflag:s4] =	ssyncset.s32 $0xFFFFF086  }
0x25: {  	[simem:s6], [sflag:s4] =	dma.local [hbm:s3], $0xF7A  }
0x26: {  	[smem:$0x3F94] =	sst s1;
	(tag) =	ssettag s2;
	_ =	strace s9  }
0x27: {  	s1 =	sld [smem:$0x3FA4]  }
0x28: {  	s2 =	sld [smem:$0x3FA5]  }
0x29: {  	s4 =	sld [smem:$0x3FA7]  }
0x2a: {  	p0 =	seq.s32 s5, $0x0;
	s5 =	sld [smem:$0x3FA8]  }
0x2b: {  	s6 =	sld [smem:$0x3FA9]  }
0x2c: {  	s7 =	sld [smem:$0x3FAA]  }
0x2d: {  	s3 =	simm.s32 $0x108;
	s8 =	sld [smem:$0x3FAB]  }
0x2e: {  	s3 =	simm.s32 @!p0 $0x1082;
	s9 =	sld [smem:$0x3FAC]  }
0x2f: {  	lr =	sadd.s32 s0, s3;
	s0 =	sld [smem:$0x3FA3]  }
0x30: {  	s3 =	sld [smem:$0x3FA6]  }
0x31: {  	[smem:$0x3FAF] =	sst s10  }
0x32: {  	s10 =	sld [smem:$0x3FAD];
	_ =	sdelay $0x3  }
0x33: {  	p0 =	seq.s32 s10, $0x1;
	s10 =	sld [smem:$0x3FAF];
	_ =	sdelay $0x3  }
0x34: {  	[smem:$0x3FAF] =	sst s10  }
0x35: {  	s10 =	sld [smem:$0x3FAE];
	_ =	sdelay $0x3  }
0x36: {  	p1 =	seq.s32 s10, $0x1;
	s10 =	sld [smem:$0x3FAF];
	_ =	sdelay $0x3  }
0x37: {  	[smem:$0x3FAF] =	sst s10  }
0x38: {  	s10 =	sld [smem:$0x3FB0]  }
0x39: {  	_ = 	snop;
	(pc) =	sbr.ind lr, $3  }
0x3a: {  	_ = 	snop  }
0x3b: {  	_ = 	snop  }
0x3c: {  	p2 =	seq.s32 s10, $0x1;
	s10 =	sld [smem:$0x3FAF]  }
0x3d: {  	_ =	shalt  }
0x3e: {  	_ =	shalt  }
0x3f: {  	_ =	shalt  }
0x40: {  	_ =	shalt  }
0x41: {  	_ =	shalt  }
0x42: {  	_ =	shalt  }
0x43: {  	_ =	shalt  }
0x44: {  	_ =	shalt  }
0x45: {  	_ =	shalt  }
0x46: {  	_ =	shalt  }
0x47: {  	_ =	shalt  }
0x48: {  	_ =	shalt  }
0x49: {  	_ =	shalt  }
0x4a: {  	_ =	shalt  }
0x4b: {  	_ =	shalt  }
0x4c: {  	_ =	shalt  }
0x4d: {  	_ =	shalt  }
0x4e: {  	_ =	shalt  }
0x4f: {  	_ =	shalt  }
0x50: {  	_ =	shalt  }
0x51: {  	_ =	shalt  }
0x52: {  	_ =	shalt  }
0x53: {  	_ =	shalt  }
0x54: {  	_ =	shalt  }
0x55: {  	_ =	shalt  }
0x56: {  	_ =	shalt  }
0x57: {  	_ =	shalt  }
0x58: {  	_ =	shalt  }
0x59: {  	_ =	shalt  }
0x5a: {  	_ =	shalt  }
0x5b: {  	_ =	shalt  }
0x5c: {  	_ =	shalt  }
0x5d: {  	_ =	shalt  }
0x5e: {  	_ =	shalt  }
0x5f: {  	_ =	shalt  }
0x60: {  	_ =	shalt  }
0x61: {  	_ =	shalt  }
0x62: {  	_ =	shalt  }
0x63: {  	_ =	shalt  }
0x64: {  	_ =	shalt  }
0x65: {  	_ =	shalt  }
0x66: {  	_ =	shalt  }
0x67: {  	_ =	shalt  }
0x68: {  	_ =	shalt  }
0x69: {  	_ =	shalt  }
0x6a: {  	_ =	shalt  }
0x6b: {  	_ =	shalt  }
0x6c: {  	_ =	shalt  }
0x6d: {  	_ =	shalt  }
0x6e: {  	_ =	shalt  }
0x6f: {  	_ =	shalt  }
0x70: {  	_ =	shalt  }
0x71: {  	_ =	shalt  }
0x72: {  	_ =	shalt  }
0x73: {  	_ =	shalt  }
0x74: {  	_ =	shalt  }
0x75: {  	_ =	shalt  }
0x76: {  	_ =	shalt  }
0x77: {  	_ =	shalt  }
0x78: {  	_ =	shalt  }
0x79: {  	_ =	shalt  }
0x7a: {  	_ =	shalt  }
0x7b: {  	_ =	shalt  }
0x7c: {  	_ =	shalt  }
0x7d: {  	_ =	shalt  }
0x7e: {  	_ =	shalt  }
0x7f: {  	_ =	shalt  }
0x80: {  	_ =	shalt  }
0x81: {  	_ =	shalt  }
0x82: {  	_ =	shalt  }
0x83: {  	_ =	shalt  }
0x84: {  	_ =	shalt  }
0x85: {  	_ =	shalt  }
0x86: {  	_ =	shalt  }
0x87: {  	_ =	shalt  }
.Lfunc_end0:
.L_simem_size_0:
called_computation.2_lowered:
.L_overlay_start_0:
0x88: {  	s2 =	sld [smem:$0x3FD9]  }
0x89: {  	s3 =	sld [smem:$0x3FFE];
	_ =	sdelay $0x1  }
0x8a: {  	s1 =	srdreg.scid  }
0x8b: {  	s0 =	sand.u32 $0x1, s1  }
0x8c: {  	s17 =	sshll.u32 s0, $0xA;
	s2 =	sadd.s32 s3, s2  }
0x8d: {  	s2 =	sadd.s32 s2, s17  }
0x8e: {  	[smem:$0x3FBB] =	sst s2  }
0x8f: {  	_ = 	snop  }
0x90: {  	(tm) =	ssettm $0x1  }
0x91: {  	s18 =	sld [smem:$0x3FFB];
	_ =	sdelay $0x3  }
0x92: {  	_ =	strace s18  }
0x93: {  	s2 =	sld [smem:$0x3FFC];
	_ =	sdelay $0x3  }
0x94: {  	_ =	strace s2  }
0x95: {  	s2 =	sld [smem:$0x3FFD];
	_ =	sdelay $0x3  }
0x96: {  	_ =	strace s2  }
0x97: {  	_ =	strace $0x8FFFFFFF  }
0x98: {  	s19 =	sld [smem:$0x3FDB];
	_ =	sdelay $0x1  }
0x99: {  	s20 =	simm.s32 $_scs_section_size  }
0x9a: {  	s4 =	simm.s32 $_size__tile_overlayer_lowered;
	s5 =	simm.s32 $_tile_overlayer_lowered  }
0x9b: {  	s6 =	simm.s32 $0x1BFF;
	s21 =	sshll.u32 s5, $0x1;
	s3 =	sadd.s32 s20, s19  }
0x9c: {  	s22 =	simm.s32 $0x0;
	s4 =	sshll.u32 s4, $0x1;
	s5 =	sadd.s32 s21, s3  }
0x9d: {  	[timem:s22], [sflag:s6] =	dma.local [hbm:s5], s4  }
0x9e: {  	_ =	swait.ge [sflag:s6], s4  }
0x9f: {  	s4 =	ssub.s32 $0x0, s4;
	[sflag:s6] =	ssyncset.done $0x0  }
0xa0: {  	[sflag:s6] =	ssyncadd.s32 s4;
	_ =	sdelay $0x1  }
0xa1: {  	s23 =	simm.s32 $0x1B8B  }
0xa2: {  	_ =	swait.ge [sflag:s23], $0x1  }
0xa3: {  	[sflag:s23] =	ssyncset.done $0x0  }
0xa4: {  	[sflag:s23] =	ssyncadd.s32 $0xFFFFFFFF  }
0xa5: {  	s4 =	sld [smem:$0x0]  }
0xa6: {  	s5 =	sand.u32 $0xFFFFFFFE, s1  }
0xa7: {  	p0 =	sne.s32 s1, s5  }
0xa8: {  	s5 =	sshll.u32 @p0 s5, $0xE  }
0xa9: {  	s5 =	sadd.s32 @p0 $0x11B8D, s5;
	s6 =	sshll.u32 @p0 s4, $0x11  }
0xaa: {  	s5 =	sor.u32 @p0 s6, s5  }
0xab: {  	[sflag:s5] =	ssyncadd.remote.s32 @p0 $0x1;
	_ =	sdelay $0x1  }
0xac: {  	s5 =	simm.s32 @p0 $0x1B8D  }
0xad: {  	_ =	swait.eq @p0 [sflag:s5], $0x1  }
0xae: {  	[sflag:s5] =	ssyncadd.s32 @p0 $0xFFFFFFFF  }
0xaf: {  	s6 =	sshll.u32 @!p0 s1, $0xE  }
0xb0: {  	s6 =	sor.u32 @!p0 $0x4000, s6;
	s5 =	simm.s32 @!p0 $0x1B8D  }
0xb1: {  	s4 =	sshll.u32 @!p0 s4, $0x11;
	s6 =	sadd.s32 @!p0 $0x11B8D, s6;
	_ =	swait.eq @!p0 [sflag:s5], $0x1  }
0xb2: {  	s4 =	sor.u32 @!p0 s4, s6;
	[sflag:s5] =	ssyncadd.s32 @!p0 $0xFFFFFFFF  }
0xb3: {  	s25 =	simm.s32 $0x1B8E;
	s24 =	sld [smem:$0x3FFE];
	[sflag:s4] =	ssyncadd.remote.s32 @!p0 $0x1  }
0xb4: {  	s26 =	simm.s32 $execute0_lowered;
	[smem:$0x3FD2] =	sst s25  }
0xb5: {  	s5 =	sshll.u32 s26, $0x1;
	_ =	strace $0x8000004C;
	[dreg:$0x1] =	wrdreg $0xFFFFFFFF  }
0xb6: {  	s28 =	simm.s32 $_size_execute0_lowered;
	s3 =	sadd.s32 s3, s5;
	[dreg:$0x0] =	wrdreg $0x0  }
0xb7: {  	s5 =	sshll.u32 s28, $0x1;
	[dreg:$0x2] =	wrdreg s3  }
0xb8: {  	[dreg:$0x3] =	wrdreg s5  }
0xb9: {  	[dreg:$0x4] =	wrdreg $0xC0  }
0xba: {  	_ =	task [dreg:s22], $0x5FFFF  }
0xbb: {  	[dreg:$0x1] =	wrdreg $0xFFFFFFFF  }
0xbc: {  	[dreg:$0x0] =	wrdreg $0x60  }
0xbd: {  	[dreg:$0x2] =	wrdreg s24  }
0xbe: {  	[dreg:$0x3] =	wrdreg $0xD  }
0xbf: {  	_ =	task.clear_ibuf [dreg:s22], $0x4FFFF;
	_ =	strace $0x9000004C  }
0xc0: {  	s29 =	simm.s32 $0xD;
	_ =	strace $0x8000004E  }
0xc1: {  	_ =	swait.ge [sflag:s29], $0x1  }
0xc2: {  	[sflag:s29] =	ssyncadd.s32 $0xFFFFFFFF  }
0xc3: {  	_ =	strace $0x9000004E  }
0xc4: {  	_ =	sfence  }
0xc5: {  	s30 =	sld [smem:$0x0];
	_ =	sdelay $0x2  }
0xc6: {  	s31 =	sshll.u32 s1, $0xD;
	s1 =	sshrl.u32 s1, $0x2  }
0xc7: {  	s4 =	sand.u32 $0x4000, s31;
	s1 =	sadd.s32 s1, s30  }
0xc8: {  	s0 =	sor.u32 s4, s0;
	s1 =	sshll.u32 s1, $0x11  }
0xc9: {  	s0 =	sor.u32 s1, s0  }
0xca: {  	s0 =	sadd.s32 $0x8F2B, s0  }
0xcb: {  	[sflag:s0] =	ssyncadd.remote.s32 $0x1  }
0xcc: {  	_ =	sfence.sel $0xFFFF  }
0xcd: {  	[dreg:$0x0] =	wrdreg $0xFFFFFFFF;
	(pc) =	sbr.abs _section_cstart, $3  }
0xce: {  	[dreg:$0x1] =	wrdreg $0xFFFFFFFF  }
0xcf: {  	_ =	task.clear_ibuf [dreg:s22], $0x2FFFF;
	_ =	strace $0x9FFFFFFF  }
0xd0: {  	(tm) =	ssettm $0x7FFFFFFF  }
0xd1: {  	_ =	shalt  }
tec
execute0_lowered:
.L_overlay_start_1:
0x0: {  	(tag) =	ssettag $0x1  }
0x1: {  	s8 =	rddreg [dreg:$0x0];
	s1 =	stileid.u32  }
0x2: {  	s2 =	srdreg.scid;
	s0 =	rddreg [dreg:$0x1]  }
0x3: {  	_ =	strace $0x8000004D;
	s5 =	simm.s32 $0x1;
	s9 =	simm.s32 $0x1  }
0x4: {  	s10 =	simm.s32 $0x3;
	s2 =	sand.u32 $0x1, s2;
	s3 =	sshll.u32 s1, $0x1  }
0x5: {  	s13 =	simm.s32 $0x0;
	s12 =	simm.s32 $0x0;
	s6 =	sor.u32 s3, s2  }
0x6: {  	[sflag:s5] =	ssyncpa.u1 $0x0;
	s2 =	sadd.s32 $0x5600, s8;
	s4 =	smul.u32 $0x320, s6  }
0x7: {  	s3 =	sadd.s32 $0xB600, s8;
	p0 =	slt.u32 s6, $0x9;
	s6 =	simm.s32 $0x6400  }
.Ltmp0:
0x8: {  	s6 =	simm.s32 @!p0 $0x0;
	s7 =	ssub.s32 $0x7D00, s4;
	(pc) =	sbr.rel .LBB2_1-.Ltmp0, $4  }
0x9: {  	s9 =	simm.s32 @!p0 $0x0;
	p0 =	sne.s32 s7, s6;
	s7 =	simm.s32 $0x1  }
0xa: {  	s8 =	sadd.s32 $0x39800, s8;
	s6 =	simm.s32 $0x2;
	s7 =	simm.s32 @!p0 $0x0  }
0xb: {  	s11 =	smov.u32 s4;
	[sflag:s6] =	ssyncpa.u1 $0x0;
	s7 =	sadd.s32 s9, s7  }
0xc: {  	vm0 =	vmmov $0xffff;
	[sflag:s10] =	ssyncpa.u1 $0x0;
	s10 =	simm.s32 $0x0;
	s9 =	sadd.s32 $0x1, s7  }
.LBB2_4:
0xd: {  	v2 =	vnsel vm1, $0x0, v2  }
0xe: {  	vm1 =	vgt.s32 v0, $0x0;
	v2 =	vmin.u32 v2, $0x7CFF  }
0xf: {  	v0 =	vnsel vm1, $0x0, v0  }
0x10: {  	v0 =	vmin.u32 v0, $0x7CFF  }
0x11: {  	[tilespmem:s18], [sflag:$0x1] =	stream.indirect_vreg.gather [hbm4b:s2+s10], $0x1, v1, vm0, $0x4038;
	[tilespmem:$0xC80] =	vst v63  }
0x12: {  	(ifvalue) =	ssetifvalue $0x7FFFFFFF  }
0x13: {  	[tilespmem:s15], [sflag:$0x1] =	stream.indirect_vreg.gather [hbm4b:s2+s10], $0x1, v2, vm0, $0x4038;
	[tilespmem:$0xC80] =	vst v63  }
0x14: {  	s29 =	sadd.s32 $0x10, s15;
	(ifvalue) =	ssetifvalue $0x7FFFFFFF  }
0x15: {  	[tilespmem:s29], [sflag:$0x1] =	stream.indirect_vreg.gather [hbm4b:s2+s10], $0x1, v0, vm0, $0x4038;
	[tilespmem:$0xC80] =	vst v63  }
0x16: {  	_ =	swait.ge [sflag:s5], $0x320  }
0x17: {  	s30 =	sshrl.u32 s13, $0x3;
	[sflag:s5] =	ssyncset.done $0x0  }
0x18: {  	s31 =	sand.u32 $0x7, s13;
	s15 =	sadd.s32 s8, s30;
	[sflag:s5] =	ssyncadd.s32 $0xFFFFFCE0  }
0x19: {  	[hbm4b:s15+s31] =	stream.linear.scatter [tilespmem:s14], [sflag:$0x3], $0x320, $0x38;
	[tilespmem:$0xC80] =	vst v63  }
.LBB2_5:
0x1a: {  	s15 =	sadd.s32 $0x6400, s11  }
0x1b: {  	p1 =	sgt.s32 s15, $0x7CFF  }
0x1c: {  	s15 =	smov.u32 @p1 s4;
	p1 =	sne.s32 s12, s9  }
.Ltmp1:
0x1d: {  	p0 =	slt.u32 s12, $0x2;
	(pc) =	sbr.rel @!p1 .LBB2_6-.Ltmp1, $4  }
0x1e: {  	s14 =	simm.s32 @!p0 $0x3  }
0x1f: {  	_ =	swait.ge @!p0 [sflag:s14], $0x320  }
0x20: {  	s16 =	sadd.s32 $0x1, s12;
	s13 =	smov.u32 s11;
	[sflag:s14] =	ssyncset.done @!p0 $0x0  }
0x21: {  	s12 =	smov.u32 s16;
	s11 =	smov.u32 s15;
	[sflag:s14] =	ssyncadd.s32 @!p0 $0xFFFFFCE0  }
.LBB2_1:
0x22: {  	p0 =	sge.u32 s12, s7  }
0x23: {  	s14 =	sxor.u32 @!p0 $0x1, s12  }
0x24: {  	s14 =	smul.u32 @!p0 $0xC80, s14  }
0x25: {  	s31 =	sadd.s32 $0xFFFFFFFF, s12;
	s15 =	sshrl.u32 @!p0 s11, $0x3  }
0x26: {  	s16 =	sand.u32 @!p0 $0x7, s11;
	s15 =	sadd.s32 @!p0 s3, s15;
	s14 =	sshra.s32 @!p0 s14, $0x2  }
0x27: {  	[tilespmem:s14], [sflag:$0x2] =	stream.linear.gather @!p0 [hbm4b:s15+s16], $0x320, $0x38;
	[tilespmem:$0xC80] =	vst v63  }
0x28: {  	p0 =	sge.u32 s31, s7  }
.Ltmp2:
0x29: {  	_ = 	snop;
	(pc) =	sbr.rel @p0 .LBB2_5-.Ltmp2, $1  }
0x2a: {  	_ =	sdelay $0x3  }
0x2b: {  	s14 =	sand.u32 $0x1, s12  }
0x2c: {  	_ =	swait.ge [sflag:s6], $0x320;
	p0 =	seq.s32 s14, $0x1;
	s14 =	simm.s32 $0x320  }
0x2d: {  	[sflag:s6] =	ssyncset.done $0x0;
	s14 =	simm.s32 @!p0 $0x0  }
0x2e: {  	[sflag:s6] =	ssyncadd.s32 $0xFFFFFCE0;
	(ifvalue) =	ssetifvalue $0x7FFFFFFF;
	v0 =	vld.msk [tilespmem:s14+$0x0 ss:$0x1], $0xffff;
	_ =	sdelay $0x4  }
0x2f: {  	s15 =	sadd.s32 $0x10, s14;
	vm1 =	vgt.s32 v0, $0x0  }
0x30: {  	v2 =	vld.msk [tilespmem:s15+$0x0 ss:$0x1], $0xffff;
	v1 =	vnsel vm1, $0x0, v0  }
0x31: {  	v1 =	vmin.u32 v1, $0x7CFF;
	_ =	sdelay $0x2  }
0x32: {  	s17 =	simm.s32 $0x20;
	s14 =	sadd.s32 $0x640, s14;
	s16 =	sadd.s32 $0x10, s15  }
0x33: {  	s15 =	sadd.s32 $0x10, s14;
	s18 =	smov.u32 s14;
	v0 =	vld.msk [tilespmem:s16+$0x0 ss:$0x1], $0xffff;
	vm1 =	vgt.s32 v2, $0x0;
	(ifvalue) =	ssetifvalue $0x7FFFFFFF  }
.LBB2_3:
0x34: {  	[tilespmem:s18], [sflag:$0x1] =	stream.indirect_vreg.gather [hbm4b:s2+s10], $0x1, v1, vm0, $0x4038;
	[tilespmem:$0xC80] =	vst v63  }
0x35: {  	s17 =	sadd.s32 $0x10, s17  }
0x36: {  	v2 =	vnsel vm1, $0x0, v2;
	p0 =	slt.u32 s17, $0x310  }
.Ltmp3:
0x37: {  	s18 =	smov.u32 s15;
	v1 =	vmin.u32 v2, $0x7CFF;
	(pc) =	sbr.rel @p0 .LBB2_3-.Ltmp3, $3  }
0x38: {  	_ =	sdelay $0x1  }
0x39: {  	s16 =	sadd.s32 $0x10, s16  }
0x3a: {  	vm1 =	vgt.s32 v0, $0x0;
	s15 =	sadd.s32 $0x10, s15;
	v2 =	vmov v0;
	(ifvalue) =	ssetifvalue $0x7FFFFFFF;
	v0 =	vld.msk [tilespmem:s16+$0x0 ss:$0x1], $0xffff  }
.Ltmp4:
0x3b: {  	_ = 	snop;
	(pc) =	sbr.rel .LBB2_4-.Ltmp4, $1  }
0x3c: {  	_ =	sdelay $0x3  }
.LBB2_6:
0x3d: {  	_ =	sfence.sel $0x180000  }
0x3e: {  	s2 =	simm.s32 $0x2;
	[bflag:$0x0] =	sbarrier.arrive $0xFFFF  }
0x3f: {  	s30 =	simm.s32 $0x3;
	[sflag:s2] =	ssyncpa.u1 $0x1  }
0x40: {  	s31 =	simm.s32 $0x1;
	[sflag:s30] =	ssyncpa.u1 $0x1  }
0x41: {  	[sflag:s31] =	ssyncpa.u1 $0x1  }
0x42: {  	p0 =	sne.s32 s1, $0x0;
	_ =	strace $0x9000004D  }
0x43: {  	s0 =	sadd.s32 @!p0 $0x100000, s0;
	[bflag:$0x2] =	sbarrier.arrive $0xFFFF  }
0x44: {  	[sflag:s0] =	ssyncadd.tile.s32 @!p0 $0x1;
	_ =	shalt  }
.Lfunc_end2:
_tile_overlayer_lowered:
.L_overlay_start_2:
0x45: {  	(tag) =	ssettag $0x2  }
0x46: {  	s0 =	rddreg [dreg:$0x0];
	s2 =	stileid.u32  }
0x47: {  	s1 =	rddreg [dreg:$0x1];
	p0 =	sne.s32 s2, $0x0  }
0x48: {  	s3 =	rddreg [dreg:$0x2];
	[bflag:$0x3] =	sbarrier.arrive $0xFFFF;
	s2 =	simm.s32 @!p0 $0x1C01  }
0x49: {  	[timem:s3], [sflag:s2] =	dma.local @!p0 [hbm:s0], s1  }
0x4a: {  	s0 =	simm.s32 @!p0 $0x1  }
0x4b: {  	_ =	swait.ge @!p0 [sflag:s0], s1  }
0x4c: {  	s1 =	ssub.s32 @!p0 $0x0, s1;
	[sflag:s0] =	ssyncset.done @!p0 $0x0  }
0x4d: {  	[sflag:s0] =	ssyncadd.s32 @!p0 s1  }
0x4e: {  	[bflag:$0x3] =	sbarrier.arrive $0xFFFF  }
0x4f: {  	_ =	shalt  }

// kernel: gather_offload_async_start.3
scs
__scs_entry_jumppad:
0x0: {  	(pc) =	sbr.rel $0x88, $3  }
0x1: {  	(tag) =	ssettag $0x0;
	lr =	simm.s32 $0x1  }
0x2: {  	[smem:$0x3F94] =	sst lr;
	_ =	strace $0xD0000000  }
0x3: {  	_ = 	snop  }
0x4: {  	_ = 	snop  }
0x5: {  	_ = 	snop  }
0x6: {  	_ = 	snop  }
0x7: {  	_ = 	snop  }
__scs_overlays_trampoline_lowered:
0x8: {  	[smem:$0x3FA3] =	sst s0  }
0x9: {  	[smem:$0x3FA4] =	sst s1  }
0xa: {  	[smem:$0x3FA5] =	sst s2  }
0xb: {  	[smem:$0x3FA6] =	sst s3  }
0xc: {  	[smem:$0x3FA7] =	sst s4  }
0xd: {  	[smem:$0x3FA8] =	sst s5  }
0xe: {  	[smem:$0x3FA9] =	sst s6  }
0xf: {  	[smem:$0x3FAA] =	sst s7  }
0x10: {  	[smem:$0x3FAB] =	sst s8  }
0x11: {  	[smem:$0x3FAC] =	sst s9;
	s0 =	simm.s32 @!p0 $0x0  }
0x12: {  	s1 =	sld [smem:$0x3F92];
	s0 =	simm.s32 @p0 $0x1  }
0x13: {  	[smem:$0x3FAD] =	sst s0;
	s0 =	simm.s32 @!p1 $0x0  }
0x14: {  	s2 =	sld [smem:$0x3F91];
	s0 =	simm.s32 @p1 $0x1  }
0x15: {  	[smem:$0x3FAE] =	sst s0;
	s0 =	simm.s32 @!p2 $0x0  }
0x16: {  	s3 =	sld [smem:$0x3FDB];
	s0 =	simm.s32 @p2 $0x1  }
0x17: {  	s4 =	simm.s32 $0x1BF5;
	[smem:$0x3FB0] =	sst s0  }
0x18: {  	s0 =	sld [smem:$0x3F93];
	_ =	swait.ge [sflag:s4], $0x0  }
0x19: {  	s7 =	sld [smem:$0x3F94]  }
0x1a: {  	s8 =	sadd.s32 $0xFFFFE003, lr  }
0x1b: {  	s9 =	sadd.s32 $0xFFFFFEF7, lr;
	s5 =	simm.s32 $0xFFFFFFFF;
	p2 =	slt.u32 s8, $0xFFFFF086  }
0x1c: {  	p1 =	slt.u32 s9, $0xF7A;
	s5 =	simm.s32 @!p2 $0x0  }
0x1d: {  	s5 =	simm.s32 @p1 $0x1;
	p0 =	seq.s32 s7, s2  }
0x1e: {  	s7 =	smul.u32 @!p0 $0xF7A, s2;
	p2 =	seq.s32 @!p0 s5, $0x0  }
0x1f: {  	s9 =	smul.u32 $0xF7A, s1;
	s8 =	simm.s32 @!p0 $0x1BF5;
	p2 =	por !p2, p0  }
0x20: {  	[sflag:s8] =	ssyncset.s32 @!p0 $0xFFFFF086;
	s6 =	sadd.s32 @!p0 s3, s7;
	s7 =	simm.s32 @!p0 $0x108  }
0x21: {  	s3 =	sadd.s32 s3, s9;
	s6 =	sadd.s32 @!p0 $0x88, s6;
	s7 =	simm.s32 @p2 $0x1082  }
0x22: {  	[simem:s7], [sflag:s8] =	dma.local @!p0 [hbm:s6], $0xF7A  }
0x23: {  	s9 =	sor.u32 $0xD0000000, s2;
	s6 =	simm.s32 $0x108;
	_ =	swait.ge @!p0 [sflag:s8], $0x0  }
0x24: {  	s3 =	sadd.s32 $0x88, s3;
	s6 =	simm.s32 @!p1 $0x1082;
	[sflag:s4] =	ssyncset.s32 $0xFFFFF086  }
0x25: {  	[simem:s6], [sflag:s4] =	dma.local [hbm:s3], $0xF7A  }
0x26: {  	[smem:$0x3F94] =	sst s1;
	(tag) =	ssettag s2;
	_ =	strace s9  }
0x27: {  	s1 =	sld [smem:$0x3FA4]  }
0x28: {  	s2 =	sld [smem:$0x3FA5]  }
0x29: {  	s4 =	sld [smem:$0x3FA7]  }
0x2a: {  	p0 =	seq.s32 s5, $0x0;
	s5 =	sld [smem:$0x3FA8]  }
0x2b: {  	s6 =	sld [smem:$0x3FA9]  }
0x2c: {  	s7 =	sld [smem:$0x3FAA]  }
0x2d: {  	s3 =	simm.s32 $0x108;
	s8 =	sld [smem:$0x3FAB]  }
0x2e: {  	s3 =	simm.s32 @!p0 $0x1082;
	s9 =	sld [smem:$0x3FAC]  }
0x2f: {  	lr =	sadd.s32 s0, s3;
	s0 =	sld [smem:$0x3FA3]  }
0x30: {  	s3 =	sld [smem:$0x3FA6]  }
0x31: {  	[smem:$0x3FAF] =	sst s10  }
0x32: {  	s10 =	sld [smem:$0x3FAD];
	_ =	sdelay $0x3  }
0x33: {  	p0 =	seq.s32 s10, $0x1;
	s10 =	sld [smem:$0x3FAF];
	_ =	sdelay $0x3  }
0x34: {  	[smem:$0x3FAF] =	sst s10  }
0x35: {  	s10 =	sld [smem:$0x3FAE];
	_ =	sdelay $0x3  }
0x36: {  	p1 =	seq.s32 s10, $0x1;
	s10 =	sld [smem:$0x3FAF];
	_ =	sdelay $0x3  }
0x37: {  	[smem:$0x3FAF] =	sst s10  }
0x38: {  	s10 =	sld [smem:$0x3FB0]  }
0x39: {  	_ = 	snop;
	(pc) =	sbr.ind lr, $3  }
0x3a: {  	_ = 	snop  }
0x3b: {  	_ = 	snop  }
0x3c: {  	p2 =	seq.s32 s10, $0x1;
	s10 =	sld [smem:$0x3FAF]  }
0x3d: {  	_ =	shalt  }
0x3e: {  	_ =	shalt  }
0x3f: {  	_ =	shalt  }
0x40: {  	_ =	shalt  }
0x41: {  	_ =	shalt  }
0x42: {  	_ =	shalt  }
0x43: {  	_ =	shalt  }
0x44: {  	_ =	shalt  }
0x45: {  	_ =	shalt  }
0x46: {  	_ =	shalt  }
0x47: {  	_ =	shalt  }
0x48: {  	_ =	shalt  }
0x49: {  	_ =	shalt  }
0x4a: {  	_ =	shalt  }
0x4b: {  	_ =	shalt  }
0x4c: {  	_ =	shalt  }
0x4d: {  	_ =	shalt  }
0x4e: {  	_ =	shalt  }
0x4f: {  	_ =	shalt  }
0x50: {  	_ =	shalt  }
0x51: {  	_ =	shalt  }
0x52: {  	_ =	shalt  }
0x53: {  	_ =	shalt  }
0x54: {  	_ =	shalt  }
0x55: {  	_ =	shalt  }
0x56: {  	_ =	shalt  }
0x57: {  	_ =	shalt  }
0x58: {  	_ =	shalt  }
0x59: {  	_ =	shalt  }
0x5a: {  	_ =	shalt  }
0x5b: {  	_ =	shalt  }
0x5c: {  	_ =	shalt  }
0x5d: {  	_ =	shalt  }
0x5e: {  	_ =	shalt  }
0x5f: {  	_ =	shalt  }
0x60: {  	_ =	shalt  }
0x61: {  	_ =	shalt  }
0x62: {  	_ =	shalt  }
0x63: {  	_ =	shalt  }
0x64: {  	_ =	shalt  }
0x65: {  	_ =	shalt  }
0x66: {  	_ =	shalt  }
0x67: {  	_ =	shalt  }
0x68: {  	_ =	shalt  }
0x69: {  	_ =	shalt  }
0x6a: {  	_ =	shalt  }
0x6b: {  	_ =	shalt  }
0x6c: {  	_ =	shalt  }
0x6d: {  	_ =	shalt  }
0x6e: {  	_ =	shalt  }
0x6f: {  	_ =	shalt  }
0x70: {  	_ =	shalt  }
0x71: {  	_ =	shalt  }
0x72: {  	_ =	shalt  }
0x73: {  	_ =	shalt  }
0x74: {  	_ =	shalt  }
0x75: {  	_ =	shalt  }
0x76: {  	_ =	shalt  }
0x77: {  	_ =	shalt  }
0x78: {  	_ =	shalt  }
0x79: {  	_ =	shalt  }
0x7a: {  	_ =	shalt  }
0x7b: {  	_ =	shalt  }
0x7c: {  	_ =	shalt  }
0x7d: {  	_ =	shalt  }
0x7e: {  	_ =	shalt  }
0x7f: {  	_ =	shalt  }
0x80: {  	_ =	shalt  }
0x81: {  	_ =	shalt  }
0x82: {  	_ =	shalt  }
0x83: {  	_ =	shalt  }
0x84: {  	_ =	shalt  }
0x85: {  	_ =	shalt  }
0x86: {  	_ =	shalt  }
0x87: {  	_ =	shalt  }
.Lfunc_end0:
.L_simem_size_0:
called_computation.3_lowered:
.L_overlay_start_0:
0x88: {  	s2 =	sld [smem:$0x3FD9]  }
0x89: {  	s3 =	sld [smem:$0x3FFE];
	_ =	sdelay $0x1  }
0x8a: {  	s1 =	srdreg.scid  }
0x8b: {  	s0 =	sand.u32 $0x1, s1  }
0x8c: {  	s16 =	sshll.u32 s0, $0xA;
	s2 =	sadd.s32 s3, s2  }
0x8d: {  	s2 =	sadd.s32 s2, s16  }
0x8e: {  	[smem:$0x3FBB] =	sst s2  }
0x8f: {  	_ = 	snop  }
0x90: {  	(tm) =	ssettm $0x1  }
0x91: {  	s17 =	sld [smem:$0x3FFB];
	_ =	sdelay $0x3  }
0x92: {  	_ =	strace s17  }
0x93: {  	s2 =	sld [smem:$0x3FFC];
	_ =	sdelay $0x3  }
0x94: {  	_ =	strace s2  }
0x95: {  	s2 =	sld [smem:$0x3FFD];
	_ =	sdelay $0x3  }
0x96: {  	_ =	strace s2  }
0x97: {  	_ =	strace $0x8FFFFFFF  }
0x98: {  	s18 =	sld [smem:$0x3FDB];
	_ =	sdelay $0x1  }
0x99: {  	s19 =	simm.s32 $_scs_section_size  }
0x9a: {  	s4 =	simm.s32 $_size__tile_overlayer_lowered;
	s5 =	simm.s32 $_tile_overlayer_lowered  }
0x9b: {  	s22 =	simm.s32 $0x1BFF;
	s21 =	sshll.u32 s5, $0x1;
	s2 =	sadd.s32 s19, s18  }
0x9c: {  	s6 =	simm.s32 $0x0;
	s20 =	sshll.u32 s4, $0x1;
	s4 =	sadd.s32 s21, s2  }
0x9d: {  	[timem:s6], [sflag:s22] =	dma.local [hbm:s4], s20  }
0x9e: {  	_ =	swait.ge [sflag:s22], s20  }
0x9f: {  	s3 =	ssub.s32 $0x0, s20;
	[sflag:s22] =	ssyncset.done $0x0  }
0xa0: {  	[sflag:s22] =	ssyncadd.s32 s3;
	_ =	sdelay $0x1  }
0xa1: {  	s23 =	simm.s32 $0x1B8B  }
0xa2: {  	_ =	swait.ge [sflag:s23], $0x1  }
0xa3: {  	[sflag:s23] =	ssyncset.done $0x0  }
0xa4: {  	s25 =	simm.s32 $0x1B8E;
	s24 =	sld [smem:$0x3FFE];
	[sflag:s23] =	ssyncadd.s32 $0xFFFFFFFF  }
0xa5: {  	s26 =	simm.s32 $execute0_lowered;
	[smem:$0x3FD2] =	sst s25  }
0xa6: {  	s4 =	sshll.u32 s26, $0x1;
	_ =	strace $0x80000046;
	[dreg:$0x1] =	wrdreg $0xFFFFFFFF  }
0xa7: {  	s28 =	simm.s32 $_size_execute0_lowered;
	s2 =	sadd.s32 s2, s4;
	[dreg:$0x0] =	wrdreg $0x0  }
0xa8: {  	s4 =	sshll.u32 s28, $0x1;
	[dreg:$0x2] =	wrdreg s2  }
0xa9: {  	[dreg:$0x3] =	wrdreg s4  }
0xaa: {  	[dreg:$0x4] =	wrdreg $0xC0  }
0xab: {  	_ =	task [dreg:s6], $0x5FFFF  }
0xac: {  	[dreg:$0x1] =	wrdreg $0xFFFFFFFF  }
0xad: {  	[dreg:$0x0] =	wrdreg $0x60  }
0xae: {  	[dreg:$0x2] =	wrdreg s24  }
0xaf: {  	[dreg:$0x3] =	wrdreg $0x9  }
0xb0: {  	_ =	task.clear_ibuf [dreg:s6], $0x4FFFF;
	_ =	strace $0x90000046  }
0xb1: {  	s29 =	simm.s32 $0x9;
	_ =	strace $0x80000048  }
0xb2: {  	_ =	swait.ge [sflag:s29], $0x1  }
0xb3: {  	[sflag:s29] =	ssyncadd.s32 $0xFFFFFFFF  }
0xb4: {  	_ =	strace $0x90000048  }
0xb5: {  	_ =	sfence  }
0xb6: {  	s30 =	sld [smem:$0x0];
	_ =	sdelay $0x2  }
0xb7: {  	s31 =	sshll.u32 s1, $0xD;
	s1 =	sshrl.u32 s1, $0x2  }
0xb8: {  	s3 =	sand.u32 $0x4000, s31;
	s1 =	sadd.s32 s1, s30  }
0xb9: {  	s0 =	sor.u32 s3, s0;
	s1 =	sshll.u32 s1, $0x11  }
0xba: {  	s0 =	sor.u32 s1, s0  }
0xbb: {  	s0 =	sadd.s32 $0x8F2B, s0  }
0xbc: {  	[sflag:s0] =	ssyncadd.remote.s32 $0x1  }
0xbd: {  	_ =	sfence.sel $0xFFFF  }
0xbe: {  	[dreg:$0x0] =	wrdreg $0xFFFFFFFF;
	(pc) =	sbr.abs _section_cstart, $3  }
0xbf: {  	[dreg:$0x1] =	wrdreg $0xFFFFFFFF  }
0xc0: {  	_ =	task.clear_ibuf [dreg:s6], $0x2FFFF;
	_ =	strace $0x9FFFFFFF  }
0xc1: {  	(tm) =	ssettm $0x7FFFFFFF  }
tec
execute0_lowered:
.L_overlay_start_1:
0x0: {  	(tag) =	ssettag $0x1  }
0x1: {  	s8 =	rddreg [dreg:$0x0];
	s1 =	stileid.u32  }
0x2: {  	s2 =	srdreg.scid;
	s0 =	rddreg [dreg:$0x1]  }
0x3: {  	_ =	strace $0x80000047;
	s5 =	simm.s32 $0x1;
	s9 =	simm.s32 $0x1  }
0x4: {  	s10 =	simm.s32 $0x3;
	s2 =	sand.u32 $0x1, s2;
	s3 =	sshll.u32 s1, $0x1  }
0x5: {  	s13 =	simm.s32 $0x0;
	s12 =	simm.s32 $0x0;
	s6 =	sor.u32 s3, s2  }
0x6: {  	[sflag:s5] =	ssyncpa.u1 $0x0;
	s2 =	sadd.s32 $0x3600, s8;
	s4 =	smul.u32 $0x320, s6  }
0x7: {  	s3 =	sadd.s32 $0x7600, s8;
	p0 =	slt.u32 s6, $0x9;
	s6 =	simm.s32 $0x6400  }
.Ltmp0:
0x8: {  	s6 =	simm.s32 @!p0 $0x0;
	s7 =	ssub.s32 $0x7D00, s4;
	(pc) =	sbr.rel .LBB2_1-.Ltmp0, $4  }
0x9: {  	s9 =	simm.s32 @!p0 $0x0;
	p0 =	sne.s32 s7, s6;
	s7 =	simm.s32 $0x1  }
0xa: {  	s8 =	sadd.s32 $0x10600, s8;
	s6 =	simm.s32 $0x2;
	s7 =	simm.s32 @!p0 $0x0  }
0xb: {  	s11 =	smov.u32 s4;
	[sflag:s6] =	ssyncpa.u1 $0x0;
	s7 =	sadd.s32 s9, s7  }
0xc: {  	vm0 =	vmmov $0xffff;
	[sflag:s10] =	ssyncpa.u1 $0x0;
	s10 =	simm.s32 $0x0;
	s9 =	sadd.s32 $0x1, s7  }
.LBB2_4:
0xd: {  	v2 =	vnsel vm1, $0x0, v2  }
0xe: {  	vm1 =	vgt.s32 v0, $0x0;
	v2 =	vmin.u32 v2, $0x7CFF  }
0xf: {  	v0 =	vnsel vm1, $0x0, v0  }
0x10: {  	v0 =	vmin.u32 v0, $0x7CFF  }
0x11: {  	[tilespmem:s18], [sflag:$0x1] =	stream.indirect_vreg.gather [hbm4b:s2+s10], $0x1, v1, vm0, $0x4038;
	[tilespmem:$0xC80] =	vst v63  }
0x12: {  	(ifvalue) =	ssetifvalue $0x7FFFFFFF  }
0x13: {  	[tilespmem:s15], [sflag:$0x1] =	stream.indirect_vreg.gather [hbm4b:s2+s10], $0x1, v2, vm0, $0x4038;
	[tilespmem:$0xC80] =	vst v63  }
0x14: {  	s29 =	sadd.s32 $0x10, s15;
	(ifvalue) =	ssetifvalue $0x7FFFFFFF  }
0x15: {  	[tilespmem:s29], [sflag:$0x1] =	stream.indirect_vreg.gather [hbm4b:s2+s10], $0x1, v0, vm0, $0x4038;
	[tilespmem:$0xC80] =	vst v63  }
0x16: {  	_ =	swait.ge [sflag:s5], $0x320  }
0x17: {  	s30 =	sshrl.u32 s13, $0x3;
	[sflag:s5] =	ssyncset.done $0x0  }
0x18: {  	s31 =	sand.u32 $0x7, s13;
	s15 =	sadd.s32 s8, s30;
	[sflag:s5] =	ssyncadd.s32 $0xFFFFFCE0  }
0x19: {  	[hbm4b:s15+s31] =	stream.linear.scatter [tilespmem:s14], [sflag:$0x3], $0x320, $0x38;
	[tilespmem:$0xC80] =	vst v63  }
.LBB2_5:
0x1a: {  	s15 =	sadd.s32 $0x6400, s11  }
0x1b: {  	p1 =	sgt.s32 s15, $0x7CFF  }
0x1c: {  	s15 =	smov.u32 @p1 s4;
	p1 =	sne.s32 s12, s9  }
.Ltmp1:
0x1d: {  	p0 =	slt.u32 s12, $0x2;
	(pc) =	sbr.rel @!p1 .LBB2_6-.Ltmp1, $4  }
0x1e: {  	s14 =	simm.s32 @!p0 $0x3  }
0x1f: {  	_ =	swait.ge @!p0 [sflag:s14], $0x320  }
0x20: {  	s16 =	sadd.s32 $0x1, s12;
	s13 =	smov.u32 s11;
	[sflag:s14] =	ssyncset.done @!p0 $0x0  }
0x21: {  	s12 =	smov.u32 s16;
	s11 =	smov.u32 s15;
	[sflag:s14] =	ssyncadd.s32 @!p0 $0xFFFFFCE0  }
.LBB2_1:
0x22: {  	p0 =	sge.u32 s12, s7  }
0x23: {  	s14 =	sxor.u32 @!p0 $0x1, s12  }
0x24: {  	s14 =	smul.u32 @!p0 $0xC80, s14  }
0x25: {  	s31 =	sadd.s32 $0xFFFFFFFF, s12;
	s15 =	sshrl.u32 @!p0 s11, $0x3  }
0x26: {  	s16 =	sand.u32 @!p0 $0x7, s11;
	s15 =	sadd.s32 @!p0 s3, s15;
	s14 =	sshra.s32 @!p0 s14, $0x2  }
0x27: {  	[tilespmem:s14], [sflag:$0x2] =	stream.linear.gather @!p0 [hbm4b:s15+s16], $0x320, $0x38;
	[tilespmem:$0xC80] =	vst v63  }
0x28: {  	p0 =	sge.u32 s31, s7  }
.Ltmp2:
0x29: {  	_ = 	snop;
	(pc) =	sbr.rel @p0 .LBB2_5-.Ltmp2, $1  }
0x2a: {  	_ =	sdelay $0x3  }
0x2b: {  	s14 =	sand.u32 $0x1, s12  }
0x2c: {  	_ =	swait.ge [sflag:s6], $0x320;
	p0 =	seq.s32 s14, $0x1;
	s14 =	simm.s32 $0x320  }
0x2d: {  	[sflag:s6] =	ssyncset.done $0x0;
	s14 =	simm.s32 @!p0 $0x0  }
0x2e: {  	[sflag:s6] =	ssyncadd.s32 $0xFFFFFCE0;
	(ifvalue) =	ssetifvalue $0x7FFFFFFF;
	v0 =	vld.msk [tilespmem:s14+$0x0 ss:$0x1], $0xffff;
	_ =	sdelay $0x4  }
0x2f: {  	s15 =	sadd.s32 $0x10, s14;
	vm1 =	vgt.s32 v0, $0x0  }
0x30: {  	v2 =	vld.msk [tilespmem:s15+$0x0 ss:$0x1], $0xffff;
	v1 =	vnsel vm1, $0x0, v0  }
0x31: {  	v1 =	vmin.u32 v1, $0x7CFF;
	_ =	sdelay $0x2  }
0x32: {  	s17 =	simm.s32 $0x20;
	s14 =	sadd.s32 $0x640, s14;
	s16 =	sadd.s32 $0x10, s15  }
0x33: {  	s15 =	sadd.s32 $0x10, s14;
	s18 =	smov.u32 s14;
	v0 =	vld.msk [tilespmem:s16+$0x0 ss:$0x1], $0xffff;
	vm1 =	vgt.s32 v2, $0x0;
	(ifvalue) =	ssetifvalue $0x7FFFFFFF  }
.LBB2_3:
0x34: {  	[tilespmem:s18], [sflag:$0x1] =	stream.indirect_vreg.gather [hbm4b:s2+s10], $0x1, v1, vm0, $0x4038;
	[tilespmem:$0xC80] =	vst v63  }
0x35: {  	s17 =	sadd.s32 $0x10, s17  }
0x36: {  	v2 =	vnsel vm1, $0x0, v2;
	p0 =	slt.u32 s17, $0x310  }
.Ltmp3:
0x37: {  	s18 =	smov.u32 s15;
	v1 =	vmin.u32 v2, $0x7CFF;
	(pc) =	sbr.rel @p0 .LBB2_3-.Ltmp3, $3  }
0x38: {  	_ =	sdelay $0x1  }
0x39: {  	s16 =	sadd.s32 $0x10, s16  }
0x3a: {  	vm1 =	vgt.s32 v0, $0x0;
	s15 =	sadd.s32 $0x10, s15;
	v2 =	vmov v0;
	(ifvalue) =	ssetifvalue $0x7FFFFFFF;
	v0 =	vld.msk [tilespmem:s16+$0x0 ss:$0x1], $0xffff  }
.Ltmp4:
0x3b: {  	_ = 	snop;
	(pc) =	sbr.rel .LBB2_4-.Ltmp4, $1  }
0x3c: {  	_ =	sdelay $0x3  }
.LBB2_6:
0x3d: {  	_ =	sfence.sel $0x180000  }
0x3e: {  	s2 =	simm.s32 $0x2;
	[bflag:$0x0] =	sbarrier.arrive $0xFFFF  }
0x3f: {  	s30 =	simm.s32 $0x3;
	[sflag:s2] =	ssyncpa.u1 $0x1  }
0x40: {  	s31 =	simm.s32 $0x1;
	[sflag:s30] =	ssyncpa.u1 $0x1  }
0x41: {  	[sflag:s31] =	ssyncpa.u1 $0x1  }
0x42: {  	p0 =	sne.s32 s1, $0x0;
	_ =	strace $0x90000047  }
0x43: {  	s0 =	sadd.s32 @!p0 $0x100000, s0;
	[bflag:$0x2] =	sbarrier.arrive $0xFFFF  }
0x44: {  	[sflag:s0] =	ssyncadd.tile.s32 @!p0 $0x1;
	_ =	shalt  }
.Lfunc_end2:
_tile_overlayer_lowered:
.L_overlay_start_2:
0x45: {  	(tag) =	ssettag $0x2  }
0x46: {  	s0 =	rddreg [dreg:$0x0];
	s2 =	stileid.u32  }
0x47: {  	s1 =	rddreg [dreg:$0x1];
	p0 =	sne.s32 s2, $0x0  }
0x48: {  	s3 =	rddreg [dreg:$0x2];
	[bflag:$0x3] =	sbarrier.arrive $0xFFFF;
	s2 =	simm.s32 @!p0 $0x1C01  }
0x49: {  	[timem:s3], [sflag:s2] =	dma.local @!p0 [hbm:s0], s1  }
0x4a: {  	s0 =	simm.s32 @!p0 $0x1  }
0x4b: {  	_ =	swait.ge @!p0 [sflag:s0], s1  }
0x4c: {  	s1 =	ssub.s32 @!p0 $0x0, s1;
	[sflag:s0] =	ssyncset.done @!p0 $0x0  }
0x4d: {  	[sflag:s0] =	ssyncadd.s32 @!p0 s1  }
0x4e: {  	[bflag:$0x3] =	sbarrier.arrive $0xFFFF  }
0x4f: {  	_ =	shalt  }

// kernel: gather_offload_async_start.4
scs
__scs_entry_jumppad:
0x0: {  	(pc) =	sbr.rel $0x88, $3  }
0x1: {  	(tag) =	ssettag $0x0;
	lr =	simm.s32 $0x1  }
0x2: {  	[smem:$0x3F94] =	sst lr;
	_ =	strace $0xD0000000  }
0x3: {  	_ = 	snop  }
0x4: {  	_ = 	snop  }
0x5: {  	_ = 	snop  }
0x6: {  	_ = 	snop  }
0x7: {  	_ = 	snop  }
__scs_overlays_trampoline_lowered:
0x8: {  	[smem:$0x3FA3] =	sst s0  }
0x9: {  	[smem:$0x3FA4] =	sst s1  }
0xa: {  	[smem:$0x3FA5] =	sst s2  }
0xb: {  	[smem:$0x3FA6] =	sst s3  }
0xc: {  	[smem:$0x3FA7] =	sst s4  }
0xd: {  	[smem:$0x3FA8] =	sst s5  }
0xe: {  	[smem:$0x3FA9] =	sst s6  }
0xf: {  	[smem:$0x3FAA] =	sst s7  }
0x10: {  	[smem:$0x3FAB] =	sst s8  }
0x11: {  	[smem:$0x3FAC] =	sst s9;
	s0 =	simm.s32 @!p0 $0x0  }
0x12: {  	s1 =	sld [smem:$0x3F92];
	s0 =	simm.s32 @p0 $0x1  }
0x13: {  	[smem:$0x3FAD] =	sst s0;
	s0 =	simm.s32 @!p1 $0x0  }
0x14: {  	s2 =	sld [smem:$0x3F91];
	s0 =	simm.s32 @p1 $0x1  }
0x15: {  	[smem:$0x3FAE] =	sst s0;
	s0 =	simm.s32 @!p2 $0x0  }
0x16: {  	s3 =	sld [smem:$0x3FDB];
	s0 =	simm.s32 @p2 $0x1  }
0x17: {  	s4 =	simm.s32 $0x1BF5;
	[smem:$0x3FB0] =	sst s0  }
0x18: {  	s0 =	sld [smem:$0x3F93];
	_ =	swait.ge [sflag:s4], $0x0  }
0x19: {  	s7 =	sld [smem:$0x3F94]  }
0x1a: {  	s8 =	sadd.s32 $0xFFFFE003, lr  }
0x1b: {  	s9 =	sadd.s32 $0xFFFFFEF7, lr;
	s5 =	simm.s32 $0xFFFFFFFF;
	p2 =	slt.u32 s8, $0xFFFFF086  }
0x1c: {  	p1 =	slt.u32 s9, $0xF7A;
	s5 =	simm.s32 @!p2 $0x0  }
0x1d: {  	s5 =	simm.s32 @p1 $0x1;
	p0 =	seq.s32 s7, s2  }
0x1e: {  	s7 =	smul.u32 @!p0 $0xF7A, s2;
	p2 =	seq.s32 @!p0 s5, $0x0  }
0x1f: {  	s9 =	smul.u32 $0xF7A, s1;
	s8 =	simm.s32 @!p0 $0x1BF5;
	p2 =	por !p2, p0  }
0x20: {  	[sflag:s8] =	ssyncset.s32 @!p0 $0xFFFFF086;
	s6 =	sadd.s32 @!p0 s3, s7;
	s7 =	simm.s32 @!p0 $0x108  }
0x21: {  	s3 =	sadd.s32 s3, s9;
	s6 =	sadd.s32 @!p0 $0x88, s6;
	s7 =	simm.s32 @p2 $0x1082  }
0x22: {  	[simem:s7], [sflag:s8] =	dma.local @!p0 [hbm:s6], $0xF7A  }
0x23: {  	s9 =	sor.u32 $0xD0000000, s2;
	s6 =	simm.s32 $0x108;
	_ =	swait.ge @!p0 [sflag:s8], $0x0  }
0x24: {  	s3 =	sadd.s32 $0x88, s3;
	s6 =	simm.s32 @!p1 $0x1082;
	[sflag:s4] =	ssyncset.s32 $0xFFFFF086  }
0x25: {  	[simem:s6], [sflag:s4] =	dma.local [hbm:s3], $0xF7A  }
0x26: {  	[smem:$0x3F94] =	sst s1;
	(tag) =	ssettag s2;
	_ =	strace s9  }
0x27: {  	s1 =	sld [smem:$0x3FA4]  }
0x28: {  	s2 =	sld [smem:$0x3FA5]  }
0x29: {  	s4 =	sld [smem:$0x3FA7]  }
0x2a: {  	p0 =	seq.s32 s5, $0x0;
	s5 =	sld [smem:$0x3FA8]  }
0x2b: {  	s6 =	sld [smem:$0x3FA9]  }
0x2c: {  	s7 =	sld [smem:$0x3FAA]  }
0x2d: {  	s3 =	simm.s32 $0x108;
	s8 =	sld [smem:$0x3FAB]  }
0x2e: {  	s3 =	simm.s32 @!p0 $0x1082;
	s9 =	sld [smem:$0x3FAC]  }
0x2f: {  	lr =	sadd.s32 s0, s3;
	s0 =	sld [smem:$0x3FA3]  }
0x30: {  	s3 =	sld [smem:$0x3FA6]  }
0x31: {  	[smem:$0x3FAF] =	sst s10  }
0x32: {  	s10 =	sld [smem:$0x3FAD];
	_ =	sdelay $0x3  }
0x33: {  	p0 =	seq.s32 s10, $0x1;
	s10 =	sld [smem:$0x3FAF];
	_ =	sdelay $0x3  }
0x34: {  	[smem:$0x3FAF] =	sst s10  }
0x35: {  	s10 =	sld [smem:$0x3FAE];
	_ =	sdelay $0x3  }
0x36: {  	p1 =	seq.s32 s10, $0x1;
	s10 =	sld [smem:$0x3FAF];
	_ =	sdelay $0x3  }
0x37: {  	[smem:$0x3FAF] =	sst s10  }
0x38: {  	s10 =	sld [smem:$0x3FB0]  }
0x39: {  	_ = 	snop;
	(pc) =	sbr.ind lr, $3  }
0x3a: {  	_ = 	snop  }
0x3b: {  	_ = 	snop  }
0x3c: {  	p2 =	seq.s32 s10, $0x1;
	s10 =	sld [smem:$0x3FAF]  }
0x3d: {  	_ =	shalt  }
0x3e: {  	_ =	shalt  }
0x3f: {  	_ =	shalt  }
0x40: {  	_ =	shalt  }
0x41: {  	_ =	shalt  }
0x42: {  	_ =	shalt  }
0x43: {  	_ =	shalt  }
0x44: {  	_ =	shalt  }
0x45: {  	_ =	shalt  }
0x46: {  	_ =	shalt  }
0x47: {  	_ =	shalt  }
0x48: {  	_ =	shalt  }
0x49: {  	_ =	shalt  }
0x4a: {  	_ =	shalt  }
0x4b: {  	_ =	shalt  }
0x4c: {  	_ =	shalt  }
0x4d: {  	_ =	shalt  }
0x4e: {  	_ =	shalt  }
0x4f: {  	_ =	shalt  }
0x50: {  	_ =	shalt  }
0x51: {  	_ =	shalt  }
0x52: {  	_ =	shalt  }
0x53: {  	_ =	shalt  }
0x54: {  	_ =	shalt  }
0x55: {  	_ =	shalt  }
0x56: {  	_ =	shalt  }
0x57: {  	_ =	shalt  }
0x58: {  	_ =	shalt  }
0x59: {  	_ =	shalt  }
0x5a: {  	_ =	shalt  }
0x5b: {  	_ =	shalt  }
0x5c: {  	_ =	shalt  }
0x5d: {  	_ =	shalt  }
0x5e: {  	_ =	shalt  }
0x5f: {  	_ =	shalt  }
0x60: {  	_ =	shalt  }
0x61: {  	_ =	shalt  }
0x62: {  	_ =	shalt  }
0x63: {  	_ =	shalt  }
0x64: {  	_ =	shalt  }
0x65: {  	_ =	shalt  }
0x66: {  	_ =	shalt  }
0x67: {  	_ =	shalt  }
0x68: {  	_ =	shalt  }
0x69: {  	_ =	shalt  }
0x6a: {  	_ =	shalt  }
0x6b: {  	_ =	shalt  }
0x6c: {  	_ =	shalt  }
0x6d: {  	_ =	shalt  }
0x6e: {  	_ =	shalt  }
0x6f: {  	_ =	shalt  }
0x70: {  	_ =	shalt  }
0x71: {  	_ =	shalt  }
0x72: {  	_ =	shalt  }
0x73: {  	_ =	shalt  }
0x74: {  	_ =	shalt  }
0x75: {  	_ =	shalt  }
0x76: {  	_ =	shalt  }
0x77: {  	_ =	shalt  }
0x78: {  	_ =	shalt  }
0x79: {  	_ =	shalt  }
0x7a: {  	_ =	shalt  }
0x7b: {  	_ =	shalt  }
0x7c: {  	_ =	shalt  }
0x7d: {  	_ =	shalt  }
0x7e: {  	_ =	shalt  }
0x7f: {  	_ =	shalt  }
0x80: {  	_ =	shalt  }
0x81: {  	_ =	shalt  }
0x82: {  	_ =	shalt  }
0x83: {  	_ =	shalt  }
0x84: {  	_ =	shalt  }
0x85: {  	_ =	shalt  }
0x86: {  	_ =	shalt  }
0x87: {  	_ =	shalt  }
.Lfunc_end0:
.L_simem_size_0:
called_computation.4_lowered:
.L_overlay_start_0:
0x88: {  	s2 =	sld [smem:$0x3FD9]  }
0x89: {  	s3 =	sld [smem:$0x3FFE];
	_ =	sdelay $0x1  }
0x8a: {  	s1 =	srdreg.scid  }
0x8b: {  	s0 =	sand.u32 $0x1, s1  }
0x8c: {  	s16 =	sshll.u32 s0, $0xA;
	s2 =	sadd.s32 s3, s2  }
0x8d: {  	s2 =	sadd.s32 s2, s16  }
0x8e: {  	[smem:$0x3FBB] =	sst s2  }
0x8f: {  	_ = 	snop  }
0x90: {  	(tm) =	ssettm $0x1  }
0x91: {  	s17 =	sld [smem:$0x3FFB];
	_ =	sdelay $0x3  }
0x92: {  	_ =	strace s17  }
0x93: {  	s2 =	sld [smem:$0x3FFC];
	_ =	sdelay $0x3  }
0x94: {  	_ =	strace s2  }
0x95: {  	s2 =	sld [smem:$0x3FFD];
	_ =	sdelay $0x3  }
0x96: {  	_ =	strace s2  }
0x97: {  	_ =	strace $0x8FFFFFFF  }
0x98: {  	s18 =	sld [smem:$0x3FDB];
	_ =	sdelay $0x1  }
0x99: {  	s19 =	simm.s32 $_scs_section_size  }
0x9a: {  	s4 =	simm.s32 $_size__tile_overlayer_lowered;
	s5 =	simm.s32 $_tile_overlayer_lowered  }
0x9b: {  	s22 =	simm.s32 $0x1BFF;
	s21 =	sshll.u32 s5, $0x1;
	s2 =	sadd.s32 s19, s18  }
0x9c: {  	s6 =	simm.s32 $0x0;
	s20 =	sshll.u32 s4, $0x1;
	s4 =	sadd.s32 s21, s2  }
0x9d: {  	[timem:s6], [sflag:s22] =	dma.local [hbm:s4], s20  }
0x9e: {  	_ =	swait.ge [sflag:s22], s20  }
0x9f: {  	s3 =	ssub.s32 $0x0, s20;
	[sflag:s22] =	ssyncset.done $0x0  }
0xa0: {  	[sflag:s22] =	ssyncadd.s32 s3;
	_ =	sdelay $0x1  }
0xa1: {  	s23 =	simm.s32 $0x1B8B  }
0xa2: {  	_ =	swait.ge [sflag:s23], $0x1  }
0xa3: {  	[sflag:s23] =	ssyncset.done $0x0  }
0xa4: {  	s25 =	simm.s32 $0x1B8E;
	s24 =	sld [smem:$0x3FFE];
	[sflag:s23] =	ssyncadd.s32 $0xFFFFFFFF  }
0xa5: {  	s26 =	simm.s32 $execute0_lowered;
	[smem:$0x3FD2] =	sst s25  }
0xa6: {  	s4 =	sshll.u32 s26, $0x1;
	_ =	strace $0x80000049;
	[dreg:$0x1] =	wrdreg $0xFFFFFFFF  }
0xa7: {  	s28 =	simm.s32 $_size_execute0_lowered;
	s2 =	sadd.s32 s2, s4;
	[dreg:$0x0] =	wrdreg $0x0  }
0xa8: {  	s4 =	sshll.u32 s28, $0x1;
	[dreg:$0x2] =	wrdreg s2  }
0xa9: {  	[dreg:$0x3] =	wrdreg s4  }
0xaa: {  	[dreg:$0x4] =	wrdreg $0xC0  }
0xab: {  	_ =	task [dreg:s6], $0x5FFFF  }
0xac: {  	[dreg:$0x1] =	wrdreg $0xFFFFFFFF  }
0xad: {  	[dreg:$0x0] =	wrdreg $0x60  }
0xae: {  	[dreg:$0x2] =	wrdreg s24  }
0xaf: {  	[dreg:$0x3] =	wrdreg $0xB  }
0xb0: {  	_ =	task.clear_ibuf [dreg:s6], $0x4FFFF;
	_ =	strace $0x90000049  }
0xb1: {  	s29 =	simm.s32 $0xB;
	_ =	strace $0x8000004B  }
0xb2: {  	_ =	swait.ge [sflag:s29], $0x1  }
0xb3: {  	[sflag:s29] =	ssyncadd.s32 $0xFFFFFFFF  }
0xb4: {  	_ =	strace $0x9000004B  }
0xb5: {  	_ =	sfence  }
0xb6: {  	s30 =	sld [smem:$0x0];
	_ =	sdelay $0x2  }
0xb7: {  	s31 =	sshll.u32 s1, $0xD;
	s1 =	sshrl.u32 s1, $0x2  }
0xb8: {  	s3 =	sand.u32 $0x4000, s31;
	s1 =	sadd.s32 s1, s30  }
0xb9: {  	s0 =	sor.u32 s3, s0;
	s1 =	sshll.u32 s1, $0x11  }
0xba: {  	s0 =	sor.u32 s1, s0  }
0xbb: {  	s0 =	sadd.s32 $0x8F2B, s0  }
0xbc: {  	[sflag:s0] =	ssyncadd.remote.s32 $0x1  }
0xbd: {  	_ =	sfence.sel $0xFFFF  }
0xbe: {  	[dreg:$0x0] =	wrdreg $0xFFFFFFFF;
	(pc) =	sbr.abs _section_cstart, $3  }
0xbf: {  	[dreg:$0x1] =	wrdreg $0xFFFFFFFF  }
0xc0: {  	_ =	task.clear_ibuf [dreg:s6], $0x2FFFF;
	_ =	strace $0x9FFFFFFF  }
0xc1: {  	(tm) =	ssettm $0x7FFFFFFF  }
tec
execute0_lowered:
.L_overlay_start_1:
0x0: {  	(tag) =	ssettag $0x1  }
0x1: {  	s8 =	rddreg [dreg:$0x0];
	s1 =	stileid.u32  }
0x2: {  	s2 =	srdreg.scid;
	s0 =	rddreg [dreg:$0x1]  }
0x3: {  	_ =	strace $0x8000004A;
	s5 =	simm.s32 $0x1;
	s9 =	simm.s32 $0x1  }
0x4: {  	s10 =	simm.s32 $0x3;
	s2 =	sand.u32 $0x1, s2;
	s3 =	sshll.u32 s1, $0x1  }
0x5: {  	s13 =	simm.s32 $0x0;
	s12 =	simm.s32 $0x0;
	s6 =	sor.u32 s3, s2  }
0x6: {  	[sflag:s5] =	ssyncpa.u1 $0x0;
	s2 =	sadd.s32 $0x4600, s8;
	s4 =	smul.u32 $0x320, s6  }
0x7: {  	s3 =	sadd.s32 $0x9600, s8;
	p0 =	slt.u32 s6, $0x9;
	s6 =	simm.s32 $0x6400  }
.Ltmp0:
0x8: {  	s6 =	simm.s32 @!p0 $0x0;
	s7 =	ssub.s32 $0x7D00, s4;
	(pc) =	sbr.rel .LBB2_1-.Ltmp0, $4  }
0x9: {  	s9 =	simm.s32 @!p0 $0x0;
	p0 =	sne.s32 s7, s6;
	s7 =	simm.s32 $0x1  }
0xa: {  	s8 =	sadd.s32 $0x10600, s8;
	s6 =	simm.s32 $0x2;
	s7 =	simm.s32 @!p0 $0x0  }
0xb: {  	s11 =	smov.u32 s4;
	[sflag:s6] =	ssyncpa.u1 $0x0;
	s7 =	sadd.s32 s9, s7  }
0xc: {  	vm0 =	vmmov $0xffff;
	[sflag:s10] =	ssyncpa.u1 $0x0;
	s10 =	simm.s32 $0x0;
	s9 =	sadd.s32 $0x1, s7  }
.LBB2_4:
0xd: {  	v2 =	vnsel vm1, $0x0, v2  }
0xe: {  	vm1 =	vgt.s32 v0, $0x0;
	v2 =	vmin.u32 v2, $0x7CFF  }
0xf: {  	v0 =	vnsel vm1, $0x0, v0  }
0x10: {  	v0 =	vmin.u32 v0, $0x7CFF  }
0x11: {  	[tilespmem:s18], [sflag:$0x1] =	stream.indirect_vreg.gather [hbm4b:s2+s10], $0x1, v1, vm0, $0x4038;
	[tilespmem:$0xC80] =	vst v63  }
0x12: {  	(ifvalue) =	ssetifvalue $0x7FFFFFFF  }
0x13: {  	[tilespmem:s15], [sflag:$0x1] =	stream.indirect_vreg.gather [hbm4b:s2+s10], $0x1, v2, vm0, $0x4038;
	[tilespmem:$0xC80] =	vst v63  }
0x14: {  	s29 =	sadd.s32 $0x10, s15;
	(ifvalue) =	ssetifvalue $0x7FFFFFFF  }
0x15: {  	[tilespmem:s29], [sflag:$0x1] =	stream.indirect_vreg.gather [hbm4b:s2+s10], $0x1, v0, vm0, $0x4038;
	[tilespmem:$0xC80] =	vst v63  }
0x16: {  	_ =	swait.ge [sflag:s5], $0x320  }
0x17: {  	s30 =	sshrl.u32 s13, $0x3;
	[sflag:s5] =	ssyncset.done $0x0  }
0x18: {  	s31 =	sand.u32 $0x7, s13;
	s15 =	sadd.s32 s8, s30;
	[sflag:s5] =	ssyncadd.s32 $0xFFFFFCE0  }
0x19: {  	[hbm4b:s15+s31] =	stream.linear.scatter [tilespmem:s14], [sflag:$0x3], $0x320, $0x38;
	[tilespmem:$0xC80] =	vst v63  }
.LBB2_5:
0x1a: {  	s15 =	sadd.s32 $0x6400, s11  }
0x1b: {  	p1 =	sgt.s32 s15, $0x7CFF  }
0x1c: {  	s15 =	smov.u32 @p1 s4;
	p1 =	sne.s32 s12, s9  }
.Ltmp1:
0x1d: {  	p0 =	slt.u32 s12, $0x2;
	(pc) =	sbr.rel @!p1 .LBB2_6-.Ltmp1, $4  }
0x1e: {  	s14 =	simm.s32 @!p0 $0x3  }
0x1f: {  	_ =	swait.ge @!p0 [sflag:s14], $0x320  }
0x20: {  	s16 =	sadd.s32 $0x1, s12;
	s13 =	smov.u32 s11;
	[sflag:s14] =	ssyncset.done @!p0 $0x0  }
0x21: {  	s12 =	smov.u32 s16;
	s11 =	smov.u32 s15;
	[sflag:s14] =	ssyncadd.s32 @!p0 $0xFFFFFCE0  }
.LBB2_1:
0x22: {  	p0 =	sge.u32 s12, s7  }
0x23: {  	s14 =	sxor.u32 @!p0 $0x1, s12  }
0x24: {  	s14 =	smul.u32 @!p0 $0xC80, s14  }
0x25: {  	s31 =	sadd.s32 $0xFFFFFFFF, s12;
	s15 =	sshrl.u32 @!p0 s11, $0x3  }
0x26: {  	s16 =	sand.u32 @!p0 $0x7, s11;
	s15 =	sadd.s32 @!p0 s3, s15;
	s14 =	sshra.s32 @!p0 s14, $0x2  }
0x27: {  	[tilespmem:s14], [sflag:$0x2] =	stream.linear.gather @!p0 [hbm4b:s15+s16], $0x320, $0x38;
	[tilespmem:$0xC80] =	vst v63  }
0x28: {  	p0 =	sge.u32 s31, s7  }
.Ltmp2:
0x29: {  	_ = 	snop;
	(pc) =	sbr.rel @p0 .LBB2_5-.Ltmp2, $1  }
0x2a: {  	_ =	sdelay $0x3  }
0x2b: {  	s14 =	sand.u32 $0x1, s12  }
0x2c: {  	_ =	swait.ge [sflag:s6], $0x320;
	p0 =	seq.s32 s14, $0x1;
	s14 =	simm.s32 $0x320  }
0x2d: {  	[sflag:s6] =	ssyncset.done $0x0;
	s14 =	simm.s32 @!p0 $0x0  }
0x2e: {  	[sflag:s6] =	ssyncadd.s32 $0xFFFFFCE0;
	(ifvalue) =	ssetifvalue $0x7FFFFFFF;
	v0 =	vld.msk [tilespmem:s14+$0x0 ss:$0x1], $0xffff;
	_ =	sdelay $0x4  }
0x2f: {  	s15 =	sadd.s32 $0x10, s14;
	vm1 =	vgt.s32 v0, $0x0  }
0x30: {  	v2 =	vld.msk [tilespmem:s15+$0x0 ss:$0x1], $0xffff;
	v1 =	vnsel vm1, $0x0, v0  }
0x31: {  	v1 =	vmin.u32 v1, $0x7CFF;
	_ =	sdelay $0x2  }
0x32: {  	s17 =	simm.s32 $0x20;
	s14 =	sadd.s32 $0x640, s14;
	s16 =	sadd.s32 $0x10, s15  }
0x33: {  	s15 =	sadd.s32 $0x10, s14;
	s18 =	smov.u32 s14;
	v0 =	vld.msk [tilespmem:s16+$0x0 ss:$0x1], $0xffff;
	vm1 =	vgt.s32 v2, $0x0;
	(ifvalue) =	ssetifvalue $0x7FFFFFFF  }
.LBB2_3:
0x34: {  	[tilespmem:s18], [sflag:$0x1] =	stream.indirect_vreg.gather [hbm4b:s2+s10], $0x1, v1, vm0, $0x4038;
	[tilespmem:$0xC80] =	vst v63  }
0x35: {  	s17 =	sadd.s32 $0x10, s17  }
0x36: {  	v2 =	vnsel vm1, $0x0, v2;
	p0 =	slt.u32 s17, $0x310  }
.Ltmp3:
0x37: {  	s18 =	smov.u32 s15;
	v1 =	vmin.u32 v2, $0x7CFF;
	(pc) =	sbr.rel @p0 .LBB2_3-.Ltmp3, $3  }
0x38: {  	_ =	sdelay $0x1  }
0x39: {  	s16 =	sadd.s32 $0x10, s16  }
0x3a: {  	vm1 =	vgt.s32 v0, $0x0;
	s15 =	sadd.s32 $0x10, s15;
	v2 =	vmov v0;
	(ifvalue) =	ssetifvalue $0x7FFFFFFF;
	v0 =	vld.msk [tilespmem:s16+$0x0 ss:$0x1], $0xffff  }
.Ltmp4:
0x3b: {  	_ = 	snop;
	(pc) =	sbr.rel .LBB2_4-.Ltmp4, $1  }
0x3c: {  	_ =	sdelay $0x3  }
.LBB2_6:
0x3d: {  	_ =	sfence.sel $0x180000  }
0x3e: {  	s2 =	simm.s32 $0x2;
	[bflag:$0x0] =	sbarrier.arrive $0xFFFF  }
0x3f: {  	s30 =	simm.s32 $0x3;
	[sflag:s2] =	ssyncpa.u1 $0x1  }
0x40: {  	s31 =	simm.s32 $0x1;
	[sflag:s30] =	ssyncpa.u1 $0x1  }
0x41: {  	[sflag:s31] =	ssyncpa.u1 $0x1  }
0x42: {  	p0 =	sne.s32 s1, $0x0;
	_ =	strace $0x9000004A  }
0x43: {  	s0 =	sadd.s32 @!p0 $0x100000, s0;
	[bflag:$0x2] =	sbarrier.arrive $0xFFFF  }
0x44: {  	[sflag:s0] =	ssyncadd.tile.s32 @!p0 $0x1;
	_ =	shalt  }
.Lfunc_end2:
_tile_overlayer_lowered:
.L_overlay_start_2:
0x45: {  	(tag) =	ssettag $0x2  }
0x46: {  	s0 =	rddreg [dreg:$0x0];
	s2 =	stileid.u32  }
0x47: {  	s1 =	rddreg [dreg:$0x1];
	p0 =	sne.s32 s2, $0x0  }
0x48: {  	s3 =	rddreg [dreg:$0x2];
	[bflag:$0x3] =	sbarrier.arrive $0xFFFF;
	s2 =	simm.s32 @!p0 $0x1C01  }
0x49: {  	[timem:s3], [sflag:s2] =	dma.local @!p0 [hbm:s0], s1  }
0x4a: {  	s0 =	simm.s32 @!p0 $0x1  }
0x4b: {  	_ =	swait.ge @!p0 [sflag:s0], s1  }
0x4c: {  	s1 =	ssub.s32 @!p0 $0x0, s1;
	[sflag:s0] =	ssyncset.done @!p0 $0x0  }
0x4d: {  	[sflag:s0] =	ssyncadd.s32 @!p0 s1  }
0x4e: {  	[bflag:$0x3] =	sbarrier.arrive $0xFFFF  }
0x4f: {  	_ =	shalt  }

// kernel: gather_offload_async_start
scs
__scs_entry_jumppad:
0x0: {  	(pc) =	sbr.rel $0x88, $3  }
0x1: {  	(tag) =	ssettag $0x0;
	lr =	simm.s32 $0x1  }
0x2: {  	[smem:$0x3F94] =	sst lr;
	_ =	strace $0xD0000000  }
0x3: {  	_ = 	snop  }
0x4: {  	_ = 	snop  }
0x5: {  	_ = 	snop  }
0x6: {  	_ = 	snop  }
0x7: {  	_ = 	snop  }
__scs_overlays_trampoline_lowered:
0x8: {  	[smem:$0x3FA3] =	sst s0  }
0x9: {  	[smem:$0x3FA4] =	sst s1  }
0xa: {  	[smem:$0x3FA5] =	sst s2  }
0xb: {  	[smem:$0x3FA6] =	sst s3  }
0xc: {  	[smem:$0x3FA7] =	sst s4  }
0xd: {  	[smem:$0x3FA8] =	sst s5  }
0xe: {  	[smem:$0x3FA9] =	sst s6  }
0xf: {  	[smem:$0x3FAA] =	sst s7  }
0x10: {  	[smem:$0x3FAB] =	sst s8  }
0x11: {  	[smem:$0x3FAC] =	sst s9;
	s0 =	simm.s32 @!p0 $0x0  }
0x12: {  	s1 =	sld [smem:$0x3F92];
	s0 =	simm.s32 @p0 $0x1  }
0x13: {  	[smem:$0x3FAD] =	sst s0;
	s0 =	simm.s32 @!p1 $0x0  }
0x14: {  	s2 =	sld [smem:$0x3F91];
	s0 =	simm.s32 @p1 $0x1  }
0x15: {  	[smem:$0x3FAE] =	sst s0;
	s0 =	simm.s32 @!p2 $0x0  }
0x16: {  	s3 =	sld [smem:$0x3FDB];
	s0 =	simm.s32 @p2 $0x1  }
0x17: {  	s4 =	simm.s32 $0x1BF5;
	[smem:$0x3FB0] =	sst s0  }
0x18: {  	s0 =	sld [smem:$0x3F93];
	_ =	swait.ge [sflag:s4], $0x0  }
0x19: {  	s7 =	sld [smem:$0x3F94]  }
0x1a: {  	s8 =	sadd.s32 $0xFFFFE003, lr  }
0x1b: {  	s9 =	sadd.s32 $0xFFFFFEF7, lr;
	s5 =	simm.s32 $0xFFFFFFFF;
	p2 =	slt.u32 s8, $0xFFFFF086  }
0x1c: {  	p1 =	slt.u32 s9, $0xF7A;
	s5 =	simm.s32 @!p2 $0x0  }
0x1d: {  	s5 =	simm.s32 @p1 $0x1;
	p0 =	seq.s32 s7, s2  }
0x1e: {  	s7 =	smul.u32 @!p0 $0xF7A, s2;
	p2 =	seq.s32 @!p0 s5, $0x0  }
0x1f: {  	s9 =	smul.u32 $0xF7A, s1;
	s8 =	simm.s32 @!p0 $0x1BF5;
	p2 =	por !p2, p0  }
0x20: {  	[sflag:s8] =	ssyncset.s32 @!p0 $0xFFFFF086;
	s6 =	sadd.s32 @!p0 s3, s7;
	s7 =	simm.s32 @!p0 $0x108  }
0x21: {  	s3 =	sadd.s32 s3, s9;
	s6 =	sadd.s32 @!p0 $0x88, s6;
	s7 =	simm.s32 @p2 $0x1082  }
0x22: {  	[simem:s7], [sflag:s8] =	dma.local @!p0 [hbm:s6], $0xF7A  }
0x23: {  	s9 =	sor.u32 $0xD0000000, s2;
	s6 =	simm.s32 $0x108;
	_ =	swait.ge @!p0 [sflag:s8], $0x0  }
0x24: {  	s3 =	sadd.s32 $0x88, s3;
	s6 =	simm.s32 @!p1 $0x1082;
	[sflag:s4] =	ssyncset.s32 $0xFFFFF086  }
0x25: {  	[simem:s6], [sflag:s4] =	dma.local [hbm:s3], $0xF7A  }
0x26: {  	[smem:$0x3F94] =	sst s1;
	(tag) =	ssettag s2;
	_ =	strace s9  }
0x27: {  	s1 =	sld [smem:$0x3FA4]  }
0x28: {  	s2 =	sld [smem:$0x3FA5]  }
0x29: {  	s4 =	sld [smem:$0x3FA7]  }
0x2a: {  	p0 =	seq.s32 s5, $0x0;
	s5 =	sld [smem:$0x3FA8]  }
0x2b: {  	s6 =	sld [smem:$0x3FA9]  }
0x2c: {  	s7 =	sld [smem:$0x3FAA]  }
0x2d: {  	s3 =	simm.s32 $0x108;
	s8 =	sld [smem:$0x3FAB]  }
0x2e: {  	s3 =	simm.s32 @!p0 $0x1082;
	s9 =	sld [smem:$0x3FAC]  }
0x2f: {  	lr =	sadd.s32 s0, s3;
	s0 =	sld [smem:$0x3FA3]  }
0x30: {  	s3 =	sld [smem:$0x3FA6]  }
0x31: {  	[smem:$0x3FAF] =	sst s10  }
0x32: {  	s10 =	sld [smem:$0x3FAD];
	_ =	sdelay $0x3  }
0x33: {  	p0 =	seq.s32 s10, $0x1;
	s10 =	sld [smem:$0x3FAF];
	_ =	sdelay $0x3  }
0x34: {  	[smem:$0x3FAF] =	sst s10  }
0x35: {  	s10 =	sld [smem:$0x3FAE];
	_ =	sdelay $0x3  }
0x36: {  	p1 =	seq.s32 s10, $0x1;
	s10 =	sld [smem:$0x3FAF];
	_ =	sdelay $0x3  }
0x37: {  	[smem:$0x3FAF] =	sst s10  }
0x38: {  	s10 =	sld [smem:$0x3FB0]  }
0x39: {  	_ = 	snop;
	(pc) =	sbr.ind lr, $3  }
0x3a: {  	_ = 	snop  }
0x3b: {  	_ = 	snop  }
0x3c: {  	p2 =	seq.s32 s10, $0x1;
	s10 =	sld [smem:$0x3FAF]  }
0x3d: {  	_ =	shalt  }
0x3e: {  	_ =	shalt  }
0x3f: {  	_ =	shalt  }
0x40: {  	_ =	shalt  }
0x41: {  	_ =	shalt  }
0x42: {  	_ =	shalt  }
0x43: {  	_ =	shalt  }
0x44: {  	_ =	shalt  }
0x45: {  	_ =	shalt  }
0x46: {  	_ =	shalt  }
0x47: {  	_ =	shalt  }
0x48: {  	_ =	shalt  }
0x49: {  	_ =	shalt  }
0x4a: {  	_ =	shalt  }
0x4b: {  	_ =	shalt  }
0x4c: {  	_ =	shalt  }
0x4d: {  	_ =	shalt  }
0x4e: {  	_ =	shalt  }
0x4f: {  	_ =	shalt  }
0x50: {  	_ =	shalt  }
0x51: {  	_ =	shalt  }
0x52: {  	_ =	shalt  }
0x53: {  	_ =	shalt  }
0x54: {  	_ =	shalt  }
0x55: {  	_ =	shalt  }
0x56: {  	_ =	shalt  }
0x57: {  	_ =	shalt  }
0x58: {  	_ =	shalt  }
0x59: {  	_ =	shalt  }
0x5a: {  	_ =	shalt  }
0x5b: {  	_ =	shalt  }
0x5c: {  	_ =	shalt  }
0x5d: {  	_ =	shalt  }
0x5e: {  	_ =	shalt  }
0x5f: {  	_ =	shalt  }
0x60: {  	_ =	shalt  }
0x61: {  	_ =	shalt  }
0x62: {  	_ =	shalt  }
0x63: {  	_ =	shalt  }
0x64: {  	_ =	shalt  }
0x65: {  	_ =	shalt  }
0x66: {  	_ =	shalt  }
0x67: {  	_ =	shalt  }
0x68: {  	_ =	shalt  }
0x69: {  	_ =	shalt  }
0x6a: {  	_ =	shalt  }
0x6b: {  	_ =	shalt  }
0x6c: {  	_ =	shalt  }
0x6d: {  	_ =	shalt  }
0x6e: {  	_ =	shalt  }
0x6f: {  	_ =	shalt  }
0x70: {  	_ =	shalt  }
0x71: {  	_ =	shalt  }
0x72: {  	_ =	shalt  }
0x73: {  	_ =	shalt  }
0x74: {  	_ =	shalt  }
0x75: {  	_ =	shalt  }
0x76: {  	_ =	shalt  }
0x77: {  	_ =	shalt  }
0x78: {  	_ =	shalt  }
0x79: {  	_ =	shalt  }
0x7a: {  	_ =	shalt  }
0x7b: {  	_ =	shalt  }
0x7c: {  	_ =	shalt  }
0x7d: {  	_ =	shalt  }
0x7e: {  	_ =	shalt  }
0x7f: {  	_ =	shalt  }
0x80: {  	_ =	shalt  }
0x81: {  	_ =	shalt  }
0x82: {  	_ =	shalt  }
0x83: {  	_ =	shalt  }
0x84: {  	_ =	shalt  }
0x85: {  	_ =	shalt  }
0x86: {  	_ =	shalt  }
0x87: {  	_ =	shalt  }
.Lfunc_end0:
.L_simem_size_0:
called_computation_lowered:
.L_overlay_start_0:
0x88: {  	s2 =	sld [smem:$0x3FD9]  }
0x89: {  	s3 =	sld [smem:$0x3FFE];
	_ =	sdelay $0x1  }
0x8a: {  	s1 =	srdreg.scid  }
0x8b: {  	s0 =	sand.u32 $0x1, s1  }
0x8c: {  	s17 =	sshll.u32 s0, $0xA;
	s2 =	sadd.s32 s3, s2  }
0x8d: {  	s2 =	sadd.s32 s2, s17  }
0x8e: {  	[smem:$0x3FBB] =	sst s2  }
0x8f: {  	_ = 	snop  }
0x90: {  	(tm) =	ssettm $0x1  }
0x91: {  	s18 =	sld [smem:$0x3FFB];
	_ =	sdelay $0x3  }
0x92: {  	_ =	strace s18  }
0x93: {  	s2 =	sld [smem:$0x3FFC];
	_ =	sdelay $0x3  }
0x94: {  	_ =	strace s2  }
0x95: {  	s2 =	sld [smem:$0x3FFD];
	_ =	sdelay $0x3  }
0x96: {  	_ =	strace s2  }
0x97: {  	_ =	strace $0x8FFFFFFF  }
0x98: {  	s19 =	sld [smem:$0x3FDB];
	_ =	sdelay $0x1  }
0x99: {  	s20 =	simm.s32 $_scs_section_size  }
0x9a: {  	s4 =	simm.s32 $_size__tile_overlayer_lowered;
	s5 =	simm.s32 $_tile_overlayer_lowered  }
0x9b: {  	s6 =	simm.s32 $0x1BFF;
	s21 =	sshll.u32 s5, $0x1;
	s3 =	sadd.s32 s20, s19  }
0x9c: {  	s22 =	simm.s32 $0x0;
	s4 =	sshll.u32 s4, $0x1;
	s5 =	sadd.s32 s21, s3  }
0x9d: {  	[timem:s22], [sflag:s6] =	dma.local [hbm:s5], s4  }
0x9e: {  	_ =	swait.ge [sflag:s6], s4  }
0x9f: {  	s4 =	ssub.s32 $0x0, s4;
	[sflag:s6] =	ssyncset.done $0x0  }
0xa0: {  	[sflag:s6] =	ssyncadd.s32 s4;
	_ =	sdelay $0x1  }
0xa1: {  	s23 =	simm.s32 $0x1B8B  }
0xa2: {  	_ =	swait.ge [sflag:s23], $0x1  }
0xa3: {  	[sflag:s23] =	ssyncset.done $0x0  }
0xa4: {  	[sflag:s23] =	ssyncadd.s32 $0xFFFFFFFF  }
0xa5: {  	s4 =	sld [smem:$0x0]  }
0xa6: {  	s5 =	sand.u32 $0xFFFFFFFE, s1  }
0xa7: {  	p0 =	sne.s32 s1, s5  }
0xa8: {  	s5 =	sshll.u32 @p0 s5, $0xE  }
0xa9: {  	s5 =	sadd.s32 @p0 $0x11B8D, s5;
	s6 =	sshll.u32 @p0 s4, $0x11  }
0xaa: {  	s5 =	sor.u32 @p0 s6, s5  }
0xab: {  	[sflag:s5] =	ssyncadd.remote.s32 @p0 $0x1;
	_ =	sdelay $0x1  }
0xac: {  	s5 =	simm.s32 @p0 $0x1B8D  }
0xad: {  	_ =	swait.eq @p0 [sflag:s5], $0x1  }
0xae: {  	[sflag:s5] =	ssyncadd.s32 @p0 $0xFFFFFFFF  }
0xaf: {  	s6 =	sshll.u32 @!p0 s1, $0xE  }
0xb0: {  	s6 =	sor.u32 @!p0 $0x4000, s6;
	s5 =	simm.s32 @!p0 $0x1B8D  }
0xb1: {  	s4 =	sshll.u32 @!p0 s4, $0x11;
	s6 =	sadd.s32 @!p0 $0x11B8D, s6;
	_ =	swait.eq @!p0 [sflag:s5], $0x1  }
0xb2: {  	s4 =	sor.u32 @!p0 s4, s6;
	[sflag:s5] =	ssyncadd.s32 @!p0 $0xFFFFFFFF  }
0xb3: {  	s25 =	simm.s32 $0x1B8E;
	s24 =	sld [smem:$0x3FFE];
	[sflag:s4] =	ssyncadd.remote.s32 @!p0 $0x1  }
0xb4: {  	s26 =	simm.s32 $execute0_lowered;
	[smem:$0x3FD2] =	sst s25  }
0xb5: {  	s5 =	sshll.u32 s26, $0x1;
	_ =	strace $0x80000052;
	[dreg:$0x1] =	wrdreg $0xFFFFFFFF  }
0xb6: {  	s28 =	simm.s32 $_size_execute0_lowered;
	s3 =	sadd.s32 s3, s5;
	[dreg:$0x0] =	wrdreg $0x0  }
0xb7: {  	s5 =	sshll.u32 s28, $0x1;
	[dreg:$0x2] =	wrdreg s3  }
0xb8: {  	[dreg:$0x3] =	wrdreg s5  }
0xb9: {  	[dreg:$0x4] =	wrdreg $0xC0  }
0xba: {  	_ =	task [dreg:s22], $0x5FFFF  }
0xbb: {  	[dreg:$0x1] =	wrdreg $0xFFFFFFFF  }
0xbc: {  	[dreg:$0x0] =	wrdreg $0x60  }
0xbd: {  	[dreg:$0x2] =	wrdreg s24  }
0xbe: {  	[dreg:$0x3] =	wrdreg $0xA  }
0xbf: {  	_ =	task.clear_ibuf [dreg:s22], $0x4FFFF;
	_ =	strace $0x90000052  }
0xc0: {  	s29 =	simm.s32 $0xA;
	_ =	strace $0x80000054  }
0xc1: {  	_ =	swait.ge [sflag:s29], $0x1  }
0xc2: {  	[sflag:s29] =	ssyncadd.s32 $0xFFFFFFFF  }
0xc3: {  	_ =	strace $0x90000054  }
0xc4: {  	_ =	sfence  }
0xc5: {  	s30 =	sld [smem:$0x0];
	_ =	sdelay $0x2  }
0xc6: {  	s31 =	sshll.u32 s1, $0xD;
	s1 =	sshrl.u32 s1, $0x2  }
0xc7: {  	s4 =	sand.u32 $0x4000, s31;
	s1 =	sadd.s32 s1, s30  }
0xc8: {  	s0 =	sor.u32 s4, s0;
	s1 =	sshll.u32 s1, $0x11  }
0xc9: {  	s0 =	sor.u32 s1, s0  }
0xca: {  	s0 =	sadd.s32 $0x8F2B, s0  }
0xcb: {  	[sflag:s0] =	ssyncadd.remote.s32 $0x1  }
0xcc: {  	_ =	sfence.sel $0xFFFF  }
0xcd: {  	[dreg:$0x0] =	wrdreg $0xFFFFFFFF;
	(pc) =	sbr.abs _section_cstart, $3  }
0xce: {  	[dreg:$0x1] =	wrdreg $0xFFFFFFFF  }
0xcf: {  	_ =	task.clear_ibuf [dreg:s22], $0x2FFFF;
	_ =	strace $0x9FFFFFFF  }
0xd0: {  	(tm) =	ssettm $0x7FFFFFFF  }
0xd1: {  	_ =	shalt  }
tec
execute0_lowered:
.L_overlay_start_1:
0x0: {  	(tag) =	ssettag $0x1  }
0x1: {  	s8 =	rddreg [dreg:$0x0];
	s1 =	stileid.u32  }
0x2: {  	s2 =	srdreg.scid;
	s0 =	rddreg [dreg:$0x1]  }
0x3: {  	_ =	strace $0x80000053;
	s5 =	simm.s32 $0x1;
	s9 =	simm.s32 $0x1  }
0x4: {  	s10 =	simm.s32 $0x3;
	s2 =	sand.u32 $0x1, s2;
	s3 =	sshll.u32 s1, $0x1  }
0x5: {  	s13 =	simm.s32 $0x0;
	s12 =	simm.s32 $0x0;
	s6 =	sor.u32 s3, s2  }
0x6: {  	[sflag:s5] =	ssyncpa.u1 $0x0;
	s2 =	sadd.s32 $0x2600, s8;
	s4 =	smul.u32 $0x320, s6  }
0x7: {  	s3 =	sadd.s32 $0xF600, s8;
	p0 =	slt.u32 s6, $0x9;
	s6 =	simm.s32 $0x6400  }
.Ltmp0:
0x8: {  	s6 =	simm.s32 @!p0 $0x0;
	s7 =	ssub.s32 $0x7D00, s4;
	(pc) =	sbr.rel .LBB2_1-.Ltmp0, $4  }
0x9: {  	s9 =	simm.s32 @!p0 $0x0;
	p0 =	sne.s32 s7, s6;
	s7 =	simm.s32 $0x1  }
0xa: {  	s8 =	sadd.s32 $0x3B800, s8;
	s6 =	simm.s32 $0x2;
	s7 =	simm.s32 @!p0 $0x0  }
0xb: {  	s11 =	smov.u32 s4;
	[sflag:s6] =	ssyncpa.u1 $0x0;
	s7 =	sadd.s32 s9, s7  }
0xc: {  	vm0 =	vmmov $0xffff;
	[sflag:s10] =	ssyncpa.u1 $0x0;
	s10 =	simm.s32 $0x0;
	s9 =	sadd.s32 $0x1, s7  }
.LBB2_4:
0xd: {  	v2 =	vnsel vm1, $0x0, v2  }
0xe: {  	vm1 =	vgt.s32 v0, $0x0;
	v2 =	vmin.u32 v2, $0x7CFF  }
0xf: {  	v0 =	vnsel vm1, $0x0, v0  }
0x10: {  	v0 =	vmin.u32 v0, $0x7CFF  }
0x11: {  	[tilespmem:s18], [sflag:$0x1] =	stream.indirect_vreg.gather [hbm4b:s2+s10], $0x1, v1, vm0, $0x4038;
	[tilespmem:$0xC80] =	vst v63  }
0x12: {  	(ifvalue) =	ssetifvalue $0x7FFFFFFF  }
0x13: {  	[tilespmem:s15], [sflag:$0x1] =	stream.indirect_vreg.gather [hbm4b:s2+s10], $0x1, v2, vm0, $0x4038;
	[tilespmem:$0xC80] =	vst v63  }
0x14: {  	s29 =	sadd.s32 $0x10, s15;
	(ifvalue) =	ssetifvalue $0x7FFFFFFF  }
0x15: {  	[tilespmem:s29], [sflag:$0x1] =	stream.indirect_vreg.gather [hbm4b:s2+s10], $0x1, v0, vm0, $0x4038;
	[tilespmem:$0xC80] =	vst v63  }
0x16: {  	_ =	swait.ge [sflag:s5], $0x320  }
0x17: {  	s30 =	sshrl.u32 s13, $0x3;
	[sflag:s5] =	ssyncset.done $0x0  }
0x18: {  	s31 =	sand.u32 $0x7, s13;
	s15 =	sadd.s32 s8, s30;
	[sflag:s5] =	ssyncadd.s32 $0xFFFFFCE0  }
0x19: {  	[hbm4b:s15+s31] =	stream.linear.scatter [tilespmem:s14], [sflag:$0x3], $0x320, $0x38;
	[tilespmem:$0xC80] =	vst v63  }
.LBB2_5:
0x1a: {  	s15 =	sadd.s32 $0x6400, s11  }
0x1b: {  	p1 =	sgt.s32 s15, $0x7CFF  }
0x1c: {  	s15 =	smov.u32 @p1 s4;
	p1 =	sne.s32 s12, s9  }
.Ltmp1:
0x1d: {  	p0 =	slt.u32 s12, $0x2;
	(pc) =	sbr.rel @!p1 .LBB2_6-.Ltmp1, $4  }
0x1e: {  	s14 =	simm.s32 @!p0 $0x3  }
0x1f: {  	_ =	swait.ge @!p0 [sflag:s14], $0x320  }
0x20: {  	s16 =	sadd.s32 $0x1, s12;
	s13 =	smov.u32 s11;
	[sflag:s14] =	ssyncset.done @!p0 $0x0  }
0x21: {  	s12 =	smov.u32 s16;
	s11 =	smov.u32 s15;
	[sflag:s14] =	ssyncadd.s32 @!p0 $0xFFFFFCE0  }
.LBB2_1:
0x22: {  	p0 =	sge.u32 s12, s7  }
0x23: {  	s14 =	sxor.u32 @!p0 $0x1, s12  }
0x24: {  	s14 =	smul.u32 @!p0 $0xC80, s14  }
0x25: {  	s31 =	sadd.s32 $0xFFFFFFFF, s12;
	s15 =	sshrl.u32 @!p0 s11, $0x3  }
0x26: {  	s16 =	sand.u32 @!p0 $0x7, s11;
	s15 =	sadd.s32 @!p0 s3, s15;
	s14 =	sshra.s32 @!p0 s14, $0x2  }
0x27: {  	[tilespmem:s14], [sflag:$0x2] =	stream.linear.gather @!p0 [hbm4b:s15+s16], $0x320, $0x38;
	[tilespmem:$0xC80] =	vst v63  }
0x28: {  	p0 =	sge.u32 s31, s7  }
.Ltmp2:
0x29: {  	_ = 	snop;
	(pc) =	sbr.rel @p0 .LBB2_5-.Ltmp2, $1  }
0x2a: {  	_ =	sdelay $0x3  }
0x2b: {  	s14 =	sand.u32 $0x1, s12  }
0x2c: {  	_ =	swait.ge [sflag:s6], $0x320;
	p0 =	seq.s32 s14, $0x1;
	s14 =	simm.s32 $0x320  }
0x2d: {  	[sflag:s6] =	ssyncset.done $0x0;
	s14 =	simm.s32 @!p0 $0x0  }
0x2e: {  	[sflag:s6] =	ssyncadd.s32 $0xFFFFFCE0;
	(ifvalue) =	ssetifvalue $0x7FFFFFFF;
	v0 =	vld.msk [tilespmem:s14+$0x0 ss:$0x1], $0xffff;
	_ =	sdelay $0x4  }
0x2f: {  	s15 =	sadd.s32 $0x10, s14;
	vm1 =	vgt.s32 v0, $0x0  }
0x30: {  	v2 =	vld.msk [tilespmem:s15+$0x0 ss:$0x1], $0xffff;
	v1 =	vnsel vm1, $0x0, v0  }
0x31: {  	v1 =	vmin.u32 v1, $0x7CFF;
	_ =	sdelay $0x2  }
0x32: {  	s17 =	simm.s32 $0x20;
	s14 =	sadd.s32 $0x640, s14;
	s16 =	sadd.s32 $0x10, s15  }
0x33: {  	s15 =	sadd.s32 $0x10, s14;
	s18 =	smov.u32 s14;
	v0 =	vld.msk [tilespmem:s16+$0x0 ss:$0x1], $0xffff;
	vm1 =	vgt.s32 v2, $0x0;
	(ifvalue) =	ssetifvalue $0x7FFFFFFF  }
.LBB2_3:
0x34: {  	[tilespmem:s18], [sflag:$0x1] =	stream.indirect_vreg.gather [hbm4b:s2+s10], $0x1, v1, vm0, $0x4038;
	[tilespmem:$0xC80] =	vst v63  }
0x35: {  	s17 =	sadd.s32 $0x10, s17  }
0x36: {  	v2 =	vnsel vm1, $0x0, v2;
	p0 =	slt.u32 s17, $0x310  }
.Ltmp3:
0x37: {  	s18 =	smov.u32 s15;
	v1 =	vmin.u32 v2, $0x7CFF;
	(pc) =	sbr.rel @p0 .LBB2_3-.Ltmp3, $3  }
0x38: {  	_ =	sdelay $0x1  }
0x39: {  	s16 =	sadd.s32 $0x10, s16  }
0x3a: {  	vm1 =	vgt.s32 v0, $0x0;
	s15 =	sadd.s32 $0x10, s15;
	v2 =	vmov v0;
	(ifvalue) =	ssetifvalue $0x7FFFFFFF;
	v0 =	vld.msk [tilespmem:s16+$0x0 ss:$0x1], $0xffff  }
.Ltmp4:
0x3b: {  	_ = 	snop;
	(pc) =	sbr.rel .LBB2_4-.Ltmp4, $1  }
0x3c: {  	_ =	sdelay $0x3  }
.LBB2_6:
0x3d: {  	_ =	sfence.sel $0x180000  }
0x3e: {  	s2 =	simm.s32 $0x2;
	[bflag:$0x0] =	sbarrier.arrive $0xFFFF  }
0x3f: {  	s30 =	simm.s32 $0x3;
	[sflag:s2] =	ssyncpa.u1 $0x1  }
0x40: {  	s31 =	simm.s32 $0x1;
	[sflag:s30] =	ssyncpa.u1 $0x1  }
0x41: {  	[sflag:s31] =	ssyncpa.u1 $0x1  }
0x42: {  	p0 =	sne.s32 s1, $0x0;
	_ =	strace $0x90000053  }
0x43: {  	s0 =	sadd.s32 @!p0 $0x100000, s0;
	[bflag:$0x2] =	sbarrier.arrive $0xFFFF  }
0x44: {  	[sflag:s0] =	ssyncadd.tile.s32 @!p0 $0x1;
	_ =	shalt  }
.Lfunc_end2:
_tile_overlayer_lowered:
.L_overlay_start_2:
0x45: {  	(tag) =	ssettag $0x2  }
0x46: {  	s0 =	rddreg [dreg:$0x0];
	s2 =	stileid.u32  }
0x47: {  	s1 =	rddreg [dreg:$0x1];
	p0 =	sne.s32 s2, $0x0  }
0x48: {  	s3 =	rddreg [dreg:$0x2];
	[bflag:$0x3] =	sbarrier.arrive $0xFFFF;
	s2 =	simm.s32 @!p0 $0x1C01  }
0x49: {  	[timem:s3], [sflag:s2] =	dma.local @!p0 [hbm:s0], s1  }
0x4a: {  	s0 =	simm.s32 @!p0 $0x1  }
0x4b: {  	_ =	swait.ge @!p0 [sflag:s0], s1  }
0x4c: {  	s1 =	ssub.s32 @!p0 $0x0, s1;
	[sflag:s0] =	ssyncset.done @!p0 $0x0  }
0x4d: {  	[sflag:s0] =	ssyncadd.s32 @!p0 s1  }
0x4e: {  	[bflag:$0x3] =	sbarrier.arrive $0xFFFF  }
0x4f: {  	_ =	shalt  }

// kernel: kernel.13.cloned.1.call-start
scs
__scs_entry_jumppad:
0x0: {  	(pc) =	sbr.rel $0x88, $3  }
0x1: {  	(tag) =	ssettag $0x0;
	lr =	simm.s32 $0x1  }
0x2: {  	[smem:$0x3F94] =	sst lr;
	_ =	strace $0xD0000000  }
0x3: {  	_ = 	snop  }
0x4: {  	_ = 	snop  }
0x5: {  	_ = 	snop  }
0x6: {  	_ = 	snop  }
0x7: {  	_ = 	snop  }
__scs_overlays_trampoline_lowered:
0x8: {  	[smem:$0x3FA3] =	sst s0  }
0x9: {  	[smem:$0x3FA4] =	sst s1  }
0xa: {  	[smem:$0x3FA5] =	sst s2  }
0xb: {  	[smem:$0x3FA6] =	sst s3  }
0xc: {  	[smem:$0x3FA7] =	sst s4  }
0xd: {  	[smem:$0x3FA8] =	sst s5  }
0xe: {  	[smem:$0x3FA9] =	sst s6  }
0xf: {  	[smem:$0x3FAA] =	sst s7  }
0x10: {  	[smem:$0x3FAB] =	sst s8  }
0x11: {  	[smem:$0x3FAC] =	sst s9;
	s0 =	simm.s32 @!p0 $0x0  }
0x12: {  	s1 =	sld [smem:$0x3F92];
	s0 =	simm.s32 @p0 $0x1  }
0x13: {  	[smem:$0x3FAD] =	sst s0;
	s0 =	simm.s32 @!p1 $0x0  }
0x14: {  	s2 =	sld [smem:$0x3F91];
	s0 =	simm.s32 @p1 $0x1  }
0x15: {  	[smem:$0x3FAE] =	sst s0;
	s0 =	simm.s32 @!p2 $0x0  }
0x16: {  	s3 =	sld [smem:$0x3FDB];
	s0 =	simm.s32 @p2 $0x1  }
0x17: {  	s4 =	simm.s32 $0x1BF5;
	[smem:$0x3FB0] =	sst s0  }
0x18: {  	s0 =	sld [smem:$0x3F93];
	_ =	swait.ge [sflag:s4], $0x0  }
0x19: {  	s7 =	sld [smem:$0x3F94]  }
0x1a: {  	s8 =	sadd.s32 $0xFFFFE003, lr  }
0x1b: {  	s9 =	sadd.s32 $0xFFFFFEF7, lr;
	s5 =	simm.s32 $0xFFFFFFFF;
	p2 =	slt.u32 s8, $0xFFFFF086  }
0x1c: {  	p1 =	slt.u32 s9, $0xF7A;
	s5 =	simm.s32 @!p2 $0x0  }
0x1d: {  	s5 =	simm.s32 @p1 $0x1;
	p0 =	seq.s32 s7, s2  }
0x1e: {  	s7 =	smul.u32 @!p0 $0xF7A, s2;
	p2 =	seq.s32 @!p0 s5, $0x0  }
0x1f: {  	s9 =	smul.u32 $0xF7A, s1;
	s8 =	simm.s32 @!p0 $0x1BF5;
	p2 =	por !p2, p0  }
0x20: {  	[sflag:s8] =	ssyncset.s32 @!p0 $0xFFFFF086;
	s6 =	sadd.s32 @!p0 s3, s7;
	s7 =	simm.s32 @!p0 $0x108  }
0x21: {  	s3 =	sadd.s32 s3, s9;
	s6 =	sadd.s32 @!p0 $0x88, s6;
	s7 =	simm.s32 @p2 $0x1082  }
0x22: {  	[simem:s7], [sflag:s8] =	dma.local @!p0 [hbm:s6], $0xF7A  }
0x23: {  	s9 =	sor.u32 $0xD0000000, s2;
	s6 =	simm.s32 $0x108;
	_ =	swait.ge @!p0 [sflag:s8], $0x0  }
0x24: {  	s3 =	sadd.s32 $0x88, s3;
	s6 =	simm.s32 @!p1 $0x1082;
	[sflag:s4] =	ssyncset.s32 $0xFFFFF086  }
0x25: {  	[simem:s6], [sflag:s4] =	dma.local [hbm:s3], $0xF7A  }
0x26: {  	[smem:$0x3F94] =	sst s1;
	(tag) =	ssettag s2;
	_ =	strace s9  }
0x27: {  	s1 =	sld [smem:$0x3FA4]  }
0x28: {  	s2 =	sld [smem:$0x3FA5]  }
0x29: {  	s4 =	sld [smem:$0x3FA7]  }
0x2a: {  	p0 =	seq.s32 s5, $0x0;
	s5 =	sld [smem:$0x3FA8]  }
0x2b: {  	s6 =	sld [smem:$0x3FA9]  }
0x2c: {  	s7 =	sld [smem:$0x3FAA]  }
0x2d: {  	s3 =	simm.s32 $0x108;
	s8 =	sld [smem:$0x3FAB]  }
0x2e: {  	s3 =	simm.s32 @!p0 $0x1082;
	s9 =	sld [smem:$0x3FAC]  }
0x2f: {  	lr =	sadd.s32 s0, s3;
	s0 =	sld [smem:$0x3FA3]  }
0x30: {  	s3 =	sld [smem:$0x3FA6]  }
0x31: {  	[smem:$0x3FAF] =	sst s10  }
0x32: {  	s10 =	sld [smem:$0x3FAD];
	_ =	sdelay $0x3  }
0x33: {  	p0 =	seq.s32 s10, $0x1;
	s10 =	sld [smem:$0x3FAF];
	_ =	sdelay $0x3  }
0x34: {  	[smem:$0x3FAF] =	sst s10  }
0x35: {  	s10 =	sld [smem:$0x3FAE];
	_ =	sdelay $0x3  }
0x36: {  	p1 =	seq.s32 s10, $0x1;
	s10 =	sld [smem:$0x3FAF];
	_ =	sdelay $0x3  }
0x37: {  	[smem:$0x3FAF] =	sst s10  }
0x38: {  	s10 =	sld [smem:$0x3FB0]  }
0x39: {  	_ = 	snop;
	(pc) =	sbr.ind lr, $3  }
0x3a: {  	_ = 	snop  }
0x3b: {  	_ = 	snop  }
0x3c: {  	p2 =	seq.s32 s10, $0x1;
	s10 =	sld [smem:$0x3FAF]  }
0x3d: {  	_ =	shalt  }
0x3e: {  	_ =	shalt  }
0x3f: {  	_ =	shalt  }
0x40: {  	_ =	shalt  }
0x41: {  	_ =	shalt  }
0x42: {  	_ =	shalt  }
0x43: {  	_ =	shalt  }
0x44: {  	_ =	shalt  }
0x45: {  	_ =	shalt  }
0x46: {  	_ =	shalt  }
0x47: {  	_ =	shalt  }
0x48: {  	_ =	shalt  }
0x49: {  	_ =	shalt  }
0x4a: {  	_ =	shalt  }
0x4b: {  	_ =	shalt  }
0x4c: {  	_ =	shalt  }
0x4d: {  	_ =	shalt  }
0x4e: {  	_ =	shalt  }
0x4f: {  	_ =	shalt  }
0x50: {  	_ =	shalt  }
0x51: {  	_ =	shalt  }
0x52: {  	_ =	shalt  }
0x53: {  	_ =	shalt  }
0x54: {  	_ =	shalt  }
0x55: {  	_ =	shalt  }
0x56: {  	_ =	shalt  }
0x57: {  	_ =	shalt  }
0x58: {  	_ =	shalt  }
0x59: {  	_ =	shalt  }
0x5a: {  	_ =	shalt  }
0x5b: {  	_ =	shalt  }
0x5c: {  	_ =	shalt  }
0x5d: {  	_ =	shalt  }
0x5e: {  	_ =	shalt  }
0x5f: {  	_ =	shalt  }
0x60: {  	_ =	shalt  }
0x61: {  	_ =	shalt  }
0x62: {  	_ =	shalt  }
0x63: {  	_ =	shalt  }
0x64: {  	_ =	shalt  }
0x65: {  	_ =	shalt  }
0x66: {  	_ =	shalt  }
0x67: {  	_ =	shalt  }
0x68: {  	_ =	shalt  }
0x69: {  	_ =	shalt  }
0x6a: {  	_ =	shalt  }
0x6b: {  	_ =	shalt  }
0x6c: {  	_ =	shalt  }
0x6d: {  	_ =	shalt  }
0x6e: {  	_ =	shalt  }
0x6f: {  	_ =	shalt  }
0x70: {  	_ =	shalt  }
0x71: {  	_ =	shalt  }
0x72: {  	_ =	shalt  }
0x73: {  	_ =	shalt  }
0x74: {  	_ =	shalt  }
0x75: {  	_ =	shalt  }
0x76: {  	_ =	shalt  }
0x77: {  	_ =	shalt  }
0x78: {  	_ =	shalt  }
0x79: {  	_ =	shalt  }
0x7a: {  	_ =	shalt  }
0x7b: {  	_ =	shalt  }
0x7c: {  	_ =	shalt  }
0x7d: {  	_ =	shalt  }
0x7e: {  	_ =	shalt  }
0x7f: {  	_ =	shalt  }
0x80: {  	_ =	shalt  }
0x81: {  	_ =	shalt  }
0x82: {  	_ =	shalt  }
0x83: {  	_ =	shalt  }
0x84: {  	_ =	shalt  }
0x85: {  	_ =	shalt  }
0x86: {  	_ =	shalt  }
0x87: {  	_ =	shalt  }
.Lfunc_end0:
.L_simem_size_0:
called_computation.5_lowered:
.L_overlay_start_0:
0x88: {  	s2 =	sld [smem:$0x3FD9]  }
0x89: {  	s3 =	sld [smem:$0x3FFE];
	_ =	sdelay $0x1  }
0x8a: {  	s1 =	srdreg.scid  }
0x8b: {  	s0 =	sand.u32 $0x1, s1  }
0x8c: {  	s17 =	sshll.u32 s0, $0xA;
	s2 =	sadd.s32 s3, s2  }
0x8d: {  	s2 =	sadd.s32 s2, s17  }
0x8e: {  	[smem:$0x3FBB] =	sst s2  }
0x8f: {  	_ = 	snop  }
0x90: {  	s18 =	sld [smem:$0x3FC7];
	(tm) =	ssettm $0x1  }
0x91: {  	s19 =	sld [smem:$0x3FFB];
	_ =	sdelay $0x3  }
0x92: {  	_ =	strace s19  }
0x93: {  	s2 =	sld [smem:$0x3FFC];
	_ =	sdelay $0x3  }
0x94: {  	_ =	strace s2  }
0x95: {  	s2 =	sld [smem:$0x3FFD];
	_ =	sdelay $0x3  }
0x96: {  	_ =	strace s2  }
0x97: {  	_ =	strace $0x8FFFFFFF  }
0x98: {  	s20 =	sld [smem:$0x3FDB];
	_ =	sdelay $0x1  }
0x99: {  	s4 =	simm.s32 $_scs_section_size  }
0x9a: {  	s5 =	simm.s32 $_size__tile_overlayer_lowered;
	s6 =	simm.s32 $_tile_overlayer_lowered  }
0x9b: {  	s7 =	simm.s32 $0x1BFF;
	s21 =	sshll.u32 s6, $0x1;
	s4 =	sadd.s32 s4, s20  }
0x9c: {  	s22 =	simm.s32 $0x0;
	s5 =	sshll.u32 s5, $0x1;
	s6 =	sadd.s32 s21, s4  }
0x9d: {  	[timem:s22], [sflag:s7] =	dma.local [hbm:s6], s5  }
0x9e: {  	_ =	swait.ge [sflag:s7], s5  }
0x9f: {  	s5 =	ssub.s32 $0x0, s5;
	[sflag:s7] =	ssyncset.done $0x0  }
0xa0: {  	[sflag:s7] =	ssyncadd.s32 s5;
	_ =	sdelay $0x1  }
0xa1: {  	s23 =	simm.s32 $0x1B8B  }
0xa2: {  	_ =	swait.ge [sflag:s23], $0x1  }
0xa3: {  	[sflag:s23] =	ssyncset.done $0x0  }
0xa4: {  	[sflag:s23] =	ssyncadd.s32 $0xFFFFFFFF  }
0xa5: {  	s5 =	sld [smem:$0x0]  }
0xa6: {  	s6 =	sand.u32 $0xFFFFFFFE, s1  }
0xa7: {  	p0 =	sne.s32 s1, s6  }
0xa8: {  	s6 =	sshll.u32 @p0 s6, $0xE  }
0xa9: {  	s6 =	sadd.s32 @p0 $0x11B8D, s6;
	s7 =	sshll.u32 @p0 s5, $0x11  }
0xaa: {  	s6 =	sor.u32 @p0 s7, s6  }
0xab: {  	[sflag:s6] =	ssyncadd.remote.s32 @p0 $0x1;
	_ =	sdelay $0x1  }
0xac: {  	s6 =	simm.s32 @p0 $0x1B8D  }
0xad: {  	_ =	swait.eq @p0 [sflag:s6], $0x1  }
0xae: {  	[sflag:s6] =	ssyncadd.s32 @p0 $0xFFFFFFFF  }
0xaf: {  	s7 =	sshll.u32 @!p0 s1, $0xE  }
0xb0: {  	s7 =	sor.u32 @!p0 $0x4000, s7;
	s6 =	simm.s32 @!p0 $0x1B8D  }
0xb1: {  	s5 =	sshll.u32 @!p0 s5, $0x11;
	s7 =	sadd.s32 @!p0 $0x11B8D, s7;
	_ =	swait.eq @!p0 [sflag:s6], $0x1  }
0xb2: {  	s5 =	sor.u32 @!p0 s5, s7;
	[sflag:s6] =	ssyncadd.s32 @!p0 $0xFFFFFFFF  }
0xb3: {  	s25 =	simm.s32 $0x1B8E;
	s24 =	sld [smem:$0x3FFE];
	[sflag:s5] =	ssyncadd.remote.s32 @!p0 $0x1  }
0xb4: {  	s26 =	simm.s32 $execute0_lowered;
	[smem:$0x3FD2] =	sst s25  }
0xb5: {  	s6 =	sshll.u32 s26, $0x1;
	_ =	strace $0x80000061;
	[dreg:$0x1] =	wrdreg $0xFFFFFFFF  }
0xb6: {  	s28 =	simm.s32 $_size_execute0_lowered;
	s4 =	sadd.s32 s4, s6;
	[dreg:$0x0] =	wrdreg $0x0  }
0xb7: {  	s6 =	sshll.u32 s28, $0x1;
	[dreg:$0x2] =	wrdreg s4  }
0xb8: {  	[dreg:$0x3] =	wrdreg s6  }
0xb9: {  	[dreg:$0x4] =	wrdreg $0xC0  }
0xba: {  	_ =	task [dreg:s22], $0x5FFFF  }
0xbb: {  	[dreg:$0x1] =	wrdreg $0xFFFFFFFF  }
0xbc: {  	[dreg:$0x0] =	wrdreg $0x60  }
0xbd: {  	[dreg:$0x2] =	wrdreg s18  }
0xbe: {  	[dreg:$0x3] =	wrdreg s24  }
0xbf: {  	[dreg:$0x4] =	wrdreg $0xA  }
0xc0: {  	_ =	task.clear_ibuf [dreg:s22], $0x5FFFF;
	_ =	strace $0x90000061  }
0xc1: {  	s29 =	simm.s32 $0xA;
	_ =	strace $0x80000063  }
0xc2: {  	_ =	swait.ge [sflag:s29], $0x1  }
0xc3: {  	[sflag:s29] =	ssyncadd.s32 $0xFFFFFFFF  }
0xc4: {  	_ =	strace $0x90000063  }
0xc5: {  	_ =	sfence  }
0xc6: {  	s30 =	sld [smem:$0x0];
	_ =	sdelay $0x2  }
0xc7: {  	s31 =	sshll.u32 s1, $0xD;
	s1 =	sshrl.u32 s1, $0x2  }
0xc8: {  	s4 =	sand.u32 $0x4000, s31;
	s1 =	sadd.s32 s1, s30  }
0xc9: {  	s0 =	sor.u32 s4, s0;
	s1 =	sshll.u32 s1, $0x11  }
0xca: {  	s0 =	sor.u32 s1, s0  }
0xcb: {  	s0 =	sadd.s32 $0x8F2B, s0  }
0xcc: {  	[sflag:s0] =	ssyncadd.remote.s32 $0x1  }
0xcd: {  	_ =	sfence.sel $0xFFFF  }
0xce: {  	[dreg:$0x0] =	wrdreg $0xFFFFFFFF;
	(pc) =	sbr.abs _section_cstart, $3  }
0xcf: {  	[dreg:$0x1] =	wrdreg $0xFFFFFFFF  }
0xd0: {  	_ =	task.clear_ibuf [dreg:s22], $0x2FFFF;
	_ =	strace $0x9FFFFFFF  }
0xd1: {  	(tm) =	ssettm $0x7FFFFFFF  }
tec
execute0_lowered:
.L_overlay_start_1:
0x0: {  	(tag) =	ssettag $0x1  }
0x1: {  	s1 =	rddreg [dreg:$0x0]  }
0x2: {  	s0 =	rddreg [dreg:$0x1];
	s2 =	simm.s32 $0x0;
	s3 =	srdreg.scid  }
0x3: {  	s15 =	stileid.u32;
	s14 =	simm.s32 $0x80;
	s21 =	simm.s32 $0x1  }
0x4: {  	s22 =	simm.s32 $0x10080;
	s31 =	simm.s32 $0x0;
	[smem:$0x7FF] =	sst s2  }
0x5: {  	s29 =	sadd.s32 $0x11600, s0;
	s3 =	sand.u32 $0x1, s3;
	s6 =	sadd.s32 $0xC600, s0  }
0x6: {  	s5 =	sshll.u32 s15, $0x8;
	s8 =	sadd.s32 $0x3A800, s0;
	s10 =	sadd.s32 $0xA00800, s0  }
0x7: {  	s0 =	sadd.s32 $0xBF4800, s0;
	s25 =	sshll.u32 s15, $0xC;
	s26 =	sshll.u32 s15, $0xE  }
0x8: {  	p0 =	sgt.u32 s15, $0xC;
	s7 =	sshll.u32 s3, $0x7;
	s9 =	ssub.s32 $0x2, s3  }
0x9: {  	_ =	strace $0x80000062;
	s7 =	sor.u32 s7, s5;
	s23 =	sshrl.u32 s9, $0x1  }
0xa: {  	s28 =	sshll.u32 s3, $0xB;
	s11 =	sor.u32 $0x7000, s7;
	s9 =	ssub.s32 s9, s23  }
0xb: {  	s3 =	sshll.u32 s3, $0xD;
	s12 =	sshrl.u32 s11, $0x3;
	s9 =	smax.u32 s9, $0x1  }
0xc: {  	s24 =	sshll.u32 s11, $0x6;
	s13 =	sadd.s32 s6, s12;
	[dreg:$0x9] =	wrdreg s9  }
0xd: {  	s11 =	sshll.u32 s11, $0x4;
	s12 =	sadd.s32 s8, s12;
	[dreg:$0x5] =	wrdreg s13  }
0xe: {  	s7 =	sshrl.u32 s7, $0x3;
	s11 =	sadd.s32 s0, s11;
	[dreg:$0x7] =	wrdreg s12  }
0xf: {  	s5 =	sadd.s32 $0x100, s1;
	s8 =	sadd.s32 s7, s8;
	[dreg:$0x8] =	wrdreg s11  }
.Ltmp0:
0x10: {  	s6 =	sadd.s32 s7, s6;
	[dreg:$0x3] =	wrdreg s8;
	(pc) =	sbr.rel .LBB2_1-.Ltmp0, $4  }
0x11: {  	s0 =	sadd.s32 s25, s0;
	s13 =	sadd.s32 s10, s24;
	[dreg:$0x4] =	wrdreg s6  }
0x12: {  	v2 =	vlaneseq.u32;
	s9 =	sadd.s32 s26, s10;
	s0 =	sadd.s32 s28, s0;
	[dreg:$0x6] =	wrdreg s13  }
0x13: {  	vm0 =	vmmov $0xffff;
	v1 =	vshrl.u32 v2, $0x3;
	s23 =	simm.s32 $0x10100;
	s30 =	sadd.s32 s3, s9;
	[dreg:$0xa] =	wrdreg s0  }
0x14: {  	v0 =	vand.u32 $0x7, v2;
	v2 =	vor.u32 $0x8, v2;
	v1 =	vmul.u32 $0x8, v1;
	s24 =	simm.s32 $0x2;
	[dreg:$0xb] =	wrdreg s30;
	s13 =	simm.s32 $0x3  }
.LBB2_5:
0x15: {  	s31 =	sadd.s32 $0x1, s31;
	s25 =	rddreg [dreg:$0x9]  }
0x16: {  	p1 =	sne.s32 s31, s25  }
.Ltmp1:
0x17: {  	_ = 	snop;
	(pc) =	sbr.rel @!p1 .LBB2_6-.Ltmp1, $1  }
0x18: {  	_ =	sdelay $0x3  }
.LBB2_1:
0x19: {  	[dreg:$0xc] =	wrdreg s31  }
0x1a: {  	s25 =	rddreg [dreg:$0xb]  }
0x1b: {  	s26 =	rddreg [dreg:$0xa]  }
0x1c: {  	s28 =	simm.s32 $0x0;
	s18 =	simm.s32 $0x7880;
	s19 =	simm.s32 $0x8080  }
0x1d: {  	s20 =	simm.s32 $0x8880;
	s4 =	simm.s32 $0x9080;
	s0 =	simm.s32 $0xA080  }
0x1e: {  	s31 =	simm.s32 $0x9880;
	s3 =	simm.s32 $0xA880;
	s6 =	simm.s32 $0xB080  }
0x1f: {  	s7 =	simm.s32 $0xB880;
	s8 =	simm.s32 $0xC080;
	s9 =	simm.s32 $0xC880  }
0x20: {  	s10 =	simm.s32 $0xD080;
	s11 =	simm.s32 $0xD880;
	s12 =	simm.s32 $0xE080  }
0x21: {  	s15 =	simm.s32 $0xE880;
	s16 =	simm.s32 $0xF080;
	s17 =	simm.s32 $0xF880  }
.LBB2_2:
0x22: {  	s30 =	smov.u32 s29;
	s29 =	rddreg [dreg:$0x4]  }
0x23: {  	s29 =	sadd.s32 s28, s29  }
0x24: {  	[tilespmem:s2], [sflag:$0x3] =	stream.linear.gather [hbm4b:s29+s2], $0x80, $0x38;
	[tilespmem:$0x14100] =	vst v63  }
0x25: {  	_ =	swait.ge [sflag:s13], $0x80  }
0x26: {  	[sflag:s13] =	ssyncset.done $0x0  }
0x27: {  	[sflag:s13] =	ssyncadd.s32 $0xFFFFFF80  }
0x28: {  	v3 =	vld [tilespmem:$0x0];
	_ =	sdelay $0x4  }
0x29: {  	v4 =	vshll.u32 v3, $0x2  }
0x2a: {  	v3 =	vand.u32 $0x7, v3;
	v4 =	vand.u32 $0xFFFFFFE0, v4  }
0x2b: {  	v3 =	vor.u32 v3, v4  }
0x2c: {  	v4 =	vperm.xlane v3, v0;
	_ =	sdelay $0x1  }
0x2d: {  	v4 =	vadd.s32 v1, v4;
	_ =	sdelay $0x1  }
0x2e: {  	v3 =	vperm.xlane v3, v2;
	_ =	sdelay $0x1  }
0x2f: {  	v3 =	vadd.s32 v1, v3  }
0x30: {  	[tilespmem:s14], [sflag:$0x1] =	stream.indirect_vreg.gather [hbm4b:s1+s2], $0x80, v4, vm0, $0xb8;
	[tilespmem:$0x14100] =	vst v63  }
0x31: {  	s29 =	simm.s32 $0x880  }
0x32: {  	[tilespmem:s29], [sflag:$0x1] =	stream.indirect_vreg.gather [hbm4b:s5+s2], $0x80, v4, vm0, $0xb8;
	[tilespmem:$0x14100] =	vst v63  }
0x33: {  	s29 =	simm.s32 $0x1080  }
0x34: {  	[tilespmem:s29], [sflag:$0x1] =	stream.indirect_vreg.gather [hbm4b:s1+s2], $0x80, v3, vm0, $0xb8;
	[tilespmem:$0x14100] =	vst v63  }
0x35: {  	s29 =	simm.s32 $0x1880  }
0x36: {  	[tilespmem:s29], [sflag:$0x1] =	stream.indirect_vreg.gather [hbm4b:s5+s2], $0x80, v3, vm0, $0xb8;
	[tilespmem:$0x14100] =	vst v63  }
0x37: {  	v3 =	vld [tilespmem:$0x10];
	_ =	sdelay $0x4  }
0x38: {  	v57 =	vshll.u32 v3, $0x2  }
0x39: {  	v3 =	vand.u32 $0x7, v3;
	v4 =	vand.u32 $0xFFFFFFE0, v57  }
0x3a: {  	v3 =	vor.u32 v3, v4  }
0x3b: {  	v4 =	vperm.xlane v3, v0;
	_ =	sdelay $0x1  }
0x3c: {  	v4 =	vadd.s32 v1, v4;
	_ =	sdelay $0x1  }
0x3d: {  	v3 =	vperm.xlane v3, v2;
	_ =	sdelay $0x1  }
0x3e: {  	s29 =	simm.s32 $0x2080;
	v3 =	vadd.s32 v1, v3  }
0x3f: {  	[tilespmem:s29], [sflag:$0x1] =	stream.indirect_vreg.gather [hbm4b:s1+s2], $0x80, v4, vm0, $0xb8;
	[tilespmem:$0x14100] =	vst v63  }
0x40: {  	s29 =	simm.s32 $0x2880  }
0x41: {  	[tilespmem:s29], [sflag:$0x1] =	stream.indirect_vreg.gather [hbm4b:s5+s2], $0x80, v4, vm0, $0xb8;
	[tilespmem:$0x14100] =	vst v63  }
0x42: {  	s29 =	simm.s32 $0x3080  }
0x43: {  	[tilespmem:s29], [sflag:$0x1] =	stream.indirect_vreg.gather [hbm4b:s1+s2], $0x80, v3, vm0, $0xb8;
	[tilespmem:$0x14100] =	vst v63  }
0x44: {  	s29 =	simm.s32 $0x3880  }
0x45: {  	[tilespmem:s29], [sflag:$0x1] =	stream.indirect_vreg.gather [hbm4b:s5+s2], $0x80, v3, vm0, $0xb8;
	[tilespmem:$0x14100] =	vst v63  }
0x46: {  	v3 =	vld [tilespmem:$0x20];
	_ =	sdelay $0x4  }
0x47: {  	v58 =	vshll.u32 v3, $0x2  }
0x48: {  	v3 =	vand.u32 $0x7, v3;
	v4 =	vand.u32 $0xFFFFFFE0, v58  }
0x49: {  	v3 =	vor.u32 v3, v4  }
0x4a: {  	v4 =	vperm.xlane v3, v0;
	_ =	sdelay $0x1  }
0x4b: {  	v4 =	vadd.s32 v1, v4;
	_ =	sdelay $0x1  }
0x4c: {  	v3 =	vperm.xlane v3, v2;
	_ =	sdelay $0x1  }
0x4d: {  	s29 =	simm.s32 $0x4080;
	v3 =	vadd.s32 v1, v3  }
0x4e: {  	[tilespmem:s29], [sflag:$0x1] =	stream.indirect_vreg.gather [hbm4b:s1+s2], $0x80, v4, vm0, $0xb8;
	[tilespmem:$0x14100] =	vst v63  }
0x4f: {  	s29 =	simm.s32 $0x4880  }
0x50: {  	[tilespmem:s29], [sflag:$0x1] =	stream.indirect_vreg.gather [hbm4b:s5+s2], $0x80, v4, vm0, $0xb8;
	[tilespmem:$0x14100] =	vst v63  }
0x51: {  	s29 =	simm.s32 $0x5080  }
0x52: {  	[tilespmem:s29], [sflag:$0x1] =	stream.indirect_vreg.gather [hbm4b:s1+s2], $0x80, v3, vm0, $0xb8;
	[tilespmem:$0x14100] =	vst v63  }
0x53: {  	s29 =	simm.s32 $0x5880  }
0x54: {  	[tilespmem:s29], [sflag:$0x1] =	stream.indirect_vreg.gather [hbm4b:s5+s2], $0x80, v3, vm0, $0xb8;
	[tilespmem:$0x14100] =	vst v63  }
0x55: {  	v3 =	vld [tilespmem:$0x30];
	_ =	sdelay $0x4  }
0x56: {  	v59 =	vshll.u32 v3, $0x2  }
0x57: {  	v3 =	vand.u32 $0x7, v3;
	v4 =	vand.u32 $0xFFFFFFE0, v59  }
0x58: {  	v3 =	vor.u32 v3, v4  }
0x59: {  	v4 =	vperm.xlane v3, v0;
	_ =	sdelay $0x1  }
0x5a: {  	v4 =	vadd.s32 v1, v4;
	_ =	sdelay $0x1  }
0x5b: {  	v3 =	vperm.xlane v3, v2;
	_ =	sdelay $0x1  }
0x5c: {  	s29 =	simm.s32 $0x6080;
	v3 =	vadd.s32 v1, v3  }
0x5d: {  	[tilespmem:s29], [sflag:$0x1] =	stream.indirect_vreg.gather [hbm4b:s1+s2], $0x80, v4, vm0, $0xb8;
	[tilespmem:$0x14100] =	vst v63  }
0x5e: {  	s29 =	simm.s32 $0x6880  }
0x5f: {  	[tilespmem:s29], [sflag:$0x1] =	stream.indirect_vreg.gather [hbm4b:s5+s2], $0x80, v4, vm0, $0xb8;
	[tilespmem:$0x14100] =	vst v63  }
0x60: {  	s29 =	simm.s32 $0x7080  }
0x61: {  	[tilespmem:s29], [sflag:$0x1] =	stream.indirect_vreg.gather [hbm4b:s1+s2], $0x80, v3, vm0, $0xb8;
	[tilespmem:$0x14100] =	vst v63  }
0x62: {  	_ = 	snop  }
0x63: {  	[tilespmem:s18], [sflag:$0x1] =	stream.indirect_vreg.gather [hbm4b:s5+s2], $0x80, v3, vm0, $0xb8;
	[tilespmem:$0x14100] =	vst v63  }
0x64: {  	v3 =	vld [tilespmem:$0x40];
	_ =	sdelay $0x4  }
0x65: {  	v60 =	vshll.u32 v3, $0x2  }
0x66: {  	v3 =	vand.u32 $0x7, v3;
	v4 =	vand.u32 $0xFFFFFFE0, v60  }
0x67: {  	v3 =	vor.u32 v3, v4  }
0x68: {  	v4 =	vperm.xlane v3, v0;
	_ =	sdelay $0x1  }
0x69: {  	v4 =	vadd.s32 v1, v4;
	_ =	sdelay $0x1  }
0x6a: {  	v3 =	vperm.xlane v3, v2;
	_ =	sdelay $0x1  }
0x6b: {  	v3 =	vadd.s32 v1, v3  }
0x6c: {  	[tilespmem:s19], [sflag:$0x1] =	stream.indirect_vreg.gather [hbm4b:s1+s2], $0x80, v4, vm0, $0xb8;
	[tilespmem:$0x14100] =	vst v63  }
0x6d: {  	_ = 	snop  }
0x6e: {  	[tilespmem:s20], [sflag:$0x1] =	stream.indirect_vreg.gather [hbm4b:s5+s2], $0x80, v4, vm0, $0xb8;
	[tilespmem:$0x14100] =	vst v63  }
0x6f: {  	_ = 	snop  }
0x70: {  	[tilespmem:s4], [sflag:$0x1] =	stream.indirect_vreg.gather [hbm4b:s1+s2], $0x80, v3, vm0, $0xb8;
	[tilespmem:$0x14100] =	vst v63  }
0x71: {  	_ = 	snop  }
0x72: {  	[tilespmem:s31], [sflag:$0x1] =	stream.indirect_vreg.gather [hbm4b:s5+s2], $0x80, v3, vm0, $0xb8;
	[tilespmem:$0x14100] =	vst v63  }
0x73: {  	v3 =	vld [tilespmem:$0x50];
	_ =	sdelay $0x4  }
0x74: {  	v61 =	vshll.u32 v3, $0x2  }
0x75: {  	v3 =	vand.u32 $0x7, v3;
	v4 =	vand.u32 $0xFFFFFFE0, v61  }
0x76: {  	v3 =	vor.u32 v3, v4  }
0x77: {  	v4 =	vperm.xlane v3, v0;
	_ =	sdelay $0x1  }
0x78: {  	v4 =	vadd.s32 v1, v4;
	_ =	sdelay $0x1  }
0x79: {  	v3 =	vperm.xlane v3, v2;
	_ =	sdelay $0x1  }
0x7a: {  	v3 =	vadd.s32 v1, v3  }
0x7b: {  	[tilespmem:s0], [sflag:$0x1] =	stream.indirect_vreg.gather [hbm4b:s1+s2], $0x80, v4, vm0, $0xb8;
	[tilespmem:$0x14100] =	vst v63  }
0x7c: {  	_ = 	snop  }
0x7d: {  	[tilespmem:s3], [sflag:$0x1] =	stream.indirect_vreg.gather [hbm4b:s5+s2], $0x80, v4, vm0, $0xb8;
	[tilespmem:$0x14100] =	vst v63  }
0x7e: {  	_ = 	snop  }
0x7f: {  	[tilespmem:s6], [sflag:$0x1] =	stream.indirect_vreg.gather [hbm4b:s1+s2], $0x80, v3, vm0, $0xb8;
	[tilespmem:$0x14100] =	vst v63  }
0x80: {  	_ = 	snop  }
0x81: {  	[tilespmem:s7], [sflag:$0x1] =	stream.indirect_vreg.gather [hbm4b:s5+s2], $0x80, v3, vm0, $0xb8;
	[tilespmem:$0x14100] =	vst v63  }
0x82: {  	v3 =	vld [tilespmem:$0x60];
	_ =	sdelay $0x4  }
0x83: {  	v62 =	vshll.u32 v3, $0x2  }
0x84: {  	v3 =	vand.u32 $0x7, v3;
	v4 =	vand.u32 $0xFFFFFFE0, v62  }
0x85: {  	v3 =	vor.u32 v3, v4  }
0x86: {  	v4 =	vperm.xlane v3, v0;
	_ =	sdelay $0x1  }
0x87: {  	v4 =	vadd.s32 v1, v4;
	_ =	sdelay $0x1  }
0x88: {  	v3 =	vperm.xlane v3, v2;
	_ =	sdelay $0x1  }
0x89: {  	v3 =	vadd.s32 v1, v3  }
0x8a: {  	[tilespmem:s8], [sflag:$0x1] =	stream.indirect_vreg.gather [hbm4b:s1+s2], $0x80, v4, vm0, $0xb8;
	[tilespmem:$0x14100] =	vst v63  }
0x8b: {  	_ = 	snop  }
0x8c: {  	[tilespmem:s9], [sflag:$0x1] =	stream.indirect_vreg.gather [hbm4b:s5+s2], $0x80, v4, vm0, $0xb8;
	[tilespmem:$0x14100] =	vst v63  }
0x8d: {  	_ = 	snop  }
0x8e: {  	[tilespmem:s10], [sflag:$0x1] =	stream.indirect_vreg.gather [hbm4b:s1+s2], $0x80, v3, vm0, $0xb8;
	[tilespmem:$0x14100] =	vst v63  }
0x8f: {  	_ = 	snop  }
0x90: {  	[tilespmem:s11], [sflag:$0x1] =	stream.indirect_vreg.gather [hbm4b:s5+s2], $0x80, v3, vm0, $0xb8;
	[tilespmem:$0x14100] =	vst v63  }
0x91: {  	v3 =	vld [tilespmem:$0x70];
	_ =	sdelay $0x4  }
0x92: {  	v63 =	vshll.u32 v3, $0x2  }
0x93: {  	v3 =	vand.u32 $0x7, v3;
	v4 =	vand.u32 $0xFFFFFFE0, v63  }
0x94: {  	v3 =	vor.u32 v3, v4  }
0x95: {  	v4 =	vperm.xlane v3, v0;
	_ =	sdelay $0x1  }
0x96: {  	v4 =	vadd.s32 v1, v4;
	_ =	sdelay $0x1  }
0x97: {  	v3 =	vperm.xlane v3, v2;
	_ =	sdelay $0x1  }
0x98: {  	v3 =	vadd.s32 v1, v3  }
0x99: {  	[tilespmem:s12], [sflag:$0x1] =	stream.indirect_vreg.gather [hbm4b:s1+s2], $0x80, v4, vm0, $0xb8;
	[tilespmem:$0x14100] =	vst v63  }
0x9a: {  	_ = 	snop  }
0x9b: {  	[tilespmem:s15], [sflag:$0x1] =	stream.indirect_vreg.gather [hbm4b:s5+s2], $0x80, v4, vm0, $0xb8;
	[tilespmem:$0x14100] =	vst v63  }
0x9c: {  	_ = 	snop  }
0x9d: {  	[tilespmem:s16], [sflag:$0x1] =	stream.indirect_vreg.gather [hbm4b:s1+s2], $0x80, v3, vm0, $0xb8;
	[tilespmem:$0x14100] =	vst v63  }
0x9e: {  	_ = 	snop  }
0x9f: {  	[tilespmem:s17], [sflag:$0x1] =	stream.indirect_vreg.gather [hbm4b:s5+s2], $0x80, v3, vm0, $0xb8;
	[tilespmem:$0x14100] =	vst v63  }
0xa0: {  	_ =	swait.ge [sflag:s21], $0x10000  }
0xa1: {  	[sflag:s21] =	ssyncset.done $0x0  }
0xa2: {  	[sflag:s21] =	ssyncadd.s32 $0xFFFF0000  }
0xa3: {  	[hbm4b:s25+s2] =	stream.linear.scatter [tilespmem:s14], [sflag:$0x3], $0x10000, $0x38;
	[tilespmem:$0x14100] =	vst v63  }
0xa4: {  	_ =	swait.ge [sflag:s13], $0x10000  }
0xa5: {  	s29 =	rddreg [dreg:$0x3];
	[sflag:s13] =	ssyncset.done $0x0  }
0xa6: {  	[sflag:s13] =	ssyncadd.s32 $0xFFFF0000;
	s29 =	sadd.s32 s28, s29  }
0xa7: {  	[tilespmem:s22], [sflag:$0x3] =	stream.linear.gather [hbm4b:s29+s2], $0x80, $0x38;
	[tilespmem:$0x14100] =	vst v63  }
0xa8: {  	_ =	swait.ge [sflag:s13], $0x80  }
0xa9: {  	[sflag:s13] =	ssyncset.done $0x0  }
0xaa: {  	[sflag:s13] =	ssyncadd.s32 $0xFFFFFF80  }
0xab: {  	[tilespmem:s23], [sflag:$0x2] =	stream.indirect.gather [hbm4b:s30+s14], $0x80, s22, s14, $0xb8;
	[tilespmem:$0x14100] =	vst v63  }
0xac: {  	_ =	swait.ge [sflag:s24], $0x4000  }
0xad: {  	p1 =	sne.s32 s28, $0xC00;
	[sflag:s24] =	ssyncset.done $0x0  }
.Ltmp2:
0xae: {  	[sflag:s24] =	ssyncadd.s32 $0xFFFFC000;
	(pc) =	sbr.rel @p1 .LBB2_2-.Ltmp2, $4  }
0xaf: {  	[hbm4b:s26+s2] =	stream.linear.scatter [tilespmem:s23], [sflag:$0x3], $0x4000, $0x38;
	[tilespmem:$0x14100] =	vst v63  }
0xb0: {  	_ =	swait.ge [sflag:s13], $0x4000  }
0xb1: {  	s25 =	sadd.s32 $0x40000, s25;
	s28 =	sadd.s32 $0x200, s28;
	[sflag:s13] =	ssyncset.done $0x0  }
0xb2: {  	s29 =	smov.u32 s30;
	s26 =	sadd.s32 $0x10000, s26;
	[sflag:s13] =	ssyncadd.s32 $0xFFFFC000  }
0xb3: {  	s26 =	simm.s32 $0x880;
	s28 =	simm.s32 $0x1080;
	s0 =	simm.s32 $0x1880  }
0xb4: {  	s3 =	simm.s32 $0x2080;
	s6 =	simm.s32 $0x2880;
	s7 =	simm.s32 $0x3080  }
.Ltmp3:
0xb5: {  	s8 =	simm.s32 $0x3880;
	s9 =	simm.s32 $0x4080;
	(pc) =	sbr.rel @p0 .LBB2_5-.Ltmp3, $4  }
0xb6: {  	s10 =	simm.s32 $0x4880;
	s11 =	simm.s32 $0x5080;
	s12 =	simm.s32 $0x5880  }
0xb7: {  	s15 =	simm.s32 $0x6080;
	s16 =	simm.s32 $0x6880;
	s17 =	simm.s32 $0x7080  }
0xb8: {  	s18 =	simm.s32 $0x7880;
	s19 =	simm.s32 $0x8080;
	s20 =	simm.s32 $0x8880  }
0xb9: {  	s4 =	simm.s32 $0x9080;
	s30 =	simm.s32 $0x9880;
	s31 =	rddreg [dreg:$0xc]  }
0xba: {  	s25 =	rddreg [dreg:$0x5]  }
0xbb: {  	[tilespmem:s2], [sflag:$0x3] =	stream.linear.gather [hbm4b:s25+s2], $0x80, $0x38;
	[tilespmem:$0x14100] =	vst v63  }
0xbc: {  	_ =	swait.ge [sflag:s13], $0x80  }
0xbd: {  	[sflag:s13] =	ssyncset.done $0x0  }
0xbe: {  	[sflag:s13] =	ssyncadd.s32 $0xFFFFFF80  }
0xbf: {  	v3 =	vld [tilespmem:$0x0];
	_ =	sdelay $0x4  }
0xc0: {  	v4 =	vshll.u32 v3, $0x2  }
0xc1: {  	v3 =	vand.u32 $0x7, v3;
	v4 =	vand.u32 $0xFFFFFFE0, v4  }
0xc2: {  	v3 =	vor.u32 v3, v4  }
0xc3: {  	v4 =	vperm.xlane v3, v0;
	_ =	sdelay $0x1  }
0xc4: {  	v4 =	vadd.s32 v1, v4;
	_ =	sdelay $0x1  }
0xc5: {  	v3 =	vperm.xlane v3, v2;
	_ =	sdelay $0x1  }
0xc6: {  	v3 =	vadd.s32 v1, v3  }
0xc7: {  	[tilespmem:s14], [sflag:$0x1] =	stream.indirect_vreg.gather [hbm4b:s1+s2], $0x80, v4, vm0, $0xb8;
	[tilespmem:$0x14100] =	vst v63  }
0xc8: {  	_ = 	snop  }
0xc9: {  	[tilespmem:s26], [sflag:$0x1] =	stream.indirect_vreg.gather [hbm4b:s5+s2], $0x80, v4, vm0, $0xb8;
	[tilespmem:$0x14100] =	vst v63  }
0xca: {  	_ = 	snop  }
0xcb: {  	[tilespmem:s28], [sflag:$0x1] =	stream.indirect_vreg.gather [hbm4b:s1+s2], $0x80, v3, vm0, $0xb8;
	[tilespmem:$0x14100] =	vst v63  }
0xcc: {  	_ = 	snop  }
0xcd: {  	[tilespmem:s0], [sflag:$0x1] =	stream.indirect_vreg.gather [hbm4b:s5+s2], $0x80, v3, vm0, $0xb8;
	[tilespmem:$0x14100] =	vst v63  }
0xce: {  	v3 =	vld [tilespmem:$0x10];
	_ =	sdelay $0x4  }
0xcf: {  	v57 =	vshll.u32 v3, $0x2  }
0xd0: {  	v3 =	vand.u32 $0x7, v3;
	v4 =	vand.u32 $0xFFFFFFE0, v57  }
0xd1: {  	v3 =	vor.u32 v3, v4  }
0xd2: {  	v4 =	vperm.xlane v3, v0;
	_ =	sdelay $0x1  }
0xd3: {  	v4 =	vadd.s32 v1, v4;
	_ =	sdelay $0x1  }
0xd4: {  	v3 =	vperm.xlane v3, v2;
	_ =	sdelay $0x1  }
0xd5: {  	v3 =	vadd.s32 v1, v3  }
0xd6: {  	[tilespmem:s3], [sflag:$0x1] =	stream.indirect_vreg.gather [hbm4b:s1+s2], $0x80, v4, vm0, $0xb8;
	[tilespmem:$0x14100] =	vst v63  }
0xd7: {  	_ = 	snop  }
0xd8: {  	[tilespmem:s6], [sflag:$0x1] =	stream.indirect_vreg.gather [hbm4b:s5+s2], $0x80, v4, vm0, $0xb8;
	[tilespmem:$0x14100] =	vst v63  }
0xd9: {  	_ = 	snop  }
0xda: {  	[tilespmem:s7], [sflag:$0x1] =	stream.indirect_vreg.gather [hbm4b:s1+s2], $0x80, v3, vm0, $0xb8;
	[tilespmem:$0x14100] =	vst v63  }
0xdb: {  	_ = 	snop  }
0xdc: {  	[tilespmem:s8], [sflag:$0x1] =	stream.indirect_vreg.gather [hbm4b:s5+s2], $0x80, v3, vm0, $0xb8;
	[tilespmem:$0x14100] =	vst v63  }
0xdd: {  	v3 =	vld [tilespmem:$0x20];
	_ =	sdelay $0x4  }
0xde: {  	v58 =	vshll.u32 v3, $0x2  }
0xdf: {  	v3 =	vand.u32 $0x7, v3;
	v4 =	vand.u32 $0xFFFFFFE0, v58  }
0xe0: {  	v3 =	vor.u32 v3, v4  }
0xe1: {  	v4 =	vperm.xlane v3, v0;
	_ =	sdelay $0x1  }
0xe2: {  	v4 =	vadd.s32 v1, v4;
	_ =	sdelay $0x1  }
0xe3: {  	v3 =	vperm.xlane v3, v2;
	_ =	sdelay $0x1  }
0xe4: {  	v3 =	vadd.s32 v1, v3  }
0xe5: {  	[tilespmem:s9], [sflag:$0x1] =	stream.indirect_vreg.gather [hbm4b:s1+s2], $0x80, v4, vm0, $0xb8;
	[tilespmem:$0x14100] =	vst v63  }
0xe6: {  	_ = 	snop  }
0xe7: {  	[tilespmem:s10], [sflag:$0x1] =	stream.indirect_vreg.gather [hbm4b:s5+s2], $0x80, v4, vm0, $0xb8;
	[tilespmem:$0x14100] =	vst v63  }
0xe8: {  	_ = 	snop  }
0xe9: {  	[tilespmem:s11], [sflag:$0x1] =	stream.indirect_vreg.gather [hbm4b:s1+s2], $0x80, v3, vm0, $0xb8;
	[tilespmem:$0x14100] =	vst v63  }
0xea: {  	_ = 	snop  }
0xeb: {  	[tilespmem:s12], [sflag:$0x1] =	stream.indirect_vreg.gather [hbm4b:s5+s2], $0x80, v3, vm0, $0xb8;
	[tilespmem:$0x14100] =	vst v63  }
0xec: {  	v3 =	vld [tilespmem:$0x30];
	_ =	sdelay $0x4  }
0xed: {  	v59 =	vshll.u32 v3, $0x2  }
0xee: {  	v3 =	vand.u32 $0x7, v3;
	v4 =	vand.u32 $0xFFFFFFE0, v59  }
0xef: {  	v3 =	vor.u32 v3, v4  }
0xf0: {  	v4 =	vperm.xlane v3, v0;
	_ =	sdelay $0x1  }
0xf1: {  	v4 =	vadd.s32 v1, v4;
	_ =	sdelay $0x1  }
0xf2: {  	v3 =	vperm.xlane v3, v2;
	_ =	sdelay $0x1  }
0xf3: {  	v3 =	vadd.s32 v1, v3  }
0xf4: {  	[tilespmem:s15], [sflag:$0x1] =	stream.indirect_vreg.gather [hbm4b:s1+s2], $0x80, v4, vm0, $0xb8;
	[tilespmem:$0x14100] =	vst v63  }
0xf5: {  	_ = 	snop  }
0xf6: {  	[tilespmem:s16], [sflag:$0x1] =	stream.indirect_vreg.gather [hbm4b:s5+s2], $0x80, v4, vm0, $0xb8;
	[tilespmem:$0x14100] =	vst v63  }
0xf7: {  	_ = 	snop  }
0xf8: {  	[tilespmem:s17], [sflag:$0x1] =	stream.indirect_vreg.gather [hbm4b:s1+s2], $0x80, v3, vm0, $0xb8;
	[tilespmem:$0x14100] =	vst v63  }
0xf9: {  	_ = 	snop  }
0xfa: {  	[tilespmem:s18], [sflag:$0x1] =	stream.indirect_vreg.gather [hbm4b:s5+s2], $0x80, v3, vm0, $0xb8;
	[tilespmem:$0x14100] =	vst v63  }
0xfb: {  	v3 =	vld [tilespmem:$0x40];
	_ =	sdelay $0x4  }
0xfc: {  	v60 =	vshll.u32 v3, $0x2  }
0xfd: {  	v3 =	vand.u32 $0x7, v3;
	v4 =	vand.u32 $0xFFFFFFE0, v60  }
0xfe: {  	v3 =	vor.u32 v3, v4  }
0xff: {  	v4 =	vperm.xlane v3, v0;
	_ =	sdelay $0x1  }
0x100: {  	v4 =	vadd.s32 v1, v4;
	_ =	sdelay $0x1  }
0x101: {  	v3 =	vperm.xlane v3, v2;
	_ =	sdelay $0x1  }
0x102: {  	v3 =	vadd.s32 v1, v3  }
0x103: {  	[tilespmem:s19], [sflag:$0x1] =	stream.indirect_vreg.gather [hbm4b:s1+s2], $0x80, v4, vm0, $0xb8;
	[tilespmem:$0x14100] =	vst v63  }
0x104: {  	_ = 	snop  }
0x105: {  	[tilespmem:s20], [sflag:$0x1] =	stream.indirect_vreg.gather [hbm4b:s5+s2], $0x80, v4, vm0, $0xb8;
	[tilespmem:$0x14100] =	vst v63  }
0x106: {  	_ = 	snop  }
0x107: {  	[tilespmem:s4], [sflag:$0x1] =	stream.indirect_vreg.gather [hbm4b:s1+s2], $0x80, v3, vm0, $0xb8;
	[tilespmem:$0x14100] =	vst v63  }
0x108: {  	_ = 	snop  }
0x109: {  	[tilespmem:s30], [sflag:$0x1] =	stream.indirect_vreg.gather [hbm4b:s5+s2], $0x80, v3, vm0, $0xb8;
	[tilespmem:$0x14100] =	vst v63  }
0x10a: {  	v3 =	vld [tilespmem:$0x50];
	_ =	sdelay $0x4  }
0x10b: {  	v61 =	vshll.u32 v3, $0x2  }
0x10c: {  	v3 =	vand.u32 $0x7, v3;
	v4 =	vand.u32 $0xFFFFFFE0, v61  }
0x10d: {  	v3 =	vor.u32 v3, v4  }
0x10e: {  	v4 =	vperm.xlane v3, v0;
	_ =	sdelay $0x1  }
0x10f: {  	v4 =	vadd.s32 v1, v4;
	_ =	sdelay $0x1  }
0x110: {  	v3 =	vperm.xlane v3, v2;
	_ =	sdelay $0x1  }
0x111: {  	s8 =	simm.s32 $0xA080;
	v3 =	vadd.s32 v1, v3  }
0x112: {  	[tilespmem:s8], [sflag:$0x1] =	stream.indirect_vreg.gather [hbm4b:s1+s2], $0x80, v4, vm0, $0xb8;
	[tilespmem:$0x14100] =	vst v63  }
0x113: {  	s9 =	simm.s32 $0xA880  }
0x114: {  	[tilespmem:s9], [sflag:$0x1] =	stream.indirect_vreg.gather [hbm4b:s5+s2], $0x80, v4, vm0, $0xb8;
	[tilespmem:$0x14100] =	vst v63  }
0x115: {  	s10 =	simm.s32 $0xB080  }
0x116: {  	[tilespmem:s10], [sflag:$0x1] =	stream.indirect_vreg.gather [hbm4b:s1+s2], $0x80, v3, vm0, $0xb8;
	[tilespmem:$0x14100] =	vst v63  }
0x117: {  	s11 =	simm.s32 $0xB880  }
0x118: {  	[tilespmem:s11], [sflag:$0x1] =	stream.indirect_vreg.gather [hbm4b:s5+s2], $0x80, v3, vm0, $0xb8;
	[tilespmem:$0x14100] =	vst v63  }
0x119: {  	v3 =	vld [tilespmem:$0x60];
	_ =	sdelay $0x4  }
0x11a: {  	v62 =	vshll.u32 v3, $0x2  }
0x11b: {  	v3 =	vand.u32 $0x7, v3;
	v4 =	vand.u32 $0xFFFFFFE0, v62  }
0x11c: {  	v3 =	vor.u32 v3, v4  }
0x11d: {  	v4 =	vperm.xlane v3, v0;
	_ =	sdelay $0x1  }
0x11e: {  	v4 =	vadd.s32 v1, v4;
	_ =	sdelay $0x1  }
0x11f: {  	v3 =	vperm.xlane v3, v2;
	_ =	sdelay $0x1  }
0x120: {  	s12 =	simm.s32 $0xC080;
	v3 =	vadd.s32 v1, v3  }
0x121: {  	[tilespmem:s12], [sflag:$0x1] =	stream.indirect_vreg.gather [hbm4b:s1+s2], $0x80, v4, vm0, $0xb8;
	[tilespmem:$0x14100] =	vst v63  }
0x122: {  	s15 =	simm.s32 $0xC880  }
0x123: {  	[tilespmem:s15], [sflag:$0x1] =	stream.indirect_vreg.gather [hbm4b:s5+s2], $0x80, v4, vm0, $0xb8;
	[tilespmem:$0x14100] =	vst v63  }
0x124: {  	s16 =	simm.s32 $0xD080  }
0x125: {  	[tilespmem:s16], [sflag:$0x1] =	stream.indirect_vreg.gather [hbm4b:s1+s2], $0x80, v3, vm0, $0xb8;
	[tilespmem:$0x14100] =	vst v63  }
0x126: {  	s17 =	simm.s32 $0xD880  }
0x127: {  	[tilespmem:s17], [sflag:$0x1] =	stream.indirect_vreg.gather [hbm4b:s5+s2], $0x80, v3, vm0, $0xb8;
	[tilespmem:$0x14100] =	vst v63  }
0x128: {  	v3 =	vld [tilespmem:$0x70];
	_ =	sdelay $0x4  }
0x129: {  	v63 =	vshll.u32 v3, $0x2  }
0x12a: {  	v3 =	vand.u32 $0x7, v3;
	v4 =	vand.u32 $0xFFFFFFE0, v63  }
0x12b: {  	v3 =	vor.u32 v3, v4  }
0x12c: {  	v4 =	vperm.xlane v3, v0;
	_ =	sdelay $0x1  }
0x12d: {  	v4 =	vadd.s32 v1, v4;
	_ =	sdelay $0x1  }
0x12e: {  	v3 =	vperm.xlane v3, v2;
	_ =	sdelay $0x1  }
0x12f: {  	s18 =	simm.s32 $0xE080;
	v3 =	vadd.s32 v1, v3  }
0x130: {  	[tilespmem:s18], [sflag:$0x1] =	stream.indirect_vreg.gather [hbm4b:s1+s2], $0x80, v4, vm0, $0xb8;
	[tilespmem:$0x14100] =	vst v63  }
0x131: {  	s19 =	simm.s32 $0xE880  }
0x132: {  	[tilespmem:s19], [sflag:$0x1] =	stream.indirect_vreg.gather [hbm4b:s5+s2], $0x80, v4, vm0, $0xb8;
	[tilespmem:$0x14100] =	vst v63  }
0x133: {  	s20 =	simm.s32 $0xF080  }
0x134: {  	[tilespmem:s20], [sflag:$0x1] =	stream.indirect_vreg.gather [hbm4b:s1+s2], $0x80, v3, vm0, $0xb8;
	[tilespmem:$0x14100] =	vst v63  }
0x135: {  	s25 =	simm.s32 $0xF880  }
0x136: {  	[tilespmem:s25], [sflag:$0x1] =	stream.indirect_vreg.gather [hbm4b:s5+s2], $0x80, v3, vm0, $0xb8;
	[tilespmem:$0x14100] =	vst v63  }
0x137: {  	_ =	swait.ge [sflag:s21], $0x10000  }
0x138: {  	[sflag:s21] =	ssyncset.done $0x0  }
0x139: {  	s26 =	rddreg [dreg:$0x6];
	[sflag:s21] =	ssyncadd.s32 $0xFFFF0000  }
0x13a: {  	[hbm4b:s26+s2] =	stream.linear.scatter [tilespmem:s14], [sflag:$0x3], $0x10000, $0x38;
	[tilespmem:$0x14100] =	vst v63  }
0x13b: {  	_ =	swait.ge [sflag:s13], $0x10000  }
0x13c: {  	[sflag:s13] =	ssyncset.done $0x0  }
0x13d: {  	s28 =	rddreg [dreg:$0x7];
	[sflag:s13] =	ssyncadd.s32 $0xFFFF0000  }
0x13e: {  	[tilespmem:s22], [sflag:$0x3] =	stream.linear.gather [hbm4b:s28+s2], $0x80, $0x38;
	[tilespmem:$0x14100] =	vst v63  }
0x13f: {  	_ =	swait.ge [sflag:s13], $0x80  }
0x140: {  	[sflag:s13] =	ssyncset.done $0x0  }
0x141: {  	[sflag:s13] =	ssyncadd.s32 $0xFFFFFF80  }
0x142: {  	[tilespmem:s23], [sflag:$0x2] =	stream.indirect.gather [hbm4b:s29+s14], $0x80, s22, s14, $0xb8;
	[tilespmem:$0x14100] =	vst v63  }
0x143: {  	_ =	swait.ge [sflag:s24], $0x4000  }
0x144: {  	[sflag:s24] =	ssyncset.done $0x0  }
.Ltmp4:
0x145: {  	s30 =	rddreg [dreg:$0x8];
	[sflag:s24] =	ssyncadd.s32 $0xFFFFC000;
	(pc) =	sbr.rel .LBB2_5-.Ltmp4, $4  }
0x146: {  	[hbm4b:s30+s2] =	stream.linear.scatter [tilespmem:s23], [sflag:$0x3], $0x4000, $0x38;
	[tilespmem:$0x14100] =	vst v63  }
0x147: {  	_ =	swait.ge [sflag:s13], $0x4000  }
0x148: {  	[sflag:s13] =	ssyncset.done $0x0  }
0x149: {  	[sflag:s13] =	ssyncadd.s32 $0xFFFFC000  }
.LBB2_6:
0x14a: {  	_ =	sfence.sel $0x180000  }
0x14b: {  	[bflag:$0x0] =	sbarrier.arrive $0xFFFF  }
0x14c: {  	_ =	strace $0x90000062  }
0x14d: {  	s0 =	stileid.u32;
	[bflag:$0x2] =	sbarrier.arrive $0xFFFF  }
0x14e: {  	p0 =	sne.s32 s0, $0x0;
	s0 =	rddreg [dreg:$0x2]  }
0x14f: {  	s0 =	sadd.s32 @!p0 $0x100000, s0  }
0x150: {  	[sflag:s0] =	ssyncadd.tile.s32 @!p0 $0x1;
	_ =	shalt  }
.Lfunc_end2:
_tile_overlayer_lowered:
.L_overlay_start_2:
0x151: {  	(tag) =	ssettag $0x2  }
0x152: {  	s0 =	rddreg [dreg:$0x0];
	s2 =	stileid.u32  }
0x153: {  	s1 =	rddreg [dreg:$0x1];
	p0 =	sne.s32 s2, $0x0  }
0x154: {  	s3 =	rddreg [dreg:$0x2];
	[bflag:$0x3] =	sbarrier.arrive $0xFFFF;
	s2 =	simm.s32 @!p0 $0x1C03  }
0x155: {  	[timem:s3], [sflag:s2] =	dma.local @!p0 [hbm:s0], s1  }
0x156: {  	s0 =	simm.s32 @!p0 $0x3  }
0x157: {  	_ =	swait.ge @!p0 [sflag:s0], s1  }
0x158: {  	s1 =	ssub.s32 @!p0 $0x0, s1;
	[sflag:s0] =	ssyncset.done @!p0 $0x0  }
0x159: {  	[sflag:s0] =	ssyncadd.s32 @!p0 s1  }
0x15a: {  	[bflag:$0x3] =	sbarrier.arrive $0xFFFF  }
0x15b: {  	_ =	shalt  }

// kernel: kernel.16.cloned.1.call-start
scs
__scs_entry_jumppad:
0x0: {  	(pc) =	sbr.rel $0x88, $3  }
0x1: {  	(tag) =	ssettag $0x0;
	lr =	simm.s32 $0x1  }
0x2: {  	[smem:$0x3F94] =	sst lr;
	_ =	strace $0xD0000000  }
0x3: {  	_ = 	snop  }
0x4: {  	_ = 	snop  }
0x5: {  	_ = 	snop  }
0x6: {  	_ = 	snop  }
0x7: {  	_ = 	snop  }
__scs_overlays_trampoline_lowered:
0x8: {  	[smem:$0x3FA3] =	sst s0  }
0x9: {  	[smem:$0x3FA4] =	sst s1  }
0xa: {  	[smem:$0x3FA5] =	sst s2  }
0xb: {  	[smem:$0x3FA6] =	sst s3  }
0xc: {  	[smem:$0x3FA7] =	sst s4  }
0xd: {  	[smem:$0x3FA8] =	sst s5  }
0xe: {  	[smem:$0x3FA9] =	sst s6  }
0xf: {  	[smem:$0x3FAA] =	sst s7  }
0x10: {  	[smem:$0x3FAB] =	sst s8  }
0x11: {  	[smem:$0x3FAC] =	sst s9;
	s0 =	simm.s32 @!p0 $0x0  }
0x12: {  	s1 =	sld [smem:$0x3F92];
	s0 =	simm.s32 @p0 $0x1  }
0x13: {  	[smem:$0x3FAD] =	sst s0;
	s0 =	simm.s32 @!p1 $0x0  }
0x14: {  	s2 =	sld [smem:$0x3F91];
	s0 =	simm.s32 @p1 $0x1  }
0x15: {  	[smem:$0x3FAE] =	sst s0;
	s0 =	simm.s32 @!p2 $0x0  }
0x16: {  	s3 =	sld [smem:$0x3FDB];
	s0 =	simm.s32 @p2 $0x1  }
0x17: {  	s4 =	simm.s32 $0x1BF5;
	[smem:$0x3FB0] =	sst s0  }
0x18: {  	s0 =	sld [smem:$0x3F93];
	_ =	swait.ge [sflag:s4], $0x0  }
0x19: {  	s7 =	sld [smem:$0x3F94]  }
0x1a: {  	s8 =	sadd.s32 $0xFFFFE003, lr  }
0x1b: {  	s9 =	sadd.s32 $0xFFFFFEF7, lr;
	s5 =	simm.s32 $0xFFFFFFFF;
	p2 =	slt.u32 s8, $0xFFFFF086  }
0x1c: {  	p1 =	slt.u32 s9, $0xF7A;
	s5 =	simm.s32 @!p2 $0x0  }
0x1d: {  	s5 =	simm.s32 @p1 $0x1;
	p0 =	seq.s32 s7, s2  }
0x1e: {  	s7 =	smul.u32 @!p0 $0xF7A, s2;
	p2 =	seq.s32 @!p0 s5, $0x0  }
0x1f: {  	s9 =	smul.u32 $0xF7A, s1;
	s8 =	simm.s32 @!p0 $0x1BF5;
	p2 =	por !p2, p0  }
0x20: {  	[sflag:s8] =	ssyncset.s32 @!p0 $0xFFFFF086;
	s6 =	sadd.s32 @!p0 s3, s7;
	s7 =	simm.s32 @!p0 $0x108  }
0x21: {  	s3 =	sadd.s32 s3, s9;
	s6 =	sadd.s32 @!p0 $0x88, s6;
	s7 =	simm.s32 @p2 $0x1082  }
0x22: {  	[simem:s7], [sflag:s8] =	dma.local @!p0 [hbm:s6], $0xF7A  }
0x23: {  	s9 =	sor.u32 $0xD0000000, s2;
	s6 =	simm.s32 $0x108;
	_ =	swait.ge @!p0 [sflag:s8], $0x0  }
0x24: {  	s3 =	sadd.s32 $0x88, s3;
	s6 =	simm.s32 @!p1 $0x1082;
	[sflag:s4] =	ssyncset.s32 $0xFFFFF086  }
0x25: {  	[simem:s6], [sflag:s4] =	dma.local [hbm:s3], $0xF7A  }
0x26: {  	[smem:$0x3F94] =	sst s1;
	(tag) =	ssettag s2;
	_ =	strace s9  }
0x27: {  	s1 =	sld [smem:$0x3FA4]  }
0x28: {  	s2 =	sld [smem:$0x3FA5]  }
0x29: {  	s4 =	sld [smem:$0x3FA7]  }
0x2a: {  	p0 =	seq.s32 s5, $0x0;
	s5 =	sld [smem:$0x3FA8]  }
0x2b: {  	s6 =	sld [smem:$0x3FA9]  }
0x2c: {  	s7 =	sld [smem:$0x3FAA]  }
0x2d: {  	s3 =	simm.s32 $0x108;
	s8 =	sld [smem:$0x3FAB]  }
0x2e: {  	s3 =	simm.s32 @!p0 $0x1082;
	s9 =	sld [smem:$0x3FAC]  }
0x2f: {  	lr =	sadd.s32 s0, s3;
	s0 =	sld [smem:$0x3FA3]  }
0x30: {  	s3 =	sld [smem:$0x3FA6]  }
0x31: {  	[smem:$0x3FAF] =	sst s10  }
0x32: {  	s10 =	sld [smem:$0x3FAD];
	_ =	sdelay $0x3  }
0x33: {  	p0 =	seq.s32 s10, $0x1;
	s10 =	sld [smem:$0x3FAF];
	_ =	sdelay $0x3  }
0x34: {  	[smem:$0x3FAF] =	sst s10  }
0x35: {  	s10 =	sld [smem:$0x3FAE];
	_ =	sdelay $0x3  }
0x36: {  	p1 =	seq.s32 s10, $0x1;
	s10 =	sld [smem:$0x3FAF];
	_ =	sdelay $0x3  }
0x37: {  	[smem:$0x3FAF] =	sst s10  }
0x38: {  	s10 =	sld [smem:$0x3FB0]  }
0x39: {  	_ = 	snop;
	(pc) =	sbr.ind lr, $3  }
0x3a: {  	_ = 	snop  }
0x3b: {  	_ = 	snop  }
0x3c: {  	p2 =	seq.s32 s10, $0x1;
	s10 =	sld [smem:$0x3FAF]  }
0x3d: {  	_ =	shalt  }
0x3e: {  	_ =	shalt  }
0x3f: {  	_ =	shalt  }
0x40: {  	_ =	shalt  }
0x41: {  	_ =	shalt  }
0x42: {  	_ =	shalt  }
0x43: {  	_ =	shalt  }
0x44: {  	_ =	shalt  }
0x45: {  	_ =	shalt  }
0x46: {  	_ =	shalt  }
0x47: {  	_ =	shalt  }
0x48: {  	_ =	shalt  }
0x49: {  	_ =	shalt  }
0x4a: {  	_ =	shalt  }
0x4b: {  	_ =	shalt  }
0x4c: {  	_ =	shalt  }
0x4d: {  	_ =	shalt  }
0x4e: {  	_ =	shalt  }
0x4f: {  	_ =	shalt  }
0x50: {  	_ =	shalt  }
0x51: {  	_ =	shalt  }
0x52: {  	_ =	shalt  }
0x53: {  	_ =	shalt  }
0x54: {  	_ =	shalt  }
0x55: {  	_ =	shalt  }
0x56: {  	_ =	shalt  }
0x57: {  	_ =	shalt  }
0x58: {  	_ =	shalt  }
0x59: {  	_ =	shalt  }
0x5a: {  	_ =	shalt  }
0x5b: {  	_ =	shalt  }
0x5c: {  	_ =	shalt  }
0x5d: {  	_ =	shalt  }
0x5e: {  	_ =	shalt  }
0x5f: {  	_ =	shalt  }
0x60: {  	_ =	shalt  }
0x61: {  	_ =	shalt  }
0x62: {  	_ =	shalt  }
0x63: {  	_ =	shalt  }
0x64: {  	_ =	shalt  }
0x65: {  	_ =	shalt  }
0x66: {  	_ =	shalt  }
0x67: {  	_ =	shalt  }
0x68: {  	_ =	shalt  }
0x69: {  	_ =	shalt  }
0x6a: {  	_ =	shalt  }
0x6b: {  	_ =	shalt  }
0x6c: {  	_ =	shalt  }
0x6d: {  	_ =	shalt  }
0x6e: {  	_ =	shalt  }
0x6f: {  	_ =	shalt  }
0x70: {  	_ =	shalt  }
0x71: {  	_ =	shalt  }
0x72: {  	_ =	shalt  }
0x73: {  	_ =	shalt  }
0x74: {  	_ =	shalt  }
0x75: {  	_ =	shalt  }
0x76: {  	_ =	shalt  }
0x77: {  	_ =	shalt  }
0x78: {  	_ =	shalt  }
0x79: {  	_ =	shalt  }
0x7a: {  	_ =	shalt  }
0x7b: {  	_ =	shalt  }
0x7c: {  	_ =	shalt  }
0x7d: {  	_ =	shalt  }
0x7e: {  	_ =	shalt  }
0x7f: {  	_ =	shalt  }
0x80: {  	_ =	shalt  }
0x81: {  	_ =	shalt  }
0x82: {  	_ =	shalt  }
0x83: {  	_ =	shalt  }
0x84: {  	_ =	shalt  }
0x85: {  	_ =	shalt  }
0x86: {  	_ =	shalt  }
0x87: {  	_ =	shalt  }
.Lfunc_end0:
.L_simem_size_0:
called_computation.6_lowered:
.L_overlay_start_0:
0x88: {  	s2 =	sld [smem:$0x3FD9]  }
0x89: {  	s3 =	sld [smem:$0x3FFE];
	_ =	sdelay $0x1  }
0x8a: {  	s1 =	srdreg.scid  }
0x8b: {  	s0 =	sand.u32 $0x1, s1  }
0x8c: {  	s17 =	sshll.u32 s0, $0xA;
	s2 =	sadd.s32 s3, s2  }
0x8d: {  	s2 =	sadd.s32 s2, s17  }
0x8e: {  	[smem:$0x3FBB] =	sst s2  }
0x8f: {  	_ = 	snop  }
0x90: {  	s18 =	sld [smem:$0x3FC7];
	(tm) =	ssettm $0x1  }
0x91: {  	s19 =	sld [smem:$0x3FFB];
	_ =	sdelay $0x3  }
0x92: {  	_ =	strace s19  }
0x93: {  	s2 =	sld [smem:$0x3FFC];
	_ =	sdelay $0x3  }
0x94: {  	_ =	strace s2  }
0x95: {  	s2 =	sld [smem:$0x3FFD];
	_ =	sdelay $0x3  }
0x96: {  	_ =	strace s2  }
0x97: {  	_ =	strace $0x8FFFFFFF  }
0x98: {  	s20 =	sld [smem:$0x3FDB];
	_ =	sdelay $0x1  }
0x99: {  	s4 =	simm.s32 $_scs_section_size  }
0x9a: {  	s5 =	simm.s32 $_size__tile_overlayer_lowered;
	s6 =	simm.s32 $_tile_overlayer_lowered  }
0x9b: {  	s7 =	simm.s32 $0x1BFF;
	s21 =	sshll.u32 s6, $0x1;
	s4 =	sadd.s32 s4, s20  }
0x9c: {  	s22 =	simm.s32 $0x0;
	s5 =	sshll.u32 s5, $0x1;
	s6 =	sadd.s32 s21, s4  }
0x9d: {  	[timem:s22], [sflag:s7] =	dma.local [hbm:s6], s5  }
0x9e: {  	_ =	swait.ge [sflag:s7], s5  }
0x9f: {  	s5 =	ssub.s32 $0x0, s5;
	[sflag:s7] =	ssyncset.done $0x0  }
0xa0: {  	[sflag:s7] =	ssyncadd.s32 s5;
	_ =	sdelay $0x1  }
0xa1: {  	s23 =	simm.s32 $0x1B8B  }
0xa2: {  	_ =	swait.ge [sflag:s23], $0x1  }
0xa3: {  	[sflag:s23] =	ssyncset.done $0x0  }
0xa4: {  	[sflag:s23] =	ssyncadd.s32 $0xFFFFFFFF  }
0xa5: {  	s5 =	sld [smem:$0x0]  }
0xa6: {  	s6 =	sand.u32 $0xFFFFFFFE, s1  }
0xa7: {  	p0 =	sne.s32 s1, s6  }
0xa8: {  	s6 =	sshll.u32 @p0 s6, $0xE  }
0xa9: {  	s6 =	sadd.s32 @p0 $0x11B8D, s6;
	s7 =	sshll.u32 @p0 s5, $0x11  }
0xaa: {  	s6 =	sor.u32 @p0 s7, s6  }
0xab: {  	[sflag:s6] =	ssyncadd.remote.s32 @p0 $0x1;
	_ =	sdelay $0x1  }
0xac: {  	s6 =	simm.s32 @p0 $0x1B8D  }
0xad: {  	_ =	swait.eq @p0 [sflag:s6], $0x1  }
0xae: {  	[sflag:s6] =	ssyncadd.s32 @p0 $0xFFFFFFFF  }
0xaf: {  	s7 =	sshll.u32 @!p0 s1, $0xE  }
0xb0: {  	s7 =	sor.u32 @!p0 $0x4000, s7;
	s6 =	simm.s32 @!p0 $0x1B8D  }
0xb1: {  	s5 =	sshll.u32 @!p0 s5, $0x11;
	s7 =	sadd.s32 @!p0 $0x11B8D, s7;
	_ =	swait.eq @!p0 [sflag:s6], $0x1  }
0xb2: {  	s5 =	sor.u32 @!p0 s5, s7;
	[sflag:s6] =	ssyncadd.s32 @!p0 $0xFFFFFFFF  }
0xb3: {  	s25 =	simm.s32 $0x1B8E;
	s24 =	sld [smem:$0x3FFE];
	[sflag:s5] =	ssyncadd.remote.s32 @!p0 $0x1  }
0xb4: {  	s26 =	simm.s32 $execute0_lowered;
	[smem:$0x3FD2] =	sst s25  }
0xb5: {  	s6 =	sshll.u32 s26, $0x1;
	_ =	strace $0x8000005E;
	[dreg:$0x1] =	wrdreg $0xFFFFFFFF  }
0xb6: {  	s28 =	simm.s32 $_size_execute0_lowered;
	s4 =	sadd.s32 s4, s6;
	[dreg:$0x0] =	wrdreg $0x0  }
0xb7: {  	s6 =	sshll.u32 s28, $0x1;
	[dreg:$0x2] =	wrdreg s4  }
0xb8: {  	[dreg:$0x3] =	wrdreg s6  }
0xb9: {  	[dreg:$0x4] =	wrdreg $0xC0  }
0xba: {  	_ =	task [dreg:s22], $0x5FFFF  }
0xbb: {  	[dreg:$0x1] =	wrdreg $0xFFFFFFFF  }
0xbc: {  	[dreg:$0x0] =	wrdreg $0x60  }
0xbd: {  	[dreg:$0x2] =	wrdreg s18  }
0xbe: {  	[dreg:$0x3] =	wrdreg s24  }
0xbf: {  	[dreg:$0x4] =	wrdreg $0xC  }
0xc0: {  	_ =	task.clear_ibuf [dreg:s22], $0x5FFFF;
	_ =	strace $0x9000005E  }
0xc1: {  	s29 =	simm.s32 $0xC;
	_ =	strace $0x80000060  }
0xc2: {  	_ =	swait.ge [sflag:s29], $0x1  }
0xc3: {  	[sflag:s29] =	ssyncadd.s32 $0xFFFFFFFF  }
0xc4: {  	_ =	strace $0x90000060  }
0xc5: {  	_ =	sfence  }
0xc6: {  	s30 =	sld [smem:$0x0];
	_ =	sdelay $0x2  }
0xc7: {  	s31 =	sshll.u32 s1, $0xD;
	s1 =	sshrl.u32 s1, $0x2  }
0xc8: {  	s4 =	sand.u32 $0x4000, s31;
	s1 =	sadd.s32 s1, s30  }
0xc9: {  	s0 =	sor.u32 s4, s0;
	s1 =	sshll.u32 s1, $0x11  }
0xca: {  	s0 =	sor.u32 s1, s0  }
0xcb: {  	s0 =	sadd.s32 $0x8F2B, s0  }
0xcc: {  	[sflag:s0] =	ssyncadd.remote.s32 $0x1  }
0xcd: {  	_ =	sfence.sel $0xFFFF  }
0xce: {  	[dreg:$0x0] =	wrdreg $0xFFFFFFFF;
	(pc) =	sbr.abs _section_cstart, $3  }
0xcf: {  	[dreg:$0x1] =	wrdreg $0xFFFFFFFF  }
0xd0: {  	_ =	task.clear_ibuf [dreg:s22], $0x2FFFF;
	_ =	strace $0x9FFFFFFF  }
0xd1: {  	(tm) =	ssettm $0x7FFFFFFF  }
tec
execute0_lowered:
.L_overlay_start_1:
0x0: {  	(tag) =	ssettag $0x1  }
0x1: {  	s1 =	rddreg [dreg:$0x0]  }
0x2: {  	s0 =	rddreg [dreg:$0x1];
	s2 =	simm.s32 $0x0;
	s3 =	srdreg.scid  }
0x3: {  	s15 =	stileid.u32;
	s14 =	simm.s32 $0x80;
	s21 =	simm.s32 $0x1  }
0x4: {  	s22 =	simm.s32 $0x10080;
	s31 =	simm.s32 $0x0;
	[smem:$0x7FF] =	sst s2  }
0x5: {  	s29 =	sadd.s32 $0x11600, s0;
	s3 =	sand.u32 $0x1, s3;
	s6 =	sadd.s32 $0xB600, s0  }
0x6: {  	s5 =	sshll.u32 s15, $0x8;
	s8 =	sadd.s32 $0x39800, s0;
	s10 =	sadd.s32 $0x78F800, s0  }
0x7: {  	s0 =	sadd.s32 $0x983800, s0;
	s25 =	sshll.u32 s15, $0xC;
	s26 =	sshll.u32 s15, $0xE  }
0x8: {  	p0 =	sgt.u32 s15, $0xC;
	s7 =	sshll.u32 s3, $0x7;
	s9 =	ssub.s32 $0x2, s3  }
0x9: {  	_ =	strace $0x8000005F;
	s7 =	sor.u32 s7, s5;
	s23 =	sshrl.u32 s9, $0x1  }
0xa: {  	s28 =	sshll.u32 s3, $0xB;
	s11 =	sor.u32 $0x7000, s7;
	s9 =	ssub.s32 s9, s23  }
0xb: {  	s3 =	sshll.u32 s3, $0xD;
	s12 =	sshrl.u32 s11, $0x3;
	s9 =	smax.u32 s9, $0x1  }
0xc: {  	s24 =	sshll.u32 s11, $0x6;
	s13 =	sadd.s32 s6, s12;
	[dreg:$0x9] =	wrdreg s9  }
0xd: {  	s11 =	sshll.u32 s11, $0x4;
	s12 =	sadd.s32 s8, s12;
	[dreg:$0x5] =	wrdreg s13  }
0xe: {  	s7 =	sshrl.u32 s7, $0x3;
	s11 =	sadd.s32 s0, s11;
	[dreg:$0x7] =	wrdreg s12  }
0xf: {  	s5 =	sadd.s32 $0x100, s1;
	s8 =	sadd.s32 s7, s8;
	[dreg:$0x8] =	wrdreg s11  }
.Ltmp0:
0x10: {  	s6 =	sadd.s32 s7, s6;
	[dreg:$0x3] =	wrdreg s8;
	(pc) =	sbr.rel .LBB2_1-.Ltmp0, $4  }
0x11: {  	s0 =	sadd.s32 s25, s0;
	s13 =	sadd.s32 s10, s24;
	[dreg:$0x4] =	wrdreg s6  }
0x12: {  	v2 =	vlaneseq.u32;
	s9 =	sadd.s32 s26, s10;
	s0 =	sadd.s32 s28, s0;
	[dreg:$0x6] =	wrdreg s13  }
0x13: {  	vm0 =	vmmov $0xffff;
	v1 =	vshrl.u32 v2, $0x3;
	s23 =	simm.s32 $0x10100;
	s30 =	sadd.s32 s3, s9;
	[dreg:$0xa] =	wrdreg s0  }
0x14: {  	v0 =	vand.u32 $0x7, v2;
	v2 =	vor.u32 $0x8, v2;
	v1 =	vmul.u32 $0x8, v1;
	s24 =	simm.s32 $0x2;
	[dreg:$0xb] =	wrdreg s30;
	s13 =	simm.s32 $0x3  }
.LBB2_5:
0x15: {  	s31 =	sadd.s32 $0x1, s31;
	s25 =	rddreg [dreg:$0x9]  }
0x16: {  	p1 =	sne.s32 s31, s25  }
.Ltmp1:
0x17: {  	_ = 	snop;
	(pc) =	sbr.rel @!p1 .LBB2_6-.Ltmp1, $1  }
0x18: {  	_ =	sdelay $0x3  }
.LBB2_1:
0x19: {  	[dreg:$0xc] =	wrdreg s31  }
0x1a: {  	s25 =	rddreg [dreg:$0xb]  }
0x1b: {  	s26 =	rddreg [dreg:$0xa]  }
0x1c: {  	s28 =	simm.s32 $0x0;
	s18 =	simm.s32 $0x7880;
	s19 =	simm.s32 $0x8080  }
0x1d: {  	s20 =	simm.s32 $0x8880;
	s4 =	simm.s32 $0x9080;
	s0 =	simm.s32 $0xA080  }
0x1e: {  	s31 =	simm.s32 $0x9880;
	s3 =	simm.s32 $0xA880;
	s6 =	simm.s32 $0xB080  }
0x1f: {  	s7 =	simm.s32 $0xB880;
	s8 =	simm.s32 $0xC080;
	s9 =	simm.s32 $0xC880  }
0x20: {  	s10 =	simm.s32 $0xD080;
	s11 =	simm.s32 $0xD880;
	s12 =	simm.s32 $0xE080  }
0x21: {  	s15 =	simm.s32 $0xE880;
	s16 =	simm.s32 $0xF080;
	s17 =	simm.s32 $0xF880  }
.LBB2_2:
0x22: {  	s30 =	smov.u32 s29;
	s29 =	rddreg [dreg:$0x4]  }
0x23: {  	s29 =	sadd.s32 s28, s29  }
0x24: {  	[tilespmem:s2], [sflag:$0x3] =	stream.linear.gather [hbm4b:s29+s2], $0x80, $0x38;
	[tilespmem:$0x14100] =	vst v63  }
0x25: {  	_ =	swait.ge [sflag:s13], $0x80  }
0x26: {  	[sflag:s13] =	ssyncset.done $0x0  }
0x27: {  	[sflag:s13] =	ssyncadd.s32 $0xFFFFFF80  }
0x28: {  	v3 =	vld [tilespmem:$0x0];
	_ =	sdelay $0x4  }
0x29: {  	v4 =	vshll.u32 v3, $0x2  }
0x2a: {  	v3 =	vand.u32 $0x7, v3;
	v4 =	vand.u32 $0xFFFFFFE0, v4  }
0x2b: {  	v3 =	vor.u32 v3, v4  }
0x2c: {  	v4 =	vperm.xlane v3, v0;
	_ =	sdelay $0x1  }
0x2d: {  	v4 =	vadd.s32 v1, v4;
	_ =	sdelay $0x1  }
0x2e: {  	v3 =	vperm.xlane v3, v2;
	_ =	sdelay $0x1  }
0x2f: {  	v3 =	vadd.s32 v1, v3  }
0x30: {  	[tilespmem:s14], [sflag:$0x1] =	stream.indirect_vreg.gather [hbm4b:s1+s2], $0x80, v4, vm0, $0xb8;
	[tilespmem:$0x14100] =	vst v63  }
0x31: {  	s29 =	simm.s32 $0x880  }
0x32: {  	[tilespmem:s29], [sflag:$0x1] =	stream.indirect_vreg.gather [hbm4b:s5+s2], $0x80, v4, vm0, $0xb8;
	[tilespmem:$0x14100] =	vst v63  }
0x33: {  	s29 =	simm.s32 $0x1080  }
0x34: {  	[tilespmem:s29], [sflag:$0x1] =	stream.indirect_vreg.gather [hbm4b:s1+s2], $0x80, v3, vm0, $0xb8;
	[tilespmem:$0x14100] =	vst v63  }
0x35: {  	s29 =	simm.s32 $0x1880  }
0x36: {  	[tilespmem:s29], [sflag:$0x1] =	stream.indirect_vreg.gather [hbm4b:s5+s2], $0x80, v3, vm0, $0xb8;
	[tilespmem:$0x14100] =	vst v63  }
0x37: {  	v3 =	vld [tilespmem:$0x10];
	_ =	sdelay $0x4  }
0x38: {  	v57 =	vshll.u32 v3, $0x2  }
0x39: {  	v3 =	vand.u32 $0x7, v3;
	v4 =	vand.u32 $0xFFFFFFE0, v57  }
0x3a: {  	v3 =	vor.u32 v3, v4  }
0x3b: {  	v4 =	vperm.xlane v3, v0;
	_ =	sdelay $0x1  }
0x3c: {  	v4 =	vadd.s32 v1, v4;
	_ =	sdelay $0x1  }
0x3d: {  	v3 =	vperm.xlane v3, v2;
	_ =	sdelay $0x1  }
0x3e: {  	s29 =	simm.s32 $0x2080;
	v3 =	vadd.s32 v1, v3  }
0x3f: {  	[tilespmem:s29], [sflag:$0x1] =	stream.indirect_vreg.gather [hbm4b:s1+s2], $0x80, v4, vm0, $0xb8;
	[tilespmem:$0x14100] =	vst v63  }
0x40: {  	s29 =	simm.s32 $0x2880  }
0x41: {  	[tilespmem:s29], [sflag:$0x1] =	stream.indirect_vreg.gather [hbm4b:s5+s2], $0x80, v4, vm0, $0xb8;
	[tilespmem:$0x14100] =	vst v63  }
0x42: {  	s29 =	simm.s32 $0x3080  }
0x43: {  	[tilespmem:s29], [sflag:$0x1] =	stream.indirect_vreg.gather [hbm4b:s1+s2], $0x80, v3, vm0, $0xb8;
	[tilespmem:$0x14100] =	vst v63  }
0x44: {  	s29 =	simm.s32 $0x3880  }
0x45: {  	[tilespmem:s29], [sflag:$0x1] =	stream.indirect_vreg.gather [hbm4b:s5+s2], $0x80, v3, vm0, $0xb8;
	[tilespmem:$0x14100] =	vst v63  }
0x46: {  	v3 =	vld [tilespmem:$0x20];
	_ =	sdelay $0x4  }
0x47: {  	v58 =	vshll.u32 v3, $0x2  }
0x48: {  	v3 =	vand.u32 $0x7, v3;
	v4 =	vand.u32 $0xFFFFFFE0, v58  }
0x49: {  	v3 =	vor.u32 v3, v4  }
0x4a: {  	v4 =	vperm.xlane v3, v0;
	_ =	sdelay $0x1  }
0x4b: {  	v4 =	vadd.s32 v1, v4;
	_ =	sdelay $0x1  }
0x4c: {  	v3 =	vperm.xlane v3, v2;
	_ =	sdelay $0x1  }
0x4d: {  	s29 =	simm.s32 $0x4080;
	v3 =	vadd.s32 v1, v3  }
0x4e: {  	[tilespmem:s29], [sflag:$0x1] =	stream.indirect_vreg.gather [hbm4b:s1+s2], $0x80, v4, vm0, $0xb8;
	[tilespmem:$0x14100] =	vst v63  }
0x4f: {  	s29 =	simm.s32 $0x4880  }
0x50: {  	[tilespmem:s29], [sflag:$0x1] =	stream.indirect_vreg.gather [hbm4b:s5+s2], $0x80, v4, vm0, $0xb8;
	[tilespmem:$0x14100] =	vst v63  }
0x51: {  	s29 =	simm.s32 $0x5080  }
0x52: {  	[tilespmem:s29], [sflag:$0x1] =	stream.indirect_vreg.gather [hbm4b:s1+s2], $0x80, v3, vm0, $0xb8;
	[tilespmem:$0x14100] =	vst v63  }
0x53: {  	s29 =	simm.s32 $0x5880  }
0x54: {  	[tilespmem:s29], [sflag:$0x1] =	stream.indirect_vreg.gather [hbm4b:s5+s2], $0x80, v3, vm0, $0xb8;
	[tilespmem:$0x14100] =	vst v63  }
0x55: {  	v3 =	vld [tilespmem:$0x30];
	_ =	sdelay $0x4  }
0x56: {  	v59 =	vshll.u32 v3, $0x2  }
0x57: {  	v3 =	vand.u32 $0x7, v3;
	v4 =	vand.u32 $0xFFFFFFE0, v59  }
0x58: {  	v3 =	vor.u32 v3, v4  }
0x59: {  	v4 =	vperm.xlane v3, v0;
	_ =	sdelay $0x1  }
0x5a: {  	v4 =	vadd.s32 v1, v4;
	_ =	sdelay $0x1  }
0x5b: {  	v3 =	vperm.xlane v3, v2;
	_ =	sdelay $0x1  }
0x5c: {  	s29 =	simm.s32 $0x6080;
	v3 =	vadd.s32 v1, v3  }
0x5d: {  	[tilespmem:s29], [sflag:$0x1] =	stream.indirect_vreg.gather [hbm4b:s1+s2], $0x80, v4, vm0, $0xb8;
	[tilespmem:$0x14100] =	vst v63  }
0x5e: {  	s29 =	simm.s32 $0x6880  }
0x5f: {  	[tilespmem:s29], [sflag:$0x1] =	stream.indirect_vreg.gather [hbm4b:s5+s2], $0x80, v4, vm0, $0xb8;
	[tilespmem:$0x14100] =	vst v63  }
0x60: {  	s29 =	simm.s32 $0x7080  }
0x61: {  	[tilespmem:s29], [sflag:$0x1] =	stream.indirect_vreg.gather [hbm4b:s1+s2], $0x80, v3, vm0, $0xb8;
	[tilespmem:$0x14100] =	vst v63  }
0x62: {  	_ = 	snop  }
0x63: {  	[tilespmem:s18], [sflag:$0x1] =	stream.indirect_vreg.gather [hbm4b:s5+s2], $0x80, v3, vm0, $0xb8;
	[tilespmem:$0x14100] =	vst v63  }
0x64: {  	v3 =	vld [tilespmem:$0x40];
	_ =	sdelay $0x4  }
0x65: {  	v60 =	vshll.u32 v3, $0x2  }
0x66: {  	v3 =	vand.u32 $0x7, v3;
	v4 =	vand.u32 $0xFFFFFFE0, v60  }
0x67: {  	v3 =	vor.u32 v3, v4  }
0x68: {  	v4 =	vperm.xlane v3, v0;
	_ =	sdelay $0x1  }
0x69: {  	v4 =	vadd.s32 v1, v4;
	_ =	sdelay $0x1  }
0x6a: {  	v3 =	vperm.xlane v3, v2;
	_ =	sdelay $0x1  }
0x6b: {  	v3 =	vadd.s32 v1, v3  }
0x6c: {  	[tilespmem:s19], [sflag:$0x1] =	stream.indirect_vreg.gather [hbm4b:s1+s2], $0x80, v4, vm0, $0xb8;
	[tilespmem:$0x14100] =	vst v63  }
0x6d: {  	_ = 	snop  }
0x6e: {  	[tilespmem:s20], [sflag:$0x1] =	stream.indirect_vreg.gather [hbm4b:s5+s2], $0x80, v4, vm0, $0xb8;
	[tilespmem:$0x14100] =	vst v63  }
0x6f: {  	_ = 	snop  }
0x70: {  	[tilespmem:s4], [sflag:$0x1] =	stream.indirect_vreg.gather [hbm4b:s1+s2], $0x80, v3, vm0, $0xb8;
	[tilespmem:$0x14100] =	vst v63  }
0x71: {  	_ = 	snop  }
0x72: {  	[tilespmem:s31], [sflag:$0x1] =	stream.indirect_vreg.gather [hbm4b:s5+s2], $0x80, v3, vm0, $0xb8;
	[tilespmem:$0x14100] =	vst v63  }
0x73: {  	v3 =	vld [tilespmem:$0x50];
	_ =	sdelay $0x4  }
0x74: {  	v61 =	vshll.u32 v3, $0x2  }
0x75: {  	v3 =	vand.u32 $0x7, v3;
	v4 =	vand.u32 $0xFFFFFFE0, v61  }
0x76: {  	v3 =	vor.u32 v3, v4  }
0x77: {  	v4 =	vperm.xlane v3, v0;
	_ =	sdelay $0x1  }
0x78: {  	v4 =	vadd.s32 v1, v4;
	_ =	sdelay $0x1  }
0x79: {  	v3 =	vperm.xlane v3, v2;
	_ =	sdelay $0x1  }
0x7a: {  	v3 =	vadd.s32 v1, v3  }
0x7b: {  	[tilespmem:s0], [sflag:$0x1] =	stream.indirect_vreg.gather [hbm4b:s1+s2], $0x80, v4, vm0, $0xb8;
	[tilespmem:$0x14100] =	vst v63  }
0x7c: {  	_ = 	snop  }
0x7d: {  	[tilespmem:s3], [sflag:$0x1] =	stream.indirect_vreg.gather [hbm4b:s5+s2], $0x80, v4, vm0, $0xb8;
	[tilespmem:$0x14100] =	vst v63  }
0x7e: {  	_ = 	snop  }
0x7f: {  	[tilespmem:s6], [sflag:$0x1] =	stream.indirect_vreg.gather [hbm4b:s1+s2], $0x80, v3, vm0, $0xb8;
	[tilespmem:$0x14100] =	vst v63  }
0x80: {  	_ = 	snop  }
0x81: {  	[tilespmem:s7], [sflag:$0x1] =	stream.indirect_vreg.gather [hbm4b:s5+s2], $0x80, v3, vm0, $0xb8;
	[tilespmem:$0x14100] =	vst v63  }
0x82: {  	v3 =	vld [tilespmem:$0x60];
	_ =	sdelay $0x4  }
0x83: {  	v62 =	vshll.u32 v3, $0x2  }
0x84: {  	v3 =	vand.u32 $0x7, v3;
	v4 =	vand.u32 $0xFFFFFFE0, v62  }
0x85: {  	v3 =	vor.u32 v3, v4  }
0x86: {  	v4 =	vperm.xlane v3, v0;
	_ =	sdelay $0x1  }
0x87: {  	v4 =	vadd.s32 v1, v4;
	_ =	sdelay $0x1  }
0x88: {  	v3 =	vperm.xlane v3, v2;
	_ =	sdelay $0x1  }
0x89: {  	v3 =	vadd.s32 v1, v3  }
0x8a: {  	[tilespmem:s8], [sflag:$0x1] =	stream.indirect_vreg.gather [hbm4b:s1+s2], $0x80, v4, vm0, $0xb8;
	[tilespmem:$0x14100] =	vst v63  }
0x8b: {  	_ = 	snop  }
0x8c: {  	[tilespmem:s9], [sflag:$0x1] =	stream.indirect_vreg.gather [hbm4b:s5+s2], $0x80, v4, vm0, $0xb8;
	[tilespmem:$0x14100] =	vst v63  }
0x8d: {  	_ = 	snop  }
0x8e: {  	[tilespmem:s10], [sflag:$0x1] =	stream.indirect_vreg.gather [hbm4b:s1+s2], $0x80, v3, vm0, $0xb8;
	[tilespmem:$0x14100] =	vst v63  }
0x8f: {  	_ = 	snop  }
0x90: {  	[tilespmem:s11], [sflag:$0x1] =	stream.indirect_vreg.gather [hbm4b:s5+s2], $0x80, v3, vm0, $0xb8;
	[tilespmem:$0x14100] =	vst v63  }
0x91: {  	v3 =	vld [tilespmem:$0x70];
	_ =	sdelay $0x4  }
0x92: {  	v63 =	vshll.u32 v3, $0x2  }
0x93: {  	v3 =	vand.u32 $0x7, v3;
	v4 =	vand.u32 $0xFFFFFFE0, v63  }
0x94: {  	v3 =	vor.u32 v3, v4  }
0x95: {  	v4 =	vperm.xlane v3, v0;
	_ =	sdelay $0x1  }
0x96: {  	v4 =	vadd.s32 v1, v4;
	_ =	sdelay $0x1  }
0x97: {  	v3 =	vperm.xlane v3, v2;
	_ =	sdelay $0x1  }
0x98: {  	v3 =	vadd.s32 v1, v3  }
0x99: {  	[tilespmem:s12], [sflag:$0x1] =	stream.indirect_vreg.gather [hbm4b:s1+s2], $0x80, v4, vm0, $0xb8;
	[tilespmem:$0x14100] =	vst v63  }
0x9a: {  	_ = 	snop  }
0x9b: {  	[tilespmem:s15], [sflag:$0x1] =	stream.indirect_vreg.gather [hbm4b:s5+s2], $0x80, v4, vm0, $0xb8;
	[tilespmem:$0x14100] =	vst v63  }
0x9c: {  	_ = 	snop  }
0x9d: {  	[tilespmem:s16], [sflag:$0x1] =	stream.indirect_vreg.gather [hbm4b:s1+s2], $0x80, v3, vm0, $0xb8;
	[tilespmem:$0x14100] =	vst v63  }
0x9e: {  	_ = 	snop  }
0x9f: {  	[tilespmem:s17], [sflag:$0x1] =	stream.indirect_vreg.gather [hbm4b:s5+s2], $0x80, v3, vm0, $0xb8;
	[tilespmem:$0x14100] =	vst v63  }
0xa0: {  	_ =	swait.ge [sflag:s21], $0x10000  }
0xa1: {  	[sflag:s21] =	ssyncset.done $0x0  }
0xa2: {  	[sflag:s21] =	ssyncadd.s32 $0xFFFF0000  }
0xa3: {  	[hbm4b:s25+s2] =	stream.linear.scatter [tilespmem:s14], [sflag:$0x3], $0x10000, $0x38;
	[tilespmem:$0x14100] =	vst v63  }
0xa4: {  	_ =	swait.ge [sflag:s13], $0x10000  }
0xa5: {  	s29 =	rddreg [dreg:$0x3];
	[sflag:s13] =	ssyncset.done $0x0  }
0xa6: {  	[sflag:s13] =	ssyncadd.s32 $0xFFFF0000;
	s29 =	sadd.s32 s28, s29  }
0xa7: {  	[tilespmem:s22], [sflag:$0x3] =	stream.linear.gather [hbm4b:s29+s2], $0x80, $0x38;
	[tilespmem:$0x14100] =	vst v63  }
0xa8: {  	_ =	swait.ge [sflag:s13], $0x80  }
0xa9: {  	[sflag:s13] =	ssyncset.done $0x0  }
0xaa: {  	[sflag:s13] =	ssyncadd.s32 $0xFFFFFF80  }
0xab: {  	[tilespmem:s23], [sflag:$0x2] =	stream.indirect.gather [hbm4b:s30+s14], $0x80, s22, s14, $0xb8;
	[tilespmem:$0x14100] =	vst v63  }
0xac: {  	_ =	swait.ge [sflag:s24], $0x4000  }
0xad: {  	p1 =	sne.s32 s28, $0xC00;
	[sflag:s24] =	ssyncset.done $0x0  }
.Ltmp2:
0xae: {  	[sflag:s24] =	ssyncadd.s32 $0xFFFFC000;
	(pc) =	sbr.rel @p1 .LBB2_2-.Ltmp2, $4  }
0xaf: {  	[hbm4b:s26+s2] =	stream.linear.scatter [tilespmem:s23], [sflag:$0x3], $0x4000, $0x38;
	[tilespmem:$0x14100] =	vst v63  }
0xb0: {  	_ =	swait.ge [sflag:s13], $0x4000  }
0xb1: {  	s25 =	sadd.s32 $0x40000, s25;
	s28 =	sadd.s32 $0x200, s28;
	[sflag:s13] =	ssyncset.done $0x0  }
0xb2: {  	s29 =	smov.u32 s30;
	s26 =	sadd.s32 $0x10000, s26;
	[sflag:s13] =	ssyncadd.s32 $0xFFFFC000  }
0xb3: {  	s26 =	simm.s32 $0x880;
	s28 =	simm.s32 $0x1080;
	s0 =	simm.s32 $0x1880  }
0xb4: {  	s3 =	simm.s32 $0x2080;
	s6 =	simm.s32 $0x2880;
	s7 =	simm.s32 $0x3080  }
.Ltmp3:
0xb5: {  	s8 =	simm.s32 $0x3880;
	s9 =	simm.s32 $0x4080;
	(pc) =	sbr.rel @p0 .LBB2_5-.Ltmp3, $4  }
0xb6: {  	s10 =	simm.s32 $0x4880;
	s11 =	simm.s32 $0x5080;
	s12 =	simm.s32 $0x5880  }
0xb7: {  	s15 =	simm.s32 $0x6080;
	s16 =	simm.s32 $0x6880;
	s17 =	simm.s32 $0x7080  }
0xb8: {  	s18 =	simm.s32 $0x7880;
	s19 =	simm.s32 $0x8080;
	s20 =	simm.s32 $0x8880  }
0xb9: {  	s4 =	simm.s32 $0x9080;
	s30 =	simm.s32 $0x9880;
	s31 =	rddreg [dreg:$0xc]  }
0xba: {  	s25 =	rddreg [dreg:$0x5]  }
0xbb: {  	[tilespmem:s2], [sflag:$0x3] =	stream.linear.gather [hbm4b:s25+s2], $0x80, $0x38;
	[tilespmem:$0x14100] =	vst v63  }
0xbc: {  	_ =	swait.ge [sflag:s13], $0x80  }
0xbd: {  	[sflag:s13] =	ssyncset.done $0x0  }
0xbe: {  	[sflag:s13] =	ssyncadd.s32 $0xFFFFFF80  }
0xbf: {  	v3 =	vld [tilespmem:$0x0];
	_ =	sdelay $0x4  }
0xc0: {  	v4 =	vshll.u32 v3, $0x2  }
0xc1: {  	v3 =	vand.u32 $0x7, v3;
	v4 =	vand.u32 $0xFFFFFFE0, v4  }
0xc2: {  	v3 =	vor.u32 v3, v4  }
0xc3: {  	v4 =	vperm.xlane v3, v0;
	_ =	sdelay $0x1  }
0xc4: {  	v4 =	vadd.s32 v1, v4;
	_ =	sdelay $0x1  }
0xc5: {  	v3 =	vperm.xlane v3, v2;
	_ =	sdelay $0x1  }
0xc6: {  	v3 =	vadd.s32 v1, v3  }
0xc7: {  	[tilespmem:s14], [sflag:$0x1] =	stream.indirect_vreg.gather [hbm4b:s1+s2], $0x80, v4, vm0, $0xb8;
	[tilespmem:$0x14100] =	vst v63  }
0xc8: {  	_ = 	snop  }
0xc9: {  	[tilespmem:s26], [sflag:$0x1] =	stream.indirect_vreg.gather [hbm4b:s5+s2], $0x80, v4, vm0, $0xb8;
	[tilespmem:$0x14100] =	vst v63  }
0xca: {  	_ = 	snop  }
0xcb: {  	[tilespmem:s28], [sflag:$0x1] =	stream.indirect_vreg.gather [hbm4b:s1+s2], $0x80, v3, vm0, $0xb8;
	[tilespmem:$0x14100] =	vst v63  }
0xcc: {  	_ = 	snop  }
0xcd: {  	[tilespmem:s0], [sflag:$0x1] =	stream.indirect_vreg.gather [hbm4b:s5+s2], $0x80, v3, vm0, $0xb8;
	[tilespmem:$0x14100] =	vst v63  }
0xce: {  	v3 =	vld [tilespmem:$0x10];
	_ =	sdelay $0x4  }
0xcf: {  	v57 =	vshll.u32 v3, $0x2  }
0xd0: {  	v3 =	vand.u32 $0x7, v3;
	v4 =	vand.u32 $0xFFFFFFE0, v57  }
0xd1: {  	v3 =	vor.u32 v3, v4  }
0xd2: {  	v4 =	vperm.xlane v3, v0;
	_ =	sdelay $0x1  }
0xd3: {  	v4 =	vadd.s32 v1, v4;
	_ =	sdelay $0x1  }
0xd4: {  	v3 =	vperm.xlane v3, v2;
	_ =	sdelay $0x1  }
0xd5: {  	v3 =	vadd.s32 v1, v3  }
0xd6: {  	[tilespmem:s3], [sflag:$0x1] =	stream.indirect_vreg.gather [hbm4b:s1+s2], $0x80, v4, vm0, $0xb8;
	[tilespmem:$0x14100] =	vst v63  }
0xd7: {  	_ = 	snop  }
0xd8: {  	[tilespmem:s6], [sflag:$0x1] =	stream.indirect_vreg.gather [hbm4b:s5+s2], $0x80, v4, vm0, $0xb8;
	[tilespmem:$0x14100] =	vst v63  }
0xd9: {  	_ = 	snop  }
0xda: {  	[tilespmem:s7], [sflag:$0x1] =	stream.indirect_vreg.gather [hbm4b:s1+s2], $0x80, v3, vm0, $0xb8;
	[tilespmem:$0x14100] =	vst v63  }
0xdb: {  	_ = 	snop  }
0xdc: {  	[tilespmem:s8], [sflag:$0x1] =	stream.indirect_vreg.gather [hbm4b:s5+s2], $0x80, v3, vm0, $0xb8;
	[tilespmem:$0x14100] =	vst v63  }
0xdd: {  	v3 =	vld [tilespmem:$0x20];
	_ =	sdelay $0x4  }
0xde: {  	v58 =	vshll.u32 v3, $0x2  }
0xdf: {  	v3 =	vand.u32 $0x7, v3;
	v4 =	vand.u32 $0xFFFFFFE0, v58  }
0xe0: {  	v3 =	vor.u32 v3, v4  }
0xe1: {  	v4 =	vperm.xlane v3, v0;
	_ =	sdelay $0x1  }
0xe2: {  	v4 =	vadd.s32 v1, v4;
	_ =	sdelay $0x1  }
0xe3: {  	v3 =	vperm.xlane v3, v2;
	_ =	sdelay $0x1  }
0xe4: {  	v3 =	vadd.s32 v1, v3  }
0xe5: {  	[tilespmem:s9], [sflag:$0x1] =	stream.indirect_vreg.gather [hbm4b:s1+s2], $0x80, v4, vm0, $0xb8;
	[tilespmem:$0x14100] =	vst v63  }
0xe6: {  	_ = 	snop  }
0xe7: {  	[tilespmem:s10], [sflag:$0x1] =	stream.indirect_vreg.gather [hbm4b:s5+s2], $0x80, v4, vm0, $0xb8;
	[tilespmem:$0x14100] =	vst v63  }
0xe8: {  	_ = 	snop  }
0xe9: {  	[tilespmem:s11], [sflag:$0x1] =	stream.indirect_vreg.gather [hbm4b:s1+s2], $0x80, v3, vm0, $0xb8;
	[tilespmem:$0x14100] =	vst v63  }
0xea: {  	_ = 	snop  }
0xeb: {  	[tilespmem:s12], [sflag:$0x1] =	stream.indirect_vreg.gather [hbm4b:s5+s2], $0x80, v3, vm0, $0xb8;
	[tilespmem:$0x14100] =	vst v63  }
0xec: {  	v3 =	vld [tilespmem:$0x30];
	_ =	sdelay $0x4  }
0xed: {  	v59 =	vshll.u32 v3, $0x2  }
0xee: {  	v3 =	vand.u32 $0x7, v3;
	v4 =	vand.u32 $0xFFFFFFE0, v59  }
0xef: {  	v3 =	vor.u32 v3, v4  }
0xf0: {  	v4 =	vperm.xlane v3, v0;
	_ =	sdelay $0x1  }
0xf1: {  	v4 =	vadd.s32 v1, v4;
	_ =	sdelay $0x1  }
0xf2: {  	v3 =	vperm.xlane v3, v2;
	_ =	sdelay $0x1  }
0xf3: {  	v3 =	vadd.s32 v1, v3  }
0xf4: {  	[tilespmem:s15], [sflag:$0x1] =	stream.indirect_vreg.gather [hbm4b:s1+s2], $0x80, v4, vm0, $0xb8;
	[tilespmem:$0x14100] =	vst v63  }
0xf5: {  	_ = 	snop  }
0xf6: {  	[tilespmem:s16], [sflag:$0x1] =	stream.indirect_vreg.gather [hbm4b:s5+s2], $0x80, v4, vm0, $0xb8;
	[tilespmem:$0x14100] =	vst v63  }
0xf7: {  	_ = 	snop  }
0xf8: {  	[tilespmem:s17], [sflag:$0x1] =	stream.indirect_vreg.gather [hbm4b:s1+s2], $0x80, v3, vm0, $0xb8;
	[tilespmem:$0x14100] =	vst v63  }
0xf9: {  	_ = 	snop  }
0xfa: {  	[tilespmem:s18], [sflag:$0x1] =	stream.indirect_vreg.gather [hbm4b:s5+s2], $0x80, v3, vm0, $0xb8;
	[tilespmem:$0x14100] =	vst v63  }
0xfb: {  	v3 =	vld [tilespmem:$0x40];
	_ =	sdelay $0x4  }
0xfc: {  	v60 =	vshll.u32 v3, $0x2  }
0xfd: {  	v3 =	vand.u32 $0x7, v3;
	v4 =	vand.u32 $0xFFFFFFE0, v60  }
0xfe: {  	v3 =	vor.u32 v3, v4  }
0xff: {  	v4 =	vperm.xlane v3, v0;
	_ =	sdelay $0x1  }
0x100: {  	v4 =	vadd.s32 v1, v4;
	_ =	sdelay $0x1  }
0x101: {  	v3 =	vperm.xlane v3, v2;
	_ =	sdelay $0x1  }
0x102: {  	v3 =	vadd.s32 v1, v3  }
0x103: {  	[tilespmem:s19], [sflag:$0x1] =	stream.indirect_vreg.gather [hbm4b:s1+s2], $0x80, v4, vm0, $0xb8;
	[tilespmem:$0x14100] =	vst v63  }
0x104: {  	_ = 	snop  }
0x105: {  	[tilespmem:s20], [sflag:$0x1] =	stream.indirect_vreg.gather [hbm4b:s5+s2], $0x80, v4, vm0, $0xb8;
	[tilespmem:$0x14100] =	vst v63  }
0x106: {  	_ = 	snop  }
0x107: {  	[tilespmem:s4], [sflag:$0x1] =	stream.indirect_vreg.gather [hbm4b:s1+s2], $0x80, v3, vm0, $0xb8;
	[tilespmem:$0x14100] =	vst v63  }
0x108: {  	_ = 	snop  }
0x109: {  	[tilespmem:s30], [sflag:$0x1] =	stream.indirect_vreg.gather [hbm4b:s5+s2], $0x80, v3, vm0, $0xb8;
	[tilespmem:$0x14100] =	vst v63  }
0x10a: {  	v3 =	vld [tilespmem:$0x50];
	_ =	sdelay $0x4  }
0x10b: {  	v61 =	vshll.u32 v3, $0x2  }
0x10c: {  	v3 =	vand.u32 $0x7, v3;
	v4 =	vand.u32 $0xFFFFFFE0, v61  }
0x10d: {  	v3 =	vor.u32 v3, v4  }
0x10e: {  	v4 =	vperm.xlane v3, v0;
	_ =	sdelay $0x1  }
0x10f: {  	v4 =	vadd.s32 v1, v4;
	_ =	sdelay $0x1  }
0x110: {  	v3 =	vperm.xlane v3, v2;
	_ =	sdelay $0x1  }
0x111: {  	s8 =	simm.s32 $0xA080;
	v3 =	vadd.s32 v1, v3  }
0x112: {  	[tilespmem:s8], [sflag:$0x1] =	stream.indirect_vreg.gather [hbm4b:s1+s2], $0x80, v4, vm0, $0xb8;
	[tilespmem:$0x14100] =	vst v63  }
0x113: {  	s9 =	simm.s32 $0xA880  }
0x114: {  	[tilespmem:s9], [sflag:$0x1] =	stream.indirect_vreg.gather [hbm4b:s5+s2], $0x80, v4, vm0, $0xb8;
	[tilespmem:$0x14100] =	vst v63  }
0x115: {  	s10 =	simm.s32 $0xB080  }
0x116: {  	[tilespmem:s10], [sflag:$0x1] =	stream.indirect_vreg.gather [hbm4b:s1+s2], $0x80, v3, vm0, $0xb8;
	[tilespmem:$0x14100] =	vst v63  }
0x117: {  	s11 =	simm.s32 $0xB880  }
0x118: {  	[tilespmem:s11], [sflag:$0x1] =	stream.indirect_vreg.gather [hbm4b:s5+s2], $0x80, v3, vm0, $0xb8;
	[tilespmem:$0x14100] =	vst v63  }
0x119: {  	v3 =	vld [tilespmem:$0x60];
	_ =	sdelay $0x4  }
0x11a: {  	v62 =	vshll.u32 v3, $0x2  }
0x11b: {  	v3 =	vand.u32 $0x7, v3;
	v4 =	vand.u32 $0xFFFFFFE0, v62  }
0x11c: {  	v3 =	vor.u32 v3, v4  }
0x11d: {  	v4 =	vperm.xlane v3, v0;
	_ =	sdelay $0x1  }
0x11e: {  	v4 =	vadd.s32 v1, v4;
	_ =	sdelay $0x1  }
0x11f: {  	v3 =	vperm.xlane v3, v2;
	_ =	sdelay $0x1  }
0x120: {  	s12 =	simm.s32 $0xC080;
	v3 =	vadd.s32 v1, v3  }
0x121: {  	[tilespmem:s12], [sflag:$0x1] =	stream.indirect_vreg.gather [hbm4b:s1+s2], $0x80, v4, vm0, $0xb8;
	[tilespmem:$0x14100] =	vst v63  }
0x122: {  	s15 =	simm.s32 $0xC880  }
0x123: {  	[tilespmem:s15], [sflag:$0x1] =	stream.indirect_vreg.gather [hbm4b:s5+s2], $0x80, v4, vm0, $0xb8;
	[tilespmem:$0x14100] =	vst v63  }
0x124: {  	s16 =	simm.s32 $0xD080  }
0x125: {  	[tilespmem:s16], [sflag:$0x1] =	stream.indirect_vreg.gather [hbm4b:s1+s2], $0x80, v3, vm0, $0xb8;
	[tilespmem:$0x14100] =	vst v63  }
0x126: {  	s17 =	simm.s32 $0xD880  }
0x127: {  	[tilespmem:s17], [sflag:$0x1] =	stream.indirect_vreg.gather [hbm4b:s5+s2], $0x80, v3, vm0, $0xb8;
	[tilespmem:$0x14100] =	vst v63  }
0x128: {  	v3 =	vld [tilespmem:$0x70];
	_ =	sdelay $0x4  }
0x129: {  	v63 =	vshll.u32 v3, $0x2  }
0x12a: {  	v3 =	vand.u32 $0x7, v3;
	v4 =	vand.u32 $0xFFFFFFE0, v63  }
0x12b: {  	v3 =	vor.u32 v3, v4  }
0x12c: {  	v4 =	vperm.xlane v3, v0;
	_ =	sdelay $0x1  }
0x12d: {  	v4 =	vadd.s32 v1, v4;
	_ =	sdelay $0x1  }
0x12e: {  	v3 =	vperm.xlane v3, v2;
	_ =	sdelay $0x1  }
0x12f: {  	s18 =	simm.s32 $0xE080;
	v3 =	vadd.s32 v1, v3  }
0x130: {  	[tilespmem:s18], [sflag:$0x1] =	stream.indirect_vreg.gather [hbm4b:s1+s2], $0x80, v4, vm0, $0xb8;
	[tilespmem:$0x14100] =	vst v63  }
0x131: {  	s19 =	simm.s32 $0xE880  }
0x132: {  	[tilespmem:s19], [sflag:$0x1] =	stream.indirect_vreg.gather [hbm4b:s5+s2], $0x80, v4, vm0, $0xb8;
	[tilespmem:$0x14100] =	vst v63  }
0x133: {  	s20 =	simm.s32 $0xF080  }
0x134: {  	[tilespmem:s20], [sflag:$0x1] =	stream.indirect_vreg.gather [hbm4b:s1+s2], $0x80, v3, vm0, $0xb8;
	[tilespmem:$0x14100] =	vst v63  }
0x135: {  	s25 =	simm.s32 $0xF880  }
0x136: {  	[tilespmem:s25], [sflag:$0x1] =	stream.indirect_vreg.gather [hbm4b:s5+s2], $0x80, v3, vm0, $0xb8;
	[tilespmem:$0x14100] =	vst v63  }
0x137: {  	_ =	swait.ge [sflag:s21], $0x10000  }
0x138: {  	[sflag:s21] =	ssyncset.done $0x0  }
0x139: {  	s26 =	rddreg [dreg:$0x6];
	[sflag:s21] =	ssyncadd.s32 $0xFFFF0000  }
0x13a: {  	[hbm4b:s26+s2] =	stream.linear.scatter [tilespmem:s14], [sflag:$0x3], $0x10000, $0x38;
	[tilespmem:$0x14100] =	vst v63  }
0x13b: {  	_ =	swait.ge [sflag:s13], $0x10000  }
0x13c: {  	[sflag:s13] =	ssyncset.done $0x0  }
0x13d: {  	s28 =	rddreg [dreg:$0x7];
	[sflag:s13] =	ssyncadd.s32 $0xFFFF0000  }
0x13e: {  	[tilespmem:s22], [sflag:$0x3] =	stream.linear.gather [hbm4b:s28+s2], $0x80, $0x38;
	[tilespmem:$0x14100] =	vst v63  }
0x13f: {  	_ =	swait.ge [sflag:s13], $0x80  }
0x140: {  	[sflag:s13] =	ssyncset.done $0x0  }
0x141: {  	[sflag:s13] =	ssyncadd.s32 $0xFFFFFF80  }
0x142: {  	[tilespmem:s23], [sflag:$0x2] =	stream.indirect.gather [hbm4b:s29+s14], $0x80, s22, s14, $0xb8;
	[tilespmem:$0x14100] =	vst v63  }
0x143: {  	_ =	swait.ge [sflag:s24], $0x4000  }
0x144: {  	[sflag:s24] =	ssyncset.done $0x0  }
.Ltmp4:
0x145: {  	s30 =	rddreg [dreg:$0x8];
	[sflag:s24] =	ssyncadd.s32 $0xFFFFC000;
	(pc) =	sbr.rel .LBB2_5-.Ltmp4, $4  }
0x146: {  	[hbm4b:s30+s2] =	stream.linear.scatter [tilespmem:s23], [sflag:$0x3], $0x4000, $0x38;
	[tilespmem:$0x14100] =	vst v63  }
0x147: {  	_ =	swait.ge [sflag:s13], $0x4000  }
0x148: {  	[sflag:s13] =	ssyncset.done $0x0  }
0x149: {  	[sflag:s13] =	ssyncadd.s32 $0xFFFFC000  }
.LBB2_6:
0x14a: {  	_ =	sfence.sel $0x180000  }
0x14b: {  	[bflag:$0x0] =	sbarrier.arrive $0xFFFF  }
0x14c: {  	_ =	strace $0x9000005F  }
0x14d: {  	s0 =	stileid.u32;
	[bflag:$0x2] =	sbarrier.arrive $0xFFFF  }
0x14e: {  	p0 =	sne.s32 s0, $0x0;
	s0 =	rddreg [dreg:$0x2]  }
0x14f: {  	s0 =	sadd.s32 @!p0 $0x100000, s0  }
0x150: {  	[sflag:s0] =	ssyncadd.tile.s32 @!p0 $0x1;
	_ =	shalt  }
.Lfunc_end2:
_tile_overlayer_lowered:
.L_overlay_start_2:
0x151: {  	(tag) =	ssettag $0x2  }
0x152: {  	s0 =	rddreg [dreg:$0x0];
	s2 =	stileid.u32  }
0x153: {  	s1 =	rddreg [dreg:$0x1];
	p0 =	sne.s32 s2, $0x0  }
0x154: {  	s3 =	rddreg [dreg:$0x2];
	[bflag:$0x3] =	sbarrier.arrive $0xFFFF;
	s2 =	simm.s32 @!p0 $0x1C03  }
0x155: {  	[timem:s3], [sflag:s2] =	dma.local @!p0 [hbm:s0], s1  }
0x156: {  	s0 =	simm.s32 @!p0 $0x3  }
0x157: {  	_ =	swait.ge @!p0 [sflag:s0], s1  }
0x158: {  	s1 =	ssub.s32 @!p0 $0x0, s1;
	[sflag:s0] =	ssyncset.done @!p0 $0x0  }
0x159: {  	[sflag:s0] =	ssyncadd.s32 @!p0 s1  }
0x15a: {  	[bflag:$0x3] =	sbarrier.arrive $0xFFFF  }
0x15b: {  	_ =	shalt  }

// kernel: kernel.19.cloned.1.call-start
scs
__scs_entry_jumppad:
0x0: {  	(pc) =	sbr.rel $0x88, $3  }
0x1: {  	(tag) =	ssettag $0x0;
	lr =	simm.s32 $0x1  }
0x2: {  	[smem:$0x3F94] =	sst lr;
	_ =	strace $0xD0000000  }
0x3: {  	_ = 	snop  }
0x4: {  	_ = 	snop  }
0x5: {  	_ = 	snop  }
0x6: {  	_ = 	snop  }
0x7: {  	_ = 	snop  }
__scs_overlays_trampoline_lowered:
0x8: {  	[smem:$0x3FA3] =	sst s0  }
0x9: {  	[smem:$0x3FA4] =	sst s1  }
0xa: {  	[smem:$0x3FA5] =	sst s2  }
0xb: {  	[smem:$0x3FA6] =	sst s3  }
0xc: {  	[smem:$0x3FA7] =	sst s4  }
0xd: {  	[smem:$0x3FA8] =	sst s5  }
0xe: {  	[smem:$0x3FA9] =	sst s6  }
0xf: {  	[smem:$0x3FAA] =	sst s7  }
0x10: {  	[smem:$0x3FAB] =	sst s8  }
0x11: {  	[smem:$0x3FAC] =	sst s9;
	s0 =	simm.s32 @!p0 $0x0  }
0x12: {  	s1 =	sld [smem:$0x3F92];
	s0 =	simm.s32 @p0 $0x1  }
0x13: {  	[smem:$0x3FAD] =	sst s0;
	s0 =	simm.s32 @!p1 $0x0  }
0x14: {  	s2 =	sld [smem:$0x3F91];
	s0 =	simm.s32 @p1 $0x1  }
0x15: {  	[smem:$0x3FAE] =	sst s0;
	s0 =	simm.s32 @!p2 $0x0  }
0x16: {  	s3 =	sld [smem:$0x3FDB];
	s0 =	simm.s32 @p2 $0x1  }
0x17: {  	s4 =	simm.s32 $0x1BF5;
	[smem:$0x3FB0] =	sst s0  }
0x18: {  	s0 =	sld [smem:$0x3F93];
	_ =	swait.ge [sflag:s4], $0x0  }
0x19: {  	s7 =	sld [smem:$0x3F94]  }
0x1a: {  	s8 =	sadd.s32 $0xFFFFE003, lr  }
0x1b: {  	s9 =	sadd.s32 $0xFFFFFEF7, lr;
	s5 =	simm.s32 $0xFFFFFFFF;
	p2 =	slt.u32 s8, $0xFFFFF086  }
0x1c: {  	p1 =	slt.u32 s9, $0xF7A;
	s5 =	simm.s32 @!p2 $0x0  }
0x1d: {  	s5 =	simm.s32 @p1 $0x1;
	p0 =	seq.s32 s7, s2  }
0x1e: {  	s7 =	smul.u32 @!p0 $0xF7A, s2;
	p2 =	seq.s32 @!p0 s5, $0x0  }
0x1f: {  	s9 =	smul.u32 $0xF7A, s1;
	s8 =	simm.s32 @!p0 $0x1BF5;
	p2 =	por !p2, p0  }
0x20: {  	[sflag:s8] =	ssyncset.s32 @!p0 $0xFFFFF086;
	s6 =	sadd.s32 @!p0 s3, s7;
	s7 =	simm.s32 @!p0 $0x108  }
0x21: {  	s3 =	sadd.s32 s3, s9;
	s6 =	sadd.s32 @!p0 $0x88, s6;
	s7 =	simm.s32 @p2 $0x1082  }
0x22: {  	[simem:s7], [sflag:s8] =	dma.local @!p0 [hbm:s6], $0xF7A  }
0x23: {  	s9 =	sor.u32 $0xD0000000, s2;
	s6 =	simm.s32 $0x108;
	_ =	swait.ge @!p0 [sflag:s8], $0x0  }
0x24: {  	s3 =	sadd.s32 $0x88, s3;
	s6 =	simm.s32 @!p1 $0x1082;
	[sflag:s4] =	ssyncset.s32 $0xFFFFF086  }
0x25: {  	[simem:s6], [sflag:s4] =	dma.local [hbm:s3], $0xF7A  }
0x26: {  	[smem:$0x3F94] =	sst s1;
	(tag) =	ssettag s2;
	_ =	strace s9  }
0x27: {  	s1 =	sld [smem:$0x3FA4]  }
0x28: {  	s2 =	sld [smem:$0x3FA5]  }
0x29: {  	s4 =	sld [smem:$0x3FA7]  }
0x2a: {  	p0 =	seq.s32 s5, $0x0;
	s5 =	sld [smem:$0x3FA8]  }
0x2b: {  	s6 =	sld [smem:$0x3FA9]  }
0x2c: {  	s7 =	sld [smem:$0x3FAA]  }
0x2d: {  	s3 =	simm.s32 $0x108;
	s8 =	sld [smem:$0x3FAB]  }
0x2e: {  	s3 =	simm.s32 @!p0 $0x1082;
	s9 =	sld [smem:$0x3FAC]  }
0x2f: {  	lr =	sadd.s32 s0, s3;
	s0 =	sld [smem:$0x3FA3]  }
0x30: {  	s3 =	sld [smem:$0x3FA6]  }
0x31: {  	[smem:$0x3FAF] =	sst s10  }
0x32: {  	s10 =	sld [smem:$0x3FAD];
	_ =	sdelay $0x3  }
0x33: {  	p0 =	seq.s32 s10, $0x1;
	s10 =	sld [smem:$0x3FAF];
	_ =	sdelay $0x3  }
0x34: {  	[smem:$0x3FAF] =	sst s10  }
0x35: {  	s10 =	sld [smem:$0x3FAE];
	_ =	sdelay $0x3  }
0x36: {  	p1 =	seq.s32 s10, $0x1;
	s10 =	sld [smem:$0x3FAF];
	_ =	sdelay $0x3  }
0x37: {  	[smem:$0x3FAF] =	sst s10  }
0x38: {  	s10 =	sld [smem:$0x3FB0]  }
0x39: {  	_ = 	snop;
	(pc) =	sbr.ind lr, $3  }
0x3a: {  	_ = 	snop  }
0x3b: {  	_ = 	snop  }
0x3c: {  	p2 =	seq.s32 s10, $0x1;
	s10 =	sld [smem:$0x3FAF]  }
0x3d: {  	_ =	shalt  }
0x3e: {  	_ =	shalt  }
0x3f: {  	_ =	shalt  }
0x40: {  	_ =	shalt  }
0x41: {  	_ =	shalt  }
0x42: {  	_ =	shalt  }
0x43: {  	_ =	shalt  }
0x44: {  	_ =	shalt  }
0x45: {  	_ =	shalt  }
0x46: {  	_ =	shalt  }
0x47: {  	_ =	shalt  }
0x48: {  	_ =	shalt  }
0x49: {  	_ =	shalt  }
0x4a: {  	_ =	shalt  }
0x4b: {  	_ =	shalt  }
0x4c: {  	_ =	shalt  }
0x4d: {  	_ =	shalt  }
0x4e: {  	_ =	shalt  }
0x4f: {  	_ =	shalt  }
0x50: {  	_ =	shalt  }
0x51: {  	_ =	shalt  }
0x52: {  	_ =	shalt  }
0x53: {  	_ =	shalt  }
0x54: {  	_ =	shalt  }
0x55: {  	_ =	shalt  }
0x56: {  	_ =	shalt  }
0x57: {  	_ =	shalt  }
0x58: {  	_ =	shalt  }
0x59: {  	_ =	shalt  }
0x5a: {  	_ =	shalt  }
0x5b: {  	_ =	shalt  }
0x5c: {  	_ =	shalt  }
0x5d: {  	_ =	shalt  }
0x5e: {  	_ =	shalt  }
0x5f: {  	_ =	shalt  }
0x60: {  	_ =	shalt  }
0x61: {  	_ =	shalt  }
0x62: {  	_ =	shalt  }
0x63: {  	_ =	shalt  }
0x64: {  	_ =	shalt  }
0x65: {  	_ =	shalt  }
0x66: {  	_ =	shalt  }
0x67: {  	_ =	shalt  }
0x68: {  	_ =	shalt  }
0x69: {  	_ =	shalt  }
0x6a: {  	_ =	shalt  }
0x6b: {  	_ =	shalt  }
0x6c: {  	_ =	shalt  }
0x6d: {  	_ =	shalt  }
0x6e: {  	_ =	shalt  }
0x6f: {  	_ =	shalt  }
0x70: {  	_ =	shalt  }
0x71: {  	_ =	shalt  }
0x72: {  	_ =	shalt  }
0x73: {  	_ =	shalt  }
0x74: {  	_ =	shalt  }
0x75: {  	_ =	shalt  }
0x76: {  	_ =	shalt  }
0x77: {  	_ =	shalt  }
0x78: {  	_ =	shalt  }
0x79: {  	_ =	shalt  }
0x7a: {  	_ =	shalt  }
0x7b: {  	_ =	shalt  }
0x7c: {  	_ =	shalt  }
0x7d: {  	_ =	shalt  }
0x7e: {  	_ =	shalt  }
0x7f: {  	_ =	shalt  }
0x80: {  	_ =	shalt  }
0x81: {  	_ =	shalt  }
0x82: {  	_ =	shalt  }
0x83: {  	_ =	shalt  }
0x84: {  	_ =	shalt  }
0x85: {  	_ =	shalt  }
0x86: {  	_ =	shalt  }
0x87: {  	_ =	shalt  }
.Lfunc_end0:
.L_simem_size_0:
called_computation.7_lowered:
.L_overlay_start_0:
0x88: {  	s2 =	sld [smem:$0x3FD9]  }
0x89: {  	s3 =	sld [smem:$0x3FFE];
	_ =	sdelay $0x1  }
0x8a: {  	s1 =	srdreg.scid  }
0x8b: {  	s0 =	sand.u32 $0x1, s1  }
0x8c: {  	s17 =	sshll.u32 s0, $0xA;
	s2 =	sadd.s32 s3, s2  }
0x8d: {  	s2 =	sadd.s32 s2, s17  }
0x8e: {  	[smem:$0x3FBB] =	sst s2  }
0x8f: {  	_ = 	snop  }
0x90: {  	s18 =	sld [smem:$0x3FC7];
	(tm) =	ssettm $0x1  }
0x91: {  	s19 =	sld [smem:$0x3FFB];
	_ =	sdelay $0x3  }
0x92: {  	_ =	strace s19  }
0x93: {  	s2 =	sld [smem:$0x3FFC];
	_ =	sdelay $0x3  }
0x94: {  	_ =	strace s2  }
0x95: {  	s2 =	sld [smem:$0x3FFD];
	_ =	sdelay $0x3  }
0x96: {  	_ =	strace s2  }
0x97: {  	_ =	strace $0x8FFFFFFF  }
0x98: {  	s20 =	sld [smem:$0x3FDB];
	_ =	sdelay $0x1  }
0x99: {  	s4 =	simm.s32 $_scs_section_size  }
0x9a: {  	s5 =	simm.s32 $_size__tile_overlayer_lowered;
	s6 =	simm.s32 $_tile_overlayer_lowered  }
0x9b: {  	s7 =	simm.s32 $0x1BFF;
	s21 =	sshll.u32 s6, $0x1;
	s4 =	sadd.s32 s4, s20  }
0x9c: {  	s22 =	simm.s32 $0x0;
	s5 =	sshll.u32 s5, $0x1;
	s6 =	sadd.s32 s21, s4  }
0x9d: {  	[timem:s22], [sflag:s7] =	dma.local [hbm:s6], s5  }
0x9e: {  	_ =	swait.ge [sflag:s7], s5  }
0x9f: {  	s5 =	ssub.s32 $0x0, s5;
	[sflag:s7] =	ssyncset.done $0x0  }
0xa0: {  	[sflag:s7] =	ssyncadd.s32 s5;
	_ =	sdelay $0x1  }
0xa1: {  	s23 =	simm.s32 $0x1B8B  }
0xa2: {  	_ =	swait.ge [sflag:s23], $0x1  }
0xa3: {  	[sflag:s23] =	ssyncset.done $0x0  }
0xa4: {  	[sflag:s23] =	ssyncadd.s32 $0xFFFFFFFF  }
0xa5: {  	s5 =	sld [smem:$0x0]  }
0xa6: {  	s6 =	sand.u32 $0xFFFFFFFE, s1  }
0xa7: {  	p0 =	sne.s32 s1, s6  }
0xa8: {  	s6 =	sshll.u32 @p0 s6, $0xE  }
0xa9: {  	s6 =	sadd.s32 @p0 $0x11B8D, s6;
	s7 =	sshll.u32 @p0 s5, $0x11  }
0xaa: {  	s6 =	sor.u32 @p0 s7, s6  }
0xab: {  	[sflag:s6] =	ssyncadd.remote.s32 @p0 $0x1;
	_ =	sdelay $0x1  }
0xac: {  	s6 =	simm.s32 @p0 $0x1B8D  }
0xad: {  	_ =	swait.eq @p0 [sflag:s6], $0x1  }
0xae: {  	[sflag:s6] =	ssyncadd.s32 @p0 $0xFFFFFFFF  }
0xaf: {  	s7 =	sshll.u32 @!p0 s1, $0xE  }
0xb0: {  	s7 =	sor.u32 @!p0 $0x4000, s7;
	s6 =	simm.s32 @!p0 $0x1B8D  }
0xb1: {  	s5 =	sshll.u32 @!p0 s5, $0x11;
	s7 =	sadd.s32 @!p0 $0x11B8D, s7;
	_ =	swait.eq @!p0 [sflag:s6], $0x1  }
0xb2: {  	s5 =	sor.u32 @!p0 s5, s7;
	[sflag:s6] =	ssyncadd.s32 @!p0 $0xFFFFFFFF  }
0xb3: {  	s25 =	simm.s32 $0x1B8E;
	s24 =	sld [smem:$0x3FFE];
	[sflag:s5] =	ssyncadd.remote.s32 @!p0 $0x1  }
0xb4: {  	s26 =	simm.s32 $execute0_lowered;
	[smem:$0x3FD2] =	sst s25  }
0xb5: {  	s6 =	sshll.u32 s26, $0x1;
	_ =	strace $0x8000005B;
	[dreg:$0x1] =	wrdreg $0xFFFFFFFF  }
0xb6: {  	s28 =	simm.s32 $_size_execute0_lowered;
	s4 =	sadd.s32 s4, s6;
	[dreg:$0x0] =	wrdreg $0x0  }
0xb7: {  	s6 =	sshll.u32 s28, $0x1;
	[dreg:$0x2] =	wrdreg s4  }
0xb8: {  	[dreg:$0x3] =	wrdreg s6  }
0xb9: {  	[dreg:$0x4] =	wrdreg $0xC0  }
0xba: {  	_ =	task [dreg:s22], $0x5FFFF  }
0xbb: {  	[dreg:$0x1] =	wrdreg $0xFFFFFFFF  }
0xbc: {  	[dreg:$0x0] =	wrdreg $0x60  }
0xbd: {  	[dreg:$0x2] =	wrdreg s18  }
0xbe: {  	[dreg:$0x3] =	wrdreg s24  }
0xbf: {  	[dreg:$0x4] =	wrdreg $0xD  }
0xc0: {  	_ =	task.clear_ibuf [dreg:s22], $0x5FFFF;
	_ =	strace $0x9000005B  }
0xc1: {  	s29 =	simm.s32 $0xD;
	_ =	strace $0x8000005D  }
0xc2: {  	_ =	swait.ge [sflag:s29], $0x1  }
0xc3: {  	[sflag:s29] =	ssyncadd.s32 $0xFFFFFFFF  }
0xc4: {  	_ =	strace $0x9000005D  }
0xc5: {  	_ =	sfence  }
0xc6: {  	s30 =	sld [smem:$0x0];
	_ =	sdelay $0x2  }
0xc7: {  	s31 =	sshll.u32 s1, $0xD;
	s1 =	sshrl.u32 s1, $0x2  }
0xc8: {  	s4 =	sand.u32 $0x4000, s31;
	s1 =	sadd.s32 s1, s30  }
0xc9: {  	s0 =	sor.u32 s4, s0;
	s1 =	sshll.u32 s1, $0x11  }
0xca: {  	s0 =	sor.u32 s1, s0  }
0xcb: {  	s0 =	sadd.s32 $0x8F2B, s0  }
0xcc: {  	[sflag:s0] =	ssyncadd.remote.s32 $0x1  }
0xcd: {  	_ =	sfence.sel $0xFFFF  }
0xce: {  	[dreg:$0x0] =	wrdreg $0xFFFFFFFF;
	(pc) =	sbr.abs _section_cstart, $3  }
0xcf: {  	[dreg:$0x1] =	wrdreg $0xFFFFFFFF  }
0xd0: {  	_ =	task.clear_ibuf [dreg:s22], $0x2FFFF;
	_ =	strace $0x9FFFFFFF  }
0xd1: {  	(tm) =	ssettm $0x7FFFFFFF  }
tec
execute0_lowered:
.L_overlay_start_1:
0x0: {  	(tag) =	ssettag $0x1  }
0x1: {  	s1 =	rddreg [dreg:$0x0]  }
0x2: {  	s0 =	rddreg [dreg:$0x1];
	s2 =	simm.s32 $0x0;
	s3 =	srdreg.scid  }
0x3: {  	s15 =	stileid.u32;
	s14 =	simm.s32 $0x80;
	s21 =	simm.s32 $0x1  }
0x4: {  	s22 =	simm.s32 $0x10080;
	s31 =	simm.s32 $0x0;
	[smem:$0x7FF] =	sst s2  }
0x5: {  	s29 =	sadd.s32 $0x11600, s0;
	s3 =	sand.u32 $0x1, s3;
	s6 =	sadd.s32 $0xA600, s0  }
0x6: {  	s5 =	sshll.u32 s15, $0x8;
	s8 =	sadd.s32 $0x10600, s0;
	s10 =	sadd.s32 $0x51E800, s0  }
0x7: {  	s0 =	sadd.s32 $0x712800, s0;
	s25 =	sshll.u32 s15, $0xC;
	s26 =	sshll.u32 s15, $0xE  }
0x8: {  	p0 =	sgt.u32 s15, $0xC;
	s7 =	sshll.u32 s3, $0x7;
	s9 =	ssub.s32 $0x2, s3  }
0x9: {  	_ =	strace $0x8000005C;
	s7 =	sor.u32 s7, s5;
	s23 =	sshrl.u32 s9, $0x1  }
0xa: {  	s28 =	sshll.u32 s3, $0xB;
	s11 =	sor.u32 $0x7000, s7;
	s9 =	ssub.s32 s9, s23  }
0xb: {  	s3 =	sshll.u32 s3, $0xD;
	s12 =	sshrl.u32 s11, $0x3;
	s9 =	smax.u32 s9, $0x1  }
0xc: {  	s24 =	sshll.u32 s11, $0x6;
	s13 =	sadd.s32 s6, s12;
	[dreg:$0x9] =	wrdreg s9  }
0xd: {  	s11 =	sshll.u32 s11, $0x4;
	s12 =	sadd.s32 s8, s12;
	[dreg:$0x5] =	wrdreg s13  }
0xe: {  	s7 =	sshrl.u32 s7, $0x3;
	s11 =	sadd.s32 s0, s11;
	[dreg:$0x7] =	wrdreg s12  }
0xf: {  	s5 =	sadd.s32 $0x100, s1;
	s8 =	sadd.s32 s7, s8;
	[dreg:$0x8] =	wrdreg s11  }
.Ltmp0:
0x10: {  	s6 =	sadd.s32 s7, s6;
	[dreg:$0x3] =	wrdreg s8;
	(pc) =	sbr.rel .LBB2_1-.Ltmp0, $4  }
0x11: {  	s0 =	sadd.s32 s25, s0;
	s13 =	sadd.s32 s10, s24;
	[dreg:$0x4] =	wrdreg s6  }
0x12: {  	v2 =	vlaneseq.u32;
	s9 =	sadd.s32 s26, s10;
	s0 =	sadd.s32 s28, s0;
	[dreg:$0x6] =	wrdreg s13  }
0x13: {  	vm0 =	vmmov $0xffff;
	v1 =	vshrl.u32 v2, $0x3;
	s23 =	simm.s32 $0x10100;
	s30 =	sadd.s32 s3, s9;
	[dreg:$0xa] =	wrdreg s0  }
0x14: {  	v0 =	vand.u32 $0x7, v2;
	v2 =	vor.u32 $0x8, v2;
	v1 =	vmul.u32 $0x8, v1;
	s24 =	simm.s32 $0x2;
	[dreg:$0xb] =	wrdreg s30;
	s13 =	simm.s32 $0x3  }
.LBB2_5:
0x15: {  	s31 =	sadd.s32 $0x1, s31;
	s25 =	rddreg [dreg:$0x9]  }
0x16: {  	p1 =	sne.s32 s31, s25  }
.Ltmp1:
0x17: {  	_ = 	snop;
	(pc) =	sbr.rel @!p1 .LBB2_6-.Ltmp1, $1  }
0x18: {  	_ =	sdelay $0x3  }
.LBB2_1:
0x19: {  	[dreg:$0xc] =	wrdreg s31  }
0x1a: {  	s25 =	rddreg [dreg:$0xb]  }
0x1b: {  	s26 =	rddreg [dreg:$0xa]  }
0x1c: {  	s28 =	simm.s32 $0x0;
	s18 =	simm.s32 $0x7880;
	s19 =	simm.s32 $0x8080  }
0x1d: {  	s20 =	simm.s32 $0x8880;
	s4 =	simm.s32 $0x9080;
	s0 =	simm.s32 $0xA080  }
0x1e: {  	s31 =	simm.s32 $0x9880;
	s3 =	simm.s32 $0xA880;
	s6 =	simm.s32 $0xB080  }
0x1f: {  	s7 =	simm.s32 $0xB880;
	s8 =	simm.s32 $0xC080;
	s9 =	simm.s32 $0xC880  }
0x20: {  	s10 =	simm.s32 $0xD080;
	s11 =	simm.s32 $0xD880;
	s12 =	simm.s32 $0xE080  }
0x21: {  	s15 =	simm.s32 $0xE880;
	s16 =	simm.s32 $0xF080;
	s17 =	simm.s32 $0xF880  }
.LBB2_2:
0x22: {  	s30 =	smov.u32 s29;
	s29 =	rddreg [dreg:$0x4]  }
0x23: {  	s29 =	sadd.s32 s28, s29  }
0x24: {  	[tilespmem:s2], [sflag:$0x3] =	stream.linear.gather [hbm4b:s29+s2], $0x80, $0x38;
	[tilespmem:$0x14100] =	vst v63  }
0x25: {  	_ =	swait.ge [sflag:s13], $0x80  }
0x26: {  	[sflag:s13] =	ssyncset.done $0x0  }
0x27: {  	[sflag:s13] =	ssyncadd.s32 $0xFFFFFF80  }
0x28: {  	v3 =	vld [tilespmem:$0x0];
	_ =	sdelay $0x4  }
0x29: {  	v4 =	vshll.u32 v3, $0x2  }
0x2a: {  	v3 =	vand.u32 $0x7, v3;
	v4 =	vand.u32 $0xFFFFFFE0, v4  }
0x2b: {  	v3 =	vor.u32 v3, v4  }
0x2c: {  	v4 =	vperm.xlane v3, v0;
	_ =	sdelay $0x1  }
0x2d: {  	v4 =	vadd.s32 v1, v4;
	_ =	sdelay $0x1  }
0x2e: {  	v3 =	vperm.xlane v3, v2;
	_ =	sdelay $0x1  }
0x2f: {  	v3 =	vadd.s32 v1, v3  }
0x30: {  	[tilespmem:s14], [sflag:$0x1] =	stream.indirect_vreg.gather [hbm4b:s1+s2], $0x80, v4, vm0, $0xb8;
	[tilespmem:$0x14100] =	vst v63  }
0x31: {  	s29 =	simm.s32 $0x880  }
0x32: {  	[tilespmem:s29], [sflag:$0x1] =	stream.indirect_vreg.gather [hbm4b:s5+s2], $0x80, v4, vm0, $0xb8;
	[tilespmem:$0x14100] =	vst v63  }
0x33: {  	s29 =	simm.s32 $0x1080  }
0x34: {  	[tilespmem:s29], [sflag:$0x1] =	stream.indirect_vreg.gather [hbm4b:s1+s2], $0x80, v3, vm0, $0xb8;
	[tilespmem:$0x14100] =	vst v63  }
0x35: {  	s29 =	simm.s32 $0x1880  }
0x36: {  	[tilespmem:s29], [sflag:$0x1] =	stream.indirect_vreg.gather [hbm4b:s5+s2], $0x80, v3, vm0, $0xb8;
	[tilespmem:$0x14100] =	vst v63  }
0x37: {  	v3 =	vld [tilespmem:$0x10];
	_ =	sdelay $0x4  }
0x38: {  	v57 =	vshll.u32 v3, $0x2  }
0x39: {  	v3 =	vand.u32 $0x7, v3;
	v4 =	vand.u32 $0xFFFFFFE0, v57  }
0x3a: {  	v3 =	vor.u32 v3, v4  }
0x3b: {  	v4 =	vperm.xlane v3, v0;
	_ =	sdelay $0x1  }
0x3c: {  	v4 =	vadd.s32 v1, v4;
	_ =	sdelay $0x1  }
0x3d: {  	v3 =	vperm.xlane v3, v2;
	_ =	sdelay $0x1  }
0x3e: {  	s29 =	simm.s32 $0x2080;
	v3 =	vadd.s32 v1, v3  }
0x3f: {  	[tilespmem:s29], [sflag:$0x1] =	stream.indirect_vreg.gather [hbm4b:s1+s2], $0x80, v4, vm0, $0xb8;
	[tilespmem:$0x14100] =	vst v63  }
0x40: {  	s29 =	simm.s32 $0x2880  }
0x41: {  	[tilespmem:s29], [sflag:$0x1] =	stream.indirect_vreg.gather [hbm4b:s5+s2], $0x80, v4, vm0, $0xb8;
	[tilespmem:$0x14100] =	vst v63  }
0x42: {  	s29 =	simm.s32 $0x3080  }
0x43: {  	[tilespmem:s29], [sflag:$0x1] =	stream.indirect_vreg.gather [hbm4b:s1+s2], $0x80, v3, vm0, $0xb8;
	[tilespmem:$0x14100] =	vst v63  }
0x44: {  	s29 =	simm.s32 $0x3880  }
0x45: {  	[tilespmem:s29], [sflag:$0x1] =	stream.indirect_vreg.gather [hbm4b:s5+s2], $0x80, v3, vm0, $0xb8;
	[tilespmem:$0x14100] =	vst v63  }
0x46: {  	v3 =	vld [tilespmem:$0x20];
	_ =	sdelay $0x4  }
0x47: {  	v58 =	vshll.u32 v3, $0x2  }
0x48: {  	v3 =	vand.u32 $0x7, v3;
	v4 =	vand.u32 $0xFFFFFFE0, v58  }
0x49: {  	v3 =	vor.u32 v3, v4  }
0x4a: {  	v4 =	vperm.xlane v3, v0;
	_ =	sdelay $0x1  }
0x4b: {  	v4 =	vadd.s32 v1, v4;
	_ =	sdelay $0x1  }
0x4c: {  	v3 =	vperm.xlane v3, v2;
	_ =	sdelay $0x1  }
0x4d: {  	s29 =	simm.s32 $0x4080;
	v3 =	vadd.s32 v1, v3  }
0x4e: {  	[tilespmem:s29], [sflag:$0x1] =	stream.indirect_vreg.gather [hbm4b:s1+s2], $0x80, v4, vm0, $0xb8;
	[tilespmem:$0x14100] =	vst v63  }
0x4f: {  	s29 =	simm.s32 $0x4880  }
0x50: {  	[tilespmem:s29], [sflag:$0x1] =	stream.indirect_vreg.gather [hbm4b:s5+s2], $0x80, v4, vm0, $0xb8;
	[tilespmem:$0x14100] =	vst v63  }
0x51: {  	s29 =	simm.s32 $0x5080  }
0x52: {  	[tilespmem:s29], [sflag:$0x1] =	stream.indirect_vreg.gather [hbm4b:s1+s2], $0x80, v3, vm0, $0xb8;
	[tilespmem:$0x14100] =	vst v63  }
0x53: {  	s29 =	simm.s32 $0x5880  }
0x54: {  	[tilespmem:s29], [sflag:$0x1] =	stream.indirect_vreg.gather [hbm4b:s5+s2], $0x80, v3, vm0, $0xb8;
	[tilespmem:$0x14100] =	vst v63  }
0x55: {  	v3 =	vld [tilespmem:$0x30];
	_ =	sdelay $0x4  }
0x56: {  	v59 =	vshll.u32 v3, $0x2  }
0x57: {  	v3 =	vand.u32 $0x7, v3;
	v4 =	vand.u32 $0xFFFFFFE0, v59  }
0x58: {  	v3 =	vor.u32 v3, v4  }
0x59: {  	v4 =	vperm.xlane v3, v0;
	_ =	sdelay $0x1  }
0x5a: {  	v4 =	vadd.s32 v1, v4;
	_ =	sdelay $0x1  }
0x5b: {  	v3 =	vperm.xlane v3, v2;
	_ =	sdelay $0x1  }
0x5c: {  	s29 =	simm.s32 $0x6080;
	v3 =	vadd.s32 v1, v3  }
0x5d: {  	[tilespmem:s29], [sflag:$0x1] =	stream.indirect_vreg.gather [hbm4b:s1+s2], $0x80, v4, vm0, $0xb8;
	[tilespmem:$0x14100] =	vst v63  }
0x5e: {  	s29 =	simm.s32 $0x6880  }
0x5f: {  	[tilespmem:s29], [sflag:$0x1] =	stream.indirect_vreg.gather [hbm4b:s5+s2], $0x80, v4, vm0, $0xb8;
	[tilespmem:$0x14100] =	vst v63  }
0x60: {  	s29 =	simm.s32 $0x7080  }
0x61: {  	[tilespmem:s29], [sflag:$0x1] =	stream.indirect_vreg.gather [hbm4b:s1+s2], $0x80, v3, vm0, $0xb8;
	[tilespmem:$0x14100] =	vst v63  }
0x62: {  	_ = 	snop  }
0x63: {  	[tilespmem:s18], [sflag:$0x1] =	stream.indirect_vreg.gather [hbm4b:s5+s2], $0x80, v3, vm0, $0xb8;
	[tilespmem:$0x14100] =	vst v63  }
0x64: {  	v3 =	vld [tilespmem:$0x40];
	_ =	sdelay $0x4  }
0x65: {  	v60 =	vshll.u32 v3, $0x2  }
0x66: {  	v3 =	vand.u32 $0x7, v3;
	v4 =	vand.u32 $0xFFFFFFE0, v60  }
0x67: {  	v3 =	vor.u32 v3, v4  }
0x68: {  	v4 =	vperm.xlane v3, v0;
	_ =	sdelay $0x1  }
0x69: {  	v4 =	vadd.s32 v1, v4;
	_ =	sdelay $0x1  }
0x6a: {  	v3 =	vperm.xlane v3, v2;
	_ =	sdelay $0x1  }
0x6b: {  	v3 =	vadd.s32 v1, v3  }
0x6c: {  	[tilespmem:s19], [sflag:$0x1] =	stream.indirect_vreg.gather [hbm4b:s1+s2], $0x80, v4, vm0, $0xb8;
	[tilespmem:$0x14100] =	vst v63  }
0x6d: {  	_ = 	snop  }
0x6e: {  	[tilespmem:s20], [sflag:$0x1] =	stream.indirect_vreg.gather [hbm4b:s5+s2], $0x80, v4, vm0, $0xb8;
	[tilespmem:$0x14100] =	vst v63  }
0x6f: {  	_ = 	snop  }
0x70: {  	[tilespmem:s4], [sflag:$0x1] =	stream.indirect_vreg.gather [hbm4b:s1+s2], $0x80, v3, vm0, $0xb8;
	[tilespmem:$0x14100] =	vst v63  }
0x71: {  	_ = 	snop  }
0x72: {  	[tilespmem:s31], [sflag:$0x1] =	stream.indirect_vreg.gather [hbm4b:s5+s2], $0x80, v3, vm0, $0xb8;
	[tilespmem:$0x14100] =	vst v63  }
0x73: {  	v3 =	vld [tilespmem:$0x50];
	_ =	sdelay $0x4  }
0x74: {  	v61 =	vshll.u32 v3, $0x2  }
0x75: {  	v3 =	vand.u32 $0x7, v3;
	v4 =	vand.u32 $0xFFFFFFE0, v61  }
0x76: {  	v3 =	vor.u32 v3, v4  }
0x77: {  	v4 =	vperm.xlane v3, v0;
	_ =	sdelay $0x1  }
0x78: {  	v4 =	vadd.s32 v1, v4;
	_ =	sdelay $0x1  }
0x79: {  	v3 =	vperm.xlane v3, v2;
	_ =	sdelay $0x1  }
0x7a: {  	v3 =	vadd.s32 v1, v3  }
0x7b: {  	[tilespmem:s0], [sflag:$0x1] =	stream.indirect_vreg.gather [hbm4b:s1+s2], $0x80, v4, vm0, $0xb8;
	[tilespmem:$0x14100] =	vst v63  }
0x7c: {  	_ = 	snop  }
0x7d: {  	[tilespmem:s3], [sflag:$0x1] =	stream.indirect_vreg.gather [hbm4b:s5+s2], $0x80, v4, vm0, $0xb8;
	[tilespmem:$0x14100] =	vst v63  }
0x7e: {  	_ = 	snop  }
0x7f: {  	[tilespmem:s6], [sflag:$0x1] =	stream.indirect_vreg.gather [hbm4b:s1+s2], $0x80, v3, vm0, $0xb8;
	[tilespmem:$0x14100] =	vst v63  }
0x80: {  	_ = 	snop  }
0x81: {  	[tilespmem:s7], [sflag:$0x1] =	stream.indirect_vreg.gather [hbm4b:s5+s2], $0x80, v3, vm0, $0xb8;
	[tilespmem:$0x14100] =	vst v63  }
0x82: {  	v3 =	vld [tilespmem:$0x60];
	_ =	sdelay $0x4  }
0x83: {  	v62 =	vshll.u32 v3, $0x2  }
0x84: {  	v3 =	vand.u32 $0x7, v3;
	v4 =	vand.u32 $0xFFFFFFE0, v62  }
0x85: {  	v3 =	vor.u32 v3, v4  }
0x86: {  	v4 =	vperm.xlane v3, v0;
	_ =	sdelay $0x1  }
0x87: {  	v4 =	vadd.s32 v1, v4;
	_ =	sdelay $0x1  }
0x88: {  	v3 =	vperm.xlane v3, v2;
	_ =	sdelay $0x1  }
0x89: {  	v3 =	vadd.s32 v1, v3  }
0x8a: {  	[tilespmem:s8], [sflag:$0x1] =	stream.indirect_vreg.gather [hbm4b:s1+s2], $0x80, v4, vm0, $0xb8;
	[tilespmem:$0x14100] =	vst v63  }
0x8b: {  	_ = 	snop  }
0x8c: {  	[tilespmem:s9], [sflag:$0x1] =	stream.indirect_vreg.gather [hbm4b:s5+s2], $0x80, v4, vm0, $0xb8;
	[tilespmem:$0x14100] =	vst v63  }
0x8d: {  	_ = 	snop  }
0x8e: {  	[tilespmem:s10], [sflag:$0x1] =	stream.indirect_vreg.gather [hbm4b:s1+s2], $0x80, v3, vm0, $0xb8;
	[tilespmem:$0x14100] =	vst v63  }
0x8f: {  	_ = 	snop  }
0x90: {  	[tilespmem:s11], [sflag:$0x1] =	stream.indirect_vreg.gather [hbm4b:s5+s2], $0x80, v3, vm0, $0xb8;
	[tilespmem:$0x14100] =	vst v63  }
0x91: {  	v3 =	vld [tilespmem:$0x70];
	_ =	sdelay $0x4  }
0x92: {  	v63 =	vshll.u32 v3, $0x2  }
0x93: {  	v3 =	vand.u32 $0x7, v3;
	v4 =	vand.u32 $0xFFFFFFE0, v63  }
0x94: {  	v3 =	vor.u32 v3, v4  }
0x95: {  	v4 =	vperm.xlane v3, v0;
	_ =	sdelay $0x1  }
0x96: {  	v4 =	vadd.s32 v1, v4;
	_ =	sdelay $0x1  }
0x97: {  	v3 =	vperm.xlane v3, v2;
	_ =	sdelay $0x1  }
0x98: {  	v3 =	vadd.s32 v1, v3  }
0x99: {  	[tilespmem:s12], [sflag:$0x1] =	stream.indirect_vreg.gather [hbm4b:s1+s2], $0x80, v4, vm0, $0xb8;
	[tilespmem:$0x14100] =	vst v63  }
0x9a: {  	_ = 	snop  }
0x9b: {  	[tilespmem:s15], [sflag:$0x1] =	stream.indirect_vreg.gather [hbm4b:s5+s2], $0x80, v4, vm0, $0xb8;
	[tilespmem:$0x14100] =	vst v63  }
0x9c: {  	_ = 	snop  }
0x9d: {  	[tilespmem:s16], [sflag:$0x1] =	stream.indirect_vreg.gather [hbm4b:s1+s2], $0x80, v3, vm0, $0xb8;
	[tilespmem:$0x14100] =	vst v63  }
0x9e: {  	_ = 	snop  }
0x9f: {  	[tilespmem:s17], [sflag:$0x1] =	stream.indirect_vreg.gather [hbm4b:s5+s2], $0x80, v3, vm0, $0xb8;
	[tilespmem:$0x14100] =	vst v63  }
0xa0: {  	_ =	swait.ge [sflag:s21], $0x10000  }
0xa1: {  	[sflag:s21] =	ssyncset.done $0x0  }
0xa2: {  	[sflag:s21] =	ssyncadd.s32 $0xFFFF0000  }
0xa3: {  	[hbm4b:s25+s2] =	stream.linear.scatter [tilespmem:s14], [sflag:$0x3], $0x10000, $0x38;
	[tilespmem:$0x14100] =	vst v63  }
0xa4: {  	_ =	swait.ge [sflag:s13], $0x10000  }
0xa5: {  	s29 =	rddreg [dreg:$0x3];
	[sflag:s13] =	ssyncset.done $0x0  }
0xa6: {  	[sflag:s13] =	ssyncadd.s32 $0xFFFF0000;
	s29 =	sadd.s32 s28, s29  }
0xa7: {  	[tilespmem:s22], [sflag:$0x3] =	stream.linear.gather [hbm4b:s29+s2], $0x80, $0x38;
	[tilespmem:$0x14100] =	vst v63  }
0xa8: {  	_ =	swait.ge [sflag:s13], $0x80  }
0xa9: {  	[sflag:s13] =	ssyncset.done $0x0  }
0xaa: {  	[sflag:s13] =	ssyncadd.s32 $0xFFFFFF80  }
0xab: {  	[tilespmem:s23], [sflag:$0x2] =	stream.indirect.gather [hbm4b:s30+s14], $0x80, s22, s14, $0xb8;
	[tilespmem:$0x14100] =	vst v63  }
0xac: {  	_ =	swait.ge [sflag:s24], $0x4000  }
0xad: {  	p1 =	sne.s32 s28, $0xC00;
	[sflag:s24] =	ssyncset.done $0x0  }
.Ltmp2:
0xae: {  	[sflag:s24] =	ssyncadd.s32 $0xFFFFC000;
	(pc) =	sbr.rel @p1 .LBB2_2-.Ltmp2, $4  }
0xaf: {  	[hbm4b:s26+s2] =	stream.linear.scatter [tilespmem:s23], [sflag:$0x3], $0x4000, $0x38;
	[tilespmem:$0x14100] =	vst v63  }
0xb0: {  	_ =	swait.ge [sflag:s13], $0x4000  }
0xb1: {  	s25 =	sadd.s32 $0x40000, s25;
	s28 =	sadd.s32 $0x200, s28;
	[sflag:s13] =	ssyncset.done $0x0  }
0xb2: {  	s29 =	smov.u32 s30;
	s26 =	sadd.s32 $0x10000, s26;
	[sflag:s13] =	ssyncadd.s32 $0xFFFFC000  }
0xb3: {  	s26 =	simm.s32 $0x880;
	s28 =	simm.s32 $0x1080;
	s0 =	simm.s32 $0x1880  }
0xb4: {  	s3 =	simm.s32 $0x2080;
	s6 =	simm.s32 $0x2880;
	s7 =	simm.s32 $0x3080  }
.Ltmp3:
0xb5: {  	s8 =	simm.s32 $0x3880;
	s9 =	simm.s32 $0x4080;
	(pc) =	sbr.rel @p0 .LBB2_5-.Ltmp3, $4  }
0xb6: {  	s10 =	simm.s32 $0x4880;
	s11 =	simm.s32 $0x5080;
	s12 =	simm.s32 $0x5880  }
0xb7: {  	s15 =	simm.s32 $0x6080;
	s16 =	simm.s32 $0x6880;
	s17 =	simm.s32 $0x7080  }
0xb8: {  	s18 =	simm.s32 $0x7880;
	s19 =	simm.s32 $0x8080;
	s20 =	simm.s32 $0x8880  }
0xb9: {  	s4 =	simm.s32 $0x9080;
	s30 =	simm.s32 $0x9880;
	s31 =	rddreg [dreg:$0xc]  }
0xba: {  	s25 =	rddreg [dreg:$0x5]  }
0xbb: {  	[tilespmem:s2], [sflag:$0x3] =	stream.linear.gather [hbm4b:s25+s2], $0x80, $0x38;
	[tilespmem:$0x14100] =	vst v63  }
0xbc: {  	_ =	swait.ge [sflag:s13], $0x80  }
0xbd: {  	[sflag:s13] =	ssyncset.done $0x0  }
0xbe: {  	[sflag:s13] =	ssyncadd.s32 $0xFFFFFF80  }
0xbf: {  	v3 =	vld [tilespmem:$0x0];
	_ =	sdelay $0x4  }
0xc0: {  	v4 =	vshll.u32 v3, $0x2  }
0xc1: {  	v3 =	vand.u32 $0x7, v3;
	v4 =	vand.u32 $0xFFFFFFE0, v4  }
0xc2: {  	v3 =	vor.u32 v3, v4  }
0xc3: {  	v4 =	vperm.xlane v3, v0;
	_ =	sdelay $0x1  }
0xc4: {  	v4 =	vadd.s32 v1, v4;
	_ =	sdelay $0x1  }
0xc5: {  	v3 =	vperm.xlane v3, v2;
	_ =	sdelay $0x1  }
0xc6: {  	v3 =	vadd.s32 v1, v3  }
0xc7: {  	[tilespmem:s14], [sflag:$0x1] =	stream.indirect_vreg.gather [hbm4b:s1+s2], $0x80, v4, vm0, $0xb8;
	[tilespmem:$0x14100] =	vst v63  }
0xc8: {  	_ = 	snop  }
0xc9: {  	[tilespmem:s26], [sflag:$0x1] =	stream.indirect_vreg.gather [hbm4b:s5+s2], $0x80, v4, vm0, $0xb8;
	[tilespmem:$0x14100] =	vst v63  }
0xca: {  	_ = 	snop  }
0xcb: {  	[tilespmem:s28], [sflag:$0x1] =	stream.indirect_vreg.gather [hbm4b:s1+s2], $0x80, v3, vm0, $0xb8;
	[tilespmem:$0x14100] =	vst v63  }
0xcc: {  	_ = 	snop  }
0xcd: {  	[tilespmem:s0], [sflag:$0x1] =	stream.indirect_vreg.gather [hbm4b:s5+s2], $0x80, v3, vm0, $0xb8;
	[tilespmem:$0x14100] =	vst v63  }
0xce: {  	v3 =	vld [tilespmem:$0x10];
	_ =	sdelay $0x4  }
0xcf: {  	v57 =	vshll.u32 v3, $0x2  }
0xd0: {  	v3 =	vand.u32 $0x7, v3;
	v4 =	vand.u32 $0xFFFFFFE0, v57  }
0xd1: {  	v3 =	vor.u32 v3, v4  }
0xd2: {  	v4 =	vperm.xlane v3, v0;
	_ =	sdelay $0x1  }
0xd3: {  	v4 =	vadd.s32 v1, v4;
	_ =	sdelay $0x1  }
0xd4: {  	v3 =	vperm.xlane v3, v2;
	_ =	sdelay $0x1  }
0xd5: {  	v3 =	vadd.s32 v1, v3  }
0xd6: {  	[tilespmem:s3], [sflag:$0x1] =	stream.indirect_vreg.gather [hbm4b:s1+s2], $0x80, v4, vm0, $0xb8;
	[tilespmem:$0x14100] =	vst v63  }
0xd7: {  	_ = 	snop  }
0xd8: {  	[tilespmem:s6], [sflag:$0x1] =	stream.indirect_vreg.gather [hbm4b:s5+s2], $0x80, v4, vm0, $0xb8;
	[tilespmem:$0x14100] =	vst v63  }
0xd9: {  	_ = 	snop  }
0xda: {  	[tilespmem:s7], [sflag:$0x1] =	stream.indirect_vreg.gather [hbm4b:s1+s2], $0x80, v3, vm0, $0xb8;
	[tilespmem:$0x14100] =	vst v63  }
0xdb: {  	_ = 	snop  }
0xdc: {  	[tilespmem:s8], [sflag:$0x1] =	stream.indirect_vreg.gather [hbm4b:s5+s2], $0x80, v3, vm0, $0xb8;
	[tilespmem:$0x14100] =	vst v63  }
0xdd: {  	v3 =	vld [tilespmem:$0x20];
	_ =	sdelay $0x4  }
0xde: {  	v58 =	vshll.u32 v3, $0x2  }
0xdf: {  	v3 =	vand.u32 $0x7, v3;
	v4 =	vand.u32 $0xFFFFFFE0, v58  }
0xe0: {  	v3 =	vor.u32 v3, v4  }
0xe1: {  	v4 =	vperm.xlane v3, v0;
	_ =	sdelay $0x1  }
0xe2: {  	v4 =	vadd.s32 v1, v4;
	_ =	sdelay $0x1  }
0xe3: {  	v3 =	vperm.xlane v3, v2;
	_ =	sdelay $0x1  }
0xe4: {  	v3 =	vadd.s32 v1, v3  }
0xe5: {  	[tilespmem:s9], [sflag:$0x1] =	stream.indirect_vreg.gather [hbm4b:s1+s2], $0x80, v4, vm0, $0xb8;
	[tilespmem:$0x14100] =	vst v63  }
0xe6: {  	_ = 	snop  }
0xe7: {  	[tilespmem:s10], [sflag:$0x1] =	stream.indirect_vreg.gather [hbm4b:s5+s2], $0x80, v4, vm0, $0xb8;
	[tilespmem:$0x14100] =	vst v63  }
0xe8: {  	_ = 	snop  }
0xe9: {  	[tilespmem:s11], [sflag:$0x1] =	stream.indirect_vreg.gather [hbm4b:s1+s2], $0x80, v3, vm0, $0xb8;
	[tilespmem:$0x14100] =	vst v63  }
0xea: {  	_ = 	snop  }
0xeb: {  	[tilespmem:s12], [sflag:$0x1] =	stream.indirect_vreg.gather [hbm4b:s5+s2], $0x80, v3, vm0, $0xb8;
	[tilespmem:$0x14100] =	vst v63  }
0xec: {  	v3 =	vld [tilespmem:$0x30];
	_ =	sdelay $0x4  }
0xed: {  	v59 =	vshll.u32 v3, $0x2  }
0xee: {  	v3 =	vand.u32 $0x7, v3;
	v4 =	vand.u32 $0xFFFFFFE0, v59  }
0xef: {  	v3 =	vor.u32 v3, v4  }
0xf0: {  	v4 =	vperm.xlane v3, v0;
	_ =	sdelay $0x1  }
0xf1: {  	v4 =	vadd.s32 v1, v4;
	_ =	sdelay $0x1  }
0xf2: {  	v3 =	vperm.xlane v3, v2;
	_ =	sdelay $0x1  }
0xf3: {  	v3 =	vadd.s32 v1, v3  }
0xf4: {  	[tilespmem:s15], [sflag:$0x1] =	stream.indirect_vreg.gather [hbm4b:s1+s2], $0x80, v4, vm0, $0xb8;
	[tilespmem:$0x14100] =	vst v63  }
0xf5: {  	_ = 	snop  }
0xf6: {  	[tilespmem:s16], [sflag:$0x1] =	stream.indirect_vreg.gather [hbm4b:s5+s2], $0x80, v4, vm0, $0xb8;
	[tilespmem:$0x14100] =	vst v63  }
0xf7: {  	_ = 	snop  }
0xf8: {  	[tilespmem:s17], [sflag:$0x1] =	stream.indirect_vreg.gather [hbm4b:s1+s2], $0x80, v3, vm0, $0xb8;
	[tilespmem:$0x14100] =	vst v63  }
0xf9: {  	_ = 	snop  }
0xfa: {  	[tilespmem:s18], [sflag:$0x1] =	stream.indirect_vreg.gather [hbm4b:s5+s2], $0x80, v3, vm0, $0xb8;
	[tilespmem:$0x14100] =	vst v63  }
0xfb: {  	v3 =	vld [tilespmem:$0x40];
	_ =	sdelay $0x4  }
0xfc: {  	v60 =	vshll.u32 v3, $0x2  }
0xfd: {  	v3 =	vand.u32 $0x7, v3;
	v4 =	vand.u32 $0xFFFFFFE0, v60  }
0xfe: {  	v3 =	vor.u32 v3, v4  }
0xff: {  	v4 =	vperm.xlane v3, v0;
	_ =	sdelay $0x1  }
0x100: {  	v4 =	vadd.s32 v1, v4;
	_ =	sdelay $0x1  }
0x101: {  	v3 =	vperm.xlane v3, v2;
	_ =	sdelay $0x1  }
0x102: {  	v3 =	vadd.s32 v1, v3  }
0x103: {  	[tilespmem:s19], [sflag:$0x1] =	stream.indirect_vreg.gather [hbm4b:s1+s2], $0x80, v4, vm0, $0xb8;
	[tilespmem:$0x14100] =	vst v63  }
0x104: {  	_ = 	snop  }
0x105: {  	[tilespmem:s20], [sflag:$0x1] =	stream.indirect_vreg.gather [hbm4b:s5+s2], $0x80, v4, vm0, $0xb8;
	[tilespmem:$0x14100] =	vst v63  }
0x106: {  	_ = 	snop  }
0x107: {  	[tilespmem:s4], [sflag:$0x1] =	stream.indirect_vreg.gather [hbm4b:s1+s2], $0x80, v3, vm0, $0xb8;
	[tilespmem:$0x14100] =	vst v63  }
0x108: {  	_ = 	snop  }
0x109: {  	[tilespmem:s30], [sflag:$0x1] =	stream.indirect_vreg.gather [hbm4b:s5+s2], $0x80, v3, vm0, $0xb8;
	[tilespmem:$0x14100] =	vst v63  }
0x10a: {  	v3 =	vld [tilespmem:$0x50];
	_ =	sdelay $0x4  }
0x10b: {  	v61 =	vshll.u32 v3, $0x2  }
0x10c: {  	v3 =	vand.u32 $0x7, v3;
	v4 =	vand.u32 $0xFFFFFFE0, v61  }
0x10d: {  	v3 =	vor.u32 v3, v4  }
0x10e: {  	v4 =	vperm.xlane v3, v0;
	_ =	sdelay $0x1  }
0x10f: {  	v4 =	vadd.s32 v1, v4;
	_ =	sdelay $0x1  }
0x110: {  	v3 =	vperm.xlane v3, v2;
	_ =	sdelay $0x1  }
0x111: {  	s8 =	simm.s32 $0xA080;
	v3 =	vadd.s32 v1, v3  }
0x112: {  	[tilespmem:s8], [sflag:$0x1] =	stream.indirect_vreg.gather [hbm4b:s1+s2], $0x80, v4, vm0, $0xb8;
	[tilespmem:$0x14100] =	vst v63  }
0x113: {  	s9 =	simm.s32 $0xA880  }
0x114: {  	[tilespmem:s9], [sflag:$0x1] =	stream.indirect_vreg.gather [hbm4b:s5+s2], $0x80, v4, vm0, $0xb8;
	[tilespmem:$0x14100] =	vst v63  }
0x115: {  	s10 =	simm.s32 $0xB080  }
0x116: {  	[tilespmem:s10], [sflag:$0x1] =	stream.indirect_vreg.gather [hbm4b:s1+s2], $0x80, v3, vm0, $0xb8;
	[tilespmem:$0x14100] =	vst v63  }
0x117: {  	s11 =	simm.s32 $0xB880  }
0x118: {  	[tilespmem:s11], [sflag:$0x1] =	stream.indirect_vreg.gather [hbm4b:s5+s2], $0x80, v3, vm0, $0xb8;
	[tilespmem:$0x14100] =	vst v63  }
0x119: {  	v3 =	vld [tilespmem:$0x60];
	_ =	sdelay $0x4  }
0x11a: {  	v62 =	vshll.u32 v3, $0x2  }
0x11b: {  	v3 =	vand.u32 $0x7, v3;
	v4 =	vand.u32 $0xFFFFFFE0, v62  }
0x11c: {  	v3 =	vor.u32 v3, v4  }
0x11d: {  	v4 =	vperm.xlane v3, v0;
	_ =	sdelay $0x1  }
0x11e: {  	v4 =	vadd.s32 v1, v4;
	_ =	sdelay $0x1  }
0x11f: {  	v3 =	vperm.xlane v3, v2;
	_ =	sdelay $0x1  }
0x120: {  	s12 =	simm.s32 $0xC080;
	v3 =	vadd.s32 v1, v3  }
0x121: {  	[tilespmem:s12], [sflag:$0x1] =	stream.indirect_vreg.gather [hbm4b:s1+s2], $0x80, v4, vm0, $0xb8;
	[tilespmem:$0x14100] =	vst v63  }
0x122: {  	s15 =	simm.s32 $0xC880  }
0x123: {  	[tilespmem:s15], [sflag:$0x1] =	stream.indirect_vreg.gather [hbm4b:s5+s2], $0x80, v4, vm0, $0xb8;
	[tilespmem:$0x14100] =	vst v63  }
0x124: {  	s16 =	simm.s32 $0xD080  }
0x125: {  	[tilespmem:s16], [sflag:$0x1] =	stream.indirect_vreg.gather [hbm4b:s1+s2], $0x80, v3, vm0, $0xb8;
	[tilespmem:$0x14100] =	vst v63  }
0x126: {  	s17 =	simm.s32 $0xD880  }
0x127: {  	[tilespmem:s17], [sflag:$0x1] =	stream.indirect_vreg.gather [hbm4b:s5+s2], $0x80, v3, vm0, $0xb8;
	[tilespmem:$0x14100] =	vst v63  }
0x128: {  	v3 =	vld [tilespmem:$0x70];
	_ =	sdelay $0x4  }
0x129: {  	v63 =	vshll.u32 v3, $0x2  }
0x12a: {  	v3 =	vand.u32 $0x7, v3;
	v4 =	vand.u32 $0xFFFFFFE0, v63  }
0x12b: {  	v3 =	vor.u32 v3, v4  }
0x12c: {  	v4 =	vperm.xlane v3, v0;
	_ =	sdelay $0x1  }
0x12d: {  	v4 =	vadd.s32 v1, v4;
	_ =	sdelay $0x1  }
0x12e: {  	v3 =	vperm.xlane v3, v2;
	_ =	sdelay $0x1  }
0x12f: {  	s18 =	simm.s32 $0xE080;
	v3 =	vadd.s32 v1, v3  }
0x130: {  	[tilespmem:s18], [sflag:$0x1] =	stream.indirect_vreg.gather [hbm4b:s1+s2], $0x80, v4, vm0, $0xb8;
	[tilespmem:$0x14100] =	vst v63  }
0x131: {  	s19 =	simm.s32 $0xE880  }
0x132: {  	[tilespmem:s19], [sflag:$0x1] =	stream.indirect_vreg.gather [hbm4b:s5+s2], $0x80, v4, vm0, $0xb8;
	[tilespmem:$0x14100] =	vst v63  }
0x133: {  	s20 =	simm.s32 $0xF080  }
0x134: {  	[tilespmem:s20], [sflag:$0x1] =	stream.indirect_vreg.gather [hbm4b:s1+s2], $0x80, v3, vm0, $0xb8;
	[tilespmem:$0x14100] =	vst v63  }
0x135: {  	s25 =	simm.s32 $0xF880  }
0x136: {  	[tilespmem:s25], [sflag:$0x1] =	stream.indirect_vreg.gather [hbm4b:s5+s2], $0x80, v3, vm0, $0xb8;
	[tilespmem:$0x14100] =	vst v63  }
0x137: {  	_ =	swait.ge [sflag:s21], $0x10000  }
0x138: {  	[sflag:s21] =	ssyncset.done $0x0  }
0x139: {  	s26 =	rddreg [dreg:$0x6];
	[sflag:s21] =	ssyncadd.s32 $0xFFFF0000  }
0x13a: {  	[hbm4b:s26+s2] =	stream.linear.scatter [tilespmem:s14], [sflag:$0x3], $0x10000, $0x38;
	[tilespmem:$0x14100] =	vst v63  }
0x13b: {  	_ =	swait.ge [sflag:s13], $0x10000  }
0x13c: {  	[sflag:s13] =	ssyncset.done $0x0  }
0x13d: {  	s28 =	rddreg [dreg:$0x7];
	[sflag:s13] =	ssyncadd.s32 $0xFFFF0000  }
0x13e: {  	[tilespmem:s22], [sflag:$0x3] =	stream.linear.gather [hbm4b:s28+s2], $0x80, $0x38;
	[tilespmem:$0x14100] =	vst v63  }
0x13f: {  	_ =	swait.ge [sflag:s13], $0x80  }
0x140: {  	[sflag:s13] =	ssyncset.done $0x0  }
0x141: {  	[sflag:s13] =	ssyncadd.s32 $0xFFFFFF80  }
0x142: {  	[tilespmem:s23], [sflag:$0x2] =	stream.indirect.gather [hbm4b:s29+s14], $0x80, s22, s14, $0xb8;
	[tilespmem:$0x14100] =	vst v63  }
0x143: {  	_ =	swait.ge [sflag:s24], $0x4000  }
0x144: {  	[sflag:s24] =	ssyncset.done $0x0  }
.Ltmp4:
0x145: {  	s30 =	rddreg [dreg:$0x8];
	[sflag:s24] =	ssyncadd.s32 $0xFFFFC000;
	(pc) =	sbr.rel .LBB2_5-.Ltmp4, $4  }
0x146: {  	[hbm4b:s30+s2] =	stream.linear.scatter [tilespmem:s23], [sflag:$0x3], $0x4000, $0x38;
	[tilespmem:$0x14100] =	vst v63  }
0x147: {  	_ =	swait.ge [sflag:s13], $0x4000  }
0x148: {  	[sflag:s13] =	ssyncset.done $0x0  }
0x149: {  	[sflag:s13] =	ssyncadd.s32 $0xFFFFC000  }
.LBB2_6:
0x14a: {  	_ =	sfence.sel $0x180000  }
0x14b: {  	[bflag:$0x0] =	sbarrier.arrive $0xFFFF  }
0x14c: {  	_ =	strace $0x9000005C  }
0x14d: {  	s0 =	stileid.u32;
	[bflag:$0x2] =	sbarrier.arrive $0xFFFF  }
0x14e: {  	p0 =	sne.s32 s0, $0x0;
	s0 =	rddreg [dreg:$0x2]  }
0x14f: {  	s0 =	sadd.s32 @!p0 $0x100000, s0  }
0x150: {  	[sflag:s0] =	ssyncadd.tile.s32 @!p0 $0x1;
	_ =	shalt  }
.Lfunc_end2:
_tile_overlayer_lowered:
.L_overlay_start_2:
0x151: {  	(tag) =	ssettag $0x2  }
0x152: {  	s0 =	rddreg [dreg:$0x0];
	s2 =	stileid.u32  }
0x153: {  	s1 =	rddreg [dreg:$0x1];
	p0 =	sne.s32 s2, $0x0  }
0x154: {  	s3 =	rddreg [dreg:$0x2];
	[bflag:$0x3] =	sbarrier.arrive $0xFFFF;
	s2 =	simm.s32 @!p0 $0x1C03  }
0x155: {  	[timem:s3], [sflag:s2] =	dma.local @!p0 [hbm:s0], s1  }
0x156: {  	s0 =	simm.s32 @!p0 $0x3  }
0x157: {  	_ =	swait.ge @!p0 [sflag:s0], s1  }
0x158: {  	s1 =	ssub.s32 @!p0 $0x0, s1;
	[sflag:s0] =	ssyncset.done @!p0 $0x0  }
0x159: {  	[sflag:s0] =	ssyncadd.s32 @!p0 s1  }
0x15a: {  	[bflag:$0x3] =	sbarrier.arrive $0xFFFF  }
0x15b: {  	_ =	shalt  }

// kernel: kernel.22.cloned.1.call-start
scs
__scs_entry_jumppad:
0x0: {  	(pc) =	sbr.rel $0x88, $3  }
0x1: {  	(tag) =	ssettag $0x0;
	lr =	simm.s32 $0x1  }
0x2: {  	[smem:$0x3F94] =	sst lr;
	_ =	strace $0xD0000000  }
0x3: {  	_ = 	snop  }
0x4: {  	_ = 	snop  }
0x5: {  	_ = 	snop  }
0x6: {  	_ = 	snop  }
0x7: {  	_ = 	snop  }
__scs_overlays_trampoline_lowered:
0x8: {  	[smem:$0x3FA3] =	sst s0  }
0x9: {  	[smem:$0x3FA4] =	sst s1  }
0xa: {  	[smem:$0x3FA5] =	sst s2  }
0xb: {  	[smem:$0x3FA6] =	sst s3  }
0xc: {  	[smem:$0x3FA7] =	sst s4  }
0xd: {  	[smem:$0x3FA8] =	sst s5  }
0xe: {  	[smem:$0x3FA9] =	sst s6  }
0xf: {  	[smem:$0x3FAA] =	sst s7  }
0x10: {  	[smem:$0x3FAB] =	sst s8  }
0x11: {  	[smem:$0x3FAC] =	sst s9;
	s0 =	simm.s32 @!p0 $0x0  }
0x12: {  	s1 =	sld [smem:$0x3F92];
	s0 =	simm.s32 @p0 $0x1  }
0x13: {  	[smem:$0x3FAD] =	sst s0;
	s0 =	simm.s32 @!p1 $0x0  }
0x14: {  	s2 =	sld [smem:$0x3F91];
	s0 =	simm.s32 @p1 $0x1  }
0x15: {  	[smem:$0x3FAE] =	sst s0;
	s0 =	simm.s32 @!p2 $0x0  }
0x16: {  	s3 =	sld [smem:$0x3FDB];
	s0 =	simm.s32 @p2 $0x1  }
0x17: {  	s4 =	simm.s32 $0x1BF5;
	[smem:$0x3FB0] =	sst s0  }
0x18: {  	s0 =	sld [smem:$0x3F93];
	_ =	swait.ge [sflag:s4], $0x0  }
0x19: {  	s7 =	sld [smem:$0x3F94]  }
0x1a: {  	s8 =	sadd.s32 $0xFFFFE003, lr  }
0x1b: {  	s9 =	sadd.s32 $0xFFFFFEF7, lr;
	s5 =	simm.s32 $0xFFFFFFFF;
	p2 =	slt.u32 s8, $0xFFFFF086  }
0x1c: {  	p1 =	slt.u32 s9, $0xF7A;
	s5 =	simm.s32 @!p2 $0x0  }
0x1d: {  	s5 =	simm.s32 @p1 $0x1;
	p0 =	seq.s32 s7, s2  }
0x1e: {  	s7 =	smul.u32 @!p0 $0xF7A, s2;
	p2 =	seq.s32 @!p0 s5, $0x0  }
0x1f: {  	s9 =	smul.u32 $0xF7A, s1;
	s8 =	simm.s32 @!p0 $0x1BF5;
	p2 =	por !p2, p0  }
0x20: {  	[sflag:s8] =	ssyncset.s32 @!p0 $0xFFFFF086;
	s6 =	sadd.s32 @!p0 s3, s7;
	s7 =	simm.s32 @!p0 $0x108  }
0x21: {  	s3 =	sadd.s32 s3, s9;
	s6 =	sadd.s32 @!p0 $0x88, s6;
	s7 =	simm.s32 @p2 $0x1082  }
0x22: {  	[simem:s7], [sflag:s8] =	dma.local @!p0 [hbm:s6], $0xF7A  }
0x23: {  	s9 =	sor.u32 $0xD0000000, s2;
	s6 =	simm.s32 $0x108;
	_ =	swait.ge @!p0 [sflag:s8], $0x0  }
0x24: {  	s3 =	sadd.s32 $0x88, s3;
	s6 =	simm.s32 @!p1 $0x1082;
	[sflag:s4] =	ssyncset.s32 $0xFFFFF086  }
0x25: {  	[simem:s6], [sflag:s4] =	dma.local [hbm:s3], $0xF7A  }
0x26: {  	[smem:$0x3F94] =	sst s1;
	(tag) =	ssettag s2;
	_ =	strace s9  }
0x27: {  	s1 =	sld [smem:$0x3FA4]  }
0x28: {  	s2 =	sld [smem:$0x3FA5]  }
0x29: {  	s4 =	sld [smem:$0x3FA7]  }
0x2a: {  	p0 =	seq.s32 s5, $0x0;
	s5 =	sld [smem:$0x3FA8]  }
0x2b: {  	s6 =	sld [smem:$0x3FA9]  }
0x2c: {  	s7 =	sld [smem:$0x3FAA]  }
0x2d: {  	s3 =	simm.s32 $0x108;
	s8 =	sld [smem:$0x3FAB]  }
0x2e: {  	s3 =	simm.s32 @!p0 $0x1082;
	s9 =	sld [smem:$0x3FAC]  }
0x2f: {  	lr =	sadd.s32 s0, s3;
	s0 =	sld [smem:$0x3FA3]  }
0x30: {  	s3 =	sld [smem:$0x3FA6]  }
0x31: {  	[smem:$0x3FAF] =	sst s10  }
0x32: {  	s10 =	sld [smem:$0x3FAD];
	_ =	sdelay $0x3  }
0x33: {  	p0 =	seq.s32 s10, $0x1;
	s10 =	sld [smem:$0x3FAF];
	_ =	sdelay $0x3  }
0x34: {  	[smem:$0x3FAF] =	sst s10  }
0x35: {  	s10 =	sld [smem:$0x3FAE];
	_ =	sdelay $0x3  }
0x36: {  	p1 =	seq.s32 s10, $0x1;
	s10 =	sld [smem:$0x3FAF];
	_ =	sdelay $0x3  }
0x37: {  	[smem:$0x3FAF] =	sst s10  }
0x38: {  	s10 =	sld [smem:$0x3FB0]  }
0x39: {  	_ = 	snop;
	(pc) =	sbr.ind lr, $3  }
0x3a: {  	_ = 	snop  }
0x3b: {  	_ = 	snop  }
0x3c: {  	p2 =	seq.s32 s10, $0x1;
	s10 =	sld [smem:$0x3FAF]  }
0x3d: {  	_ =	shalt  }
0x3e: {  	_ =	shalt  }
0x3f: {  	_ =	shalt  }
0x40: {  	_ =	shalt  }
0x41: {  	_ =	shalt  }
0x42: {  	_ =	shalt  }
0x43: {  	_ =	shalt  }
0x44: {  	_ =	shalt  }
0x45: {  	_ =	shalt  }
0x46: {  	_ =	shalt  }
0x47: {  	_ =	shalt  }
0x48: {  	_ =	shalt  }
0x49: {  	_ =	shalt  }
0x4a: {  	_ =	shalt  }
0x4b: {  	_ =	shalt  }
0x4c: {  	_ =	shalt  }
0x4d: {  	_ =	shalt  }
0x4e: {  	_ =	shalt  }
0x4f: {  	_ =	shalt  }
0x50: {  	_ =	shalt  }
0x51: {  	_ =	shalt  }
0x52: {  	_ =	shalt  }
0x53: {  	_ =	shalt  }
0x54: {  	_ =	shalt  }
0x55: {  	_ =	shalt  }
0x56: {  	_ =	shalt  }
0x57: {  	_ =	shalt  }
0x58: {  	_ =	shalt  }
0x59: {  	_ =	shalt  }
0x5a: {  	_ =	shalt  }
0x5b: {  	_ =	shalt  }
0x5c: {  	_ =	shalt  }
0x5d: {  	_ =	shalt  }
0x5e: {  	_ =	shalt  }
0x5f: {  	_ =	shalt  }
0x60: {  	_ =	shalt  }
0x61: {  	_ =	shalt  }
0x62: {  	_ =	shalt  }
0x63: {  	_ =	shalt  }
0x64: {  	_ =	shalt  }
0x65: {  	_ =	shalt  }
0x66: {  	_ =	shalt  }
0x67: {  	_ =	shalt  }
0x68: {  	_ =	shalt  }
0x69: {  	_ =	shalt  }
0x6a: {  	_ =	shalt  }
0x6b: {  	_ =	shalt  }
0x6c: {  	_ =	shalt  }
0x6d: {  	_ =	shalt  }
0x6e: {  	_ =	shalt  }
0x6f: {  	_ =	shalt  }
0x70: {  	_ =	shalt  }
0x71: {  	_ =	shalt  }
0x72: {  	_ =	shalt  }
0x73: {  	_ =	shalt  }
0x74: {  	_ =	shalt  }
0x75: {  	_ =	shalt  }
0x76: {  	_ =	shalt  }
0x77: {  	_ =	shalt  }
0x78: {  	_ =	shalt  }
0x79: {  	_ =	shalt  }
0x7a: {  	_ =	shalt  }
0x7b: {  	_ =	shalt  }
0x7c: {  	_ =	shalt  }
0x7d: {  	_ =	shalt  }
0x7e: {  	_ =	shalt  }
0x7f: {  	_ =	shalt  }
0x80: {  	_ =	shalt  }
0x81: {  	_ =	shalt  }
0x82: {  	_ =	shalt  }
0x83: {  	_ =	shalt  }
0x84: {  	_ =	shalt  }
0x85: {  	_ =	shalt  }
0x86: {  	_ =	shalt  }
0x87: {  	_ =	shalt  }
.Lfunc_end0:
.L_simem_size_0:
called_computation.8_lowered:
.L_overlay_start_0:
0x88: {  	s2 =	sld [smem:$0x3FD9]  }
0x89: {  	s3 =	sld [smem:$0x3FFE];
	_ =	sdelay $0x1  }
0x8a: {  	s1 =	srdreg.scid  }
0x8b: {  	s0 =	sand.u32 $0x1, s1  }
0x8c: {  	s17 =	sshll.u32 s0, $0xA;
	s2 =	sadd.s32 s3, s2  }
0x8d: {  	s2 =	sadd.s32 s2, s17  }
0x8e: {  	[smem:$0x3FBB] =	sst s2  }
0x8f: {  	_ = 	snop  }
0x90: {  	s18 =	sld [smem:$0x3FC7];
	(tm) =	ssettm $0x1  }
0x91: {  	s19 =	sld [smem:$0x3FFB];
	_ =	sdelay $0x3  }
0x92: {  	_ =	strace s19  }
0x93: {  	s2 =	sld [smem:$0x3FFC];
	_ =	sdelay $0x3  }
0x94: {  	_ =	strace s2  }
0x95: {  	s2 =	sld [smem:$0x3FFD];
	_ =	sdelay $0x3  }
0x96: {  	_ =	strace s2  }
0x97: {  	_ =	strace $0x8FFFFFFF  }
0x98: {  	s20 =	sld [smem:$0x3FDB];
	_ =	sdelay $0x1  }
0x99: {  	s4 =	simm.s32 $_scs_section_size  }
0x9a: {  	s5 =	simm.s32 $_size__tile_overlayer_lowered;
	s6 =	simm.s32 $_tile_overlayer_lowered  }
0x9b: {  	s7 =	simm.s32 $0x1BFF;
	s21 =	sshll.u32 s6, $0x1;
	s4 =	sadd.s32 s4, s20  }
0x9c: {  	s22 =	simm.s32 $0x0;
	s5 =	sshll.u32 s5, $0x1;
	s6 =	sadd.s32 s21, s4  }
0x9d: {  	[timem:s22], [sflag:s7] =	dma.local [hbm:s6], s5  }
0x9e: {  	_ =	swait.ge [sflag:s7], s5  }
0x9f: {  	s5 =	ssub.s32 $0x0, s5;
	[sflag:s7] =	ssyncset.done $0x0  }
0xa0: {  	[sflag:s7] =	ssyncadd.s32 s5;
	_ =	sdelay $0x1  }
0xa1: {  	s23 =	simm.s32 $0x1B8B  }
0xa2: {  	_ =	swait.ge [sflag:s23], $0x1  }
0xa3: {  	[sflag:s23] =	ssyncset.done $0x0  }
0xa4: {  	[sflag:s23] =	ssyncadd.s32 $0xFFFFFFFF  }
0xa5: {  	s5 =	sld [smem:$0x0]  }
0xa6: {  	s6 =	sand.u32 $0xFFFFFFFE, s1  }
0xa7: {  	p0 =	sne.s32 s1, s6  }
0xa8: {  	s6 =	sshll.u32 @p0 s6, $0xE  }
0xa9: {  	s6 =	sadd.s32 @p0 $0x11B8D, s6;
	s7 =	sshll.u32 @p0 s5, $0x11  }
0xaa: {  	s6 =	sor.u32 @p0 s7, s6  }
0xab: {  	[sflag:s6] =	ssyncadd.remote.s32 @p0 $0x1;
	_ =	sdelay $0x1  }
0xac: {  	s6 =	simm.s32 @p0 $0x1B8D  }
0xad: {  	_ =	swait.eq @p0 [sflag:s6], $0x1  }
0xae: {  	[sflag:s6] =	ssyncadd.s32 @p0 $0xFFFFFFFF  }
0xaf: {  	s7 =	sshll.u32 @!p0 s1, $0xE  }
0xb0: {  	s7 =	sor.u32 @!p0 $0x4000, s7;
	s6 =	simm.s32 @!p0 $0x1B8D  }
0xb1: {  	s5 =	sshll.u32 @!p0 s5, $0x11;
	s7 =	sadd.s32 @!p0 $0x11B8D, s7;
	_ =	swait.eq @!p0 [sflag:s6], $0x1  }
0xb2: {  	s5 =	sor.u32 @!p0 s5, s7;
	[sflag:s6] =	ssyncadd.s32 @!p0 $0xFFFFFFFF  }
0xb3: {  	s25 =	simm.s32 $0x1B8E;
	s24 =	sld [smem:$0x3FFE];
	[sflag:s5] =	ssyncadd.remote.s32 @!p0 $0x1  }
0xb4: {  	s26 =	simm.s32 $execute0_lowered;
	[smem:$0x3FD2] =	sst s25  }
0xb5: {  	s6 =	sshll.u32 s26, $0x1;
	_ =	strace $0x80000055;
	[dreg:$0x1] =	wrdreg $0xFFFFFFFF  }
0xb6: {  	s28 =	simm.s32 $_size_execute0_lowered;
	s4 =	sadd.s32 s4, s6;
	[dreg:$0x0] =	wrdreg $0x0  }
0xb7: {  	s6 =	sshll.u32 s28, $0x1;
	[dreg:$0x2] =	wrdreg s4  }
0xb8: {  	[dreg:$0x3] =	wrdreg s6  }
0xb9: {  	[dreg:$0x4] =	wrdreg $0xC0  }
0xba: {  	_ =	task [dreg:s22], $0x5FFFF  }
0xbb: {  	[dreg:$0x1] =	wrdreg $0xFFFFFFFF  }
0xbc: {  	[dreg:$0x0] =	wrdreg $0x60  }
0xbd: {  	[dreg:$0x2] =	wrdreg s18  }
0xbe: {  	[dreg:$0x3] =	wrdreg s24  }
0xbf: {  	[dreg:$0x4] =	wrdreg $0x9  }
0xc0: {  	_ =	task.clear_ibuf [dreg:s22], $0x5FFFF;
	_ =	strace $0x90000055  }
0xc1: {  	s29 =	simm.s32 $0x9;
	_ =	strace $0x80000057  }
0xc2: {  	_ =	swait.ge [sflag:s29], $0x1  }
0xc3: {  	[sflag:s29] =	ssyncadd.s32 $0xFFFFFFFF  }
0xc4: {  	_ =	strace $0x90000057  }
0xc5: {  	_ =	sfence  }
0xc6: {  	s30 =	sld [smem:$0x0];
	_ =	sdelay $0x2  }
0xc7: {  	s31 =	sshll.u32 s1, $0xD;
	s1 =	sshrl.u32 s1, $0x2  }
0xc8: {  	s4 =	sand.u32 $0x4000, s31;
	s1 =	sadd.s32 s1, s30  }
0xc9: {  	s0 =	sor.u32 s4, s0;
	s1 =	sshll.u32 s1, $0x11  }
0xca: {  	s0 =	sor.u32 s1, s0  }
0xcb: {  	s0 =	sadd.s32 $0x8F2B, s0  }
0xcc: {  	[sflag:s0] =	ssyncadd.remote.s32 $0x1  }
0xcd: {  	_ =	sfence.sel $0xFFFF  }
0xce: {  	[dreg:$0x0] =	wrdreg $0xFFFFFFFF;
	(pc) =	sbr.abs _section_cstart, $3  }
0xcf: {  	[dreg:$0x1] =	wrdreg $0xFFFFFFFF  }
0xd0: {  	_ =	task.clear_ibuf [dreg:s22], $0x2FFFF;
	_ =	strace $0x9FFFFFFF  }
0xd1: {  	(tm) =	ssettm $0x7FFFFFFF  }
tec
execute0_lowered:
.L_overlay_start_1:
0x0: {  	(tag) =	ssettag $0x1  }
0x1: {  	s1 =	rddreg [dreg:$0x0]  }
0x2: {  	s0 =	rddreg [dreg:$0x1];
	s2 =	simm.s32 $0x0;
	s3 =	srdreg.scid  }
0x3: {  	s15 =	stileid.u32;
	s14 =	simm.s32 $0x80;
	s21 =	simm.s32 $0x1  }
0x4: {  	s22 =	simm.s32 $0x10080;
	s31 =	simm.s32 $0x0;
	[smem:$0x7FF] =	sst s2  }
0x5: {  	s29 =	sadd.s32 $0x11600, s0;
	s3 =	sand.u32 $0x1, s3;
	s6 =	sadd.s32 $0x38800, s0  }
0x6: {  	s5 =	sshll.u32 s15, $0x8;
	s8 =	sadd.s32 $0x7600, s0;
	s10 =	sadd.s32 $0x3C800, s0  }
0x7: {  	s0 =	sadd.s32 $0x230800, s0;
	s25 =	sshll.u32 s15, $0xC;
	s26 =	sshll.u32 s15, $0xE  }
0x8: {  	p0 =	sgt.u32 s15, $0xC;
	s7 =	sshll.u32 s3, $0x7;
	s9 =	ssub.s32 $0x2, s3  }
0x9: {  	_ =	strace $0x80000056;
	s7 =	sor.u32 s7, s5;
	s23 =	sshrl.u32 s9, $0x1  }
0xa: {  	s28 =	sshll.u32 s3, $0xB;
	s11 =	sor.u32 $0x7000, s7;
	s9 =	ssub.s32 s9, s23  }
0xb: {  	s3 =	sshll.u32 s3, $0xD;
	s12 =	sshrl.u32 s11, $0x3;
	s9 =	smax.u32 s9, $0x1  }
0xc: {  	s24 =	sshll.u32 s11, $0x6;
	s13 =	sadd.s32 s6, s12;
	[dreg:$0x9] =	wrdreg s9  }
0xd: {  	s11 =	sshll.u32 s11, $0x4;
	s12 =	sadd.s32 s8, s12;
	[dreg:$0x5] =	wrdreg s13  }
0xe: {  	s7 =	sshrl.u32 s7, $0x3;
	s11 =	sadd.s32 s0, s11;
	[dreg:$0x7] =	wrdreg s12  }
0xf: {  	s5 =	sadd.s32 $0x100, s1;
	s8 =	sadd.s32 s7, s8;
	[dreg:$0x8] =	wrdreg s11  }
.Ltmp0:
0x10: {  	s6 =	sadd.s32 s7, s6;
	[dreg:$0x3] =	wrdreg s8;
	(pc) =	sbr.rel .LBB2_1-.Ltmp0, $4  }
0x11: {  	s0 =	sadd.s32 s25, s0;
	s13 =	sadd.s32 s10, s24;
	[dreg:$0x4] =	wrdreg s6  }
0x12: {  	v2 =	vlaneseq.u32;
	s9 =	sadd.s32 s26, s10;
	s0 =	sadd.s32 s28, s0;
	[dreg:$0x6] =	wrdreg s13  }
0x13: {  	vm0 =	vmmov $0xffff;
	v1 =	vshrl.u32 v2, $0x3;
	s23 =	simm.s32 $0x10100;
	s30 =	sadd.s32 s3, s9;
	[dreg:$0xa] =	wrdreg s0  }
0x14: {  	v0 =	vand.u32 $0x7, v2;
	v2 =	vor.u32 $0x8, v2;
	v1 =	vmul.u32 $0x8, v1;
	s24 =	simm.s32 $0x2;
	[dreg:$0xb] =	wrdreg s30;
	s13 =	simm.s32 $0x3  }
.LBB2_5:
0x15: {  	s31 =	sadd.s32 $0x1, s31;
	s25 =	rddreg [dreg:$0x9]  }
0x16: {  	p1 =	sne.s32 s31, s25  }
.Ltmp1:
0x17: {  	_ = 	snop;
	(pc) =	sbr.rel @!p1 .LBB2_6-.Ltmp1, $1  }
0x18: {  	_ =	sdelay $0x3  }
.LBB2_1:
0x19: {  	[dreg:$0xc] =	wrdreg s31  }
0x1a: {  	s25 =	rddreg [dreg:$0xb]  }
0x1b: {  	s26 =	rddreg [dreg:$0xa]  }
0x1c: {  	s28 =	simm.s32 $0x0;
	s18 =	simm.s32 $0x7880;
	s19 =	simm.s32 $0x8080  }
0x1d: {  	s20 =	simm.s32 $0x8880;
	s4 =	simm.s32 $0x9080;
	s0 =	simm.s32 $0xA080  }
0x1e: {  	s31 =	simm.s32 $0x9880;
	s3 =	simm.s32 $0xA880;
	s6 =	simm.s32 $0xB080  }
0x1f: {  	s7 =	simm.s32 $0xB880;
	s8 =	simm.s32 $0xC080;
	s9 =	simm.s32 $0xC880  }
0x20: {  	s10 =	simm.s32 $0xD080;
	s11 =	simm.s32 $0xD880;
	s12 =	simm.s32 $0xE080  }
0x21: {  	s15 =	simm.s32 $0xE880;
	s16 =	simm.s32 $0xF080;
	s17 =	simm.s32 $0xF880  }
.LBB2_2:
0x22: {  	s30 =	smov.u32 s29;
	s29 =	rddreg [dreg:$0x4]  }
0x23: {  	s29 =	sadd.s32 s28, s29  }
0x24: {  	[tilespmem:s2], [sflag:$0x3] =	stream.linear.gather [hbm4b:s29+s2], $0x80, $0x38;
	[tilespmem:$0x14100] =	vst v63  }
0x25: {  	_ =	swait.ge [sflag:s13], $0x80  }
0x26: {  	[sflag:s13] =	ssyncset.done $0x0  }
0x27: {  	[sflag:s13] =	ssyncadd.s32 $0xFFFFFF80  }
0x28: {  	v3 =	vld [tilespmem:$0x0];
	_ =	sdelay $0x4  }
0x29: {  	v4 =	vshll.u32 v3, $0x2  }
0x2a: {  	v3 =	vand.u32 $0x7, v3;
	v4 =	vand.u32 $0xFFFFFFE0, v4  }
0x2b: {  	v3 =	vor.u32 v3, v4  }
0x2c: {  	v4 =	vperm.xlane v3, v0;
	_ =	sdelay $0x1  }
0x2d: {  	v4 =	vadd.s32 v1, v4;
	_ =	sdelay $0x1  }
0x2e: {  	v3 =	vperm.xlane v3, v2;
	_ =	sdelay $0x1  }
0x2f: {  	v3 =	vadd.s32 v1, v3  }
0x30: {  	[tilespmem:s14], [sflag:$0x1] =	stream.indirect_vreg.gather [hbm4b:s1+s2], $0x80, v4, vm0, $0xb8;
	[tilespmem:$0x14100] =	vst v63  }
0x31: {  	s29 =	simm.s32 $0x880  }
0x32: {  	[tilespmem:s29], [sflag:$0x1] =	stream.indirect_vreg.gather [hbm4b:s5+s2], $0x80, v4, vm0, $0xb8;
	[tilespmem:$0x14100] =	vst v63  }
0x33: {  	s29 =	simm.s32 $0x1080  }
0x34: {  	[tilespmem:s29], [sflag:$0x1] =	stream.indirect_vreg.gather [hbm4b:s1+s2], $0x80, v3, vm0, $0xb8;
	[tilespmem:$0x14100] =	vst v63  }
0x35: {  	s29 =	simm.s32 $0x1880  }
0x36: {  	[tilespmem:s29], [sflag:$0x1] =	stream.indirect_vreg.gather [hbm4b:s5+s2], $0x80, v3, vm0, $0xb8;
	[tilespmem:$0x14100] =	vst v63  }
0x37: {  	v3 =	vld [tilespmem:$0x10];
	_ =	sdelay $0x4  }
0x38: {  	v57 =	vshll.u32 v3, $0x2  }
0x39: {  	v3 =	vand.u32 $0x7, v3;
	v4 =	vand.u32 $0xFFFFFFE0, v57  }
0x3a: {  	v3 =	vor.u32 v3, v4  }
0x3b: {  	v4 =	vperm.xlane v3, v0;
	_ =	sdelay $0x1  }
0x3c: {  	v4 =	vadd.s32 v1, v4;
	_ =	sdelay $0x1  }
0x3d: {  	v3 =	vperm.xlane v3, v2;
	_ =	sdelay $0x1  }
0x3e: {  	s29 =	simm.s32 $0x2080;
	v3 =	vadd.s32 v1, v3  }
0x3f: {  	[tilespmem:s29], [sflag:$0x1] =	stream.indirect_vreg.gather [hbm4b:s1+s2], $0x80, v4, vm0, $0xb8;
	[tilespmem:$0x14100] =	vst v63  }
0x40: {  	s29 =	simm.s32 $0x2880  }
0x41: {  	[tilespmem:s29], [sflag:$0x1] =	stream.indirect_vreg.gather [hbm4b:s5+s2], $0x80, v4, vm0, $0xb8;
	[tilespmem:$0x14100] =	vst v63  }
0x42: {  	s29 =	simm.s32 $0x3080  }
0x43: {  	[tilespmem:s29], [sflag:$0x1] =	stream.indirect_vreg.gather [hbm4b:s1+s2], $0x80, v3, vm0, $0xb8;
	[tilespmem:$0x14100] =	vst v63  }
0x44: {  	s29 =	simm.s32 $0x3880  }
0x45: {  	[tilespmem:s29], [sflag:$0x1] =	stream.indirect_vreg.gather [hbm4b:s5+s2], $0x80, v3, vm0, $0xb8;
	[tilespmem:$0x14100] =	vst v63  }
0x46: {  	v3 =	vld [tilespmem:$0x20];
	_ =	sdelay $0x4  }
0x47: {  	v58 =	vshll.u32 v3, $0x2  }
0x48: {  	v3 =	vand.u32 $0x7, v3;
	v4 =	vand.u32 $0xFFFFFFE0, v58  }
0x49: {  	v3 =	vor.u32 v3, v4  }
0x4a: {  	v4 =	vperm.xlane v3, v0;
	_ =	sdelay $0x1  }
0x4b: {  	v4 =	vadd.s32 v1, v4;
	_ =	sdelay $0x1  }
0x4c: {  	v3 =	vperm.xlane v3, v2;
	_ =	sdelay $0x1  }
0x4d: {  	s29 =	simm.s32 $0x4080;
	v3 =	vadd.s32 v1, v3  }
0x4e: {  	[tilespmem:s29], [sflag:$0x1] =	stream.indirect_vreg.gather [hbm4b:s1+s2], $0x80, v4, vm0, $0xb8;
	[tilespmem:$0x14100] =	vst v63  }
0x4f: {  	s29 =	simm.s32 $0x4880  }
0x50: {  	[tilespmem:s29], [sflag:$0x1] =	stream.indirect_vreg.gather [hbm4b:s5+s2], $0x80, v4, vm0, $0xb8;
	[tilespmem:$0x14100] =	vst v63  }
0x51: {  	s29 =	simm.s32 $0x5080  }
0x52: {  	[tilespmem:s29], [sflag:$0x1] =	stream.indirect_vreg.gather [hbm4b:s1+s2], $0x80, v3, vm0, $0xb8;
	[tilespmem:$0x14100] =	vst v63  }
0x53: {  	s29 =	simm.s32 $0x5880  }
0x54: {  	[tilespmem:s29], [sflag:$0x1] =	stream.indirect_vreg.gather [hbm4b:s5+s2], $0x80, v3, vm0, $0xb8;
	[tilespmem:$0x14100] =	vst v63  }
0x55: {  	v3 =	vld [tilespmem:$0x30];
	_ =	sdelay $0x4  }
0x56: {  	v59 =	vshll.u32 v3, $0x2  }
0x57: {  	v3 =	vand.u32 $0x7, v3;
	v4 =	vand.u32 $0xFFFFFFE0, v59  }
0x58: {  	v3 =	vor.u32 v3, v4  }
0x59: {  	v4 =	vperm.xlane v3, v0;
	_ =	sdelay $0x1  }
0x5a: {  	v4 =	vadd.s32 v1, v4;
	_ =	sdelay $0x1  }
0x5b: {  	v3 =	vperm.xlane v3, v2;
	_ =	sdelay $0x1  }
0x5c: {  	s29 =	simm.s32 $0x6080;
	v3 =	vadd.s32 v1, v3  }
0x5d: {  	[tilespmem:s29], [sflag:$0x1] =	stream.indirect_vreg.gather [hbm4b:s1+s2], $0x80, v4, vm0, $0xb8;
	[tilespmem:$0x14100] =	vst v63  }
0x5e: {  	s29 =	simm.s32 $0x6880  }
0x5f: {  	[tilespmem:s29], [sflag:$0x1] =	stream.indirect_vreg.gather [hbm4b:s5+s2], $0x80, v4, vm0, $0xb8;
	[tilespmem:$0x14100] =	vst v63  }
0x60: {  	s29 =	simm.s32 $0x7080  }
0x61: {  	[tilespmem:s29], [sflag:$0x1] =	stream.indirect_vreg.gather [hbm4b:s1+s2], $0x80, v3, vm0, $0xb8;
	[tilespmem:$0x14100] =	vst v63  }
0x62: {  	_ = 	snop  }
0x63: {  	[tilespmem:s18], [sflag:$0x1] =	stream.indirect_vreg.gather [hbm4b:s5+s2], $0x80, v3, vm0, $0xb8;
	[tilespmem:$0x14100] =	vst v63  }
0x64: {  	v3 =	vld [tilespmem:$0x40];
	_ =	sdelay $0x4  }
0x65: {  	v60 =	vshll.u32 v3, $0x2  }
0x66: {  	v3 =	vand.u32 $0x7, v3;
	v4 =	vand.u32 $0xFFFFFFE0, v60  }
0x67: {  	v3 =	vor.u32 v3, v4  }
0x68: {  	v4 =	vperm.xlane v3, v0;
	_ =	sdelay $0x1  }
0x69: {  	v4 =	vadd.s32 v1, v4;
	_ =	sdelay $0x1  }
0x6a: {  	v3 =	vperm.xlane v3, v2;
	_ =	sdelay $0x1  }
0x6b: {  	v3 =	vadd.s32 v1, v3  }
0x6c: {  	[tilespmem:s19], [sflag:$0x1] =	stream.indirect_vreg.gather [hbm4b:s1+s2], $0x80, v4, vm0, $0xb8;
	[tilespmem:$0x14100] =	vst v63  }
0x6d: {  	_ = 	snop  }
0x6e: {  	[tilespmem:s20], [sflag:$0x1] =	stream.indirect_vreg.gather [hbm4b:s5+s2], $0x80, v4, vm0, $0xb8;
	[tilespmem:$0x14100] =	vst v63  }
0x6f: {  	_ = 	snop  }
0x70: {  	[tilespmem:s4], [sflag:$0x1] =	stream.indirect_vreg.gather [hbm4b:s1+s2], $0x80, v3, vm0, $0xb8;
	[tilespmem:$0x14100] =	vst v63  }
0x71: {  	_ = 	snop  }
0x72: {  	[tilespmem:s31], [sflag:$0x1] =	stream.indirect_vreg.gather [hbm4b:s5+s2], $0x80, v3, vm0, $0xb8;
	[tilespmem:$0x14100] =	vst v63  }
0x73: {  	v3 =	vld [tilespmem:$0x50];
	_ =	sdelay $0x4  }
0x74: {  	v61 =	vshll.u32 v3, $0x2  }
0x75: {  	v3 =	vand.u32 $0x7, v3;
	v4 =	vand.u32 $0xFFFFFFE0, v61  }
0x76: {  	v3 =	vor.u32 v3, v4  }
0x77: {  	v4 =	vperm.xlane v3, v0;
	_ =	sdelay $0x1  }
0x78: {  	v4 =	vadd.s32 v1, v4;
	_ =	sdelay $0x1  }
0x79: {  	v3 =	vperm.xlane v3, v2;
	_ =	sdelay $0x1  }
0x7a: {  	v3 =	vadd.s32 v1, v3  }
0x7b: {  	[tilespmem:s0], [sflag:$0x1] =	stream.indirect_vreg.gather [hbm4b:s1+s2], $0x80, v4, vm0, $0xb8;
	[tilespmem:$0x14100] =	vst v63  }
0x7c: {  	_ = 	snop  }
0x7d: {  	[tilespmem:s3], [sflag:$0x1] =	stream.indirect_vreg.gather [hbm4b:s5+s2], $0x80, v4, vm0, $0xb8;
	[tilespmem:$0x14100] =	vst v63  }
0x7e: {  	_ = 	snop  }
0x7f: {  	[tilespmem:s6], [sflag:$0x1] =	stream.indirect_vreg.gather [hbm4b:s1+s2], $0x80, v3, vm0, $0xb8;
	[tilespmem:$0x14100] =	vst v63  }
0x80: {  	_ = 	snop  }
0x81: {  	[tilespmem:s7], [sflag:$0x1] =	stream.indirect_vreg.gather [hbm4b:s5+s2], $0x80, v3, vm0, $0xb8;
	[tilespmem:$0x14100] =	vst v63  }
0x82: {  	v3 =	vld [tilespmem:$0x60];
	_ =	sdelay $0x4  }
0x83: {  	v62 =	vshll.u32 v3, $0x2  }
0x84: {  	v3 =	vand.u32 $0x7, v3;
	v4 =	vand.u32 $0xFFFFFFE0, v62  }
0x85: {  	v3 =	vor.u32 v3, v4  }
0x86: {  	v4 =	vperm.xlane v3, v0;
	_ =	sdelay $0x1  }
0x87: {  	v4 =	vadd.s32 v1, v4;
	_ =	sdelay $0x1  }
0x88: {  	v3 =	vperm.xlane v3, v2;
	_ =	sdelay $0x1  }
0x89: {  	v3 =	vadd.s32 v1, v3  }
0x8a: {  	[tilespmem:s8], [sflag:$0x1] =	stream.indirect_vreg.gather [hbm4b:s1+s2], $0x80, v4, vm0, $0xb8;
	[tilespmem:$0x14100] =	vst v63  }
0x8b: {  	_ = 	snop  }
0x8c: {  	[tilespmem:s9], [sflag:$0x1] =	stream.indirect_vreg.gather [hbm4b:s5+s2], $0x80, v4, vm0, $0xb8;
	[tilespmem:$0x14100] =	vst v63  }
0x8d: {  	_ = 	snop  }
0x8e: {  	[tilespmem:s10], [sflag:$0x1] =	stream.indirect_vreg.gather [hbm4b:s1+s2], $0x80, v3, vm0, $0xb8;
	[tilespmem:$0x14100] =	vst v63  }
0x8f: {  	_ = 	snop  }
0x90: {  	[tilespmem:s11], [sflag:$0x1] =	stream.indirect_vreg.gather [hbm4b:s5+s2], $0x80, v3, vm0, $0xb8;
	[tilespmem:$0x14100] =	vst v63  }
0x91: {  	v3 =	vld [tilespmem:$0x70];
	_ =	sdelay $0x4  }
0x92: {  	v63 =	vshll.u32 v3, $0x2  }
0x93: {  	v3 =	vand.u32 $0x7, v3;
	v4 =	vand.u32 $0xFFFFFFE0, v63  }
0x94: {  	v3 =	vor.u32 v3, v4  }
0x95: {  	v4 =	vperm.xlane v3, v0;
	_ =	sdelay $0x1  }
0x96: {  	v4 =	vadd.s32 v1, v4;
	_ =	sdelay $0x1  }
0x97: {  	v3 =	vperm.xlane v3, v2;
	_ =	sdelay $0x1  }
0x98: {  	v3 =	vadd.s32 v1, v3  }
0x99: {  	[tilespmem:s12], [sflag:$0x1] =	stream.indirect_vreg.gather [hbm4b:s1+s2], $0x80, v4, vm0, $0xb8;
	[tilespmem:$0x14100] =	vst v63  }
0x9a: {  	_ = 	snop  }
0x9b: {  	[tilespmem:s15], [sflag:$0x1] =	stream.indirect_vreg.gather [hbm4b:s5+s2], $0x80, v4, vm0, $0xb8;
	[tilespmem:$0x14100] =	vst v63  }
0x9c: {  	_ = 	snop  }
0x9d: {  	[tilespmem:s16], [sflag:$0x1] =	stream.indirect_vreg.gather [hbm4b:s1+s2], $0x80, v3, vm0, $0xb8;
	[tilespmem:$0x14100] =	vst v63  }
0x9e: {  	_ = 	snop  }
0x9f: {  	[tilespmem:s17], [sflag:$0x1] =	stream.indirect_vreg.gather [hbm4b:s5+s2], $0x80, v3, vm0, $0xb8;
	[tilespmem:$0x14100] =	vst v63  }
0xa0: {  	_ =	swait.ge [sflag:s21], $0x10000  }
0xa1: {  	[sflag:s21] =	ssyncset.done $0x0  }
0xa2: {  	[sflag:s21] =	ssyncadd.s32 $0xFFFF0000  }
0xa3: {  	[hbm4b:s25+s2] =	stream.linear.scatter [tilespmem:s14], [sflag:$0x3], $0x10000, $0x38;
	[tilespmem:$0x14100] =	vst v63  }
0xa4: {  	_ =	swait.ge [sflag:s13], $0x10000  }
0xa5: {  	s29 =	rddreg [dreg:$0x3];
	[sflag:s13] =	ssyncset.done $0x0  }
0xa6: {  	[sflag:s13] =	ssyncadd.s32 $0xFFFF0000;
	s29 =	sadd.s32 s28, s29  }
0xa7: {  	[tilespmem:s22], [sflag:$0x3] =	stream.linear.gather [hbm4b:s29+s2], $0x80, $0x38;
	[tilespmem:$0x14100] =	vst v63  }
0xa8: {  	_ =	swait.ge [sflag:s13], $0x80  }
0xa9: {  	[sflag:s13] =	ssyncset.done $0x0  }
0xaa: {  	[sflag:s13] =	ssyncadd.s32 $0xFFFFFF80  }
0xab: {  	[tilespmem:s23], [sflag:$0x2] =	stream.indirect.gather [hbm4b:s30+s14], $0x80, s22, s14, $0xb8;
	[tilespmem:$0x14100] =	vst v63  }
0xac: {  	_ =	swait.ge [sflag:s24], $0x4000  }
0xad: {  	p1 =	sne.s32 s28, $0xC00;
	[sflag:s24] =	ssyncset.done $0x0  }
.Ltmp2:
0xae: {  	[sflag:s24] =	ssyncadd.s32 $0xFFFFC000;
	(pc) =	sbr.rel @p1 .LBB2_2-.Ltmp2, $4  }
0xaf: {  	[hbm4b:s26+s2] =	stream.linear.scatter [tilespmem:s23], [sflag:$0x3], $0x4000, $0x38;
	[tilespmem:$0x14100] =	vst v63  }
0xb0: {  	_ =	swait.ge [sflag:s13], $0x4000  }
0xb1: {  	s25 =	sadd.s32 $0x40000, s25;
	s28 =	sadd.s32 $0x200, s28;
	[sflag:s13] =	ssyncset.done $0x0  }
0xb2: {  	s29 =	smov.u32 s30;
	s26 =	sadd.s32 $0x10000, s26;
	[sflag:s13] =	ssyncadd.s32 $0xFFFFC000  }
0xb3: {  	s26 =	simm.s32 $0x880;
	s28 =	simm.s32 $0x1080;
	s0 =	simm.s32 $0x1880  }
0xb4: {  	s3 =	simm.s32 $0x2080;
	s6 =	simm.s32 $0x2880;
	s7 =	simm.s32 $0x3080  }
.Ltmp3:
0xb5: {  	s8 =	simm.s32 $0x3880;
	s9 =	simm.s32 $0x4080;
	(pc) =	sbr.rel @p0 .LBB2_5-.Ltmp3, $4  }
0xb6: {  	s10 =	simm.s32 $0x4880;
	s11 =	simm.s32 $0x5080;
	s12 =	simm.s32 $0x5880  }
0xb7: {  	s15 =	simm.s32 $0x6080;
	s16 =	simm.s32 $0x6880;
	s17 =	simm.s32 $0x7080  }
0xb8: {  	s18 =	simm.s32 $0x7880;
	s19 =	simm.s32 $0x8080;
	s20 =	simm.s32 $0x8880  }
0xb9: {  	s4 =	simm.s32 $0x9080;
	s30 =	simm.s32 $0x9880;
	s31 =	rddreg [dreg:$0xc]  }
0xba: {  	s25 =	rddreg [dreg:$0x5]  }
0xbb: {  	[tilespmem:s2], [sflag:$0x3] =	stream.linear.gather [hbm4b:s25+s2], $0x80, $0x38;
	[tilespmem:$0x14100] =	vst v63  }
0xbc: {  	_ =	swait.ge [sflag:s13], $0x80  }
0xbd: {  	[sflag:s13] =	ssyncset.done $0x0  }
0xbe: {  	[sflag:s13] =	ssyncadd.s32 $0xFFFFFF80  }
0xbf: {  	v3 =	vld [tilespmem:$0x0];
	_ =	sdelay $0x4  }
0xc0: {  	v4 =	vshll.u32 v3, $0x2  }
0xc1: {  	v3 =	vand.u32 $0x7, v3;
	v4 =	vand.u32 $0xFFFFFFE0, v4  }
0xc2: {  	v3 =	vor.u32 v3, v4  }
0xc3: {  	v4 =	vperm.xlane v3, v0;
	_ =	sdelay $0x1  }
0xc4: {  	v4 =	vadd.s32 v1, v4;
	_ =	sdelay $0x1  }
0xc5: {  	v3 =	vperm.xlane v3, v2;
	_ =	sdelay $0x1  }
0xc6: {  	v3 =	vadd.s32 v1, v3  }
0xc7: {  	[tilespmem:s14], [sflag:$0x1] =	stream.indirect_vreg.gather [hbm4b:s1+s2], $0x80, v4, vm0, $0xb8;
	[tilespmem:$0x14100] =	vst v63  }
0xc8: {  	_ = 	snop  }
0xc9: {  	[tilespmem:s26], [sflag:$0x1] =	stream.indirect_vreg.gather [hbm4b:s5+s2], $0x80, v4, vm0, $0xb8;
	[tilespmem:$0x14100] =	vst v63  }
0xca: {  	_ = 	snop  }
0xcb: {  	[tilespmem:s28], [sflag:$0x1] =	stream.indirect_vreg.gather [hbm4b:s1+s2], $0x80, v3, vm0, $0xb8;
	[tilespmem:$0x14100] =	vst v63  }
0xcc: {  	_ = 	snop  }
0xcd: {  	[tilespmem:s0], [sflag:$0x1] =	stream.indirect_vreg.gather [hbm4b:s5+s2], $0x80, v3, vm0, $0xb8;
	[tilespmem:$0x14100] =	vst v63  }
0xce: {  	v3 =	vld [tilespmem:$0x10];
	_ =	sdelay $0x4  }
0xcf: {  	v57 =	vshll.u32 v3, $0x2  }
0xd0: {  	v3 =	vand.u32 $0x7, v3;
	v4 =	vand.u32 $0xFFFFFFE0, v57  }
0xd1: {  	v3 =	vor.u32 v3, v4  }
0xd2: {  	v4 =	vperm.xlane v3, v0;
	_ =	sdelay $0x1  }
0xd3: {  	v4 =	vadd.s32 v1, v4;
	_ =	sdelay $0x1  }
0xd4: {  	v3 =	vperm.xlane v3, v2;
	_ =	sdelay $0x1  }
0xd5: {  	v3 =	vadd.s32 v1, v3  }
0xd6: {  	[tilespmem:s3], [sflag:$0x1] =	stream.indirect_vreg.gather [hbm4b:s1+s2], $0x80, v4, vm0, $0xb8;
	[tilespmem:$0x14100] =	vst v63  }
0xd7: {  	_ = 	snop  }
0xd8: {  	[tilespmem:s6], [sflag:$0x1] =	stream.indirect_vreg.gather [hbm4b:s5+s2], $0x80, v4, vm0, $0xb8;
	[tilespmem:$0x14100] =	vst v63  }
0xd9: {  	_ = 	snop  }
0xda: {  	[tilespmem:s7], [sflag:$0x1] =	stream.indirect_vreg.gather [hbm4b:s1+s2], $0x80, v3, vm0, $0xb8;
	[tilespmem:$0x14100] =	vst v63  }
0xdb: {  	_ = 	snop  }
0xdc: {  	[tilespmem:s8], [sflag:$0x1] =	stream.indirect_vreg.gather [hbm4b:s5+s2], $0x80, v3, vm0, $0xb8;
	[tilespmem:$0x14100] =	vst v63  }
0xdd: {  	v3 =	vld [tilespmem:$0x20];
	_ =	sdelay $0x4  }
0xde: {  	v58 =	vshll.u32 v3, $0x2  }
0xdf: {  	v3 =	vand.u32 $0x7, v3;
	v4 =	vand.u32 $0xFFFFFFE0, v58  }
0xe0: {  	v3 =	vor.u32 v3, v4  }
0xe1: {  	v4 =	vperm.xlane v3, v0;
	_ =	sdelay $0x1  }
0xe2: {  	v4 =	vadd.s32 v1, v4;
	_ =	sdelay $0x1  }
0xe3: {  	v3 =	vperm.xlane v3, v2;
	_ =	sdelay $0x1  }
0xe4: {  	v3 =	vadd.s32 v1, v3  }
0xe5: {  	[tilespmem:s9], [sflag:$0x1] =	stream.indirect_vreg.gather [hbm4b:s1+s2], $0x80, v4, vm0, $0xb8;
	[tilespmem:$0x14100] =	vst v63  }
0xe6: {  	_ = 	snop  }
0xe7: {  	[tilespmem:s10], [sflag:$0x1] =	stream.indirect_vreg.gather [hbm4b:s5+s2], $0x80, v4, vm0, $0xb8;
	[tilespmem:$0x14100] =	vst v63  }
0xe8: {  	_ = 	snop  }
0xe9: {  	[tilespmem:s11], [sflag:$0x1] =	stream.indirect_vreg.gather [hbm4b:s1+s2], $0x80, v3, vm0, $0xb8;
	[tilespmem:$0x14100] =	vst v63  }
0xea: {  	_ = 	snop  }
0xeb: {  	[tilespmem:s12], [sflag:$0x1] =	stream.indirect_vreg.gather [hbm4b:s5+s2], $0x80, v3, vm0, $0xb8;
	[tilespmem:$0x14100] =	vst v63  }
0xec: {  	v3 =	vld [tilespmem:$0x30];
	_ =	sdelay $0x4  }
0xed: {  	v59 =	vshll.u32 v3, $0x2  }
0xee: {  	v3 =	vand.u32 $0x7, v3;
	v4 =	vand.u32 $0xFFFFFFE0, v59  }
0xef: {  	v3 =	vor.u32 v3, v4  }
0xf0: {  	v4 =	vperm.xlane v3, v0;
	_ =	sdelay $0x1  }
0xf1: {  	v4 =	vadd.s32 v1, v4;
	_ =	sdelay $0x1  }
0xf2: {  	v3 =	vperm.xlane v3, v2;
	_ =	sdelay $0x1  }
0xf3: {  	v3 =	vadd.s32 v1, v3  }
0xf4: {  	[tilespmem:s15], [sflag:$0x1] =	stream.indirect_vreg.gather [hbm4b:s1+s2], $0x80, v4, vm0, $0xb8;
	[tilespmem:$0x14100] =	vst v63  }
0xf5: {  	_ = 	snop  }
0xf6: {  	[tilespmem:s16], [sflag:$0x1] =	stream.indirect_vreg.gather [hbm4b:s5+s2], $0x80, v4, vm0, $0xb8;
	[tilespmem:$0x14100] =	vst v63  }
0xf7: {  	_ = 	snop  }
0xf8: {  	[tilespmem:s17], [sflag:$0x1] =	stream.indirect_vreg.gather [hbm4b:s1+s2], $0x80, v3, vm0, $0xb8;
	[tilespmem:$0x14100] =	vst v63  }
0xf9: {  	_ = 	snop  }
0xfa: {  	[tilespmem:s18], [sflag:$0x1] =	stream.indirect_vreg.gather [hbm4b:s5+s2], $0x80, v3, vm0, $0xb8;
	[tilespmem:$0x14100] =	vst v63  }
0xfb: {  	v3 =	vld [tilespmem:$0x40];
	_ =	sdelay $0x4  }
0xfc: {  	v60 =	vshll.u32 v3, $0x2  }
0xfd: {  	v3 =	vand.u32 $0x7, v3;
	v4 =	vand.u32 $0xFFFFFFE0, v60  }
0xfe: {  	v3 =	vor.u32 v3, v4  }
0xff: {  	v4 =	vperm.xlane v3, v0;
	_ =	sdelay $0x1  }
0x100: {  	v4 =	vadd.s32 v1, v4;
	_ =	sdelay $0x1  }
0x101: {  	v3 =	vperm.xlane v3, v2;
	_ =	sdelay $0x1  }
0x102: {  	v3 =	vadd.s32 v1, v3  }
0x103: {  	[tilespmem:s19], [sflag:$0x1] =	stream.indirect_vreg.gather [hbm4b:s1+s2], $0x80, v4, vm0, $0xb8;
	[tilespmem:$0x14100] =	vst v63  }
0x104: {  	_ = 	snop  }
0x105: {  	[tilespmem:s20], [sflag:$0x1] =	stream.indirect_vreg.gather [hbm4b:s5+s2], $0x80, v4, vm0, $0xb8;
	[tilespmem:$0x14100] =	vst v63  }
0x106: {  	_ = 	snop  }
0x107: {  	[tilespmem:s4], [sflag:$0x1] =	stream.indirect_vreg.gather [hbm4b:s1+s2], $0x80, v3, vm0, $0xb8;
	[tilespmem:$0x14100] =	vst v63  }
0x108: {  	_ = 	snop  }
0x109: {  	[tilespmem:s30], [sflag:$0x1] =	stream.indirect_vreg.gather [hbm4b:s5+s2], $0x80, v3, vm0, $0xb8;
	[tilespmem:$0x14100] =	vst v63  }
0x10a: {  	v3 =	vld [tilespmem:$0x50];
	_ =	sdelay $0x4  }
0x10b: {  	v61 =	vshll.u32 v3, $0x2  }
0x10c: {  	v3 =	vand.u32 $0x7, v3;
	v4 =	vand.u32 $0xFFFFFFE0, v61  }
0x10d: {  	v3 =	vor.u32 v3, v4  }
0x10e: {  	v4 =	vperm.xlane v3, v0;
	_ =	sdelay $0x1  }
0x10f: {  	v4 =	vadd.s32 v1, v4;
	_ =	sdelay $0x1  }
0x110: {  	v3 =	vperm.xlane v3, v2;
	_ =	sdelay $0x1  }
0x111: {  	s8 =	simm.s32 $0xA080;
	v3 =	vadd.s32 v1, v3  }
0x112: {  	[tilespmem:s8], [sflag:$0x1] =	stream.indirect_vreg.gather [hbm4b:s1+s2], $0x80, v4, vm0, $0xb8;
	[tilespmem:$0x14100] =	vst v63  }
0x113: {  	s9 =	simm.s32 $0xA880  }
0x114: {  	[tilespmem:s9], [sflag:$0x1] =	stream.indirect_vreg.gather [hbm4b:s5+s2], $0x80, v4, vm0, $0xb8;
	[tilespmem:$0x14100] =	vst v63  }
0x115: {  	s10 =	simm.s32 $0xB080  }
0x116: {  	[tilespmem:s10], [sflag:$0x1] =	stream.indirect_vreg.gather [hbm4b:s1+s2], $0x80, v3, vm0, $0xb8;
	[tilespmem:$0x14100] =	vst v63  }
0x117: {  	s11 =	simm.s32 $0xB880  }
0x118: {  	[tilespmem:s11], [sflag:$0x1] =	stream.indirect_vreg.gather [hbm4b:s5+s2], $0x80, v3, vm0, $0xb8;
	[tilespmem:$0x14100] =	vst v63  }
0x119: {  	v3 =	vld [tilespmem:$0x60];
	_ =	sdelay $0x4  }
0x11a: {  	v62 =	vshll.u32 v3, $0x2  }
0x11b: {  	v3 =	vand.u32 $0x7, v3;
	v4 =	vand.u32 $0xFFFFFFE0, v62  }
0x11c: {  	v3 =	vor.u32 v3, v4  }
0x11d: {  	v4 =	vperm.xlane v3, v0;
	_ =	sdelay $0x1  }
0x11e: {  	v4 =	vadd.s32 v1, v4;
	_ =	sdelay $0x1  }
0x11f: {  	v3 =	vperm.xlane v3, v2;
	_ =	sdelay $0x1  }
0x120: {  	s12 =	simm.s32 $0xC080;
	v3 =	vadd.s32 v1, v3  }
0x121: {  	[tilespmem:s12], [sflag:$0x1] =	stream.indirect_vreg.gather [hbm4b:s1+s2], $0x80, v4, vm0, $0xb8;
	[tilespmem:$0x14100] =	vst v63  }
0x122: {  	s15 =	simm.s32 $0xC880  }
0x123: {  	[tilespmem:s15], [sflag:$0x1] =	stream.indirect_vreg.gather [hbm4b:s5+s2], $0x80, v4, vm0, $0xb8;
	[tilespmem:$0x14100] =	vst v63  }
0x124: {  	s16 =	simm.s32 $0xD080  }
0x125: {  	[tilespmem:s16], [sflag:$0x1] =	stream.indirect_vreg.gather [hbm4b:s1+s2], $0x80, v3, vm0, $0xb8;
	[tilespmem:$0x14100] =	vst v63  }
0x126: {  	s17 =	simm.s32 $0xD880  }
0x127: {  	[tilespmem:s17], [sflag:$0x1] =	stream.indirect_vreg.gather [hbm4b:s5+s2], $0x80, v3, vm0, $0xb8;
	[tilespmem:$0x14100] =	vst v63  }
0x128: {  	v3 =	vld [tilespmem:$0x70];
	_ =	sdelay $0x4  }
0x129: {  	v63 =	vshll.u32 v3, $0x2  }
0x12a: {  	v3 =	vand.u32 $0x7, v3;
	v4 =	vand.u32 $0xFFFFFFE0, v63  }
0x12b: {  	v3 =	vor.u32 v3, v4  }
0x12c: {  	v4 =	vperm.xlane v3, v0;
	_ =	sdelay $0x1  }
0x12d: {  	v4 =	vadd.s32 v1, v4;
	_ =	sdelay $0x1  }
0x12e: {  	v3 =	vperm.xlane v3, v2;
	_ =	sdelay $0x1  }
0x12f: {  	s18 =	simm.s32 $0xE080;
	v3 =	vadd.s32 v1, v3  }
0x130: {  	[tilespmem:s18], [sflag:$0x1] =	stream.indirect_vreg.gather [hbm4b:s1+s2], $0x80, v4, vm0, $0xb8;
	[tilespmem:$0x14100] =	vst v63  }
0x131: {  	s19 =	simm.s32 $0xE880  }
0x132: {  	[tilespmem:s19], [sflag:$0x1] =	stream.indirect_vreg.gather [hbm4b:s5+s2], $0x80, v4, vm0, $0xb8;
	[tilespmem:$0x14100] =	vst v63  }
0x133: {  	s20 =	simm.s32 $0xF080  }
0x134: {  	[tilespmem:s20], [sflag:$0x1] =	stream.indirect_vreg.gather [hbm4b:s1+s2], $0x80, v3, vm0, $0xb8;
	[tilespmem:$0x14100] =	vst v63  }
0x135: {  	s25 =	simm.s32 $0xF880  }
0x136: {  	[tilespmem:s25], [sflag:$0x1] =	stream.indirect_vreg.gather [hbm4b:s5+s2], $0x80, v3, vm0, $0xb8;
	[tilespmem:$0x14100] =	vst v63  }
0x137: {  	_ =	swait.ge [sflag:s21], $0x10000  }
0x138: {  	[sflag:s21] =	ssyncset.done $0x0  }
0x139: {  	s26 =	rddreg [dreg:$0x6];
	[sflag:s21] =	ssyncadd.s32 $0xFFFF0000  }
0x13a: {  	[hbm4b:s26+s2] =	stream.linear.scatter [tilespmem:s14], [sflag:$0x3], $0x10000, $0x38;
	[tilespmem:$0x14100] =	vst v63  }
0x13b: {  	_ =	swait.ge [sflag:s13], $0x10000  }
0x13c: {  	[sflag:s13] =	ssyncset.done $0x0  }
0x13d: {  	s28 =	rddreg [dreg:$0x7];
	[sflag:s13] =	ssyncadd.s32 $0xFFFF0000  }
0x13e: {  	[tilespmem:s22], [sflag:$0x3] =	stream.linear.gather [hbm4b:s28+s2], $0x80, $0x38;
	[tilespmem:$0x14100] =	vst v63  }
0x13f: {  	_ =	swait.ge [sflag:s13], $0x80  }
0x140: {  	[sflag:s13] =	ssyncset.done $0x0  }
0x141: {  	[sflag:s13] =	ssyncadd.s32 $0xFFFFFF80  }
0x142: {  	[tilespmem:s23], [sflag:$0x2] =	stream.indirect.gather [hbm4b:s29+s14], $0x80, s22, s14, $0xb8;
	[tilespmem:$0x14100] =	vst v63  }
0x143: {  	_ =	swait.ge [sflag:s24], $0x4000  }
0x144: {  	[sflag:s24] =	ssyncset.done $0x0  }
.Ltmp4:
0x145: {  	s30 =	rddreg [dreg:$0x8];
	[sflag:s24] =	ssyncadd.s32 $0xFFFFC000;
	(pc) =	sbr.rel .LBB2_5-.Ltmp4, $4  }
0x146: {  	[hbm4b:s30+s2] =	stream.linear.scatter [tilespmem:s23], [sflag:$0x3], $0x4000, $0x38;
	[tilespmem:$0x14100] =	vst v63  }
0x147: {  	_ =	swait.ge [sflag:s13], $0x4000  }
0x148: {  	[sflag:s13] =	ssyncset.done $0x0  }
0x149: {  	[sflag:s13] =	ssyncadd.s32 $0xFFFFC000  }
.LBB2_6:
0x14a: {  	_ =	sfence.sel $0x180000  }
0x14b: {  	[bflag:$0x0] =	sbarrier.arrive $0xFFFF  }
0x14c: {  	_ =	strace $0x90000056  }
0x14d: {  	s0 =	stileid.u32;
	[bflag:$0x2] =	sbarrier.arrive $0xFFFF  }
0x14e: {  	p0 =	sne.s32 s0, $0x0;
	s0 =	rddreg [dreg:$0x2]  }
0x14f: {  	s0 =	sadd.s32 @!p0 $0x100000, s0  }
0x150: {  	[sflag:s0] =	ssyncadd.tile.s32 @!p0 $0x1;
	_ =	shalt  }
.Lfunc_end2:
_tile_overlayer_lowered:
.L_overlay_start_2:
0x151: {  	(tag) =	ssettag $0x2  }
0x152: {  	s0 =	rddreg [dreg:$0x0];
	s2 =	stileid.u32  }
0x153: {  	s1 =	rddreg [dreg:$0x1];
	p0 =	sne.s32 s2, $0x0  }
0x154: {  	s3 =	rddreg [dreg:$0x2];
	[bflag:$0x3] =	sbarrier.arrive $0xFFFF;
	s2 =	simm.s32 @!p0 $0x1C03  }
0x155: {  	[timem:s3], [sflag:s2] =	dma.local @!p0 [hbm:s0], s1  }
0x156: {  	s0 =	simm.s32 @!p0 $0x3  }
0x157: {  	_ =	swait.ge @!p0 [sflag:s0], s1  }
0x158: {  	s1 =	ssub.s32 @!p0 $0x0, s1;
	[sflag:s0] =	ssyncset.done @!p0 $0x0  }
0x159: {  	[sflag:s0] =	ssyncadd.s32 @!p0 s1  }
0x15a: {  	[bflag:$0x3] =	sbarrier.arrive $0xFFFF  }
0x15b: {  	_ =	shalt  }

// kernel: kernel.25.cloned.1.call-start
scs
__scs_entry_jumppad:
0x0: {  	(pc) =	sbr.rel $0x88, $3  }
0x1: {  	(tag) =	ssettag $0x0;
	lr =	simm.s32 $0x1  }
0x2: {  	[smem:$0x3F94] =	sst lr;
	_ =	strace $0xD0000000  }
0x3: {  	_ = 	snop  }
0x4: {  	_ = 	snop  }
0x5: {  	_ = 	snop  }
0x6: {  	_ = 	snop  }
0x7: {  	_ = 	snop  }
__scs_overlays_trampoline_lowered:
0x8: {  	[smem:$0x3FA3] =	sst s0  }
0x9: {  	[smem:$0x3FA4] =	sst s1  }
0xa: {  	[smem:$0x3FA5] =	sst s2  }
0xb: {  	[smem:$0x3FA6] =	sst s3  }
0xc: {  	[smem:$0x3FA7] =	sst s4  }
0xd: {  	[smem:$0x3FA8] =	sst s5  }
0xe: {  	[smem:$0x3FA9] =	sst s6  }
0xf: {  	[smem:$0x3FAA] =	sst s7  }
0x10: {  	[smem:$0x3FAB] =	sst s8  }
0x11: {  	[smem:$0x3FAC] =	sst s9;
	s0 =	simm.s32 @!p0 $0x0  }
0x12: {  	s1 =	sld [smem:$0x3F92];
	s0 =	simm.s32 @p0 $0x1  }
0x13: {  	[smem:$0x3FAD] =	sst s0;
	s0 =	simm.s32 @!p1 $0x0  }
0x14: {  	s2 =	sld [smem:$0x3F91];
	s0 =	simm.s32 @p1 $0x1  }
0x15: {  	[smem:$0x3FAE] =	sst s0;
	s0 =	simm.s32 @!p2 $0x0  }
0x16: {  	s3 =	sld [smem:$0x3FDB];
	s0 =	simm.s32 @p2 $0x1  }
0x17: {  	s4 =	simm.s32 $0x1BF5;
	[smem:$0x3FB0] =	sst s0  }
0x18: {  	s0 =	sld [smem:$0x3F93];
	_ =	swait.ge [sflag:s4], $0x0  }
0x19: {  	s7 =	sld [smem:$0x3F94]  }
0x1a: {  	s8 =	sadd.s32 $0xFFFFE003, lr  }
0x1b: {  	s9 =	sadd.s32 $0xFFFFFEF7, lr;
	s5 =	simm.s32 $0xFFFFFFFF;
	p2 =	slt.u32 s8, $0xFFFFF086  }
0x1c: {  	p1 =	slt.u32 s9, $0xF7A;
	s5 =	simm.s32 @!p2 $0x0  }
0x1d: {  	s5 =	simm.s32 @p1 $0x1;
	p0 =	seq.s32 s7, s2  }
0x1e: {  	s7 =	smul.u32 @!p0 $0xF7A, s2;
	p2 =	seq.s32 @!p0 s5, $0x0  }
0x1f: {  	s9 =	smul.u32 $0xF7A, s1;
	s8 =	simm.s32 @!p0 $0x1BF5;
	p2 =	por !p2, p0  }
0x20: {  	[sflag:s8] =	ssyncset.s32 @!p0 $0xFFFFF086;
	s6 =	sadd.s32 @!p0 s3, s7;
	s7 =	simm.s32 @!p0 $0x108  }
0x21: {  	s3 =	sadd.s32 s3, s9;
	s6 =	sadd.s32 @!p0 $0x88, s6;
	s7 =	simm.s32 @p2 $0x1082  }
0x22: {  	[simem:s7], [sflag:s8] =	dma.local @!p0 [hbm:s6], $0xF7A  }
0x23: {  	s9 =	sor.u32 $0xD0000000, s2;
	s6 =	simm.s32 $0x108;
	_ =	swait.ge @!p0 [sflag:s8], $0x0  }
0x24: {  	s3 =	sadd.s32 $0x88, s3;
	s6 =	simm.s32 @!p1 $0x1082;
	[sflag:s4] =	ssyncset.s32 $0xFFFFF086  }
0x25: {  	[simem:s6], [sflag:s4] =	dma.local [hbm:s3], $0xF7A  }
0x26: {  	[smem:$0x3F94] =	sst s1;
	(tag) =	ssettag s2;
	_ =	strace s9  }
0x27: {  	s1 =	sld [smem:$0x3FA4]  }
0x28: {  	s2 =	sld [smem:$0x3FA5]  }
0x29: {  	s4 =	sld [smem:$0x3FA7]  }
0x2a: {  	p0 =	seq.s32 s5, $0x0;
	s5 =	sld [smem:$0x3FA8]  }
0x2b: {  	s6 =	sld [smem:$0x3FA9]  }
0x2c: {  	s7 =	sld [smem:$0x3FAA]  }
0x2d: {  	s3 =	simm.s32 $0x108;
	s8 =	sld [smem:$0x3FAB]  }
0x2e: {  	s3 =	simm.s32 @!p0 $0x1082;
	s9 =	sld [smem:$0x3FAC]  }
0x2f: {  	lr =	sadd.s32 s0, s3;
	s0 =	sld [smem:$0x3FA3]  }
0x30: {  	s3 =	sld [smem:$0x3FA6]  }
0x31: {  	[smem:$0x3FAF] =	sst s10  }
0x32: {  	s10 =	sld [smem:$0x3FAD];
	_ =	sdelay $0x3  }
0x33: {  	p0 =	seq.s32 s10, $0x1;
	s10 =	sld [smem:$0x3FAF];
	_ =	sdelay $0x3  }
0x34: {  	[smem:$0x3FAF] =	sst s10  }
0x35: {  	s10 =	sld [smem:$0x3FAE];
	_ =	sdelay $0x3  }
0x36: {  	p1 =	seq.s32 s10, $0x1;
	s10 =	sld [smem:$0x3FAF];
	_ =	sdelay $0x3  }
0x37: {  	[smem:$0x3FAF] =	sst s10  }
0x38: {  	s10 =	sld [smem:$0x3FB0]  }
0x39: {  	_ = 	snop;
	(pc) =	sbr.ind lr, $3  }
0x3a: {  	_ = 	snop  }
0x3b: {  	_ = 	snop  }
0x3c: {  	p2 =	seq.s32 s10, $0x1;
	s10 =	sld [smem:$0x3FAF]  }
0x3d: {  	_ =	shalt  }
0x3e: {  	_ =	shalt  }
0x3f: {  	_ =	shalt  }
0x40: {  	_ =	shalt  }
0x41: {  	_ =	shalt  }
0x42: {  	_ =	shalt  }
0x43: {  	_ =	shalt  }
0x44: {  	_ =	shalt  }
0x45: {  	_ =	shalt  }
0x46: {  	_ =	shalt  }
0x47: {  	_ =	shalt  }
0x48: {  	_ =	shalt  }
0x49: {  	_ =	shalt  }
0x4a: {  	_ =	shalt  }
0x4b: {  	_ =	shalt  }
0x4c: {  	_ =	shalt  }
0x4d: {  	_ =	shalt  }
0x4e: {  	_ =	shalt  }
0x4f: {  	_ =	shalt  }
0x50: {  	_ =	shalt  }
0x51: {  	_ =	shalt  }
0x52: {  	_ =	shalt  }
0x53: {  	_ =	shalt  }
0x54: {  	_ =	shalt  }
0x55: {  	_ =	shalt  }
0x56: {  	_ =	shalt  }
0x57: {  	_ =	shalt  }
0x58: {  	_ =	shalt  }
0x59: {  	_ =	shalt  }
0x5a: {  	_ =	shalt  }
0x5b: {  	_ =	shalt  }
0x5c: {  	_ =	shalt  }
0x5d: {  	_ =	shalt  }
0x5e: {  	_ =	shalt  }
0x5f: {  	_ =	shalt  }
0x60: {  	_ =	shalt  }
0x61: {  	_ =	shalt  }
0x62: {  	_ =	shalt  }
0x63: {  	_ =	shalt  }
0x64: {  	_ =	shalt  }
0x65: {  	_ =	shalt  }
0x66: {  	_ =	shalt  }
0x67: {  	_ =	shalt  }
0x68: {  	_ =	shalt  }
0x69: {  	_ =	shalt  }
0x6a: {  	_ =	shalt  }
0x6b: {  	_ =	shalt  }
0x6c: {  	_ =	shalt  }
0x6d: {  	_ =	shalt  }
0x6e: {  	_ =	shalt  }
0x6f: {  	_ =	shalt  }
0x70: {  	_ =	shalt  }
0x71: {  	_ =	shalt  }
0x72: {  	_ =	shalt  }
0x73: {  	_ =	shalt  }
0x74: {  	_ =	shalt  }
0x75: {  	_ =	shalt  }
0x76: {  	_ =	shalt  }
0x77: {  	_ =	shalt  }
0x78: {  	_ =	shalt  }
0x79: {  	_ =	shalt  }
0x7a: {  	_ =	shalt  }
0x7b: {  	_ =	shalt  }
0x7c: {  	_ =	shalt  }
0x7d: {  	_ =	shalt  }
0x7e: {  	_ =	shalt  }
0x7f: {  	_ =	shalt  }
0x80: {  	_ =	shalt  }
0x81: {  	_ =	shalt  }
0x82: {  	_ =	shalt  }
0x83: {  	_ =	shalt  }
0x84: {  	_ =	shalt  }
0x85: {  	_ =	shalt  }
0x86: {  	_ =	shalt  }
0x87: {  	_ =	shalt  }
.Lfunc_end0:
.L_simem_size_0:
called_computation.9_lowered:
.L_overlay_start_0:
0x88: {  	s2 =	sld [smem:$0x3FD9]  }
0x89: {  	s3 =	sld [smem:$0x3FFE];
	_ =	sdelay $0x1  }
0x8a: {  	s1 =	srdreg.scid  }
0x8b: {  	s0 =	sand.u32 $0x1, s1  }
0x8c: {  	s17 =	sshll.u32 s0, $0xA;
	s2 =	sadd.s32 s3, s2  }
0x8d: {  	s2 =	sadd.s32 s2, s17  }
0x8e: {  	[smem:$0x3FBB] =	sst s2  }
0x8f: {  	_ = 	snop  }
0x90: {  	s18 =	sld [smem:$0x3FC7];
	(tm) =	ssettm $0x1  }
0x91: {  	s19 =	sld [smem:$0x3FFB];
	_ =	sdelay $0x3  }
0x92: {  	_ =	strace s19  }
0x93: {  	s2 =	sld [smem:$0x3FFC];
	_ =	sdelay $0x3  }
0x94: {  	_ =	strace s2  }
0x95: {  	s2 =	sld [smem:$0x3FFD];
	_ =	sdelay $0x3  }
0x96: {  	_ =	strace s2  }
0x97: {  	_ =	strace $0x8FFFFFFF  }
0x98: {  	s20 =	sld [smem:$0x3FDB];
	_ =	sdelay $0x1  }
0x99: {  	s4 =	simm.s32 $_scs_section_size  }
0x9a: {  	s5 =	simm.s32 $_size__tile_overlayer_lowered;
	s6 =	simm.s32 $_tile_overlayer_lowered  }
0x9b: {  	s7 =	simm.s32 $0x1BFF;
	s21 =	sshll.u32 s6, $0x1;
	s4 =	sadd.s32 s4, s20  }
0x9c: {  	s22 =	simm.s32 $0x0;
	s5 =	sshll.u32 s5, $0x1;
	s6 =	sadd.s32 s21, s4  }
0x9d: {  	[timem:s22], [sflag:s7] =	dma.local [hbm:s6], s5  }
0x9e: {  	_ =	swait.ge [sflag:s7], s5  }
0x9f: {  	s5 =	ssub.s32 $0x0, s5;
	[sflag:s7] =	ssyncset.done $0x0  }
0xa0: {  	[sflag:s7] =	ssyncadd.s32 s5;
	_ =	sdelay $0x1  }
0xa1: {  	s23 =	simm.s32 $0x1B8B  }
0xa2: {  	_ =	swait.ge [sflag:s23], $0x1  }
0xa3: {  	[sflag:s23] =	ssyncset.done $0x0  }
0xa4: {  	[sflag:s23] =	ssyncadd.s32 $0xFFFFFFFF  }
0xa5: {  	s5 =	sld [smem:$0x0]  }
0xa6: {  	s6 =	sand.u32 $0xFFFFFFFE, s1  }
0xa7: {  	p0 =	sne.s32 s1, s6  }
0xa8: {  	s6 =	sshll.u32 @p0 s6, $0xE  }
0xa9: {  	s6 =	sadd.s32 @p0 $0x11B8D, s6;
	s7 =	sshll.u32 @p0 s5, $0x11  }
0xaa: {  	s6 =	sor.u32 @p0 s7, s6  }
0xab: {  	[sflag:s6] =	ssyncadd.remote.s32 @p0 $0x1;
	_ =	sdelay $0x1  }
0xac: {  	s6 =	simm.s32 @p0 $0x1B8D  }
0xad: {  	_ =	swait.eq @p0 [sflag:s6], $0x1  }
0xae: {  	[sflag:s6] =	ssyncadd.s32 @p0 $0xFFFFFFFF  }
0xaf: {  	s7 =	sshll.u32 @!p0 s1, $0xE  }
0xb0: {  	s7 =	sor.u32 @!p0 $0x4000, s7;
	s6 =	simm.s32 @!p0 $0x1B8D  }
0xb1: {  	s5 =	sshll.u32 @!p0 s5, $0x11;
	s7 =	sadd.s32 @!p0 $0x11B8D, s7;
	_ =	swait.eq @!p0 [sflag:s6], $0x1  }
0xb2: {  	s5 =	sor.u32 @!p0 s5, s7;
	[sflag:s6] =	ssyncadd.s32 @!p0 $0xFFFFFFFF  }
0xb3: {  	s25 =	simm.s32 $0x1B8E;
	s24 =	sld [smem:$0x3FFE];
	[sflag:s5] =	ssyncadd.remote.s32 @!p0 $0x1  }
0xb4: {  	s26 =	simm.s32 $execute0_lowered;
	[smem:$0x3FD2] =	sst s25  }
0xb5: {  	s6 =	sshll.u32 s26, $0x1;
	_ =	strace $0x80000058;
	[dreg:$0x1] =	wrdreg $0xFFFFFFFF  }
0xb6: {  	s28 =	simm.s32 $_size_execute0_lowered;
	s4 =	sadd.s32 s4, s6;
	[dreg:$0x0] =	wrdreg $0x0  }
0xb7: {  	s6 =	sshll.u32 s28, $0x1;
	[dreg:$0x2] =	wrdreg s4  }
0xb8: {  	[dreg:$0x3] =	wrdreg s6  }
0xb9: {  	[dreg:$0x4] =	wrdreg $0xC0  }
0xba: {  	_ =	task [dreg:s22], $0x5FFFF  }
0xbb: {  	[dreg:$0x1] =	wrdreg $0xFFFFFFFF  }
0xbc: {  	[dreg:$0x0] =	wrdreg $0x60  }
0xbd: {  	[dreg:$0x2] =	wrdreg s18  }
0xbe: {  	[dreg:$0x3] =	wrdreg s24  }
0xbf: {  	[dreg:$0x4] =	wrdreg $0xB  }
0xc0: {  	_ =	task.clear_ibuf [dreg:s22], $0x5FFFF;
	_ =	strace $0x90000058  }
0xc1: {  	s29 =	simm.s32 $0xB;
	_ =	strace $0x8000005A  }
0xc2: {  	_ =	swait.ge [sflag:s29], $0x1  }
0xc3: {  	[sflag:s29] =	ssyncadd.s32 $0xFFFFFFFF  }
0xc4: {  	_ =	strace $0x9000005A  }
0xc5: {  	_ =	sfence  }
0xc6: {  	s30 =	sld [smem:$0x0];
	_ =	sdelay $0x2  }
0xc7: {  	s31 =	sshll.u32 s1, $0xD;
	s1 =	sshrl.u32 s1, $0x2  }
0xc8: {  	s4 =	sand.u32 $0x4000, s31;
	s1 =	sadd.s32 s1, s30  }
0xc9: {  	s0 =	sor.u32 s4, s0;
	s1 =	sshll.u32 s1, $0x11  }
0xca: {  	s0 =	sor.u32 s1, s0  }
0xcb: {  	s0 =	sadd.s32 $0x8F2B, s0  }
0xcc: {  	[sflag:s0] =	ssyncadd.remote.s32 $0x1  }
0xcd: {  	_ =	sfence.sel $0xFFFF  }
0xce: {  	[dreg:$0x0] =	wrdreg $0xFFFFFFFF;
	(pc) =	sbr.abs _section_cstart, $3  }
0xcf: {  	[dreg:$0x1] =	wrdreg $0xFFFFFFFF  }
0xd0: {  	_ =	task.clear_ibuf [dreg:s22], $0x2FFFF;
	_ =	strace $0x9FFFFFFF  }
0xd1: {  	(tm) =	ssettm $0x7FFFFFFF  }
tec
execute0_lowered:
.L_overlay_start_1:
0x0: {  	(tag) =	ssettag $0x1  }
0x1: {  	s1 =	rddreg [dreg:$0x0]  }
0x2: {  	s0 =	rddreg [dreg:$0x1];
	s2 =	simm.s32 $0x0;
	s3 =	srdreg.scid  }
0x3: {  	s15 =	stileid.u32;
	s14 =	simm.s32 $0x80;
	s21 =	simm.s32 $0x1  }
0x4: {  	s22 =	simm.s32 $0x10080;
	s31 =	simm.s32 $0x0;
	[smem:$0x7FF] =	sst s2  }
0x5: {  	s29 =	sadd.s32 $0x11600, s0;
	s3 =	sand.u32 $0x1, s3;
	s6 =	sadd.s32 $0x9600, s0  }
0x6: {  	s5 =	sshll.u32 s15, $0x8;
	s8 =	sadd.s32 $0x8600, s0;
	s10 =	sadd.s32 $0x2AD800, s0  }
0x7: {  	s0 =	sadd.s32 $0x4A1800, s0;
	s25 =	sshll.u32 s15, $0xC;
	s26 =	sshll.u32 s15, $0xE  }
0x8: {  	p0 =	sgt.u32 s15, $0xC;
	s7 =	sshll.u32 s3, $0x7;
	s9 =	ssub.s32 $0x2, s3  }
0x9: {  	_ =	strace $0x80000059;
	s7 =	sor.u32 s7, s5;
	s23 =	sshrl.u32 s9, $0x1  }
0xa: {  	s28 =	sshll.u32 s3, $0xB;
	s11 =	sor.u32 $0x7000, s7;
	s9 =	ssub.s32 s9, s23  }
0xb: {  	s3 =	sshll.u32 s3, $0xD;
	s12 =	sshrl.u32 s11, $0x3;
	s9 =	smax.u32 s9, $0x1  }
0xc: {  	s24 =	sshll.u32 s11, $0x6;
	s13 =	sadd.s32 s6, s12;
	[dreg:$0x9] =	wrdreg s9  }
0xd: {  	s11 =	sshll.u32 s11, $0x4;
	s12 =	sadd.s32 s8, s12;
	[dreg:$0x5] =	wrdreg s13  }
0xe: {  	s7 =	sshrl.u32 s7, $0x3;
	s11 =	sadd.s32 s0, s11;
	[dreg:$0x7] =	wrdreg s12  }
0xf: {  	s5 =	sadd.s32 $0x100, s1;
	s8 =	sadd.s32 s7, s8;
	[dreg:$0x8] =	wrdreg s11  }
.Ltmp0:
0x10: {  	s6 =	sadd.s32 s7, s6;
	[dreg:$0x3] =	wrdreg s8;
	(pc) =	sbr.rel .LBB2_1-.Ltmp0, $4  }
0x11: {  	s0 =	sadd.s32 s25, s0;
	s13 =	sadd.s32 s10, s24;
	[dreg:$0x4] =	wrdreg s6  }
0x12: {  	v2 =	vlaneseq.u32;
	s9 =	sadd.s32 s26, s10;
	s0 =	sadd.s32 s28, s0;
	[dreg:$0x6] =	wrdreg s13  }
0x13: {  	vm0 =	vmmov $0xffff;
	v1 =	vshrl.u32 v2, $0x3;
	s23 =	simm.s32 $0x10100;
	s30 =	sadd.s32 s3, s9;
	[dreg:$0xa] =	wrdreg s0  }
0x14: {  	v0 =	vand.u32 $0x7, v2;
	v2 =	vor.u32 $0x8, v2;
	v1 =	vmul.u32 $0x8, v1;
	s24 =	simm.s32 $0x2;
	[dreg:$0xb] =	wrdreg s30;
	s13 =	simm.s32 $0x3  }
.LBB2_5:
0x15: {  	s31 =	sadd.s32 $0x1, s31;
	s25 =	rddreg [dreg:$0x9]  }
0x16: {  	p1 =	sne.s32 s31, s25  }
.Ltmp1:
0x17: {  	_ = 	snop;
	(pc) =	sbr.rel @!p1 .LBB2_6-.Ltmp1, $1  }
0x18: {  	_ =	sdelay $0x3  }
.LBB2_1:
0x19: {  	[dreg:$0xc] =	wrdreg s31  }
0x1a: {  	s25 =	rddreg [dreg:$0xb]  }
0x1b: {  	s26 =	rddreg [dreg:$0xa]  }
0x1c: {  	s28 =	simm.s32 $0x0;
	s18 =	simm.s32 $0x7880;
	s19 =	simm.s32 $0x8080  }
0x1d: {  	s20 =	simm.s32 $0x8880;
	s4 =	simm.s32 $0x9080;
	s0 =	simm.s32 $0xA080  }
0x1e: {  	s31 =	simm.s32 $0x9880;
	s3 =	simm.s32 $0xA880;
	s6 =	simm.s32 $0xB080  }
0x1f: {  	s7 =	simm.s32 $0xB880;
	s8 =	simm.s32 $0xC080;
	s9 =	simm.s32 $0xC880  }
0x20: {  	s10 =	simm.s32 $0xD080;
	s11 =	simm.s32 $0xD880;
	s12 =	simm.s32 $0xE080  }
0x21: {  	s15 =	simm.s32 $0xE880;
	s16 =	simm.s32 $0xF080;
	s17 =	simm.s32 $0xF880  }
.LBB2_2:
0x22: {  	s30 =	smov.u32 s29;
	s29 =	rddreg [dreg:$0x4]  }
0x23: {  	s29 =	sadd.s32 s28, s29  }
0x24: {  	[tilespmem:s2], [sflag:$0x3] =	stream.linear.gather [hbm4b:s29+s2], $0x80, $0x38;
	[tilespmem:$0x14100] =	vst v63  }
0x25: {  	_ =	swait.ge [sflag:s13], $0x80  }
0x26: {  	[sflag:s13] =	ssyncset.done $0x0  }
0x27: {  	[sflag:s13] =	ssyncadd.s32 $0xFFFFFF80  }
0x28: {  	v3 =	vld [tilespmem:$0x0];
	_ =	sdelay $0x4  }
0x29: {  	v4 =	vshll.u32 v3, $0x2  }
0x2a: {  	v3 =	vand.u32 $0x7, v3;
	v4 =	vand.u32 $0xFFFFFFE0, v4  }
0x2b: {  	v3 =	vor.u32 v3, v4  }
0x2c: {  	v4 =	vperm.xlane v3, v0;
	_ =	sdelay $0x1  }
0x2d: {  	v4 =	vadd.s32 v1, v4;
	_ =	sdelay $0x1  }
0x2e: {  	v3 =	vperm.xlane v3, v2;
	_ =	sdelay $0x1  }
0x2f: {  	v3 =	vadd.s32 v1, v3  }
0x30: {  	[tilespmem:s14], [sflag:$0x1] =	stream.indirect_vreg.gather [hbm4b:s1+s2], $0x80, v4, vm0, $0xb8;
	[tilespmem:$0x14100] =	vst v63  }
0x31: {  	s29 =	simm.s32 $0x880  }
0x32: {  	[tilespmem:s29], [sflag:$0x1] =	stream.indirect_vreg.gather [hbm4b:s5+s2], $0x80, v4, vm0, $0xb8;
	[tilespmem:$0x14100] =	vst v63  }
0x33: {  	s29 =	simm.s32 $0x1080  }
0x34: {  	[tilespmem:s29], [sflag:$0x1] =	stream.indirect_vreg.gather [hbm4b:s1+s2], $0x80, v3, vm0, $0xb8;
	[tilespmem:$0x14100] =	vst v63  }
0x35: {  	s29 =	simm.s32 $0x1880  }
0x36: {  	[tilespmem:s29], [sflag:$0x1] =	stream.indirect_vreg.gather [hbm4b:s5+s2], $0x80, v3, vm0, $0xb8;
	[tilespmem:$0x14100] =	vst v63  }
0x37: {  	v3 =	vld [tilespmem:$0x10];
	_ =	sdelay $0x4  }
0x38: {  	v57 =	vshll.u32 v3, $0x2  }
0x39: {  	v3 =	vand.u32 $0x7, v3;
	v4 =	vand.u32 $0xFFFFFFE0, v57  }
0x3a: {  	v3 =	vor.u32 v3, v4  }
0x3b: {  	v4 =	vperm.xlane v3, v0;
	_ =	sdelay $0x1  }
0x3c: {  	v4 =	vadd.s32 v1, v4;
	_ =	sdelay $0x1  }
0x3d: {  	v3 =	vperm.xlane v3, v2;
	_ =	sdelay $0x1  }
0x3e: {  	s29 =	simm.s32 $0x2080;
	v3 =	vadd.s32 v1, v3  }
0x3f: {  	[tilespmem:s29], [sflag:$0x1] =	stream.indirect_vreg.gather [hbm4b:s1+s2], $0x80, v4, vm0, $0xb8;
	[tilespmem:$0x14100] =	vst v63  }
0x40: {  	s29 =	simm.s32 $0x2880  }
0x41: {  	[tilespmem:s29], [sflag:$0x1] =	stream.indirect_vreg.gather [hbm4b:s5+s2], $0x80, v4, vm0, $0xb8;
	[tilespmem:$0x14100] =	vst v63  }
0x42: {  	s29 =	simm.s32 $0x3080  }
0x43: {  	[tilespmem:s29], [sflag:$0x1] =	stream.indirect_vreg.gather [hbm4b:s1+s2], $0x80, v3, vm0, $0xb8;
	[tilespmem:$0x14100] =	vst v63  }
0x44: {  	s29 =	simm.s32 $0x3880  }
0x45: {  	[tilespmem:s29], [sflag:$0x1] =	stream.indirect_vreg.gather [hbm4b:s5+s2], $0x80, v3, vm0, $0xb8;
	[tilespmem:$0x14100] =	vst v63  }
0x46: {  	v3 =	vld [tilespmem:$0x20];
	_ =	sdelay $0x4  }
0x47: {  	v58 =	vshll.u32 v3, $0x2  }
0x48: {  	v3 =	vand.u32 $0x7, v3;
	v4 =	vand.u32 $0xFFFFFFE0, v58  }
0x49: {  	v3 =	vor.u32 v3, v4  }
0x4a: {  	v4 =	vperm.xlane v3, v0;
	_ =	sdelay $0x1  }
0x4b: {  	v4 =	vadd.s32 v1, v4;
	_ =	sdelay $0x1  }
0x4c: {  	v3 =	vperm.xlane v3, v2;
	_ =	sdelay $0x1  }
0x4d: {  	s29 =	simm.s32 $0x4080;
	v3 =	vadd.s32 v1, v3  }
0x4e: {  	[tilespmem:s29], [sflag:$0x1] =	stream.indirect_vreg.gather [hbm4b:s1+s2], $0x80, v4, vm0, $0xb8;
	[tilespmem:$0x14100] =	vst v63  }
0x4f: {  	s29 =	simm.s32 $0x4880  }
0x50: {  	[tilespmem:s29], [sflag:$0x1] =	stream.indirect_vreg.gather [hbm4b:s5+s2], $0x80, v4, vm0, $0xb8;
	[tilespmem:$0x14100] =	vst v63  }
0x51: {  	s29 =	simm.s32 $0x5080  }
0x52: {  	[tilespmem:s29], [sflag:$0x1] =	stream.indirect_vreg.gather [hbm4b:s1+s2], $0x80, v3, vm0, $0xb8;
	[tilespmem:$0x14100] =	vst v63  }
0x53: {  	s29 =	simm.s32 $0x5880  }
0x54: {  	[tilespmem:s29], [sflag:$0x1] =	stream.indirect_vreg.gather [hbm4b:s5+s2], $0x80, v3, vm0, $0xb8;
	[tilespmem:$0x14100] =	vst v63  }
0x55: {  	v3 =	vld [tilespmem:$0x30];
	_ =	sdelay $0x4  }
0x56: {  	v59 =	vshll.u32 v3, $0x2  }
0x57: {  	v3 =	vand.u32 $0x7, v3;
	v4 =	vand.u32 $0xFFFFFFE0, v59  }
0x58: {  	v3 =	vor.u32 v3, v4  }
0x59: {  	v4 =	vperm.xlane v3, v0;
	_ =	sdelay $0x1  }
0x5a: {  	v4 =	vadd.s32 v1, v4;
	_ =	sdelay $0x1  }
0x5b: {  	v3 =	vperm.xlane v3, v2;
	_ =	sdelay $0x1  }
0x5c: {  	s29 =	simm.s32 $0x6080;
	v3 =	vadd.s32 v1, v3  }
0x5d: {  	[tilespmem:s29], [sflag:$0x1] =	stream.indirect_vreg.gather [hbm4b:s1+s2], $0x80, v4, vm0, $0xb8;
	[tilespmem:$0x14100] =	vst v63  }
0x5e: {  	s29 =	simm.s32 $0x6880  }
0x5f: {  	[tilespmem:s29], [sflag:$0x1] =	stream.indirect_vreg.gather [hbm4b:s5+s2], $0x80, v4, vm0, $0xb8;
	[tilespmem:$0x14100] =	vst v63  }
0x60: {  	s29 =	simm.s32 $0x7080  }
0x61: {  	[tilespmem:s29], [sflag:$0x1] =	stream.indirect_vreg.gather [hbm4b:s1+s2], $0x80, v3, vm0, $0xb8;
	[tilespmem:$0x14100] =	vst v63  }
0x62: {  	_ = 	snop  }
0x63: {  	[tilespmem:s18], [sflag:$0x1] =	stream.indirect_vreg.gather [hbm4b:s5+s2], $0x80, v3, vm0, $0xb8;
	[tilespmem:$0x14100] =	vst v63  }
0x64: {  	v3 =	vld [tilespmem:$0x40];
	_ =	sdelay $0x4  }
0x65: {  	v60 =	vshll.u32 v3, $0x2  }
0x66: {  	v3 =	vand.u32 $0x7, v3;
	v4 =	vand.u32 $0xFFFFFFE0, v60  }
0x67: {  	v3 =	vor.u32 v3, v4  }
0x68: {  	v4 =	vperm.xlane v3, v0;
	_ =	sdelay $0x1  }
0x69: {  	v4 =	vadd.s32 v1, v4;
	_ =	sdelay $0x1  }
0x6a: {  	v3 =	vperm.xlane v3, v2;
	_ =	sdelay $0x1  }
0x6b: {  	v3 =	vadd.s32 v1, v3  }
0x6c: {  	[tilespmem:s19], [sflag:$0x1] =	stream.indirect_vreg.gather [hbm4b:s1+s2], $0x80, v4, vm0, $0xb8;
	[tilespmem:$0x14100] =	vst v63  }
0x6d: {  	_ = 	snop  }
0x6e: {  	[tilespmem:s20], [sflag:$0x1] =	stream.indirect_vreg.gather [hbm4b:s5+s2], $0x80, v4, vm0, $0xb8;
	[tilespmem:$0x14100] =	vst v63  }
0x6f: {  	_ = 	snop  }
0x70: {  	[tilespmem:s4], [sflag:$0x1] =	stream.indirect_vreg.gather [hbm4b:s1+s2], $0x80, v3, vm0, $0xb8;
	[tilespmem:$0x14100] =	vst v63  }
0x71: {  	_ = 	snop  }
0x72: {  	[tilespmem:s31], [sflag:$0x1] =	stream.indirect_vreg.gather [hbm4b:s5+s2], $0x80, v3, vm0, $0xb8;
	[tilespmem:$0x14100] =	vst v63  }
0x73: {  	v3 =	vld [tilespmem:$0x50];
	_ =	sdelay $0x4  }
0x74: {  	v61 =	vshll.u32 v3, $0x2  }
0x75: {  	v3 =	vand.u32 $0x7, v3;
	v4 =	vand.u32 $0xFFFFFFE0, v61  }
0x76: {  	v3 =	vor.u32 v3, v4  }
0x77: {  	v4 =	vperm.xlane v3, v0;
	_ =	sdelay $0x1  }
0x78: {  	v4 =	vadd.s32 v1, v4;
	_ =	sdelay $0x1  }
0x79: {  	v3 =	vperm.xlane v3, v2;
	_ =	sdelay $0x1  }
0x7a: {  	v3 =	vadd.s32 v1, v3  }
0x7b: {  	[tilespmem:s0], [sflag:$0x1] =	stream.indirect_vreg.gather [hbm4b:s1+s2], $0x80, v4, vm0, $0xb8;
	[tilespmem:$0x14100] =	vst v63  }
0x7c: {  	_ = 	snop  }
0x7d: {  	[tilespmem:s3], [sflag:$0x1] =	stream.indirect_vreg.gather [hbm4b:s5+s2], $0x80, v4, vm0, $0xb8;
	[tilespmem:$0x14100] =	vst v63  }
0x7e: {  	_ = 	snop  }
0x7f: {  	[tilespmem:s6], [sflag:$0x1] =	stream.indirect_vreg.gather [hbm4b:s1+s2], $0x80, v3, vm0, $0xb8;
	[tilespmem:$0x14100] =	vst v63  }
0x80: {  	_ = 	snop  }
0x81: {  	[tilespmem:s7], [sflag:$0x1] =	stream.indirect_vreg.gather [hbm4b:s5+s2], $0x80, v3, vm0, $0xb8;
	[tilespmem:$0x14100] =	vst v63  }
0x82: {  	v3 =	vld [tilespmem:$0x60];
	_ =	sdelay $0x4  }
0x83: {  	v62 =	vshll.u32 v3, $0x2  }
0x84: {  	v3 =	vand.u32 $0x7, v3;
	v4 =	vand.u32 $0xFFFFFFE0, v62  }
0x85: {  	v3 =	vor.u32 v3, v4  }
0x86: {  	v4 =	vperm.xlane v3, v0;
	_ =	sdelay $0x1  }
0x87: {  	v4 =	vadd.s32 v1, v4;
	_ =	sdelay $0x1  }
0x88: {  	v3 =	vperm.xlane v3, v2;
	_ =	sdelay $0x1  }
0x89: {  	v3 =	vadd.s32 v1, v3  }
0x8a: {  	[tilespmem:s8], [sflag:$0x1] =	stream.indirect_vreg.gather [hbm4b:s1+s2], $0x80, v4, vm0, $0xb8;
	[tilespmem:$0x14100] =	vst v63  }
0x8b: {  	_ = 	snop  }
0x8c: {  	[tilespmem:s9], [sflag:$0x1] =	stream.indirect_vreg.gather [hbm4b:s5+s2], $0x80, v4, vm0, $0xb8;
	[tilespmem:$0x14100] =	vst v63  }
0x8d: {  	_ = 	snop  }
0x8e: {  	[tilespmem:s10], [sflag:$0x1] =	stream.indirect_vreg.gather [hbm4b:s1+s2], $0x80, v3, vm0, $0xb8;
	[tilespmem:$0x14100] =	vst v63  }
0x8f: {  	_ = 	snop  }
0x90: {  	[tilespmem:s11], [sflag:$0x1] =	stream.indirect_vreg.gather [hbm4b:s5+s2], $0x80, v3, vm0, $0xb8;
	[tilespmem:$0x14100] =	vst v63  }
0x91: {  	v3 =	vld [tilespmem:$0x70];
	_ =	sdelay $0x4  }
0x92: {  	v63 =	vshll.u32 v3, $0x2  }
0x93: {  	v3 =	vand.u32 $0x7, v3;
	v4 =	vand.u32 $0xFFFFFFE0, v63  }
0x94: {  	v3 =	vor.u32 v3, v4  }
0x95: {  	v4 =	vperm.xlane v3, v0;
	_ =	sdelay $0x1  }
0x96: {  	v4 =	vadd.s32 v1, v4;
	_ =	sdelay $0x1  }
0x97: {  	v3 =	vperm.xlane v3, v2;
	_ =	sdelay $0x1  }
0x98: {  	v3 =	vadd.s32 v1, v3  }
0x99: {  	[tilespmem:s12], [sflag:$0x1] =	stream.indirect_vreg.gather [hbm4b:s1+s2], $0x80, v4, vm0, $0xb8;
	[tilespmem:$0x14100] =	vst v63  }
0x9a: {  	_ = 	snop  }
0x9b: {  	[tilespmem:s15], [sflag:$0x1] =	stream.indirect_vreg.gather [hbm4b:s5+s2], $0x80, v4, vm0, $0xb8;
	[tilespmem:$0x14100] =	vst v63  }
0x9c: {  	_ = 	snop  }
0x9d: {  	[tilespmem:s16], [sflag:$0x1] =	stream.indirect_vreg.gather [hbm4b:s1+s2], $0x80, v3, vm0, $0xb8;
	[tilespmem:$0x14100] =	vst v63  }
0x9e: {  	_ = 	snop  }
0x9f: {  	[tilespmem:s17], [sflag:$0x1] =	stream.indirect_vreg.gather [hbm4b:s5+s2], $0x80, v3, vm0, $0xb8;
	[tilespmem:$0x14100] =	vst v63  }
0xa0: {  	_ =	swait.ge [sflag:s21], $0x10000  }
0xa1: {  	[sflag:s21] =	ssyncset.done $0x0  }
0xa2: {  	[sflag:s21] =	ssyncadd.s32 $0xFFFF0000  }
0xa3: {  	[hbm4b:s25+s2] =	stream.linear.scatter [tilespmem:s14], [sflag:$0x3], $0x10000, $0x38;
	[tilespmem:$0x14100] =	vst v63  }
0xa4: {  	_ =	swait.ge [sflag:s13], $0x10000  }
0xa5: {  	s29 =	rddreg [dreg:$0x3];
	[sflag:s13] =	ssyncset.done $0x0  }
0xa6: {  	[sflag:s13] =	ssyncadd.s32 $0xFFFF0000;
	s29 =	sadd.s32 s28, s29  }
0xa7: {  	[tilespmem:s22], [sflag:$0x3] =	stream.linear.gather [hbm4b:s29+s2], $0x80, $0x38;
	[tilespmem:$0x14100] =	vst v63  }
0xa8: {  	_ =	swait.ge [sflag:s13], $0x80  }
0xa9: {  	[sflag:s13] =	ssyncset.done $0x0  }
0xaa: {  	[sflag:s13] =	ssyncadd.s32 $0xFFFFFF80  }
0xab: {  	[tilespmem:s23], [sflag:$0x2] =	stream.indirect.gather [hbm4b:s30+s14], $0x80, s22, s14, $0xb8;
	[tilespmem:$0x14100] =	vst v63  }
0xac: {  	_ =	swait.ge [sflag:s24], $0x4000  }
0xad: {  	p1 =	sne.s32 s28, $0xC00;
	[sflag:s24] =	ssyncset.done $0x0  }
.Ltmp2:
0xae: {  	[sflag:s24] =	ssyncadd.s32 $0xFFFFC000;
	(pc) =	sbr.rel @p1 .LBB2_2-.Ltmp2, $4  }
0xaf: {  	[hbm4b:s26+s2] =	stream.linear.scatter [tilespmem:s23], [sflag:$0x3], $0x4000, $0x38;
	[tilespmem:$0x14100] =	vst v63  }
0xb0: {  	_ =	swait.ge [sflag:s13], $0x4000  }
0xb1: {  	s25 =	sadd.s32 $0x40000, s25;
	s28 =	sadd.s32 $0x200, s28;
	[sflag:s13] =	ssyncset.done $0x0  }
0xb2: {  	s29 =	smov.u32 s30;
	s26 =	sadd.s32 $0x10000, s26;
	[sflag:s13] =	ssyncadd.s32 $0xFFFFC000  }
0xb3: {  	s26 =	simm.s32 $0x880;
	s28 =	simm.s32 $0x1080;
	s0 =	simm.s32 $0x1880  }
0xb4: {  	s3 =	simm.s32 $0x2080;
	s6 =	simm.s32 $0x2880;
	s7 =	simm.s32 $0x3080  }
.Ltmp3:
0xb5: {  	s8 =	simm.s32 $0x3880;
	s9 =	simm.s32 $0x4080;
	(pc) =	sbr.rel @p0 .LBB2_5-.Ltmp3, $4  }
0xb6: {  	s10 =	simm.s32 $0x4880;
	s11 =	simm.s32 $0x5080;
	s12 =	simm.s32 $0x5880  }
0xb7: {  	s15 =	simm.s32 $0x6080;
	s16 =	simm.s32 $0x6880;
	s17 =	simm.s32 $0x7080  }
0xb8: {  	s18 =	simm.s32 $0x7880;
	s19 =	simm.s32 $0x8080;
	s20 =	simm.s32 $0x8880  }
0xb9: {  	s4 =	simm.s32 $0x9080;
	s30 =	simm.s32 $0x9880;
	s31 =	rddreg [dreg:$0xc]  }
0xba: {  	s25 =	rddreg [dreg:$0x5]  }
0xbb: {  	[tilespmem:s2], [sflag:$0x3] =	stream.linear.gather [hbm4b:s25+s2], $0x80, $0x38;
	[tilespmem:$0x14100] =	vst v63  }
0xbc: {  	_ =	swait.ge [sflag:s13], $0x80  }
0xbd: {  	[sflag:s13] =	ssyncset.done $0x0  }
0xbe: {  	[sflag:s13] =	ssyncadd.s32 $0xFFFFFF80  }
0xbf: {  	v3 =	vld [tilespmem:$0x0];
	_ =	sdelay $0x4  }
0xc0: {  	v4 =	vshll.u32 v3, $0x2  }
0xc1: {  	v3 =	vand.u32 $0x7, v3;
	v4 =	vand.u32 $0xFFFFFFE0, v4  }
0xc2: {  	v3 =	vor.u32 v3, v4  }
0xc3: {  	v4 =	vperm.xlane v3, v0;
	_ =	sdelay $0x1  }
0xc4: {  	v4 =	vadd.s32 v1, v4;
	_ =	sdelay $0x1  }
0xc5: {  	v3 =	vperm.xlane v3, v2;
	_ =	sdelay $0x1  }
0xc6: {  	v3 =	vadd.s32 v1, v3  }
0xc7: {  	[tilespmem:s14], [sflag:$0x1] =	stream.indirect_vreg.gather [hbm4b:s1+s2], $0x80, v4, vm0, $0xb8;
	[tilespmem:$0x14100] =	vst v63  }
0xc8: {  	_ = 	snop  }
0xc9: {  	[tilespmem:s26], [sflag:$0x1] =	stream.indirect_vreg.gather [hbm4b:s5+s2], $0x80, v4, vm0, $0xb8;
	[tilespmem:$0x14100] =	vst v63  }
0xca: {  	_ = 	snop  }
0xcb: {  	[tilespmem:s28], [sflag:$0x1] =	stream.indirect_vreg.gather [hbm4b:s1+s2], $0x80, v3, vm0, $0xb8;
	[tilespmem:$0x14100] =	vst v63  }
0xcc: {  	_ = 	snop  }
0xcd: {  	[tilespmem:s0], [sflag:$0x1] =	stream.indirect_vreg.gather [hbm4b:s5+s2], $0x80, v3, vm0, $0xb8;
	[tilespmem:$0x14100] =	vst v63  }
0xce: {  	v3 =	vld [tilespmem:$0x10];
	_ =	sdelay $0x4  }
0xcf: {  	v57 =	vshll.u32 v3, $0x2  }
0xd0: {  	v3 =	vand.u32 $0x7, v3;
	v4 =	vand.u32 $0xFFFFFFE0, v57  }
0xd1: {  	v3 =	vor.u32 v3, v4  }
0xd2: {  	v4 =	vperm.xlane v3, v0;
	_ =	sdelay $0x1  }
0xd3: {  	v4 =	vadd.s32 v1, v4;
	_ =	sdelay $0x1  }
0xd4: {  	v3 =	vperm.xlane v3, v2;
	_ =	sdelay $0x1  }
0xd5: {  	v3 =	vadd.s32 v1, v3  }
0xd6: {  	[tilespmem:s3], [sflag:$0x1] =	stream.indirect_vreg.gather [hbm4b:s1+s2], $0x80, v4, vm0, $0xb8;
	[tilespmem:$0x14100] =	vst v63  }
0xd7: {  	_ = 	snop  }
0xd8: {  	[tilespmem:s6], [sflag:$0x1] =	stream.indirect_vreg.gather [hbm4b:s5+s2], $0x80, v4, vm0, $0xb8;
	[tilespmem:$0x14100] =	vst v63  }
0xd9: {  	_ = 	snop  }
0xda: {  	[tilespmem:s7], [sflag:$0x1] =	stream.indirect_vreg.gather [hbm4b:s1+s2], $0x80, v3, vm0, $0xb8;
	[tilespmem:$0x14100] =	vst v63  }
0xdb: {  	_ = 	snop  }
0xdc: {  	[tilespmem:s8], [sflag:$0x1] =	stream.indirect_vreg.gather [hbm4b:s5+s2], $0x80, v3, vm0, $0xb8;
	[tilespmem:$0x14100] =	vst v63  }
0xdd: {  	v3 =	vld [tilespmem:$0x20];
	_ =	sdelay $0x4  }
0xde: {  	v58 =	vshll.u32 v3, $0x2  }
0xdf: {  	v3 =	vand.u32 $0x7, v3;
	v4 =	vand.u32 $0xFFFFFFE0, v58  }
0xe0: {  	v3 =	vor.u32 v3, v4  }
0xe1: {  	v4 =	vperm.xlane v3, v0;
	_ =	sdelay $0x1  }
0xe2: {  	v4 =	vadd.s32 v1, v4;
	_ =	sdelay $0x1  }
0xe3: {  	v3 =	vperm.xlane v3, v2;
	_ =	sdelay $0x1  }
0xe4: {  	v3 =	vadd.s32 v1, v3  }
0xe5: {  	[tilespmem:s9], [sflag:$0x1] =	stream.indirect_vreg.gather [hbm4b:s1+s2], $0x80, v4, vm0, $0xb8;
	[tilespmem:$0x14100] =	vst v63  }
0xe6: {  	_ = 	snop  }
0xe7: {  	[tilespmem:s10], [sflag:$0x1] =	stream.indirect_vreg.gather [hbm4b:s5+s2], $0x80, v4, vm0, $0xb8;
	[tilespmem:$0x14100] =	vst v63  }
0xe8: {  	_ = 	snop  }
0xe9: {  	[tilespmem:s11], [sflag:$0x1] =	stream.indirect_vreg.gather [hbm4b:s1+s2], $0x80, v3, vm0, $0xb8;
	[tilespmem:$0x14100] =	vst v63  }
0xea: {  	_ = 	snop  }
0xeb: {  	[tilespmem:s12], [sflag:$0x1] =	stream.indirect_vreg.gather [hbm4b:s5+s2], $0x80, v3, vm0, $0xb8;
	[tilespmem:$0x14100] =	vst v63  }
0xec: {  	v3 =	vld [tilespmem:$0x30];
	_ =	sdelay $0x4  }
0xed: {  	v59 =	vshll.u32 v3, $0x2  }
0xee: {  	v3 =	vand.u32 $0x7, v3;
	v4 =	vand.u32 $0xFFFFFFE0, v59  }
0xef: {  	v3 =	vor.u32 v3, v4  }
0xf0: {  	v4 =	vperm.xlane v3, v0;
	_ =	sdelay $0x1  }
0xf1: {  	v4 =	vadd.s32 v1, v4;
	_ =	sdelay $0x1  }
0xf2: {  	v3 =	vperm.xlane v3, v2;
	_ =	sdelay $0x1  }
0xf3: {  	v3 =	vadd.s32 v1, v3  }
0xf4: {  	[tilespmem:s15], [sflag:$0x1] =	stream.indirect_vreg.gather [hbm4b:s1+s2], $0x80, v4, vm0, $0xb8;
	[tilespmem:$0x14100] =	vst v63  }
0xf5: {  	_ = 	snop  }
0xf6: {  	[tilespmem:s16], [sflag:$0x1] =	stream.indirect_vreg.gather [hbm4b:s5+s2], $0x80, v4, vm0, $0xb8;
	[tilespmem:$0x14100] =	vst v63  }
0xf7: {  	_ = 	snop  }
0xf8: {  	[tilespmem:s17], [sflag:$0x1] =	stream.indirect_vreg.gather [hbm4b:s1+s2], $0x80, v3, vm0, $0xb8;
	[tilespmem:$0x14100] =	vst v63  }
0xf9: {  	_ = 	snop  }
0xfa: {  	[tilespmem:s18], [sflag:$0x1] =	stream.indirect_vreg.gather [hbm4b:s5+s2], $0x80, v3, vm0, $0xb8;
	[tilespmem:$0x14100] =	vst v63  }
0xfb: {  	v3 =	vld [tilespmem:$0x40];
	_ =	sdelay $0x4  }
0xfc: {  	v60 =	vshll.u32 v3, $0x2  }
0xfd: {  	v3 =	vand.u32 $0x7, v3;
	v4 =	vand.u32 $0xFFFFFFE0, v60  }
0xfe: {  	v3 =	vor.u32 v3, v4  }
0xff: {  	v4 =	vperm.xlane v3, v0;
	_ =	sdelay $0x1  }
0x100: {  	v4 =	vadd.s32 v1, v4;
	_ =	sdelay $0x1  }
0x101: {  	v3 =	vperm.xlane v3, v2;
	_ =	sdelay $0x1  }
0x102: {  	v3 =	vadd.s32 v1, v3  }
0x103: {  	[tilespmem:s19], [sflag:$0x1] =	stream.indirect_vreg.gather [hbm4b:s1+s2], $0x80, v4, vm0, $0xb8;
	[tilespmem:$0x14100] =	vst v63  }
0x104: {  	_ = 	snop  }
0x105: {  	[tilespmem:s20], [sflag:$0x1] =	stream.indirect_vreg.gather [hbm4b:s5+s2], $0x80, v4, vm0, $0xb8;
	[tilespmem:$0x14100] =	vst v63  }
0x106: {  	_ = 	snop  }
0x107: {  	[tilespmem:s4], [sflag:$0x1] =	stream.indirect_vreg.gather [hbm4b:s1+s2], $0x80, v3, vm0, $0xb8;
	[tilespmem:$0x14100] =	vst v63  }
0x108: {  	_ = 	snop  }
0x109: {  	[tilespmem:s30], [sflag:$0x1] =	stream.indirect_vreg.gather [hbm4b:s5+s2], $0x80, v3, vm0, $0xb8;
	[tilespmem:$0x14100] =	vst v63  }
0x10a: {  	v3 =	vld [tilespmem:$0x50];
	_ =	sdelay $0x4  }
0x10b: {  	v61 =	vshll.u32 v3, $0x2  }
0x10c: {  	v3 =	vand.u32 $0x7, v3;
	v4 =	vand.u32 $0xFFFFFFE0, v61  }
0x10d: {  	v3 =	vor.u32 v3, v4  }
0x10e: {  	v4 =	vperm.xlane v3, v0;
	_ =	sdelay $0x1  }
0x10f: {  	v4 =	vadd.s32 v1, v4;
	_ =	sdelay $0x1  }
0x110: {  	v3 =	vperm.xlane v3, v2;
	_ =	sdelay $0x1  }
0x111: {  	s8 =	simm.s32 $0xA080;
	v3 =	vadd.s32 v1, v3  }
0x112: {  	[tilespmem:s8], [sflag:$0x1] =	stream.indirect_vreg.gather [hbm4b:s1+s2], $0x80, v4, vm0, $0xb8;
	[tilespmem:$0x14100] =	vst v63  }
0x113: {  	s9 =	simm.s32 $0xA880  }
0x114: {  	[tilespmem:s9], [sflag:$0x1] =	stream.indirect_vreg.gather [hbm4b:s5+s2], $0x80, v4, vm0, $0xb8;
	[tilespmem:$0x14100] =	vst v63  }
0x115: {  	s10 =	simm.s32 $0xB080  }
0x116: {  	[tilespmem:s10], [sflag:$0x1] =	stream.indirect_vreg.gather [hbm4b:s1+s2], $0x80, v3, vm0, $0xb8;
	[tilespmem:$0x14100] =	vst v63  }
0x117: {  	s11 =	simm.s32 $0xB880  }
0x118: {  	[tilespmem:s11], [sflag:$0x1] =	stream.indirect_vreg.gather [hbm4b:s5+s2], $0x80, v3, vm0, $0xb8;
	[tilespmem:$0x14100] =	vst v63  }
0x119: {  	v3 =	vld [tilespmem:$0x60];
	_ =	sdelay $0x4  }
0x11a: {  	v62 =	vshll.u32 v3, $0x2  }
0x11b: {  	v3 =	vand.u32 $0x7, v3;
	v4 =	vand.u32 $0xFFFFFFE0, v62  }
0x11c: {  	v3 =	vor.u32 v3, v4  }
0x11d: {  	v4 =	vperm.xlane v3, v0;
	_ =	sdelay $0x1  }
0x11e: {  	v4 =	vadd.s32 v1, v4;
	_ =	sdelay $0x1  }
0x11f: {  	v3 =	vperm.xlane v3, v2;
	_ =	sdelay $0x1  }
0x120: {  	s12 =	simm.s32 $0xC080;
	v3 =	vadd.s32 v1, v3  }
0x121: {  	[tilespmem:s12], [sflag:$0x1] =	stream.indirect_vreg.gather [hbm4b:s1+s2], $0x80, v4, vm0, $0xb8;
	[tilespmem:$0x14100] =	vst v63  }
0x122: {  	s15 =	simm.s32 $0xC880  }
0x123: {  	[tilespmem:s15], [sflag:$0x1] =	stream.indirect_vreg.gather [hbm4b:s5+s2], $0x80, v4, vm0, $0xb8;
	[tilespmem:$0x14100] =	vst v63  }
0x124: {  	s16 =	simm.s32 $0xD080  }
0x125: {  	[tilespmem:s16], [sflag:$0x1] =	stream.indirect_vreg.gather [hbm4b:s1+s2], $0x80, v3, vm0, $0xb8;
	[tilespmem:$0x14100] =	vst v63  }
0x126: {  	s17 =	simm.s32 $0xD880  }
0x127: {  	[tilespmem:s17], [sflag:$0x1] =	stream.indirect_vreg.gather [hbm4b:s5+s2], $0x80, v3, vm0, $0xb8;
	[tilespmem:$0x14100] =	vst v63  }
0x128: {  	v3 =	vld [tilespmem:$0x70];
	_ =	sdelay $0x4  }
0x129: {  	v63 =	vshll.u32 v3, $0x2  }
0x12a: {  	v3 =	vand.u32 $0x7, v3;
	v4 =	vand.u32 $0xFFFFFFE0, v63  }
0x12b: {  	v3 =	vor.u32 v3, v4  }
0x12c: {  	v4 =	vperm.xlane v3, v0;
	_ =	sdelay $0x1  }
0x12d: {  	v4 =	vadd.s32 v1, v4;
	_ =	sdelay $0x1  }
0x12e: {  	v3 =	vperm.xlane v3, v2;
	_ =	sdelay $0x1  }
0x12f: {  	s18 =	simm.s32 $0xE080;
	v3 =	vadd.s32 v1, v3  }
0x130: {  	[tilespmem:s18], [sflag:$0x1] =	stream.indirect_vreg.gather [hbm4b:s1+s2], $0x80, v4, vm0, $0xb8;
	[tilespmem:$0x14100] =	vst v63  }
0x131: {  	s19 =	simm.s32 $0xE880  }
0x132: {  	[tilespmem:s19], [sflag:$0x1] =	stream.indirect_vreg.gather [hbm4b:s5+s2], $0x80, v4, vm0, $0xb8;
	[tilespmem:$0x14100] =	vst v63  }
0x133: {  	s20 =	simm.s32 $0xF080  }
0x134: {  	[tilespmem:s20], [sflag:$0x1] =	stream.indirect_vreg.gather [hbm4b:s1+s2], $0x80, v3, vm0, $0xb8;
	[tilespmem:$0x14100] =	vst v63  }
0x135: {  	s25 =	simm.s32 $0xF880  }
0x136: {  	[tilespmem:s25], [sflag:$0x1] =	stream.indirect_vreg.gather [hbm4b:s5+s2], $0x80, v3, vm0, $0xb8;
	[tilespmem:$0x14100] =	vst v63  }
0x137: {  	_ =	swait.ge [sflag:s21], $0x10000  }
0x138: {  	[sflag:s21] =	ssyncset.done $0x0  }
0x139: {  	s26 =	rddreg [dreg:$0x6];
	[sflag:s21] =	ssyncadd.s32 $0xFFFF0000  }
0x13a: {  	[hbm4b:s26+s2] =	stream.linear.scatter [tilespmem:s14], [sflag:$0x3], $0x10000, $0x38;
	[tilespmem:$0x14100] =	vst v63  }
0x13b: {  	_ =	swait.ge [sflag:s13], $0x10000  }
0x13c: {  	[sflag:s13] =	ssyncset.done $0x0  }
0x13d: {  	s28 =	rddreg [dreg:$0x7];
	[sflag:s13] =	ssyncadd.s32 $0xFFFF0000  }
0x13e: {  	[tilespmem:s22], [sflag:$0x3] =	stream.linear.gather [hbm4b:s28+s2], $0x80, $0x38;
	[tilespmem:$0x14100] =	vst v63  }
0x13f: {  	_ =	swait.ge [sflag:s13], $0x80  }
0x140: {  	[sflag:s13] =	ssyncset.done $0x0  }
0x141: {  	[sflag:s13] =	ssyncadd.s32 $0xFFFFFF80  }
0x142: {  	[tilespmem:s23], [sflag:$0x2] =	stream.indirect.gather [hbm4b:s29+s14], $0x80, s22, s14, $0xb8;
	[tilespmem:$0x14100] =	vst v63  }
0x143: {  	_ =	swait.ge [sflag:s24], $0x4000  }
0x144: {  	[sflag:s24] =	ssyncset.done $0x0  }
.Ltmp4:
0x145: {  	s30 =	rddreg [dreg:$0x8];
	[sflag:s24] =	ssyncadd.s32 $0xFFFFC000;
	(pc) =	sbr.rel .LBB2_5-.Ltmp4, $4  }
0x146: {  	[hbm4b:s30+s2] =	stream.linear.scatter [tilespmem:s23], [sflag:$0x3], $0x4000, $0x38;
	[tilespmem:$0x14100] =	vst v63  }
0x147: {  	_ =	swait.ge [sflag:s13], $0x4000  }
0x148: {  	[sflag:s13] =	ssyncset.done $0x0  }
0x149: {  	[sflag:s13] =	ssyncadd.s32 $0xFFFFC000  }
.LBB2_6:
0x14a: {  	_ =	sfence.sel $0x180000  }
0x14b: {  	[bflag:$0x0] =	sbarrier.arrive $0xFFFF  }
0x14c: {  	_ =	strace $0x90000059  }
0x14d: {  	s0 =	stileid.u32;
	[bflag:$0x2] =	sbarrier.arrive $0xFFFF  }
0x14e: {  	p0 =	sne.s32 s0, $0x0;
	s0 =	rddreg [dreg:$0x2]  }
0x14f: {  	s0 =	sadd.s32 @!p0 $0x100000, s0  }
0x150: {  	[sflag:s0] =	ssyncadd.tile.s32 @!p0 $0x1;
	_ =	shalt  }
.Lfunc_end2:
_tile_overlayer_lowered:
.L_overlay_start_2:
0x151: {  	(tag) =	ssettag $0x2  }
0x152: {  	s0 =	rddreg [dreg:$0x0];
	s2 =	stileid.u32  }
0x153: {  	s1 =	rddreg [dreg:$0x1];
	p0 =	sne.s32 s2, $0x0  }
0x154: {  	s3 =	rddreg [dreg:$0x2];
	[bflag:$0x3] =	sbarrier.arrive $0xFFFF;
	s2 =	simm.s32 @!p0 $0x1C03  }
0x155: {  	[timem:s3], [sflag:s2] =	dma.local @!p0 [hbm:s0], s1  }
0x156: {  	s0 =	simm.s32 @!p0 $0x3  }
0x157: {  	_ =	swait.ge @!p0 [sflag:s0], s1  }
0x158: {  	s1 =	ssub.s32 @!p0 $0x0, s1;
	[sflag:s0] =	ssyncset.done @!p0 $0x0  }
0x159: {  	[sflag:s0] =	ssyncadd.s32 @!p0 s1  }
0x15a: {  	[bflag:$0x3] =	sbarrier.arrive $0xFFFF  }
0x15b: {  	_ =	shalt  }

</sc_bundles>
